<compile_context>
chip_gen: v7x
topology: tpu7x:2x2x1
jax: 0.10.2.dev20260603
libtpu: 0.0.44.dev20260713+nightly
codegen_flags: <defaults>
</compile_context>

<pallas_src>
import functools

import jax
import jax.numpy as jnp
from jax import lax
from jax.experimental import pallas as pl
from jax.experimental.pallas import tpu as pltpu
from jax.experimental.pallas import tpu_sc as plsc

B = 16384
NF = 26
FIELD_SIZE = 100000
NC = 2
NS = 16
NW = NC * NS
ROWS_W = B // NW
CH = 128
CPF = ROWS_W // CH
LANES = 16
DEPTH = 8

FIELD_SPLITS = ((8, 16), (0, 8), (20, 26), (16, 20))


def _emb_partial_sc(xt, tab, f0, f1, row0):
    nf = f1 - f0
    flat = nf * ROWS_W
    nch = flat // CH
    mesh = plsc.VectorSubcoreMesh(
        core_axis_name="c", subcore_axis_name="s", num_cores=NC, num_subcores=NS
    )

    @functools.partial(
        pl.kernel,
        out_type=jax.ShapeDtypeStruct((B,), jnp.float32),
        mesh=mesh,
        compiler_params=pltpu.CompilerParams(use_tc_tiling_on_sc=False),
        scratch_types=[
            pltpu.VMEM((nf, ROWS_W), jnp.int32),
            pltpu.VMEM((flat,), jnp.float32),
            pltpu.VMEM((ROWS_W,), jnp.float32),
            pltpu.SemaphoreType.DMA,
        ],
        name=f"emb_gather_f{f0}_{f1}",
    )
    def k(xt_hbm, tab_hbm, out_hbm, idx_v, rows_v, acc_v, sem):
        wid = lax.axis_index("s") * NC + lax.axis_index("c")
        base = wid * ROWS_W
        tab_flat = tab_hbm.at[0]
        pltpu.sync_copy(xt_hbm.at[pl.ds(f0, nf), pl.ds(base, ROWS_W)], idx_v)

        def add_offsets(f, carry):
            off = (f0 + f) * FIELD_SIZE - row0
            for c in range(ROWS_W // LANES):
                sl = pl.ds(c * LANES, LANES)
                idx_v[f, sl] = idx_v[f, sl] + off
            return carry

        lax.fori_loop(0, nf, add_offsets, 0)

        def src(j):
            return tab_flat.at[idx_v.at[j // CPF, pl.ds((j % CPF) * CH, CH)]]

        def fire(j):
            pltpu.async_copy(src(j), rows_v.at[pl.ds(j * CH, CH)], sem)

        def drain(j):
            pltpu.make_async_copy(src(j), rows_v.at[pl.ds(j * CH, CH)], sem).wait()

        for j in range(DEPTH):
            fire(j)

        def steady(j, carry):
            fire(j + DEPTH)
            drain(j)
            return carry

        lax.fori_loop(0, nch - DEPTH, steady, 0)

        def tail(j, carry):
            drain(j)
            return carry

        lax.fori_loop(nch - DEPTH, nch, tail, 0)

        def row_sum(g, carry):
            acc = rows_v[pl.ds(g * LANES, LANES)]
            for f in range(1, nf):
                acc = acc + rows_v[pl.ds(f * ROWS_W + g * LANES, LANES)]
            acc_v[pl.ds(g * LANES, LANES)] = acc
            return carry

        lax.fori_loop(0, ROWS_W // LANES, row_sum, 0)
        pltpu.sync_copy(acc_v, out_hbm.at[pl.ds(base, ROWS_W)])

    return k(xt, tab)


def _matvec_body(xc_ref, w_ref, b_ref, o_ref):
    o_ref[...] = jnp.sum(xc_ref[...] * w_ref[...], axis=1) + b_ref[0, 0]


def _matvec_tc(x_cont, w2, bias2):
    blk = 2048
    return pl.pallas_call(
        _matvec_body,
        grid=(B // blk,),
        in_specs=[
            pl.BlockSpec((blk, 128), lambda i: (i, 0)),
            pl.BlockSpec((1, 128), lambda i: (0, 0)),
            pl.BlockSpec((1, 1), lambda i: (0, 0)),
        ],
        out_specs=pl.BlockSpec((blk,), lambda i: (i,)),
        out_shape=jax.ShapeDtypeStruct((B,), jnp.float32),
        name="cont_matvec",
    )(x_cont, w2, bias2)


def _combine_body(c_ref, e0_ref, e1_ref, e2_ref, e3_ref, o_ref):
    o_ref[...] = c_ref[...] + e0_ref[...] + e1_ref[...] + e2_ref[...] + e3_ref[...]


def _combine_tc(cont, embs):
    blk = 4096
    vec = pl.BlockSpec((blk,), lambda i: (i,))
    return pl.pallas_call(
        _combine_body,
        grid=(B // blk,),
        in_specs=[vec, vec, vec, vec, vec],
        out_specs=vec,
        out_shape=jax.ShapeDtypeStruct((B,), jnp.float32),
        name="combine",
    )(cont, *embs)


def kernel(x, x_cont, emb_x, table, w, bias):
    xt = x.T
    tab_t = table.T
    embs = []
    for f0, f1 in FIELD_SPLITS:
        row0 = f0 * FIELD_SIZE
        tab_k = lax.slice(tab_t, (0, row0), (1, f1 * FIELD_SIZE))
        embs.append(_emb_partial_sc(xt, tab_k, f0, f1, row0))
    cont = _matvec_tc(x_cont, w.reshape(1, 128), bias.reshape(1, 1))
    out = _combine_tc(cont, embs)
    return out.reshape(B, 1)

# --- scband reference (transcript-rebuilt; emitter-appended) ---
"""Pipeline reference for scband-fm-linear-60043642798257 (READ-ONLY COPY).

The authoritative reference and input builder live on the scoring server;
editing this copy changes nothing except your own understanding.
"""

import jax, jax.numpy as jnp
import numpy as np

FIELD_DIMS = [100000] * 26
OFFSETS = np.array((0, *np.cumsum(FIELD_DIMS)[:-1]), dtype=np.int64)
B = 16384
CONT_DIMS = 128


def setup_inputs(seed: int = 0) -> dict:
    key = jax.random.key(seed)
    ks = jax.random.split(key, 6)
    x = jax.random.randint(ks[0], (B, 26), 0, 100000, dtype=jnp.int32)
    x_cont = jax.random.normal(ks[1], (B, CONT_DIMS), dtype=jnp.float32)
    emb_x = jax.random.normal(ks[2], (B, 32), dtype=jnp.float32)
    table = jax.random.normal(ks[3], (sum(FIELD_DIMS) + 1, 1), dtype=jnp.float32)
    w = jax.random.normal(ks[4], (CONT_DIMS,), dtype=jnp.float32)
    bias = jax.random.normal(ks[5], (1,), dtype=jnp.float32)
    return {"x": x, "x_cont": x_cont, "emb_x": emb_x, "table": table, "w": w, "bias": bias}


def reference(x, x_cont, emb_x, table, w, bias):
    # offsets added so each field indexes its own row range of the shared table
    xo = x + jnp.asarray(OFFSETS, dtype=x.dtype)[None, :]
    linear_term = jnp.take(table, xo, axis=0)  # [B, 26, 1] embedding gather
    cont_linear = jnp.matmul(x_cont, w).reshape(-1, 1)  # [B, 1]
    # embedding_type == 'original': no SVD/NMF branch, emb_x unused
    out = jnp.sum(linear_term, axis=1) + bias  # [B, 1]
    out = out + cont_linear
    return out

if __name__ == "__main__":
    import jax
    _d = setup_inputs()
    print(jax.jit(kernel)(*tuple(_d.values())))

</pallas_src>

<mosaic_0001>
#map = affine_map<(d0, d1) -> (0, 0)>
#map1 = affine_map<(d0, d1) -> (0)>
module attributes {stable_mosaic.version = 14 : i64} {
  func.func @emb_gather_f16_20(%arg0: i32, %arg1: i32, %arg2: memref<26x16384xi32, #tpu.memory_space<hbm>>, %arg3: memref<1x400000xf32, #tpu.memory_space<hbm>>, %arg4: memref<16384xf32, #tpu.memory_space<hbm>>, %arg5: memref<4x512xi32, #tpu.memory_space<vmem>>, %arg6: memref<2048xf32, #tpu.memory_space<vmem>>, %arg7: memref<512xf32, #tpu.memory_space<vmem>>, %arg8: memref<!tpu.dma_semaphore, #tpu.memory_space<semaphore_mem>>) attributes {dimension_semantics = [#tpu.dimension_semantics<core_parallel>, #tpu.dimension_semantics<subcore_parallel>], iteration_bounds = array<i64: 2, 16>, scalar_prefetch = 0 : i64, scratch_operands = 4 : i64, tpu.core_type = #tpu.core_type<sc_vector_subcore>, window_params = [{transform_indices = #map}, {transform_indices = #map}, {transform_indices = #map1}]} {
    %mul3A = arith.constant 2 : i32
    %mul3A_0 = arith.muli %arg1, %mul3A : i32
    %add3A = arith.addi %mul3A_0, %arg0 : i32
    %mul3A_1 = arith.constant 512 : i32
    %mul3A_2 = arith.muli %add3A, %mul3A_1 : i32
    "tpu.region"() ({
      %run_scoped3A = tpu.sem_alloc : memref<!tpu.dma_semaphore, #tpu.memory_space<semaphore_mem>>
      %dma_start3A_123 = arith.constant 16 : i32
      %dma_start3A_124 = tpu.memref_slice %arg2[%dma_start3A_123, %mul3A_2] : memref<26x16384xi32, #tpu.memory_space<hbm>> -> memref<4x512xi32, #tpu.memory_space<hbm>>
      %dma_start3A_125 = arith.constant 16 : i32
      %dma_start3A_126 = tpu.memref_slice %arg2[%dma_start3A_125, %mul3A_2] : memref<26x16384xi32, #tpu.memory_space<hbm>> -> memref<4x512xi32, #tpu.memory_space<hbm>>
      tpu.enqueue_dma source(%dma_start3A_126 : memref<4x512xi32, #tpu.memory_space<hbm>>) target(%arg5 : memref<4x512xi32, #tpu.memory_space<vmem>>) target_semaphore(%run_scoped3A : memref<!tpu.dma_semaphore, #tpu.memory_space<semaphore_mem>>)
      %dma_wait3A = arith.constant 16 : i32
      %dma_wait3A_127 = tpu.memref_slice %arg2[%dma_wait3A, %mul3A_2] : memref<26x16384xi32, #tpu.memory_space<hbm>> -> memref<4x512xi32, #tpu.memory_space<hbm>>
      %dma_wait3A_128 = arith.constant 16 : i32
      %dma_wait3A_129 = tpu.memref_slice %arg2[%dma_wait3A_128, %mul3A_2] : memref<26x16384xi32, #tpu.memory_space<hbm>> -> memref<4x512xi32, #tpu.memory_space<hbm>>
      tpu.wait_dma2 semaphore(%run_scoped3A : memref<!tpu.dma_semaphore, #tpu.memory_space<semaphore_mem>>) src(%dma_wait3A_129 : memref<4x512xi32, #tpu.memory_space<hbm>>) dst(%arg5 : memref<4x512xi32, #tpu.memory_space<vmem>>)
      tpu.yield
    }) : () -> ()
    %scan3A = arith.constant 0 : i32
    %scan3A_3 = arith.constant 0 : i32
    %scan3A_4 = arith.constant 4 : i32
    %scan3A_5 = arith.addi %scan3A_3, %scan3A_4 : i32
    %scan3A_6 = arith.constant 1 : i32
    scf.for %scan3A_123 = %scan3A_3 to %scan3A_5 step %scan3A_6  : i32 {
      %add3A_124 = arith.constant 16 : i32
      %add3A_125 = arith.addi %add3A_124, %scan3A_123 : i32
      %mul3A_126 = arith.constant 100000 : i32
      %mul3A_127 = arith.muli %add3A_125, %mul3A_126 : i32
      %sub3A = arith.constant 1600000 : i32
      %sub3A_128 = arith.subi %mul3A_127, %sub3A : i32
      %get3A = arith.index_cast %scan3A_123 : i32 to index
      %get3A_129 = arith.constant 0 : index
      %get3A_130 = tpu.vector_load %arg5[%get3A, %get3A_129] {strides = array<i32>} : memref<4x512xi32, #tpu.memory_space<vmem>>, vector<1x16xi32>,
      %get3A_131 = vector.shape_cast %get3A_130 : vector<1x16xi32> to vector<16xi32>
      %add3A_132 = vector.broadcast %sub3A_128 : i32 to vector<16xi32>
      %add3A_133 = arith.addi %get3A_131, %add3A_132 : vector<16xi32>
      %swap3A = arith.index_cast %scan3A_123 : i32 to index
      %swap3A_134 = arith.constant 0 : index
      %swap3A_135 = tpu.vector_load %arg5[%swap3A, %swap3A_134] {strides = array<i32>} : memref<4x512xi32, #tpu.memory_space<vmem>>, vector<1x16xi32>,
      %swap3A_136 = vector.shape_cast %swap3A_135 : vector<1x16xi32> to vector<16xi32>
      %swap3A_137 = vector.shape_cast %add3A_133 : vector<16xi32> to vector<1x16xi32>
      tpu.vector_store %arg5[%swap3A, %swap3A_134], %swap3A_137 {strides = array<i32>} : memref<4x512xi32, #tpu.memory_space<vmem>>, vector<1x16xi32>,
      %get3A_138 = arith.index_cast %scan3A_123 : i32 to index
      %get3A_139 = arith.constant 16 : index
      %get3A_140 = tpu.vector_load %arg5[%get3A_138, %get3A_139] {strides = array<i32>} : memref<4x512xi32, #tpu.memory_space<vmem>>, vector<1x16xi32>,
      %get3A_141 = vector.shape_cast %get3A_140 : vector<1x16xi32> to vector<16xi32>
      %add3A_142 = vector.broadcast %sub3A_128 : i32 to vector<16xi32>
      %add3A_143 = arith.addi %get3A_141, %add3A_142 : vector<16xi32>
      %swap3A_144 = arith.index_cast %scan3A_123 : i32 to index
      %swap3A_145 = arith.constant 16 : index
      %swap3A_146 = tpu.vector_load %arg5[%swap3A_144, %swap3A_145] {strides = array<i32>} : memref<4x512xi32, #tpu.memory_space<vmem>>, vector<1x16xi32>,
      %swap3A_147 = vector.shape_cast %swap3A_146 : vector<1x16xi32> to vector<16xi32>
      %swap3A_148 = vector.shape_cast %add3A_143 : vector<16xi32> to vector<1x16xi32>
      tpu.vector_store %arg5[%swap3A_144, %swap3A_145], %swap3A_148 {strides = array<i32>} : memref<4x512xi32, #tpu.memory_space<vmem>>, vector<1x16xi32>,
      %get3A_149 = arith.index_cast %scan3A_123 : i32 to index
      %get3A_150 = arith.constant 32 : index
      %get3A_151 = tpu.vector_load %arg5[%get3A_149, %get3A_150] {strides = array<i32>} : memref<4x512xi32, #tpu.memory_space<vmem>>, vector<1x16xi32>,
      %get3A_152 = vector.shape_cast %get3A_151 : vector<1x16xi32> to vector<16xi32>
      %add3A_153 = vector.broadcast %sub3A_128 : i32 to vector<16xi32>
      %add3A_154 = arith.addi %get3A_152, %add3A_153 : vector<16xi32>
      %swap3A_155 = arith.index_cast %scan3A_123 : i32 to index
      %swap3A_156 = arith.constant 32 : index
      %swap3A_157 = tpu.vector_load %arg5[%swap3A_155, %swap3A_156] {strides = array<i32>} : memref<4x512xi32, #tpu.memory_space<vmem>>, vector<1x16xi32>,
      %swap3A_158 = vector.shape_cast %swap3A_157 : vector<1x16xi32> to vector<16xi32>
      %swap3A_159 = vector.shape_cast %add3A_154 : vector<16xi32> to vector<1x16xi32>
      tpu.vector_store %arg5[%swap3A_155, %swap3A_156], %swap3A_159 {strides = array<i32>} : memref<4x512xi32, #tpu.memory_space<vmem>>, vector<1x16xi32>,
      %get3A_160 = arith.index_cast %scan3A_123 : i32 to index
      %get3A_161 = arith.constant 48 : index
      %get3A_162 = tpu.vector_load %arg5[%get3A_160, %get3A_161] {strides = array<i32>} : memref<4x512xi32, #tpu.memory_space<vmem>>, vector<1x16xi32>,
      %get3A_163 = vector.shape_cast %get3A_162 : vector<1x16xi32> to vector<16xi32>
      %add3A_164 = vector.broadcast %sub3A_128 : i32 to vector<16xi32>
      %add3A_165 = arith.addi %get3A_163, %add3A_164 : vector<16xi32>
      %swap3A_166 = arith.index_cast %scan3A_123 : i32 to index
      %swap3A_167 = arith.constant 48 : index
      %swap3A_168 = tpu.vector_load %arg5[%swap3A_166, %swap3A_167] {strides = array<i32>} : memref<4x512xi32, #tpu.memory_space<vmem>>, vector<1x16xi32>,
      %swap3A_169 = vector.shape_cast %swap3A_168 : vector<1x16xi32> to vector<16xi32>
      %swap3A_170 = vector.shape_cast %add3A_165 : vector<16xi32> to vector<1x16xi32>
      tpu.vector_store %arg5[%swap3A_166, %swap3A_167], %swap3A_170 {strides = array<i32>} : memref<4x512xi32, #tpu.memory_space<vmem>>, vector<1x16xi32>,
      %get3A_171 = arith.index_cast %scan3A_123 : i32 to index
      %get3A_172 = arith.constant 64 : index
      %get3A_173 = tpu.vector_load %arg5[%get3A_171, %get3A_172] {strides = array<i32>} : memref<4x512xi32, #tpu.memory_space<vmem>>, vector<1x16xi32>,
      %get3A_174 = vector.shape_cast %get3A_173 : vector<1x16xi32> to vector<16xi32>
      %add3A_175 = vector.broadcast %sub3A_128 : i32 to vector<16xi32>
      %add3A_176 = arith.addi %get3A_174, %add3A_175 : vector<16xi32>
      %swap3A_177 = arith.index_cast %scan3A_123 : i32 to index
      %swap3A_178 = arith.constant 64 : index
      %swap3A_179 = tpu.vector_load %arg5[%swap3A_177, %swap3A_178] {strides = array<i32>} : memref<4x512xi32, #tpu.memory_space<vmem>>, vector<1x16xi32>,
      %swap3A_180 = vector.shape_cast %swap3A_179 : vector<1x16xi32> to vector<16xi32>
      %swap3A_181 = vector.shape_cast %add3A_176 : vector<16xi32> to vector<1x16xi32>
      tpu.vector_store %arg5[%swap3A_177, %swap3A_178], %swap3A_181 {strides = array<i32>} : memref<4x512xi32, #tpu.memory_space<vmem>>, vector<1x16xi32>,
      %get3A_182 = arith.index_cast %scan3A_123 : i32 to index
      %get3A_183 = arith.constant 80 : index
      %get3A_184 = tpu.vector_load %arg5[%get3A_182, %get3A_183] {strides = array<i32>} : memref<4x512xi32, #tpu.memory_space<vmem>>, vector<1x16xi32>,
      %get3A_185 = vector.shape_cast %get3A_184 : vector<1x16xi32> to vector<16xi32>
      %add3A_186 = vector.broadcast %sub3A_128 : i32 to vector<16xi32>
      %add3A_187 = arith.addi %get3A_185, %add3A_186 : vector<16xi32>
      %swap3A_188 = arith.index_cast %scan3A_123 : i32 to index
      %swap3A_189 = arith.constant 80 : index
      %swap3A_190 = tpu.vector_load %arg5[%swap3A_188, %swap3A_189] {strides = array<i32>} : memref<4x512xi32, #tpu.memory_space<vmem>>, vector<1x16xi32>,
      %swap3A_191 = vector.shape_cast %swap3A_190 : vector<1x16xi32> to vector<16xi32>
      %swap3A_192 = vector.shape_cast %add3A_187 : vector<16xi32> to vector<1x16xi32>
      tpu.vector_store %arg5[%swap3A_188, %swap3A_189], %swap3A_192 {strides = array<i32>} : memref<4x512xi32, #tpu.memory_space<vmem>>, vector<1x16xi32>,
      %get3A_193 = arith.index_cast %scan3A_123 : i32 to index
      %get3A_194 = arith.constant 96 : index
      %get3A_195 = tpu.vector_load %arg5[%get3A_193, %get3A_194] {strides = array<i32>} : memref<4x512xi32, #tpu.memory_space<vmem>>, vector<1x16xi32>,
      %get3A_196 = vector.shape_cast %get3A_195 : vector<1x16xi32> to vector<16xi32>
      %add3A_197 = vector.broadcast %sub3A_128 : i32 to vector<16xi32>
      %add3A_198 = arith.addi %get3A_196, %add3A_197 : vector<16xi32>
      %swap3A_199 = arith.index_cast %scan3A_123 : i32 to index
      %swap3A_200 = arith.constant 96 : index
      %swap3A_201 = tpu.vector_load %arg5[%swap3A_199, %swap3A_200] {strides = array<i32>} : memref<4x512xi32, #tpu.memory_space<vmem>>, vector<1x16xi32>,
      %swap3A_202 = vector.shape_cast %swap3A_201 : vector<1x16xi32> to vector<16xi32>
      %swap3A_203 = vector.shape_cast %add3A_198 : vector<16xi32> to vector<1x16xi32>
      tpu.vector_store %arg5[%swap3A_199, %swap3A_200], %swap3A_203 {strides = array<i32>} : memref<4x512xi32, #tpu.memory_space<vmem>>, vector<1x16xi32>,
      %get3A_204 = arith.index_cast %scan3A_123 : i32 to index
      %get3A_205 = arith.constant 112 : index
      %get3A_206 = tpu.vector_load %arg5[%get3A_204, %get3A_205] {strides = array<i32>} : memref<4x512xi32, #tpu.memory_space<vmem>>, vector<1x16xi32>,
      %get3A_207 = vector.shape_cast %get3A_206 : vector<1x16xi32> to vector<16xi32>
      %add3A_208 = vector.broadcast %sub3A_128 : i32 to vector<16xi32>
      %add3A_209 = arith.addi %get3A_207, %add3A_208 : vector<16xi32>
      %swap3A_210 = arith.index_cast %scan3A_123 : i32 to index
      %swap3A_211 = arith.constant 112 : index
      %swap3A_212 = tpu.vector_load %arg5[%swap3A_210, %swap3A_211] {strides = array<i32>} : memref<4x512xi32, #tpu.memory_space<vmem>>, vector<1x16xi32>,
      %swap3A_213 = vector.shape_cast %swap3A_212 : vector<1x16xi32> to vector<16xi32>
      %swap3A_214 = vector.shape_cast %add3A_209 : vector<16xi32> to vector<1x16xi32>
      tpu.vector_store %arg5[%swap3A_210, %swap3A_211], %swap3A_214 {strides = array<i32>} : memref<4x512xi32, #tpu.memory_space<vmem>>, vector<1x16xi32>,
      %get3A_215 = arith.index_cast %scan3A_123 : i32 to index
      %get3A_216 = arith.constant 128 : index
      %get3A_217 = tpu.vector_load %arg5[%get3A_215, %get3A_216] {strides = array<i32>} : memref<4x512xi32, #tpu.memory_space<vmem>>, vector<1x16xi32>,
      %get3A_218 = vector.shape_cast %get3A_217 : vector<1x16xi32> to vector<16xi32>
      %add3A_219 = vector.broadcast %sub3A_128 : i32 to vector<16xi32>
      %add3A_220 = arith.addi %get3A_218, %add3A_219 : vector<16xi32>
      %swap3A_221 = arith.index_cast %scan3A_123 : i32 to index
      %swap3A_222 = arith.constant 128 : index
      %swap3A_223 = tpu.vector_load %arg5[%swap3A_221, %swap3A_222] {strides = array<i32>} : memref<4x512xi32, #tpu.memory_space<vmem>>, vector<1x16xi32>,
      %swap3A_224 = vector.shape_cast %swap3A_223 : vector<1x16xi32> to vector<16xi32>
      %swap3A_225 = vector.shape_cast %add3A_220 : vector<16xi32> to vector<1x16xi32>
      tpu.vector_store %arg5[%swap3A_221, %swap3A_222], %swap3A_225 {strides = array<i32>} : memref<4x512xi32, #tpu.memory_space<vmem>>, vector<1x16xi32>,
      %get3A_226 = arith.index_cast %scan3A_123 : i32 to index
      %get3A_227 = arith.constant 144 : index
      %get3A_228 = tpu.vector_load %arg5[%get3A_226, %get3A_227] {strides = array<i32>} : memref<4x512xi32, #tpu.memory_space<vmem>>, vector<1x16xi32>,
      %get3A_229 = vector.shape_cast %get3A_228 : vector<1x16xi32> to vector<16xi32>
      %add3A_230 = vector.broadcast %sub3A_128 : i32 to vector<16xi32>
      %add3A_231 = arith.addi %get3A_229, %add3A_230 : vector<16xi32>
      %swap3A_232 = arith.index_cast %scan3A_123 : i32 to index
      %swap3A_233 = arith.constant 144 : index
      %swap3A_234 = tpu.vector_load %arg5[%swap3A_232, %swap3A_233] {strides = array<i32>} : memref<4x512xi32, #tpu.memory_space<vmem>>, vector<1x16xi32>,
      %swap3A_235 = vector.shape_cast %swap3A_234 : vector<1x16xi32> to vector<16xi32>
      %swap3A_236 = vector.shape_cast %add3A_231 : vector<16xi32> to vector<1x16xi32>
      tpu.vector_store %arg5[%swap3A_232, %swap3A_233], %swap3A_236 {strides = array<i32>} : memref<4x512xi32, #tpu.memory_space<vmem>>, vector<1x16xi32>,
      %get3A_237 = arith.index_cast %scan3A_123 : i32 to index
      %get3A_238 = arith.constant 160 : index
      %get3A_239 = tpu.vector_load %arg5[%get3A_237, %get3A_238] {strides = array<i32>} : memref<4x512xi32, #tpu.memory_space<vmem>>, vector<1x16xi32>,
      %get3A_240 = vector.shape_cast %get3A_239 : vector<1x16xi32> to vector<16xi32>
      %add3A_241 = vector.broadcast %sub3A_128 : i32 to vector<16xi32>
      %add3A_242 = arith.addi %get3A_240, %add3A_241 : vector<16xi32>
      %swap3A_243 = arith.index_cast %scan3A_123 : i32 to index
      %swap3A_244 = arith.constant 160 : index
      %swap3A_245 = tpu.vector_load %arg5[%swap3A_243, %swap3A_244] {strides = array<i32>} : memref<4x512xi32, #tpu.memory_space<vmem>>, vector<1x16xi32>,
      %swap3A_246 = vector.shape_cast %swap3A_245 : vector<1x16xi32> to vector<16xi32>
      %swap3A_247 = vector.shape_cast %add3A_242 : vector<16xi32> to vector<1x16xi32>
      tpu.vector_store %arg5[%swap3A_243, %swap3A_244], %swap3A_247 {strides = array<i32>} : memref<4x512xi32, #tpu.memory_space<vmem>>, vector<1x16xi32>,
      %get3A_248 = arith.index_cast %scan3A_123 : i32 to index
      %get3A_249 = arith.constant 176 : index
      %get3A_250 = tpu.vector_load %arg5[%get3A_248, %get3A_249] {strides = array<i32>} : memref<4x512xi32, #tpu.memory_space<vmem>>, vector<1x16xi32>,
      %get3A_251 = vector.shape_cast %get3A_250 : vector<1x16xi32> to vector<16xi32>
      %add3A_252 = vector.broadcast %sub3A_128 : i32 to vector<16xi32>
      %add3A_253 = arith.addi %get3A_251, %add3A_252 : vector<16xi32>
      %swap3A_254 = arith.index_cast %scan3A_123 : i32 to index
      %swap3A_255 = arith.constant 176 : index
      %swap3A_256 = tpu.vector_load %arg5[%swap3A_254, %swap3A_255] {strides = array<i32>} : memref<4x512xi32, #tpu.memory_space<vmem>>, vector<1x16xi32>,
      %swap3A_257 = vector.shape_cast %swap3A_256 : vector<1x16xi32> to vector<16xi32>
      %swap3A_258 = vector.shape_cast %add3A_253 : vector<16xi32> to vector<1x16xi32>
      tpu.vector_store %arg5[%swap3A_254, %swap3A_255], %swap3A_258 {strides = array<i32>} : memref<4x512xi32, #tpu.memory_space<vmem>>, vector<1x16xi32>,
      %get3A_259 = arith.index_cast %scan3A_123 : i32 to index
      %get3A_260 = arith.constant 192 : index
      %get3A_261 = tpu.vector_load %arg5[%get3A_259, %get3A_260] {strides = array<i32>} : memref<4x512xi32, #tpu.memory_space<vmem>>, vector<1x16xi32>,
      %get3A_262 = vector.shape_cast %get3A_261 : vector<1x16xi32> to vector<16xi32>
      %add3A_263 = vector.broadcast %sub3A_128 : i32 to vector<16xi32>
      %add3A_264 = arith.addi %get3A_262, %add3A_263 : vector<16xi32>
      %swap3A_265 = arith.index_cast %scan3A_123 : i32 to index
      %swap3A_266 = arith.constant 192 : index
      %swap3A_267 = tpu.vector_load %arg5[%swap3A_265, %swap3A_266] {strides = array<i32>} : memref<4x512xi32, #tpu.memory_space<vmem>>, vector<1x16xi32>,
      %swap3A_268 = vector.shape_cast %swap3A_267 : vector<1x16xi32> to vector<16xi32>
      %swap3A_269 = vector.shape_cast %add3A_264 : vector<16xi32> to vector<1x16xi32>
      tpu.vector_store %arg5[%swap3A_265, %swap3A_266], %swap3A_269 {strides = array<i32>} : memref<4x512xi32, #tpu.memory_space<vmem>>, vector<1x16xi32>,
      %get3A_270 = arith.index_cast %scan3A_123 : i32 to index
      %get3A_271 = arith.constant 208 : index
      %get3A_272 = tpu.vector_load %arg5[%get3A_270, %get3A_271] {strides = array<i32>} : memref<4x512xi32, #tpu.memory_space<vmem>>, vector<1x16xi32>,
      %get3A_273 = vector.shape_cast %get3A_272 : vector<1x16xi32> to vector<16xi32>
      %add3A_274 = vector.broadcast %sub3A_128 : i32 to vector<16xi32>
      %add3A_275 = arith.addi %get3A_273, %add3A_274 : vector<16xi32>
      %swap3A_276 = arith.index_cast %scan3A_123 : i32 to index
      %swap3A_277 = arith.constant 208 : index
      %swap3A_278 = tpu.vector_load %arg5[%swap3A_276, %swap3A_277] {strides = array<i32>} : memref<4x512xi32, #tpu.memory_space<vmem>>, vector<1x16xi32>,
      %swap3A_279 = vector.shape_cast %swap3A_278 : vector<1x16xi32> to vector<16xi32>
      %swap3A_280 = vector.shape_cast %add3A_275 : vector<16xi32> to vector<1x16xi32>
      tpu.vector_store %arg5[%swap3A_276, %swap3A_277], %swap3A_280 {strides = array<i32>} : memref<4x512xi32, #tpu.memory_space<vmem>>, vector<1x16xi32>,
      %get3A_281 = arith.index_cast %scan3A_123 : i32 to index
      %get3A_282 = arith.constant 224 : index
      %get3A_283 = tpu.vector_load %arg5[%get3A_281, %get3A_282] {strides = array<i32>} : memref<4x512xi32, #tpu.memory_space<vmem>>, vector<1x16xi32>,
      %get3A_284 = vector.shape_cast %get3A_283 : vector<1x16xi32> to vector<16xi32>
      %add3A_285 = vector.broadcast %sub3A_128 : i32 to vector<16xi32>
      %add3A_286 = arith.addi %get3A_284, %add3A_285 : vector<16xi32>
      %swap3A_287 = arith.index_cast %scan3A_123 : i32 to index
      %swap3A_288 = arith.constant 224 : index
      %swap3A_289 = tpu.vector_load %arg5[%swap3A_287, %swap3A_288] {strides = array<i32>} : memref<4x512xi32, #tpu.memory_space<vmem>>, vector<1x16xi32>,
      %swap3A_290 = vector.shape_cast %swap3A_289 : vector<1x16xi32> to vector<16xi32>
      %swap3A_291 = vector.shape_cast %add3A_286 : vector<16xi32> to vector<1x16xi32>
      tpu.vector_store %arg5[%swap3A_287, %swap3A_288], %swap3A_291 {strides = array<i32>} : memref<4x512xi32, #tpu.memory_space<vmem>>, vector<1x16xi32>,
      %get3A_292 = arith.index_cast %scan3A_123 : i32 to index
      %get3A_293 = arith.constant 240 : index
      %get3A_294 = tpu.vector_load %arg5[%get3A_292, %get3A_293] {strides = array<i32>} : memref<4x512xi32, #tpu.memory_space<vmem>>, vector<1x16xi32>,
      %get3A_295 = vector.shape_cast %get3A_294 : vector<1x16xi32> to vector<16xi32>
      %add3A_296 = vector.broadcast %sub3A_128 : i32 to vector<16xi32>
      %add3A_297 = arith.addi %get3A_295, %add3A_296 : vector<16xi32>
      %swap3A_298 = arith.index_cast %scan3A_123 : i32 to index
      %swap3A_299 = arith.constant 240 : index
      %swap3A_300 = tpu.vector_load %arg5[%swap3A_298, %swap3A_299] {strides = array<i32>} : memref<4x512xi32, #tpu.memory_space<vmem>>, vector<1x16xi32>,
      %swap3A_301 = vector.shape_cast %swap3A_300 : vector<1x16xi32> to vector<16xi32>
      %swap3A_302 = vector.shape_cast %add3A_297 : vector<16xi32> to vector<1x16xi32>
      tpu.vector_store %arg5[%swap3A_298, %swap3A_299], %swap3A_302 {strides = array<i32>} : memref<4x512xi32, #tpu.memory_space<vmem>>, vector<1x16xi32>,
      %get3A_303 = arith.index_cast %scan3A_123 : i32 to index
      %get3A_304 = arith.constant 256 : index
      %get3A_305 = tpu.vector_load %arg5[%get3A_303, %get3A_304] {strides = array<i32>} : memref<4x512xi32, #tpu.memory_space<vmem>>, vector<1x16xi32>,
      %get3A_306 = vector.shape_cast %get3A_305 : vector<1x16xi32> to vector<16xi32>
      %add3A_307 = vector.broadcast %sub3A_128 : i32 to vector<16xi32>
      %add3A_308 = arith.addi %get3A_306, %add3A_307 : vector<16xi32>
      %swap3A_309 = arith.index_cast %scan3A_123 : i32 to index
      %swap3A_310 = arith.constant 256 : index
      %swap3A_311 = tpu.vector_load %arg5[%swap3A_309, %swap3A_310] {strides = array<i32>} : memref<4x512xi32, #tpu.memory_space<vmem>>, vector<1x16xi32>,
      %swap3A_312 = vector.shape_cast %swap3A_311 : vector<1x16xi32> to vector<16xi32>
      %swap3A_313 = vector.shape_cast %add3A_308 : vector<16xi32> to vector<1x16xi32>
      tpu.vector_store %arg5[%swap3A_309, %swap3A_310], %swap3A_313 {strides = array<i32>} : memref<4x512xi32, #tpu.memory_space<vmem>>, vector<1x16xi32>,
      %get3A_314 = arith.index_cast %scan3A_123 : i32 to index
      %get3A_315 = arith.constant 272 : index
      %get3A_316 = tpu.vector_load %arg5[%get3A_314, %get3A_315] {strides = array<i32>} : memref<4x512xi32, #tpu.memory_space<vmem>>, vector<1x16xi32>,
      %get3A_317 = vector.shape_cast %get3A_316 : vector<1x16xi32> to vector<16xi32>
      %add3A_318 = vector.broadcast %sub3A_128 : i32 to vector<16xi32>
      %add3A_319 = arith.addi %get3A_317, %add3A_318 : vector<16xi32>
      %swap3A_320 = arith.index_cast %scan3A_123 : i32 to index
      %swap3A_321 = arith.constant 272 : index
      %swap3A_322 = tpu.vector_load %arg5[%swap3A_320, %swap3A_321] {strides = array<i32>} : memref<4x512xi32, #tpu.memory_space<vmem>>, vector<1x16xi32>,
      %swap3A_323 = vector.shape_cast %swap3A_322 : vector<1x16xi32> to vector<16xi32>
      %swap3A_324 = vector.shape_cast %add3A_319 : vector<16xi32> to vector<1x16xi32>
      tpu.vector_store %arg5[%swap3A_320, %swap3A_321], %swap3A_324 {strides = array<i32>} : memref<4x512xi32, #tpu.memory_space<vmem>>, vector<1x16xi32>,
      %get3A_325 = arith.index_cast %scan3A_123 : i32 to index
      %get3A_326 = arith.constant 288 : index
      %get3A_327 = tpu.vector_load %arg5[%get3A_325, %get3A_326] {strides = array<i32>} : memref<4x512xi32, #tpu.memory_space<vmem>>, vector<1x16xi32>,
      %get3A_328 = vector.shape_cast %get3A_327 : vector<1x16xi32> to vector<16xi32>
      %add3A_329 = vector.broadcast %sub3A_128 : i32 to vector<16xi32>
      %add3A_330 = arith.addi %get3A_328, %add3A_329 : vector<16xi32>
      %swap3A_331 = arith.index_cast %scan3A_123 : i32 to index
      %swap3A_332 = arith.constant 288 : index
      %swap3A_333 = tpu.vector_load %arg5[%swap3A_331, %swap3A_332] {strides = array<i32>} : memref<4x512xi32, #tpu.memory_space<vmem>>, vector<1x16xi32>,
      %swap3A_334 = vector.shape_cast %swap3A_333 : vector<1x16xi32> to vector<16xi32>
      %swap3A_335 = vector.shape_cast %add3A_330 : vector<16xi32> to vector<1x16xi32>
      tpu.vector_store %arg5[%swap3A_331, %swap3A_332], %swap3A_335 {strides = array<i32>} : memref<4x512xi32, #tpu.memory_space<vmem>>, vector<1x16xi32>,
      %get3A_336 = arith.index_cast %scan3A_123 : i32 to index
      %get3A_337 = arith.constant 304 : index
      %get3A_338 = tpu.vector_load %arg5[%get3A_336, %get3A_337] {strides = array<i32>} : memref<4x512xi32, #tpu.memory_space<vmem>>, vector<1x16xi32>,
      %get3A_339 = vector.shape_cast %get3A_338 : vector<1x16xi32> to vector<16xi32>
      %add3A_340 = vector.broadcast %sub3A_128 : i32 to vector<16xi32>
      %add3A_341 = arith.addi %get3A_339, %add3A_340 : vector<16xi32>
      %swap3A_342 = arith.index_cast %scan3A_123 : i32 to index
      %swap3A_343 = arith.constant 304 : index
      %swap3A_344 = tpu.vector_load %arg5[%swap3A_342, %swap3A_343] {strides = array<i32>} : memref<4x512xi32, #tpu.memory_space<vmem>>, vector<1x16xi32>,
      %swap3A_345 = vector.shape_cast %swap3A_344 : vector<1x16xi32> to vector<16xi32>
      %swap3A_346 = vector.shape_cast %add3A_341 : vector<16xi32> to vector<1x16xi32>
      tpu.vector_store %arg5[%swap3A_342, %swap3A_343], %swap3A_346 {strides = array<i32>} : memref<4x512xi32, #tpu.memory_space<vmem>>, vector<1x16xi32>,
      %get3A_347 = arith.index_cast %scan3A_123 : i32 to index
      %get3A_348 = arith.constant 320 : index
      %get3A_349 = tpu.vector_load %arg5[%get3A_347, %get3A_348] {strides = array<i32>} : memref<4x512xi32, #tpu.memory_space<vmem>>, vector<1x16xi32>,
      %get3A_350 = vector.shape_cast %get3A_349 : vector<1x16xi32> to vector<16xi32>
      %add3A_351 = vector.broadcast %sub3A_128 : i32 to vector<16xi32>
      %add3A_352 = arith.addi %get3A_350, %add3A_351 : vector<16xi32>
      %swap3A_353 = arith.index_cast %scan3A_123 : i32 to index
      %swap3A_354 = arith.constant 320 : index
      %swap3A_355 = tpu.vector_load %arg5[%swap3A_353, %swap3A_354] {strides = array<i32>} : memref<4x512xi32, #tpu.memory_space<vmem>>, vector<1x16xi32>,
      %swap3A_356 = vector.shape_cast %swap3A_355 : vector<1x16xi32> to vector<16xi32>
      %swap3A_357 = vector.shape_cast %add3A_352 : vector<16xi32> to vector<1x16xi32>
      tpu.vector_store %arg5[%swap3A_353, %swap3A_354], %swap3A_357 {strides = array<i32>} : memref<4x512xi32, #tpu.memory_space<vmem>>, vector<1x16xi32>,
      %get3A_358 = arith.index_cast %scan3A_123 : i32 to index
      %get3A_359 = arith.constant 336 : index
      %get3A_360 = tpu.vector_load %arg5[%get3A_358, %get3A_359] {strides = array<i32>} : memref<4x512xi32, #tpu.memory_space<vmem>>, vector<1x16xi32>,
      %get3A_361 = vector.shape_cast %get3A_360 : vector<1x16xi32> to vector<16xi32>
      %add3A_362 = vector.broadcast %sub3A_128 : i32 to vector<16xi32>
      %add3A_363 = arith.addi %get3A_361, %add3A_362 : vector<16xi32>
      %swap3A_364 = arith.index_cast %scan3A_123 : i32 to index
      %swap3A_365 = arith.constant 336 : index
      %swap3A_366 = tpu.vector_load %arg5[%swap3A_364, %swap3A_365] {strides = array<i32>} : memref<4x512xi32, #tpu.memory_space<vmem>>, vector<1x16xi32>,
      %swap3A_367 = vector.shape_cast %swap3A_366 : vector<1x16xi32> to vector<16xi32>
      %swap3A_368 = vector.shape_cast %add3A_363 : vector<16xi32> to vector<1x16xi32>
      tpu.vector_store %arg5[%swap3A_364, %swap3A_365], %swap3A_368 {strides = array<i32>} : memref<4x512xi32, #tpu.memory_space<vmem>>, vector<1x16xi32>,
      %get3A_369 = arith.index_cast %scan3A_123 : i32 to index
      %get3A_370 = arith.constant 352 : index
      %get3A_371 = tpu.vector_load %arg5[%get3A_369, %get3A_370] {strides = array<i32>} : memref<4x512xi32, #tpu.memory_space<vmem>>, vector<1x16xi32>,
      %get3A_372 = vector.shape_cast %get3A_371 : vector<1x16xi32> to vector<16xi32>
      %add3A_373 = vector.broadcast %sub3A_128 : i32 to vector<16xi32>
      %add3A_374 = arith.addi %get3A_372, %add3A_373 : vector<16xi32>
      %swap3A_375 = arith.index_cast %scan3A_123 : i32 to index
      %swap3A_376 = arith.constant 352 : index
      %swap3A_377 = tpu.vector_load %arg5[%swap3A_375, %swap3A_376] {strides = array<i32>} : memref<4x512xi32, #tpu.memory_space<vmem>>, vector<1x16xi32>,
      %swap3A_378 = vector.shape_cast %swap3A_377 : vector<1x16xi32> to vector<16xi32>
      %swap3A_379 = vector.shape_cast %add3A_374 : vector<16xi32> to vector<1x16xi32>
      tpu.vector_store %arg5[%swap3A_375, %swap3A_376], %swap3A_379 {strides = array<i32>} : memref<4x512xi32, #tpu.memory_space<vmem>>, vector<1x16xi32>,
      %get3A_380 = arith.index_cast %scan3A_123 : i32 to index
      %get3A_381 = arith.constant 368 : index
      %get3A_382 = tpu.vector_load %arg5[%get3A_380, %get3A_381] {strides = array<i32>} : memref<4x512xi32, #tpu.memory_space<vmem>>, vector<1x16xi32>,
      %get3A_383 = vector.shape_cast %get3A_382 : vector<1x16xi32> to vector<16xi32>
      %add3A_384 = vector.broadcast %sub3A_128 : i32 to vector<16xi32>
      %add3A_385 = arith.addi %get3A_383, %add3A_384 : vector<16xi32>
      %swap3A_386 = arith.index_cast %scan3A_123 : i32 to index
      %swap3A_387 = arith.constant 368 : index
      %swap3A_388 = tpu.vector_load %arg5[%swap3A_386, %swap3A_387] {strides = array<i32>} : memref<4x512xi32, #tpu.memory_space<vmem>>, vector<1x16xi32>,
      %swap3A_389 = vector.shape_cast %swap3A_388 : vector<1x16xi32> to vector<16xi32>
      %swap3A_390 = vector.shape_cast %add3A_385 : vector<16xi32> to vector<1x16xi32>
      tpu.vector_store %arg5[%swap3A_386, %swap3A_387], %swap3A_390 {strides = array<i32>} : memref<4x512xi32, #tpu.memory_space<vmem>>, vector<1x16xi32>,
      %get3A_391 = arith.index_cast %scan3A_123 : i32 to index
      %get3A_392 = arith.constant 384 : index
      %get3A_393 = tpu.vector_load %arg5[%get3A_391, %get3A_392] {strides = array<i32>} : memref<4x512xi32, #tpu.memory_space<vmem>>, vector<1x16xi32>,
      %get3A_394 = vector.shape_cast %get3A_393 : vector<1x16xi32> to vector<16xi32>
      %add3A_395 = vector.broadcast %sub3A_128 : i32 to vector<16xi32>
      %add3A_396 = arith.addi %get3A_394, %add3A_395 : vector<16xi32>
      %swap3A_397 = arith.index_cast %scan3A_123 : i32 to index
      %swap3A_398 = arith.constant 384 : index
      %swap3A_399 = tpu.vector_load %arg5[%swap3A_397, %swap3A_398] {strides = array<i32>} : memref<4x512xi32, #tpu.memory_space<vmem>>, vector<1x16xi32>,
      %swap3A_400 = vector.shape_cast %swap3A_399 : vector<1x16xi32> to vector<16xi32>
      %swap3A_401 = vector.shape_cast %add3A_396 : vector<16xi32> to vector<1x16xi32>
      tpu.vector_store %arg5[%swap3A_397, %swap3A_398], %swap3A_401 {strides = array<i32>} : memref<4x512xi32, #tpu.memory_space<vmem>>, vector<1x16xi32>,
      %get3A_402 = arith.index_cast %scan3A_123 : i32 to index
      %get3A_403 = arith.constant 400 : index
      %get3A_404 = tpu.vector_load %arg5[%get3A_402, %get3A_403] {strides = array<i32>} : memref<4x512xi32, #tpu.memory_space<vmem>>, vector<1x16xi32>,
      %get3A_405 = vector.shape_cast %get3A_404 : vector<1x16xi32> to vector<16xi32>
      %add3A_406 = vector.broadcast %sub3A_128 : i32 to vector<16xi32>
      %add3A_407 = arith.addi %get3A_405, %add3A_406 : vector<16xi32>
      %swap3A_408 = arith.index_cast %scan3A_123 : i32 to index
      %swap3A_409 = arith.constant 400 : index
      %swap3A_410 = tpu.vector_load %arg5[%swap3A_408, %swap3A_409] {strides = array<i32>} : memref<4x512xi32, #tpu.memory_space<vmem>>, vector<1x16xi32>,
      %swap3A_411 = vector.shape_cast %swap3A_410 : vector<1x16xi32> to vector<16xi32>
      %swap3A_412 = vector.shape_cast %add3A_407 : vector<16xi32> to vector<1x16xi32>
      tpu.vector_store %arg5[%swap3A_408, %swap3A_409], %swap3A_412 {strides = array<i32>} : memref<4x512xi32, #tpu.memory_space<vmem>>, vector<1x16xi32>,
      %get3A_413 = arith.index_cast %scan3A_123 : i32 to index
      %get3A_414 = arith.constant 416 : index
      %get3A_415 = tpu.vector_load %arg5[%get3A_413, %get3A_414] {strides = array<i32>} : memref<4x512xi32, #tpu.memory_space<vmem>>, vector<1x16xi32>,
      %get3A_416 = vector.shape_cast %get3A_415 : vector<1x16xi32> to vector<16xi32>
      %add3A_417 = vector.broadcast %sub3A_128 : i32 to vector<16xi32>
      %add3A_418 = arith.addi %get3A_416, %add3A_417 : vector<16xi32>
      %swap3A_419 = arith.index_cast %scan3A_123 : i32 to index
      %swap3A_420 = arith.constant 416 : index
      %swap3A_421 = tpu.vector_load %arg5[%swap3A_419, %swap3A_420] {strides = array<i32>} : memref<4x512xi32, #tpu.memory_space<vmem>>, vector<1x16xi32>,
      %swap3A_422 = vector.shape_cast %swap3A_421 : vector<1x16xi32> to vector<16xi32>
      %swap3A_423 = vector.shape_cast %add3A_418 : vector<16xi32> to vector<1x16xi32>
      tpu.vector_store %arg5[%swap3A_419, %swap3A_420], %swap3A_423 {strides = array<i32>} : memref<4x512xi32, #tpu.memory_space<vmem>>, vector<1x16xi32>,
      %get3A_424 = arith.index_cast %scan3A_123 : i32 to index
      %get3A_425 = arith.constant 432 : index
      %get3A_426 = tpu.vector_load %arg5[%get3A_424, %get3A_425] {strides = array<i32>} : memref<4x512xi32, #tpu.memory_space<vmem>>, vector<1x16xi32>,
      %get3A_427 = vector.shape_cast %get3A_426 : vector<1x16xi32> to vector<16xi32>
      %add3A_428 = vector.broadcast %sub3A_128 : i32 to vector<16xi32>
      %add3A_429 = arith.addi %get3A_427, %add3A_428 : vector<16xi32>
      %swap3A_430 = arith.index_cast %scan3A_123 : i32 to index
      %swap3A_431 = arith.constant 432 : index
      %swap3A_432 = tpu.vector_load %arg5[%swap3A_430, %swap3A_431] {strides = array<i32>} : memref<4x512xi32, #tpu.memory_space<vmem>>, vector<1x16xi32>,
      %swap3A_433 = vector.shape_cast %swap3A_432 : vector<1x16xi32> to vector<16xi32>
      %swap3A_434 = vector.shape_cast %add3A_429 : vector<16xi32> to vector<1x16xi32>
      tpu.vector_store %arg5[%swap3A_430, %swap3A_431], %swap3A_434 {strides = array<i32>} : memref<4x512xi32, #tpu.memory_space<vmem>>, vector<1x16xi32>,
      %get3A_435 = arith.index_cast %scan3A_123 : i32 to index
      %get3A_436 = arith.constant 448 : index
      %get3A_437 = tpu.vector_load %arg5[%get3A_435, %get3A_436] {strides = array<i32>} : memref<4x512xi32, #tpu.memory_space<vmem>>, vector<1x16xi32>,
      %get3A_438 = vector.shape_cast %get3A_437 : vector<1x16xi32> to vector<16xi32>
      %add3A_439 = vector.broadcast %sub3A_128 : i32 to vector<16xi32>
      %add3A_440 = arith.addi %get3A_438, %add3A_439 : vector<16xi32>
      %swap3A_441 = arith.index_cast %scan3A_123 : i32 to index
      %swap3A_442 = arith.constant 448 : index
      %swap3A_443 = tpu.vector_load %arg5[%swap3A_441, %swap3A_442] {strides = array<i32>} : memref<4x512xi32, #tpu.memory_space<vmem>>, vector<1x16xi32>,
      %swap3A_444 = vector.shape_cast %swap3A_443 : vector<1x16xi32> to vector<16xi32>
      %swap3A_445 = vector.shape_cast %add3A_440 : vector<16xi32> to vector<1x16xi32>
      tpu.vector_store %arg5[%swap3A_441, %swap3A_442], %swap3A_445 {strides = array<i32>} : memref<4x512xi32, #tpu.memory_space<vmem>>, vector<1x16xi32>,
      %get3A_446 = arith.index_cast %scan3A_123 : i32 to index
      %get3A_447 = arith.constant 464 : index
      %get3A_448 = tpu.vector_load %arg5[%get3A_446, %get3A_447] {strides = array<i32>} : memref<4x512xi32, #tpu.memory_space<vmem>>, vector<1x16xi32>,
      %get3A_449 = vector.shape_cast %get3A_448 : vector<1x16xi32> to vector<16xi32>
      %add3A_450 = vector.broadcast %sub3A_128 : i32 to vector<16xi32>
      %add3A_451 = arith.addi %get3A_449, %add3A_450 : vector<16xi32>
      %swap3A_452 = arith.index_cast %scan3A_123 : i32 to index
      %swap3A_453 = arith.constant 464 : index
      %swap3A_454 = tpu.vector_load %arg5[%swap3A_452, %swap3A_453] {strides = array<i32>} : memref<4x512xi32, #tpu.memory_space<vmem>>, vector<1x16xi32>,
      %swap3A_455 = vector.shape_cast %swap3A_454 : vector<1x16xi32> to vector<16xi32>
      %swap3A_456 = vector.shape_cast %add3A_451 : vector<16xi32> to vector<1x16xi32>
      tpu.vector_store %arg5[%swap3A_452, %swap3A_453], %swap3A_456 {strides = array<i32>} : memref<4x512xi32, #tpu.memory_space<vmem>>, vector<1x16xi32>,
      %get3A_457 = arith.index_cast %scan3A_123 : i32 to index
      %get3A_458 = arith.constant 480 : index
      %get3A_459 = tpu.vector_load %arg5[%get3A_457, %get3A_458] {strides = array<i32>} : memref<4x512xi32, #tpu.memory_space<vmem>>, vector<1x16xi32>,
      %get3A_460 = vector.shape_cast %get3A_459 : vector<1x16xi32> to vector<16xi32>
      %add3A_461 = vector.broadcast %sub3A_128 : i32 to vector<16xi32>
      %add3A_462 = arith.addi %get3A_460, %add3A_461 : vector<16xi32>
      %swap3A_463 = arith.index_cast %scan3A_123 : i32 to index
      %swap3A_464 = arith.constant 480 : index
      %swap3A_465 = tpu.vector_load %arg5[%swap3A_463, %swap3A_464] {strides = array<i32>} : memref<4x512xi32, #tpu.memory_space<vmem>>, vector<1x16xi32>,
      %swap3A_466 = vector.shape_cast %swap3A_465 : vector<1x16xi32> to vector<16xi32>
      %swap3A_467 = vector.shape_cast %add3A_462 : vector<16xi32> to vector<1x16xi32>
      tpu.vector_store %arg5[%swap3A_463, %swap3A_464], %swap3A_467 {strides = array<i32>} : memref<4x512xi32, #tpu.memory_space<vmem>>, vector<1x16xi32>,
      %get3A_468 = arith.index_cast %scan3A_123 : i32 to index
      %get3A_469 = arith.constant 496 : index
      %get3A_470 = tpu.vector_load %arg5[%get3A_468, %get3A_469] {strides = array<i32>} : memref<4x512xi32, #tpu.memory_space<vmem>>, vector<1x16xi32>,
      %get3A_471 = vector.shape_cast %get3A_470 : vector<1x16xi32> to vector<16xi32>
      %add3A_472 = vector.broadcast %sub3A_128 : i32 to vector<16xi32>
      %add3A_473 = arith.addi %get3A_471, %add3A_472 : vector<16xi32>
      %swap3A_474 = arith.index_cast %scan3A_123 : i32 to index
      %swap3A_475 = arith.constant 496 : index
      %swap3A_476 = tpu.vector_load %arg5[%swap3A_474, %swap3A_475] {strides = array<i32>} : memref<4x512xi32, #tpu.memory_space<vmem>>, vector<1x16xi32>,
      %swap3A_477 = vector.shape_cast %swap3A_476 : vector<1x16xi32> to vector<16xi32>
      %swap3A_478 = vector.shape_cast %add3A_473 : vector<16xi32> to vector<1x16xi32>
      tpu.vector_store %arg5[%swap3A_474, %swap3A_475], %swap3A_478 {strides = array<i32>} : memref<4x512xi32, #tpu.memory_space<vmem>>, vector<1x16xi32>,
    }
    %scan3A_7 = arith.constant 4 : i32
    %dma_start3A = arith.constant 0 : i32
    %dma_start3A_8 = arith.constant 0 : i32
    %dma_start3A_9 = arith.constant 0 : i32
    %dma_start3A_10 = tpu.memref_slice %arg6[%dma_start3A_9] : memref<2048xf32, #tpu.memory_space<vmem>> -> memref<128xf32, #tpu.memory_space<vmem>>
    %dma_start3A_11 = arith.constant 0 : i32
    %dma_start3A_12 = tpu.memref_slice %arg5[%dma_start3A_8, %dma_start3A_11] : memref<4x512xi32, #tpu.memory_space<vmem>> -> memref<1x128xi32, #tpu.memory_space<vmem>>
    %dma_start3A_13 = tpu.memref_squeeze %dma_start3A_12 : memref<1x128xi32, #tpu.memory_space<vmem>> -> memref<128xi32, #tpu.memory_space<vmem>>
    %dma_start3A_14 = arith.constant 0 : i32
    %dma_start3A_15 = tpu.memref_slice %arg3[%dma_start3A, %dma_start3A_14] : memref<1x400000xf32, #tpu.memory_space<hbm>> -> memref<1x400000xf32, #tpu.memory_space<hbm>>
    %dma_start3A_16 = tpu.memref_squeeze %dma_start3A_15 : memref<1x400000xf32, #tpu.memory_space<hbm>> -> memref<400000xf32, #tpu.memory_space<hbm>>
    %dma_start3A_17 = arith.constant 0 : i32
    %dma_start3A_18 = tpu.memref_slice %dma_start3A_16[%dma_start3A_17] : memref<400000xf32, #tpu.memory_space<hbm>> -> memref<400000xf32, #tpu.memory_space<hbm>>
    tpu.enqueue_indirect_dma source(%dma_start3A_18 : memref<400000xf32, #tpu.memory_space<hbm>>) target(%dma_start3A_10 : memref<128xf32, #tpu.memory_space<vmem>>) offsets(%dma_start3A_13 : memref<128xi32, #tpu.memory_space<vmem>>) semaphore(%arg8 : memref<!tpu.dma_semaphore, #tpu.memory_space<semaphore_mem>>)
    %dma_start3A_19 = arith.constant 0 : i32
    %dma_start3A_20 = arith.constant 0 : i32
    %dma_start3A_21 = arith.constant 128 : i32
    %dma_start3A_22 = tpu.memref_slice %arg6[%dma_start3A_21] : memref<2048xf32, #tpu.memory_space<vmem>> -> memref<128xf32, #tpu.memory_space<vmem>>
    %dma_start3A_23 = arith.constant 128 : i32
    %dma_start3A_24 = tpu.memref_slice %arg5[%dma_start3A_20, %dma_start3A_23] : memref<4x512xi32, #tpu.memory_space<vmem>> -> memref<1x128xi32, #tpu.memory_space<vmem>>
    %dma_start3A_25 = tpu.memref_squeeze %dma_start3A_24 : memref<1x128xi32, #tpu.memory_space<vmem>> -> memref<128xi32, #tpu.memory_space<vmem>>
    %dma_start3A_26 = arith.constant 0 : i32
    %dma_start3A_27 = tpu.memref_slice %arg3[%dma_start3A_19, %dma_start3A_26] : memref<1x400000xf32, #tpu.memory_space<hbm>> -> memref<1x400000xf32, #tpu.memory_space<hbm>>
    %dma_start3A_28 = tpu.memref_squeeze %dma_start3A_27 : memref<1x400000xf32, #tpu.memory_space<hbm>> -> memref<400000xf32, #tpu.memory_space<hbm>>
    %dma_start3A_29 = arith.constant 0 : i32
    %dma_start3A_30 = tpu.memref_slice %dma_start3A_28[%dma_start3A_29] : memref<400000xf32, #tpu.memory_space<hbm>> -> memref<400000xf32, #tpu.memory_space<hbm>>
    tpu.enqueue_indirect_dma source(%dma_start3A_30 : memref<400000xf32, #tpu.memory_space<hbm>>) target(%dma_start3A_22 : memref<128xf32, #tpu.memory_space<vmem>>) offsets(%dma_start3A_25 : memref<128xi32, #tpu.memory_space<vmem>>) semaphore(%arg8 : memref<!tpu.dma_semaphore, #tpu.memory_space<semaphore_mem>>)
    %dma_start3A_31 = arith.constant 0 : i32
    %dma_start3A_32 = arith.constant 0 : i32
    %dma_start3A_33 = arith.constant 256 : i32
    %dma_start3A_34 = tpu.memref_slice %arg6[%dma_start3A_33] : memref<2048xf32, #tpu.memory_space<vmem>> -> memref<128xf32, #tpu.memory_space<vmem>>
    %dma_start3A_35 = arith.constant 256 : i32
    %dma_start3A_36 = tpu.memref_slice %arg5[%dma_start3A_32, %dma_start3A_35] : memref<4x512xi32, #tpu.memory_space<vmem>> -> memref<1x128xi32, #tpu.memory_space<vmem>>
    %dma_start3A_37 = tpu.memref_squeeze %dma_start3A_36 : memref<1x128xi32, #tpu.memory_space<vmem>> -> memref<128xi32, #tpu.memory_space<vmem>>
    %dma_start3A_38 = arith.constant 0 : i32
    %dma_start3A_39 = tpu.memref_slice %arg3[%dma_start3A_31, %dma_start3A_38] : memref<1x400000xf32, #tpu.memory_space<hbm>> -> memref<1x400000xf32, #tpu.memory_space<hbm>>
    %dma_start3A_40 = tpu.memref_squeeze %dma_start3A_39 : memref<1x400000xf32, #tpu.memory_space<hbm>> -> memref<400000xf32, #tpu.memory_space<hbm>>
    %dma_start3A_41 = arith.constant 0 : i32
    %dma_start3A_42 = tpu.memref_slice %dma_start3A_40[%dma_start3A_41] : memref<400000xf32, #tpu.memory_space<hbm>> -> memref<400000xf32, #tpu.memory_space<hbm>>
    tpu.enqueue_indirect_dma source(%dma_start3A_42 : memref<400000xf32, #tpu.memory_space<hbm>>) target(%dma_start3A_34 : memref<128xf32, #tpu.memory_space<vmem>>) offsets(%dma_start3A_37 : memref<128xi32, #tpu.memory_space<vmem>>) semaphore(%arg8 : memref<!tpu.dma_semaphore, #tpu.memory_space<semaphore_mem>>)
    %dma_start3A_43 = arith.constant 0 : i32
    %dma_start3A_44 = arith.constant 0 : i32
    %dma_start3A_45 = arith.constant 384 : i32
    %dma_start3A_46 = tpu.memref_slice %arg6[%dma_start3A_45] : memref<2048xf32, #tpu.memory_space<vmem>> -> memref<128xf32, #tpu.memory_space<vmem>>
    %dma_start3A_47 = arith.constant 384 : i32
    %dma_start3A_48 = tpu.memref_slice %arg5[%dma_start3A_44, %dma_start3A_47] : memref<4x512xi32, #tpu.memory_space<vmem>> -> memref<1x128xi32, #tpu.memory_space<vmem>>
    %dma_start3A_49 = tpu.memref_squeeze %dma_start3A_48 : memref<1x128xi32, #tpu.memory_space<vmem>> -> memref<128xi32, #tpu.memory_space<vmem>>
    %dma_start3A_50 = arith.constant 0 : i32
    %dma_start3A_51 = tpu.memref_slice %arg3[%dma_start3A_43, %dma_start3A_50] : memref<1x400000xf32, #tpu.memory_space<hbm>> -> memref<1x400000xf32, #tpu.memory_space<hbm>>
    %dma_start3A_52 = tpu.memref_squeeze %dma_start3A_51 : memref<1x400000xf32, #tpu.memory_space<hbm>> -> memref<400000xf32, #tpu.memory_space<hbm>>
    %dma_start3A_53 = arith.constant 0 : i32
    %dma_start3A_54 = tpu.memref_slice %dma_start3A_52[%dma_start3A_53] : memref<400000xf32, #tpu.memory_space<hbm>> -> memref<400000xf32, #tpu.memory_space<hbm>>
    tpu.enqueue_indirect_dma source(%dma_start3A_54 : memref<400000xf32, #tpu.memory_space<hbm>>) target(%dma_start3A_46 : memref<128xf32, #tpu.memory_space<vmem>>) offsets(%dma_start3A_49 : memref<128xi32, #tpu.memory_space<vmem>>) semaphore(%arg8 : memref<!tpu.dma_semaphore, #tpu.memory_space<semaphore_mem>>)
    %dma_start3A_55 = arith.constant 0 : i32
    %dma_start3A_56 = arith.constant 1 : i32
    %dma_start3A_57 = arith.constant 512 : i32
    %dma_start3A_58 = tpu.memref_slice %arg6[%dma_start3A_57] : memref<2048xf32, #tpu.memory_space<vmem>> -> memref<128xf32, #tpu.memory_space<vmem>>
    %dma_start3A_59 = arith.constant 0 : i32
    %dma_start3A_60 = tpu.memref_slice %arg5[%dma_start3A_56, %dma_start3A_59] : memref<4x512xi32, #tpu.memory_space<vmem>> -> memref<1x128xi32, #tpu.memory_space<vmem>>
    %dma_start3A_61 = tpu.memref_squeeze %dma_start3A_60 : memref<1x128xi32, #tpu.memory_space<vmem>> -> memref<128xi32, #tpu.memory_space<vmem>>
    %dma_start3A_62 = arith.constant 0 : i32
    %dma_start3A_63 = tpu.memref_slice %arg3[%dma_start3A_55, %dma_start3A_62] : memref<1x400000xf32, #tpu.memory_space<hbm>> -> memref<1x400000xf32, #tpu.memory_space<hbm>>
    %dma_start3A_64 = tpu.memref_squeeze %dma_start3A_63 : memref<1x400000xf32, #tpu.memory_space<hbm>> -> memref<400000xf32, #tpu.memory_space<hbm>>
    %dma_start3A_65 = arith.constant 0 : i32
    %dma_start3A_66 = tpu.memref_slice %dma_start3A_64[%dma_start3A_65] : memref<400000xf32, #tpu.memory_space<hbm>> -> memref<400000xf32, #tpu.memory_space<hbm>>
    tpu.enqueue_indirect_dma source(%dma_start3A_66 : memref<400000xf32, #tpu.memory_space<hbm>>) target(%dma_start3A_58 : memref<128xf32, #tpu.memory_space<vmem>>) offsets(%dma_start3A_61 : memref<128xi32, #tpu.memory_space<vmem>>) semaphore(%arg8 : memref<!tpu.dma_semaphore, #tpu.memory_space<semaphore_mem>>)
    %dma_start3A_67 = arith.constant 0 : i32
    %dma_start3A_68 = arith.constant 1 : i32
    %dma_start3A_69 = arith.constant 640 : i32
    %dma_start3A_70 = tpu.memref_slice %arg6[%dma_start3A_69] : memref<2048xf32, #tpu.memory_space<vmem>> -> memref<128xf32, #tpu.memory_space<vmem>>
    %dma_start3A_71 = arith.constant 128 : i32
    %dma_start3A_72 = tpu.memref_slice %arg5[%dma_start3A_68, %dma_start3A_71] : memref<4x512xi32, #tpu.memory_space<vmem>> -> memref<1x128xi32, #tpu.memory_space<vmem>>
    %dma_start3A_73 = tpu.memref_squeeze %dma_start3A_72 : memref<1x128xi32, #tpu.memory_space<vmem>> -> memref<128xi32, #tpu.memory_space<vmem>>
    %dma_start3A_74 = arith.constant 0 : i32
    %dma_start3A_75 = tpu.memref_slice %arg3[%dma_start3A_67, %dma_start3A_74] : memref<1x400000xf32, #tpu.memory_space<hbm>> -> memref<1x400000xf32, #tpu.memory_space<hbm>>
    %dma_start3A_76 = tpu.memref_squeeze %dma_start3A_75 : memref<1x400000xf32, #tpu.memory_space<hbm>> -> memref<400000xf32, #tpu.memory_space<hbm>>
    %dma_start3A_77 = arith.constant 0 : i32
    %dma_start3A_78 = tpu.memref_slice %dma_start3A_76[%dma_start3A_77] : memref<400000xf32, #tpu.memory_space<hbm>> -> memref<400000xf32, #tpu.memory_space<hbm>>
    tpu.enqueue_indirect_dma source(%dma_start3A_78 : memref<400000xf32, #tpu.memory_space<hbm>>) target(%dma_start3A_70 : memref<128xf32, #tpu.memory_space<vmem>>) offsets(%dma_start3A_73 : memref<128xi32, #tpu.memory_space<vmem>>) semaphore(%arg8 : memref<!tpu.dma_semaphore, #tpu.memory_space<semaphore_mem>>)
    %dma_start3A_79 = arith.constant 0 : i32
    %dma_start3A_80 = arith.constant 1 : i32
    %dma_start3A_81 = arith.constant 768 : i32
    %dma_start3A_82 = tpu.memref_slice %arg6[%dma_start3A_81] : memref<2048xf32, #tpu.memory_space<vmem>> -> memref<128xf32, #tpu.memory_space<vmem>>
    %dma_start3A_83 = arith.constant 256 : i32
    %dma_start3A_84 = tpu.memref_slice %arg5[%dma_start3A_80, %dma_start3A_83] : memref<4x512xi32, #tpu.memory_space<vmem>> -> memref<1x128xi32, #tpu.memory_space<vmem>>
    %dma_start3A_85 = tpu.memref_squeeze %dma_start3A_84 : memref<1x128xi32, #tpu.memory_space<vmem>> -> memref<128xi32, #tpu.memory_space<vmem>>
    %dma_start3A_86 = arith.constant 0 : i32
    %dma_start3A_87 = tpu.memref_slice %arg3[%dma_start3A_79, %dma_start3A_86] : memref<1x400000xf32, #tpu.memory_space<hbm>> -> memref<1x400000xf32, #tpu.memory_space<hbm>>
    %dma_start3A_88 = tpu.memref_squeeze %dma_start3A_87 : memref<1x400000xf32, #tpu.memory_space<hbm>> -> memref<400000xf32, #tpu.memory_space<hbm>>
    %dma_start3A_89 = arith.constant 0 : i32
    %dma_start3A_90 = tpu.memref_slice %dma_start3A_88[%dma_start3A_89] : memref<400000xf32, #tpu.memory_space<hbm>> -> memref<400000xf32, #tpu.memory_space<hbm>>
    tpu.enqueue_indirect_dma source(%dma_start3A_90 : memref<400000xf32, #tpu.memory_space<hbm>>) target(%dma_start3A_82 : memref<128xf32, #tpu.memory_space<vmem>>) offsets(%dma_start3A_85 : memref<128xi32, #tpu.memory_space<vmem>>) semaphore(%arg8 : memref<!tpu.dma_semaphore, #tpu.memory_space<semaphore_mem>>)
    %dma_start3A_91 = arith.constant 0 : i32
    %dma_start3A_92 = arith.constant 1 : i32
    %dma_start3A_93 = arith.constant 896 : i32
    %dma_start3A_94 = tpu.memref_slice %arg6[%dma_start3A_93] : memref<2048xf32, #tpu.memory_space<vmem>> -> memref<128xf32, #tpu.memory_space<vmem>>
    %dma_start3A_95 = arith.constant 384 : i32
    %dma_start3A_96 = tpu.memref_slice %arg5[%dma_start3A_92, %dma_start3A_95] : memref<4x512xi32, #tpu.memory_space<vmem>> -> memref<1x128xi32, #tpu.memory_space<vmem>>
    %dma_start3A_97 = tpu.memref_squeeze %dma_start3A_96 : memref<1x128xi32, #tpu.memory_space<vmem>> -> memref<128xi32, #tpu.memory_space<vmem>>
    %dma_start3A_98 = arith.constant 0 : i32
    %dma_start3A_99 = tpu.memref_slice %arg3[%dma_start3A_91, %dma_start3A_98] : memref<1x400000xf32, #tpu.memory_space<hbm>> -> memref<1x400000xf32, #tpu.memory_space<hbm>>
    %dma_start3A_100 = tpu.memref_squeeze %dma_start3A_99 : memref<1x400000xf32, #tpu.memory_space<hbm>> -> memref<400000xf32, #tpu.memory_space<hbm>>
    %dma_start3A_101 = arith.constant 0 : i32
    %dma_start3A_102 = tpu.memref_slice %dma_start3A_100[%dma_start3A_101] : memref<400000xf32, #tpu.memory_space<hbm>> -> memref<400000xf32, #tpu.memory_space<hbm>>
    tpu.enqueue_indirect_dma source(%dma_start3A_102 : memref<400000xf32, #tpu.memory_space<hbm>>) target(%dma_start3A_94 : memref<128xf32, #tpu.memory_space<vmem>>) offsets(%dma_start3A_97 : memref<128xi32, #tpu.memory_space<vmem>>) semaphore(%arg8 : memref<!tpu.dma_semaphore, #tpu.memory_space<semaphore_mem>>)
    %scan3A_103 = arith.constant 0 : i32
    %scan3A_104 = arith.constant 0 : i32
    %scan3A_105 = arith.constant 0 : i32
    %scan3A_106 = arith.constant 8 : i32
    %scan3A_107 = arith.addi %scan3A_105, %scan3A_106 : i32
    %scan3A_108 = arith.constant 1 : i32
    scf.for %scan3A_123 = %scan3A_105 to %scan3A_107 step %scan3A_108  : i32 {
      %add3A_124 = arith.constant 8 : i32
      %add3A_125 = arith.addi %scan3A_123, %add3A_124 : i32
      %jit3A = arith.constant 4 : i32
      %div3A = arith.divsi %add3A_125, %jit3A : i32
      %sign3A = arith.constant 0 : i32
      %sign3A_126 = arith.cmpi sgt, %add3A_125, %sign3A : i32
      %sign3A_127 = arith.extui %sign3A_126 : i1 to i32
      %sign3A_128 = arith.constant 0 : i32
      %sign3A_129 = arith.cmpi slt, %add3A_125, %sign3A_128 : i32
      %sign3A_130 = arith.extui %sign3A_129 : i1 to i32
      %sign3A_131 = arith.subi %sign3A_127, %sign3A_130 : i32
      %sign3A_132 = arith.constant 0 : i32
      %sign3A_133 = arith.cmpi sgt, %jit3A, %sign3A_132 : i32
      %sign3A_134 = arith.extui %sign3A_133 : i1 to i32
      %sign3A_135 = arith.constant 0 : i32
      %sign3A_136 = arith.cmpi slt, %jit3A, %sign3A_135 : i32
      %sign3A_137 = arith.extui %sign3A_136 : i1 to i32
      %sign3A_138 = arith.subi %sign3A_134, %sign3A_137 : i32
      %ne3A = arith.cmpi ne, %sign3A_131, %sign3A_138 : i32
      %rem3A = arith.remsi %add3A_125, %jit3A : i32
      %ne3A_139 = arith.constant 0 : i32
      %ne3A_140 = arith.cmpi ne, %rem3A, %ne3A_139 : i32
      %and3A = arith.andi %ne3A, %ne3A_140 : i1
      %sub3A = arith.constant 1 : i32
      %sub3A_141 = arith.subi %div3A, %sub3A : i32
      %select_n3A = arith.select %and3A, %sub3A_141, %div3A : i32
      %jit3A_142 = arith.constant 4 : i32
      %eq3A = arith.constant 0 : i32
      %eq3A_143 = arith.cmpi eq, %jit3A_142, %eq3A : i32
      %jit3A_144 = arith.constant 1 : i32
      %select_n3A_145 = arith.select %eq3A_143, %jit3A_144, %jit3A_142 : i32
      %rem3A_146 = arith.remsi %add3A_125, %select_n3A_145 : i32
      %ne3A_147 = arith.constant 0 : i32
      %ne3A_148 = arith.cmpi ne, %rem3A_146, %ne3A_147 : i32
      %lt3A = arith.constant 0 : i32
      %lt3A_149 = arith.cmpi slt, %rem3A_146, %lt3A : i32
      %lt3A_150 = arith.constant 0 : i32
      %lt3A_151 = arith.cmpi slt, %select_n3A_145, %lt3A_150 : i32
      %ne3A_152 = arith.xori %lt3A_149, %lt3A_151 : i1
      %and3A_153 = arith.andi %ne3A_152, %ne3A_148 : i1
      %add3A_154 = arith.addi %rem3A_146, %select_n3A_145 : i32
      %select_n3A_155 = arith.select %and3A_153, %add3A_154, %rem3A_146 : i32
      %mul3A_156 = arith.constant 128 : i32
      %mul3A_157 = arith.muli %select_n3A_155, %mul3A_156 : i32
      %mul3A_158 = arith.constant 128 : i32
      %mul3A_159 = arith.muli %add3A_125, %mul3A_158 : i32
      %dma_start3A_160 = tpu.memref_slice %arg6[%mul3A_159] : memref<2048xf32, #tpu.memory_space<vmem>> -> memref<128xf32, #tpu.memory_space<vmem>>
      %dma_start3A_161 = tpu.memref_slice %arg5[%select_n3A, %mul3A_157] : memref<4x512xi32, #tpu.memory_space<vmem>> -> memref<1x128xi32, #tpu.memory_space<vmem>>
      %dma_start3A_162 = tpu.memref_squeeze %dma_start3A_161 : memref<1x128xi32, #tpu.memory_space<vmem>> -> memref<128xi32, #tpu.memory_space<vmem>>
      %dma_start3A_163 = arith.constant 0 : i32
      %dma_start3A_164 = tpu.memref_slice %arg3[%scan3A_104, %dma_start3A_163] : memref<1x400000xf32, #tpu.memory_space<hbm>> -> memref<1x400000xf32, #tpu.memory_space<hbm>>
      %dma_start3A_165 = tpu.memref_squeeze %dma_start3A_164 : memref<1x400000xf32, #tpu.memory_space<hbm>> -> memref<400000xf32, #tpu.memory_space<hbm>>
      %dma_start3A_166 = arith.constant 0 : i32
      %dma_start3A_167 = tpu.memref_slice %dma_start3A_165[%dma_start3A_166] : memref<400000xf32, #tpu.memory_space<hbm>> -> memref<400000xf32, #tpu.memory_space<hbm>>
      tpu.enqueue_indirect_dma source(%dma_start3A_167 : memref<400000xf32, #tpu.memory_space<hbm>>) target(%dma_start3A_160 : memref<128xf32, #tpu.memory_space<vmem>>) offsets(%dma_start3A_162 : memref<128xi32, #tpu.memory_space<vmem>>) semaphore(%arg8 : memref<!tpu.dma_semaphore, #tpu.memory_space<semaphore_mem>>)
      %jit3A_168 = arith.constant 4 : i32
      %div3A_169 = arith.divsi %scan3A_123, %jit3A_168 : i32
      %sign3A_170 = arith.constant 0 : i32
      %sign3A_171 = arith.cmpi sgt, %scan3A_123, %sign3A_170 : i32
      %sign3A_172 = arith.extui %sign3A_171 : i1 to i32
      %sign3A_173 = arith.constant 0 : i32
      %sign3A_174 = arith.cmpi slt, %scan3A_123, %sign3A_173 : i32
      %sign3A_175 = arith.extui %sign3A_174 : i1 to i32
      %sign3A_176 = arith.subi %sign3A_172, %sign3A_175 : i32
      %sign3A_177 = arith.constant 0 : i32
      %sign3A_178 = arith.cmpi sgt, %jit3A_168, %sign3A_177 : i32
      %sign3A_179 = arith.extui %sign3A_178 : i1 to i32
      %sign3A_180 = arith.constant 0 : i32
      %sign3A_181 = arith.cmpi slt, %jit3A_168, %sign3A_180 : i32
      %sign3A_182 = arith.extui %sign3A_181 : i1 to i32
      %sign3A_183 = arith.subi %sign3A_179, %sign3A_182 : i32
      %ne3A_184 = arith.cmpi ne, %sign3A_176, %sign3A_183 : i32
      %rem3A_185 = arith.remsi %scan3A_123, %jit3A_168 : i32
      %ne3A_186 = arith.constant 0 : i32
      %ne3A_187 = arith.cmpi ne, %rem3A_185, %ne3A_186 : i32
      %and3A_188 = arith.andi %ne3A_184, %ne3A_187 : i1
      %sub3A_189 = arith.constant 1 : i32
      %sub3A_190 = arith.subi %div3A_169, %sub3A_189 : i32
      %select_n3A_191 = arith.select %and3A_188, %sub3A_190, %div3A_169 : i32
      %jit3A_192 = arith.constant 4 : i32
      %eq3A_193 = arith.constant 0 : i32
      %eq3A_194 = arith.cmpi eq, %jit3A_192, %eq3A_193 : i32
      %jit3A_195 = arith.constant 1 : i32
      %select_n3A_196 = arith.select %eq3A_194, %jit3A_195, %jit3A_192 : i32
      %rem3A_197 = arith.remsi %scan3A_123, %select_n3A_196 : i32
      %ne3A_198 = arith.constant 0 : i32
      %ne3A_199 = arith.cmpi ne, %rem3A_197, %ne3A_198 : i32
      %lt3A_200 = arith.constant 0 : i32
      %lt3A_201 = arith.cmpi slt, %rem3A_197, %lt3A_200 : i32
      %lt3A_202 = arith.constant 0 : i32
      %lt3A_203 = arith.cmpi slt, %select_n3A_196, %lt3A_202 : i32
      %ne3A_204 = arith.xori %lt3A_201, %lt3A_203 : i1
      %and3A_205 = arith.andi %ne3A_204, %ne3A_199 : i1
      %add3A_206 = arith.addi %rem3A_197, %select_n3A_196 : i32
      %select_n3A_207 = arith.select %and3A_205, %add3A_206, %rem3A_197 : i32
      %mul3A_208 = arith.constant 128 : i32
      %mul3A_209 = arith.muli %select_n3A_207, %mul3A_208 : i32
      %mul3A_210 = arith.constant 128 : i32
      %mul3A_211 = arith.muli %scan3A_123, %mul3A_210 : i32
      %dma_wait3A = tpu.memref_slice %arg6[%mul3A_211] : memref<2048xf32, #tpu.memory_space<vmem>> -> memref<128xf32, #tpu.memory_space<vmem>>
      %dma_wait3A_212 = tpu.memref_slice %arg5[%select_n3A_191, %mul3A_209] : memref<4x512xi32, #tpu.memory_space<vmem>> -> memref<1x128xi32, #tpu.memory_space<vmem>>
      %dma_wait3A_213 = tpu.memref_squeeze %dma_wait3A_212 : memref<1x128xi32, #tpu.memory_space<vmem>> -> memref<128xi32, #tpu.memory_space<vmem>>
      %dma_wait3A_214 = arith.constant 0 : i32
      %dma_wait3A_215 = tpu.memref_slice %arg3[%scan3A_104, %dma_wait3A_214] : memref<1x400000xf32, #tpu.memory_space<hbm>> -> memref<1x400000xf32, #tpu.memory_space<hbm>>
      %dma_wait3A_216 = tpu.memref_squeeze %dma_wait3A_215 : memref<1x400000xf32, #tpu.memory_space<hbm>> -> memref<400000xf32, #tpu.memory_space<hbm>>
      %dma_wait3A_217 = arith.constant 0 : i32
      %dma_wait3A_218 = tpu.memref_slice %dma_wait3A_216[%dma_wait3A_217] : memref<400000xf32, #tpu.memory_space<hbm>> -> memref<400000xf32, #tpu.memory_space<hbm>>
      tpu.wait_indirect_dma semaphore(%arg8 : memref<!tpu.dma_semaphore, #tpu.memory_space<semaphore_mem>>) src(%dma_wait3A_218 : memref<400000xf32, #tpu.memory_space<hbm>>) dst(%dma_wait3A : memref<128xf32, #tpu.memory_space<vmem>>)
    }
    %scan3A_109 = arith.constant 8 : i32
    %scan3A_110 = arith.constant 0 : i32
    %scan3A_111 = arith.constant 0 : i32
    %scan3A_112 = arith.constant 8 : i32
    %scan3A_113 = arith.constant 8 : i32
    %scan3A_114 = arith.addi %scan3A_112, %scan3A_113 : i32
    %scan3A_115 = arith.constant 1 : i32
    scf.for %scan3A_123 = %scan3A_112 to %scan3A_114 step %scan3A_115  : i32 {
      %jit3A = arith.constant 4 : i32
      %div3A = arith.divsi %scan3A_123, %jit3A : i32
      %sign3A = arith.constant 0 : i32
      %sign3A_124 = arith.cmpi sgt, %scan3A_123, %sign3A : i32
      %sign3A_125 = arith.extui %sign3A_124 : i1 to i32
      %sign3A_126 = arith.constant 0 : i32
      %sign3A_127 = arith.cmpi slt, %scan3A_123, %sign3A_126 : i32
      %sign3A_128 = arith.extui %sign3A_127 : i1 to i32
      %sign3A_129 = arith.subi %sign3A_125, %sign3A_128 : i32
      %sign3A_130 = arith.constant 0 : i32
      %sign3A_131 = arith.cmpi sgt, %jit3A, %sign3A_130 : i32
      %sign3A_132 = arith.extui %sign3A_131 : i1 to i32
      %sign3A_133 = arith.constant 0 : i32
      %sign3A_134 = arith.cmpi slt, %jit3A, %sign3A_133 : i32
      %sign3A_135 = arith.extui %sign3A_134 : i1 to i32
      %sign3A_136 = arith.subi %sign3A_132, %sign3A_135 : i32
      %ne3A = arith.cmpi ne, %sign3A_129, %sign3A_136 : i32
      %rem3A = arith.remsi %scan3A_123, %jit3A : i32
      %ne3A_137 = arith.constant 0 : i32
      %ne3A_138 = arith.cmpi ne, %rem3A, %ne3A_137 : i32
      %and3A = arith.andi %ne3A, %ne3A_138 : i1
      %sub3A = arith.constant 1 : i32
      %sub3A_139 = arith.subi %div3A, %sub3A : i32
      %select_n3A = arith.select %and3A, %sub3A_139, %div3A : i32
      %jit3A_140 = arith.constant 4 : i32
      %eq3A = arith.constant 0 : i32
      %eq3A_141 = arith.cmpi eq, %jit3A_140, %eq3A : i32
      %jit3A_142 = arith.constant 1 : i32
      %select_n3A_143 = arith.select %eq3A_141, %jit3A_142, %jit3A_140 : i32
      %rem3A_144 = arith.remsi %scan3A_123, %select_n3A_143 : i32
      %ne3A_145 = arith.constant 0 : i32
      %ne3A_146 = arith.cmpi ne, %rem3A_144, %ne3A_145 : i32
      %lt3A = arith.constant 0 : i32
      %lt3A_147 = arith.cmpi slt, %rem3A_144, %lt3A : i32
      %lt3A_148 = arith.constant 0 : i32
      %lt3A_149 = arith.cmpi slt, %select_n3A_143, %lt3A_148 : i32
      %ne3A_150 = arith.xori %lt3A_147, %lt3A_149 : i1
      %and3A_151 = arith.andi %ne3A_150, %ne3A_146 : i1
      %add3A_152 = arith.addi %rem3A_144, %select_n3A_143 : i32
      %select_n3A_153 = arith.select %and3A_151, %add3A_152, %rem3A_144 : i32
      %mul3A_154 = arith.constant 128 : i32
      %mul3A_155 = arith.muli %select_n3A_153, %mul3A_154 : i32
      %mul3A_156 = arith.constant 128 : i32
      %mul3A_157 = arith.muli %scan3A_123, %mul3A_156 : i32
      %dma_wait3A = tpu.memref_slice %arg6[%mul3A_157] : memref<2048xf32, #tpu.memory_space<vmem>> -> memref<128xf32, #tpu.memory_space<vmem>>
      %dma_wait3A_158 = tpu.memref_slice %arg5[%select_n3A, %mul3A_155] : memref<4x512xi32, #tpu.memory_space<vmem>> -> memref<1x128xi32, #tpu.memory_space<vmem>>
      %dma_wait3A_159 = tpu.memref_squeeze %dma_wait3A_158 : memref<1x128xi32, #tpu.memory_space<vmem>> -> memref<128xi32, #tpu.memory_space<vmem>>
      %dma_wait3A_160 = arith.constant 0 : i32
      %dma_wait3A_161 = tpu.memref_slice %arg3[%scan3A_111, %dma_wait3A_160] : memref<1x400000xf32, #tpu.memory_space<hbm>> -> memref<1x400000xf32, #tpu.memory_space<hbm>>
      %dma_wait3A_162 = tpu.memref_squeeze %dma_wait3A_161 : memref<1x400000xf32, #tpu.memory_space<hbm>> -> memref<400000xf32, #tpu.memory_space<hbm>>
      %dma_wait3A_163 = arith.constant 0 : i32
      %dma_wait3A_164 = tpu.memref_slice %dma_wait3A_162[%dma_wait3A_163] : memref<400000xf32, #tpu.memory_space<hbm>> -> memref<400000xf32, #tpu.memory_space<hbm>>
      tpu.wait_indirect_dma semaphore(%arg8 : memref<!tpu.dma_semaphore, #tpu.memory_space<semaphore_mem>>) src(%dma_wait3A_164 : memref<400000xf32, #tpu.memory_space<hbm>>) dst(%dma_wait3A : memref<128xf32, #tpu.memory_space<vmem>>)
    }
    %scan3A_116 = arith.constant 8 : i32
    %scan3A_117 = arith.constant 0 : i32
    %scan3A_118 = arith.constant 0 : i32
    %scan3A_119 = arith.constant 32 : i32
    %scan3A_120 = arith.addi %scan3A_118, %scan3A_119 : i32
    %scan3A_121 = arith.constant 1 : i32
    scf.for %scan3A_123 = %scan3A_118 to %scan3A_120 step %scan3A_121  : i32 {
      %mul3A_124 = arith.constant 16 : i32
      %mul3A_125 = arith.muli %scan3A_123, %mul3A_124 : i32
      %get3A = arith.index_cast %mul3A_125 : i32 to index
      %get3A_126 = tpu.vector_load %arg6[%get3A] {strides = array<i32>} : memref<2048xf32, #tpu.memory_space<vmem>>, vector<16xf32>,
      %get3A_127 = vector.shape_cast %get3A_126 : vector<16xf32> to vector<16xf32>
      %mul3A_128 = arith.constant 16 : i32
      %mul3A_129 = arith.muli %scan3A_123, %mul3A_128 : i32
      %add3A_130 = arith.constant 512 : i32
      %add3A_131 = arith.addi %add3A_130, %mul3A_129 : i32
      %get3A_132 = arith.index_cast %add3A_131 : i32 to index
      %get3A_133 = tpu.vector_load %arg6[%get3A_132] {strides = array<i32>} : memref<2048xf32, #tpu.memory_space<vmem>>, vector<16xf32>,
      %get3A_134 = vector.shape_cast %get3A_133 : vector<16xf32> to vector<16xf32>
      %add3A_135 = arith.addf %get3A_127, %get3A_134 : vector<16xf32>
      %mul3A_136 = arith.constant 16 : i32
      %mul3A_137 = arith.muli %scan3A_123, %mul3A_136 : i32
      %add3A_138 = arith.constant 1024 : i32
      %add3A_139 = arith.addi %add3A_138, %mul3A_137 : i32
      %get3A_140 = arith.index_cast %add3A_139 : i32 to index
      %get3A_141 = tpu.vector_load %arg6[%get3A_140] {strides = array<i32>} : memref<2048xf32, #tpu.memory_space<vmem>>, vector<16xf32>,
      %get3A_142 = vector.shape_cast %get3A_141 : vector<16xf32> to vector<16xf32>
      %add3A_143 = arith.addf %add3A_135, %get3A_142 : vector<16xf32>
      %mul3A_144 = arith.constant 16 : i32
      %mul3A_145 = arith.muli %scan3A_123, %mul3A_144 : i32
      %add3A_146 = arith.constant 1536 : i32
      %add3A_147 = arith.addi %add3A_146, %mul3A_145 : i32
      %get3A_148 = arith.index_cast %add3A_147 : i32 to index
      %get3A_149 = tpu.vector_load %arg6[%get3A_148] {strides = array<i32>} : memref<2048xf32, #tpu.memory_space<vmem>>, vector<16xf32>,
      %get3A_150 = vector.shape_cast %get3A_149 : vector<16xf32> to vector<16xf32>
      %add3A_151 = arith.addf %add3A_143, %get3A_150 : vector<16xf32>
      %mul3A_152 = arith.constant 16 : i32
      %mul3A_153 = arith.muli %scan3A_123, %mul3A_152 : i32
      %swap3A = arith.index_cast %mul3A_153 : i32 to index
      %swap3A_154 = tpu.vector_load %arg7[%swap3A] {strides = array<i32>} : memref<512xf32, #tpu.memory_space<vmem>>, vector<16xf32>,
      %swap3A_155 = vector.shape_cast %swap3A_154 : vector<16xf32> to vector<16xf32>
      %swap3A_156 = vector.shape_cast %add3A_151 : vector<16xf32> to vector<16xf32>
      tpu.vector_store %arg7[%swap3A], %swap3A_156 {strides = array<i32>} : memref<512xf32, #tpu.memory_space<vmem>>, vector<16xf32>,
    }
    %scan3A_122 = arith.constant 32 : i32
    "tpu.region"() ({
      %run_scoped3A = tpu.sem_alloc : memref<!tpu.dma_semaphore, #tpu.memory_space<semaphore_mem>>
      %dma_start3A_123 = tpu.memref_slice %arg4[%mul3A_2] : memref<16384xf32, #tpu.memory_space<hbm>> -> memref<512xf32, #tpu.memory_space<hbm>>
      %dma_start3A_124 = tpu.memref_slice %arg4[%mul3A_2] : memref<16384xf32, #tpu.memory_space<hbm>> -> memref<512xf32, #tpu.memory_space<hbm>>
      tpu.enqueue_dma source(%arg7 : memref<512xf32, #tpu.memory_space<vmem>>) target(%dma_start3A_124 : memref<512xf32, #tpu.memory_space<hbm>>) target_semaphore(%run_scoped3A : memref<!tpu.dma_semaphore, #tpu.memory_space<semaphore_mem>>)
      %dma_wait3A = tpu.memref_slice %arg4[%mul3A_2] : memref<16384xf32, #tpu.memory_space<hbm>> -> memref<512xf32, #tpu.memory_space<hbm>>
      %dma_wait3A_125 = tpu.memref_slice %arg4[%mul3A_2] : memref<16384xf32, #tpu.memory_space<hbm>> -> memref<512xf32, #tpu.memory_space<hbm>>
      tpu.wait_dma2 semaphore(%run_scoped3A : memref<!tpu.dma_semaphore, #tpu.memory_space<semaphore_mem>>) src(%arg7 : memref<512xf32, #tpu.memory_space<vmem>>) dst(%dma_wait3A_125 : memref<512xf32, #tpu.memory_space<hbm>>)
      tpu.yield
    }) : () -> ()
    return
  }
}

#map = affine_map<(d0, d1) -> (0, 0)>
#map1 = affine_map<(d0, d1) -> (0)>
module attributes {stable_mosaic.version = 14 : i64} {
  func.func @emb_gather_f0_8(%arg0: i32, %arg1: i32, %arg2: memref<26x16384xi32, #tpu.memory_space<hbm>>, %arg3: memref<1x800000xf32, #tpu.memory_space<hbm>>, %arg4: memref<16384xf32, #tpu.memory_space<hbm>>, %arg5: memref<8x512xi32, #tpu.memory_space<vmem>>, %arg6: memref<4096xf32, #tpu.memory_space<vmem>>, %arg7: memref<512xf32, #tpu.memory_space<vmem>>, %arg8: memref<!tpu.dma_semaphore, #tpu.memory_space<semaphore_mem>>) attributes {dimension_semantics = [#tpu.dimension_semantics<core_parallel>, #tpu.dimension_semantics<subcore_parallel>], iteration_bounds = array<i64: 2, 16>, scalar_prefetch = 0 : i64, scratch_operands = 4 : i64, tpu.core_type = #tpu.core_type<sc_vector_subcore>, window_params = [{transform_indices = #map}, {transform_indices = #map}, {transform_indices = #map1}]} {
    %mul3A = arith.constant 2 : i32
    %mul3A_0 = arith.muli %arg1, %mul3A : i32
    %add3A = arith.addi %mul3A_0, %arg0 : i32
    %mul3A_1 = arith.constant 512 : i32
    %mul3A_2 = arith.muli %add3A, %mul3A_1 : i32
    "tpu.region"() ({
      %run_scoped3A = tpu.sem_alloc : memref<!tpu.dma_semaphore, #tpu.memory_space<semaphore_mem>>
      %dma_start3A_123 = arith.constant 0 : i32
      %dma_start3A_124 = tpu.memref_slice %arg2[%dma_start3A_123, %mul3A_2] : memref<26x16384xi32, #tpu.memory_space<hbm>> -> memref<8x512xi32, #tpu.memory_space<hbm>>
      %dma_start3A_125 = arith.constant 0 : i32
      %dma_start3A_126 = tpu.memref_slice %arg2[%dma_start3A_125, %mul3A_2] : memref<26x16384xi32, #tpu.memory_space<hbm>> -> memref<8x512xi32, #tpu.memory_space<hbm>>
      tpu.enqueue_dma source(%dma_start3A_126 : memref<8x512xi32, #tpu.memory_space<hbm>>) target(%arg5 : memref<8x512xi32, #tpu.memory_space<vmem>>) target_semaphore(%run_scoped3A : memref<!tpu.dma_semaphore, #tpu.memory_space<semaphore_mem>>)
      %dma_wait3A = arith.constant 0 : i32
      %dma_wait3A_127 = tpu.memref_slice %arg2[%dma_wait3A, %mul3A_2] : memref<26x16384xi32, #tpu.memory_space<hbm>> -> memref<8x512xi32, #tpu.memory_space<hbm>>
      %dma_wait3A_128 = arith.constant 0 : i32
      %dma_wait3A_129 = tpu.memref_slice %arg2[%dma_wait3A_128, %mul3A_2] : memref<26x16384xi32, #tpu.memory_space<hbm>> -> memref<8x512xi32, #tpu.memory_space<hbm>>
      tpu.wait_dma2 semaphore(%run_scoped3A : memref<!tpu.dma_semaphore, #tpu.memory_space<semaphore_mem>>) src(%dma_wait3A_129 : memref<8x512xi32, #tpu.memory_space<hbm>>) dst(%arg5 : memref<8x512xi32, #tpu.memory_space<vmem>>)
      tpu.yield
    }) : () -> ()
    %scan3A = arith.constant 0 : i32
    %scan3A_3 = arith.constant 0 : i32
    %scan3A_4 = arith.constant 8 : i32
    %scan3A_5 = arith.addi %scan3A_3, %scan3A_4 : i32
    %scan3A_6 = arith.constant 1 : i32
    scf.for %scan3A_123 = %scan3A_3 to %scan3A_5 step %scan3A_6  : i32 {
      %add3A_124 = arith.constant 0 : i32
      %add3A_125 = arith.addi %add3A_124, %scan3A_123 : i32
      %mul3A_126 = arith.constant 100000 : i32
      %mul3A_127 = arith.muli %add3A_125, %mul3A_126 : i32
      %sub3A = arith.constant 0 : i32
      %sub3A_128 = arith.subi %mul3A_127, %sub3A : i32
      %get3A = arith.index_cast %scan3A_123 : i32 to index
      %get3A_129 = arith.constant 0 : index
      %get3A_130 = tpu.vector_load %arg5[%get3A, %get3A_129] {strides = array<i32>} : memref<8x512xi32, #tpu.memory_space<vmem>>, vector<1x16xi32>,
      %get3A_131 = vector.shape_cast %get3A_130 : vector<1x16xi32> to vector<16xi32>
      %add3A_132 = vector.broadcast %sub3A_128 : i32 to vector<16xi32>
      %add3A_133 = arith.addi %get3A_131, %add3A_132 : vector<16xi32>
      %swap3A = arith.index_cast %scan3A_123 : i32 to index
      %swap3A_134 = arith.constant 0 : index
      %swap3A_135 = tpu.vector_load %arg5[%swap3A, %swap3A_134] {strides = array<i32>} : memref<8x512xi32, #tpu.memory_space<vmem>>, vector<1x16xi32>,
      %swap3A_136 = vector.shape_cast %swap3A_135 : vector<1x16xi32> to vector<16xi32>
      %swap3A_137 = vector.shape_cast %add3A_133 : vector<16xi32> to vector<1x16xi32>
      tpu.vector_store %arg5[%swap3A, %swap3A_134], %swap3A_137 {strides = array<i32>} : memref<8x512xi32, #tpu.memory_space<vmem>>, vector<1x16xi32>,
      %get3A_138 = arith.index_cast %scan3A_123 : i32 to index
      %get3A_139 = arith.constant 16 : index
      %get3A_140 = tpu.vector_load %arg5[%get3A_138, %get3A_139] {strides = array<i32>} : memref<8x512xi32, #tpu.memory_space<vmem>>, vector<1x16xi32>,
      %get3A_141 = vector.shape_cast %get3A_140 : vector<1x16xi32> to vector<16xi32>
      %add3A_142 = vector.broadcast %sub3A_128 : i32 to vector<16xi32>
      %add3A_143 = arith.addi %get3A_141, %add3A_142 : vector<16xi32>
      %swap3A_144 = arith.index_cast %scan3A_123 : i32 to index
      %swap3A_145 = arith.constant 16 : index
      %swap3A_146 = tpu.vector_load %arg5[%swap3A_144, %swap3A_145] {strides = array<i32>} : memref<8x512xi32, #tpu.memory_space<vmem>>, vector<1x16xi32>,
      %swap3A_147 = vector.shape_cast %swap3A_146 : vector<1x16xi32> to vector<16xi32>
      %swap3A_148 = vector.shape_cast %add3A_143 : vector<16xi32> to vector<1x16xi32>
      tpu.vector_store %arg5[%swap3A_144, %swap3A_145], %swap3A_148 {strides = array<i32>} : memref<8x512xi32, #tpu.memory_space<vmem>>, vector<1x16xi32>,
      %get3A_149 = arith.index_cast %scan3A_123 : i32 to index
      %get3A_150 = arith.constant 32 : index
      %get3A_151 = tpu.vector_load %arg5[%get3A_149, %get3A_150] {strides = array<i32>} : memref<8x512xi32, #tpu.memory_space<vmem>>, vector<1x16xi32>,
      %get3A_152 = vector.shape_cast %get3A_151 : vector<1x16xi32> to vector<16xi32>
      %add3A_153 = vector.broadcast %sub3A_128 : i32 to vector<16xi32>
      %add3A_154 = arith.addi %get3A_152, %add3A_153 : vector<16xi32>
      %swap3A_155 = arith.index_cast %scan3A_123 : i32 to index
      %swap3A_156 = arith.constant 32 : index
      %swap3A_157 = tpu.vector_load %arg5[%swap3A_155, %swap3A_156] {strides = array<i32>} : memref<8x512xi32, #tpu.memory_space<vmem>>, vector<1x16xi32>,
      %swap3A_158 = vector.shape_cast %swap3A_157 : vector<1x16xi32> to vector<16xi32>
      %swap3A_159 = vector.shape_cast %add3A_154 : vector<16xi32> to vector<1x16xi32>
      tpu.vector_store %arg5[%swap3A_155, %swap3A_156], %swap3A_159 {strides = array<i32>} : memref<8x512xi32, #tpu.memory_space<vmem>>, vector<1x16xi32>,
      %get3A_160 = arith.index_cast %scan3A_123 : i32 to index
      %get3A_161 = arith.constant 48 : index
      %get3A_162 = tpu.vector_load %arg5[%get3A_160, %get3A_161] {strides = array<i32>} : memref<8x512xi32, #tpu.memory_space<vmem>>, vector<1x16xi32>,
      %get3A_163 = vector.shape_cast %get3A_162 : vector<1x16xi32> to vector<16xi32>
      %add3A_164 = vector.broadcast %sub3A_128 : i32 to vector<16xi32>
      %add3A_165 = arith.addi %get3A_163, %add3A_164 : vector<16xi32>
      %swap3A_166 = arith.index_cast %scan3A_123 : i32 to index
      %swap3A_167 = arith.constant 48 : index
      %swap3A_168 = tpu.vector_load %arg5[%swap3A_166, %swap3A_167] {strides = array<i32>} : memref<8x512xi32, #tpu.memory_space<vmem>>, vector<1x16xi32>,
      %swap3A_169 = vector.shape_cast %swap3A_168 : vector<1x16xi32> to vector<16xi32>
      %swap3A_170 = vector.shape_cast %add3A_165 : vector<16xi32> to vector<1x16xi32>
      tpu.vector_store %arg5[%swap3A_166, %swap3A_167], %swap3A_170 {strides = array<i32>} : memref<8x512xi32, #tpu.memory_space<vmem>>, vector<1x16xi32>,
      %get3A_171 = arith.index_cast %scan3A_123 : i32 to index
      %get3A_172 = arith.constant 64 : index
      %get3A_173 = tpu.vector_load %arg5[%get3A_171, %get3A_172] {strides = array<i32>} : memref<8x512xi32, #tpu.memory_space<vmem>>, vector<1x16xi32>,
      %get3A_174 = vector.shape_cast %get3A_173 : vector<1x16xi32> to vector<16xi32>
      %add3A_175 = vector.broadcast %sub3A_128 : i32 to vector<16xi32>
      %add3A_176 = arith.addi %get3A_174, %add3A_175 : vector<16xi32>
      %swap3A_177 = arith.index_cast %scan3A_123 : i32 to index
      %swap3A_178 = arith.constant 64 : index
      %swap3A_179 = tpu.vector_load %arg5[%swap3A_177, %swap3A_178] {strides = array<i32>} : memref<8x512xi32, #tpu.memory_space<vmem>>, vector<1x16xi32>,
      %swap3A_180 = vector.shape_cast %swap3A_179 : vector<1x16xi32> to vector<16xi32>
      %swap3A_181 = vector.shape_cast %add3A_176 : vector<16xi32> to vector<1x16xi32>
      tpu.vector_store %arg5[%swap3A_177, %swap3A_178], %swap3A_181 {strides = array<i32>} : memref<8x512xi32, #tpu.memory_space<vmem>>, vector<1x16xi32>,
      %get3A_182 = arith.index_cast %scan3A_123 : i32 to index
      %get3A_183 = arith.constant 80 : index
      %get3A_184 = tpu.vector_load %arg5[%get3A_182, %get3A_183] {strides = array<i32>} : memref<8x512xi32, #tpu.memory_space<vmem>>, vector<1x16xi32>,
      %get3A_185 = vector.shape_cast %get3A_184 : vector<1x16xi32> to vector<16xi32>
      %add3A_186 = vector.broadcast %sub3A_128 : i32 to vector<16xi32>
      %add3A_187 = arith.addi %get3A_185, %add3A_186 : vector<16xi32>
      %swap3A_188 = arith.index_cast %scan3A_123 : i32 to index
      %swap3A_189 = arith.constant 80 : index
      %swap3A_190 = tpu.vector_load %arg5[%swap3A_188, %swap3A_189] {strides = array<i32>} : memref<8x512xi32, #tpu.memory_space<vmem>>, vector<1x16xi32>,
      %swap3A_191 = vector.shape_cast %swap3A_190 : vector<1x16xi32> to vector<16xi32>
      %swap3A_192 = vector.shape_cast %add3A_187 : vector<16xi32> to vector<1x16xi32>
      tpu.vector_store %arg5[%swap3A_188, %swap3A_189], %swap3A_192 {strides = array<i32>} : memref<8x512xi32, #tpu.memory_space<vmem>>, vector<1x16xi32>,
      %get3A_193 = arith.index_cast %scan3A_123 : i32 to index
      %get3A_194 = arith.constant 96 : index
      %get3A_195 = tpu.vector_load %arg5[%get3A_193, %get3A_194] {strides = array<i32>} : memref<8x512xi32, #tpu.memory_space<vmem>>, vector<1x16xi32>,
      %get3A_196 = vector.shape_cast %get3A_195 : vector<1x16xi32> to vector<16xi32>
      %add3A_197 = vector.broadcast %sub3A_128 : i32 to vector<16xi32>
      %add3A_198 = arith.addi %get3A_196, %add3A_197 : vector<16xi32>
      %swap3A_199 = arith.index_cast %scan3A_123 : i32 to index
      %swap3A_200 = arith.constant 96 : index
      %swap3A_201 = tpu.vector_load %arg5[%swap3A_199, %swap3A_200] {strides = array<i32>} : memref<8x512xi32, #tpu.memory_space<vmem>>, vector<1x16xi32>,
      %swap3A_202 = vector.shape_cast %swap3A_201 : vector<1x16xi32> to vector<16xi32>
      %swap3A_203 = vector.shape_cast %add3A_198 : vector<16xi32> to vector<1x16xi32>
      tpu.vector_store %arg5[%swap3A_199, %swap3A_200], %swap3A_203 {strides = array<i32>} : memref<8x512xi32, #tpu.memory_space<vmem>>, vector<1x16xi32>,
      %get3A_204 = arith.index_cast %scan3A_123 : i32 to index
      %get3A_205 = arith.constant 112 : index
      %get3A_206 = tpu.vector_load %arg5[%get3A_204, %get3A_205] {strides = array<i32>} : memref<8x512xi32, #tpu.memory_space<vmem>>, vector<1x16xi32>,
      %get3A_207 = vector.shape_cast %get3A_206 : vector<1x16xi32> to vector<16xi32>
      %add3A_208 = vector.broadcast %sub3A_128 : i32 to vector<16xi32>
      %add3A_209 = arith.addi %get3A_207, %add3A_208 : vector<16xi32>
      %swap3A_210 = arith.index_cast %scan3A_123 : i32 to index
      %swap3A_211 = arith.constant 112 : index
      %swap3A_212 = tpu.vector_load %arg5[%swap3A_210, %swap3A_211] {strides = array<i32>} : memref<8x512xi32, #tpu.memory_space<vmem>>, vector<1x16xi32>,
      %swap3A_213 = vector.shape_cast %swap3A_212 : vector<1x16xi32> to vector<16xi32>
      %swap3A_214 = vector.shape_cast %add3A_209 : vector<16xi32> to vector<1x16xi32>
      tpu.vector_store %arg5[%swap3A_210, %swap3A_211], %swap3A_214 {strides = array<i32>} : memref<8x512xi32, #tpu.memory_space<vmem>>, vector<1x16xi32>,
      %get3A_215 = arith.index_cast %scan3A_123 : i32 to index
      %get3A_216 = arith.constant 128 : index
      %get3A_217 = tpu.vector_load %arg5[%get3A_215, %get3A_216] {strides = array<i32>} : memref<8x512xi32, #tpu.memory_space<vmem>>, vector<1x16xi32>,
      %get3A_218 = vector.shape_cast %get3A_217 : vector<1x16xi32> to vector<16xi32>
      %add3A_219 = vector.broadcast %sub3A_128 : i32 to vector<16xi32>
      %add3A_220 = arith.addi %get3A_218, %add3A_219 : vector<16xi32>
      %swap3A_221 = arith.index_cast %scan3A_123 : i32 to index
      %swap3A_222 = arith.constant 128 : index
      %swap3A_223 = tpu.vector_load %arg5[%swap3A_221, %swap3A_222] {strides = array<i32>} : memref<8x512xi32, #tpu.memory_space<vmem>>, vector<1x16xi32>,
      %swap3A_224 = vector.shape_cast %swap3A_223 : vector<1x16xi32> to vector<16xi32>
      %swap3A_225 = vector.shape_cast %add3A_220 : vector<16xi32> to vector<1x16xi32>
      tpu.vector_store %arg5[%swap3A_221, %swap3A_222], %swap3A_225 {strides = array<i32>} : memref<8x512xi32, #tpu.memory_space<vmem>>, vector<1x16xi32>,
      %get3A_226 = arith.index_cast %scan3A_123 : i32 to index
      %get3A_227 = arith.constant 144 : index
      %get3A_228 = tpu.vector_load %arg5[%get3A_226, %get3A_227] {strides = array<i32>} : memref<8x512xi32, #tpu.memory_space<vmem>>, vector<1x16xi32>,
      %get3A_229 = vector.shape_cast %get3A_228 : vector<1x16xi32> to vector<16xi32>
      %add3A_230 = vector.broadcast %sub3A_128 : i32 to vector<16xi32>
      %add3A_231 = arith.addi %get3A_229, %add3A_230 : vector<16xi32>
      %swap3A_232 = arith.index_cast %scan3A_123 : i32 to index
      %swap3A_233 = arith.constant 144 : index
      %swap3A_234 = tpu.vector_load %arg5[%swap3A_232, %swap3A_233] {strides = array<i32>} : memref<8x512xi32, #tpu.memory_space<vmem>>, vector<1x16xi32>,
      %swap3A_235 = vector.shape_cast %swap3A_234 : vector<1x16xi32> to vector<16xi32>
      %swap3A_236 = vector.shape_cast %add3A_231 : vector<16xi32> to vector<1x16xi32>
      tpu.vector_store %arg5[%swap3A_232, %swap3A_233], %swap3A_236 {strides = array<i32>} : memref<8x512xi32, #tpu.memory_space<vmem>>, vector<1x16xi32>,
      %get3A_237 = arith.index_cast %scan3A_123 : i32 to index
      %get3A_238 = arith.constant 160 : index
      %get3A_239 = tpu.vector_load %arg5[%get3A_237, %get3A_238] {strides = array<i32>} : memref<8x512xi32, #tpu.memory_space<vmem>>, vector<1x16xi32>,
      %get3A_240 = vector.shape_cast %get3A_239 : vector<1x16xi32> to vector<16xi32>
      %add3A_241 = vector.broadcast %sub3A_128 : i32 to vector<16xi32>
      %add3A_242 = arith.addi %get3A_240, %add3A_241 : vector<16xi32>
      %swap3A_243 = arith.index_cast %scan3A_123 : i32 to index
      %swap3A_244 = arith.constant 160 : index
      %swap3A_245 = tpu.vector_load %arg5[%swap3A_243, %swap3A_244] {strides = array<i32>} : memref<8x512xi32, #tpu.memory_space<vmem>>, vector<1x16xi32>,
      %swap3A_246 = vector.shape_cast %swap3A_245 : vector<1x16xi32> to vector<16xi32>
      %swap3A_247 = vector.shape_cast %add3A_242 : vector<16xi32> to vector<1x16xi32>
      tpu.vector_store %arg5[%swap3A_243, %swap3A_244], %swap3A_247 {strides = array<i32>} : memref<8x512xi32, #tpu.memory_space<vmem>>, vector<1x16xi32>,
      %get3A_248 = arith.index_cast %scan3A_123 : i32 to index
      %get3A_249 = arith.constant 176 : index
      %get3A_250 = tpu.vector_load %arg5[%get3A_248, %get3A_249] {strides = array<i32>} : memref<8x512xi32, #tpu.memory_space<vmem>>, vector<1x16xi32>,
      %get3A_251 = vector.shape_cast %get3A_250 : vector<1x16xi32> to vector<16xi32>
      %add3A_252 = vector.broadcast %sub3A_128 : i32 to vector<16xi32>
      %add3A_253 = arith.addi %get3A_251, %add3A_252 : vector<16xi32>
      %swap3A_254 = arith.index_cast %scan3A_123 : i32 to index
      %swap3A_255 = arith.constant 176 : index
      %swap3A_256 = tpu.vector_load %arg5[%swap3A_254, %swap3A_255] {strides = array<i32>} : memref<8x512xi32, #tpu.memory_space<vmem>>, vector<1x16xi32>,
      %swap3A_257 = vector.shape_cast %swap3A_256 : vector<1x16xi32> to vector<16xi32>
      %swap3A_258 = vector.shape_cast %add3A_253 : vector<16xi32> to vector<1x16xi32>
      tpu.vector_store %arg5[%swap3A_254, %swap3A_255], %swap3A_258 {strides = array<i32>} : memref<8x512xi32, #tpu.memory_space<vmem>>, vector<1x16xi32>,
      %get3A_259 = arith.index_cast %scan3A_123 : i32 to index
      %get3A_260 = arith.constant 192 : index
      %get3A_261 = tpu.vector_load %arg5[%get3A_259, %get3A_260] {strides = array<i32>} : memref<8x512xi32, #tpu.memory_space<vmem>>, vector<1x16xi32>,
      %get3A_262 = vector.shape_cast %get3A_261 : vector<1x16xi32> to vector<16xi32>
      %add3A_263 = vector.broadcast %sub3A_128 : i32 to vector<16xi32>
      %add3A_264 = arith.addi %get3A_262, %add3A_263 : vector<16xi32>
      %swap3A_265 = arith.index_cast %scan3A_123 : i32 to index
      %swap3A_266 = arith.constant 192 : index
      %swap3A_267 = tpu.vector_load %arg5[%swap3A_265, %swap3A_266] {strides = array<i32>} : memref<8x512xi32, #tpu.memory_space<vmem>>, vector<1x16xi32>,
      %swap3A_268 = vector.shape_cast %swap3A_267 : vector<1x16xi32> to vector<16xi32>
      %swap3A_269 = vector.shape_cast %add3A_264 : vector<16xi32> to vector<1x16xi32>
      tpu.vector_store %arg5[%swap3A_265, %swap3A_266], %swap3A_269 {strides = array<i32>} : memref<8x512xi32, #tpu.memory_space<vmem>>, vector<1x16xi32>,
      %get3A_270 = arith.index_cast %scan3A_123 : i32 to index
      %get3A_271 = arith.constant 208 : index
      %get3A_272 = tpu.vector_load %arg5[%get3A_270, %get3A_271] {strides = array<i32>} : memref<8x512xi32, #tpu.memory_space<vmem>>, vector<1x16xi32>,
      %get3A_273 = vector.shape_cast %get3A_272 : vector<1x16xi32> to vector<16xi32>
      %add3A_274 = vector.broadcast %sub3A_128 : i32 to vector<16xi32>
      %add3A_275 = arith.addi %get3A_273, %add3A_274 : vector<16xi32>
      %swap3A_276 = arith.index_cast %scan3A_123 : i32 to index
      %swap3A_277 = arith.constant 208 : index
      %swap3A_278 = tpu.vector_load %arg5[%swap3A_276, %swap3A_277] {strides = array<i32>} : memref<8x512xi32, #tpu.memory_space<vmem>>, vector<1x16xi32>,
      %swap3A_279 = vector.shape_cast %swap3A_278 : vector<1x16xi32> to vector<16xi32>
      %swap3A_280 = vector.shape_cast %add3A_275 : vector<16xi32> to vector<1x16xi32>
      tpu.vector_store %arg5[%swap3A_276, %swap3A_277], %swap3A_280 {strides = array<i32>} : memref<8x512xi32, #tpu.memory_space<vmem>>, vector<1x16xi32>,
      %get3A_281 = arith.index_cast %scan3A_123 : i32 to index
      %get3A_282 = arith.constant 224 : index
      %get3A_283 = tpu.vector_load %arg5[%get3A_281, %get3A_282] {strides = array<i32>} : memref<8x512xi32, #tpu.memory_space<vmem>>, vector<1x16xi32>,
      %get3A_284 = vector.shape_cast %get3A_283 : vector<1x16xi32> to vector<16xi32>
      %add3A_285 = vector.broadcast %sub3A_128 : i32 to vector<16xi32>
      %add3A_286 = arith.addi %get3A_284, %add3A_285 : vector<16xi32>
      %swap3A_287 = arith.index_cast %scan3A_123 : i32 to index
      %swap3A_288 = arith.constant 224 : index
      %swap3A_289 = tpu.vector_load %arg5[%swap3A_287, %swap3A_288] {strides = array<i32>} : memref<8x512xi32, #tpu.memory_space<vmem>>, vector<1x16xi32>,
      %swap3A_290 = vector.shape_cast %swap3A_289 : vector<1x16xi32> to vector<16xi32>
      %swap3A_291 = vector.shape_cast %add3A_286 : vector<16xi32> to vector<1x16xi32>
      tpu.vector_store %arg5[%swap3A_287, %swap3A_288], %swap3A_291 {strides = array<i32>} : memref<8x512xi32, #tpu.memory_space<vmem>>, vector<1x16xi32>,
      %get3A_292 = arith.index_cast %scan3A_123 : i32 to index
      %get3A_293 = arith.constant 240 : index
      %get3A_294 = tpu.vector_load %arg5[%get3A_292, %get3A_293] {strides = array<i32>} : memref<8x512xi32, #tpu.memory_space<vmem>>, vector<1x16xi32>,
      %get3A_295 = vector.shape_cast %get3A_294 : vector<1x16xi32> to vector<16xi32>
      %add3A_296 = vector.broadcast %sub3A_128 : i32 to vector<16xi32>
      %add3A_297 = arith.addi %get3A_295, %add3A_296 : vector<16xi32>
      %swap3A_298 = arith.index_cast %scan3A_123 : i32 to index
      %swap3A_299 = arith.constant 240 : index
      %swap3A_300 = tpu.vector_load %arg5[%swap3A_298, %swap3A_299] {strides = array<i32>} : memref<8x512xi32, #tpu.memory_space<vmem>>, vector<1x16xi32>,
      %swap3A_301 = vector.shape_cast %swap3A_300 : vector<1x16xi32> to vector<16xi32>
      %swap3A_302 = vector.shape_cast %add3A_297 : vector<16xi32> to vector<1x16xi32>
      tpu.vector_store %arg5[%swap3A_298, %swap3A_299], %swap3A_302 {strides = array<i32>} : memref<8x512xi32, #tpu.memory_space<vmem>>, vector<1x16xi32>,
      %get3A_303 = arith.index_cast %scan3A_123 : i32 to index
      %get3A_304 = arith.constant 256 : index
      %get3A_305 = tpu.vector_load %arg5[%get3A_303, %get3A_304] {strides = array<i32>} : memref<8x512xi32, #tpu.memory_space<vmem>>, vector<1x16xi32>,
      %get3A_306 = vector.shape_cast %get3A_305 : vector<1x16xi32> to vector<16xi32>
      %add3A_307 = vector.broadcast %sub3A_128 : i32 to vector<16xi32>
      %add3A_308 = arith.addi %get3A_306, %add3A_307 : vector<16xi32>
      %swap3A_309 = arith.index_cast %scan3A_123 : i32 to index
      %swap3A_310 = arith.constant 256 : index
      %swap3A_311 = tpu.vector_load %arg5[%swap3A_309, %swap3A_310] {strides = array<i32>} : memref<8x512xi32, #tpu.memory_space<vmem>>, vector<1x16xi32>,
      %swap3A_312 = vector.shape_cast %swap3A_311 : vector<1x16xi32> to vector<16xi32>
      %swap3A_313 = vector.shape_cast %add3A_308 : vector<16xi32> to vector<1x16xi32>
      tpu.vector_store %arg5[%swap3A_309, %swap3A_310], %swap3A_313 {strides = array<i32>} : memref<8x512xi32, #tpu.memory_space<vmem>>, vector<1x16xi32>,
      %get3A_314 = arith.index_cast %scan3A_123 : i32 to index
      %get3A_315 = arith.constant 272 : index
      %get3A_316 = tpu.vector_load %arg5[%get3A_314, %get3A_315] {strides = array<i32>} : memref<8x512xi32, #tpu.memory_space<vmem>>, vector<1x16xi32>,
      %get3A_317 = vector.shape_cast %get3A_316 : vector<1x16xi32> to vector<16xi32>
      %add3A_318 = vector.broadcast %sub3A_128 : i32 to vector<16xi32>
      %add3A_319 = arith.addi %get3A_317, %add3A_318 : vector<16xi32>
      %swap3A_320 = arith.index_cast %scan3A_123 : i32 to index
      %swap3A_321 = arith.constant 272 : index
      %swap3A_322 = tpu.vector_load %arg5[%swap3A_320, %swap3A_321] {strides = array<i32>} : memref<8x512xi32, #tpu.memory_space<vmem>>, vector<1x16xi32>,
      %swap3A_323 = vector.shape_cast %swap3A_322 : vector<1x16xi32> to vector<16xi32>
      %swap3A_324 = vector.shape_cast %add3A_319 : vector<16xi32> to vector<1x16xi32>
      tpu.vector_store %arg5[%swap3A_320, %swap3A_321], %swap3A_324 {strides = array<i32>} : memref<8x512xi32, #tpu.memory_space<vmem>>, vector<1x16xi32>,
      %get3A_325 = arith.index_cast %scan3A_123 : i32 to index
      %get3A_326 = arith.constant 288 : index
      %get3A_327 = tpu.vector_load %arg5[%get3A_325, %get3A_326] {strides = array<i32>} : memref<8x512xi32, #tpu.memory_space<vmem>>, vector<1x16xi32>,
      %get3A_328 = vector.shape_cast %get3A_327 : vector<1x16xi32> to vector<16xi32>
      %add3A_329 = vector.broadcast %sub3A_128 : i32 to vector<16xi32>
      %add3A_330 = arith.addi %get3A_328, %add3A_329 : vector<16xi32>
      %swap3A_331 = arith.index_cast %scan3A_123 : i32 to index
      %swap3A_332 = arith.constant 288 : index
      %swap3A_333 = tpu.vector_load %arg5[%swap3A_331, %swap3A_332] {strides = array<i32>} : memref<8x512xi32, #tpu.memory_space<vmem>>, vector<1x16xi32>,
      %swap3A_334 = vector.shape_cast %swap3A_333 : vector<1x16xi32> to vector<16xi32>
      %swap3A_335 = vector.shape_cast %add3A_330 : vector<16xi32> to vector<1x16xi32>
      tpu.vector_store %arg5[%swap3A_331, %swap3A_332], %swap3A_335 {strides = array<i32>} : memref<8x512xi32, #tpu.memory_space<vmem>>, vector<1x16xi32>,
      %get3A_336 = arith.index_cast %scan3A_123 : i32 to index
      %get3A_337 = arith.constant 304 : index
      %get3A_338 = tpu.vector_load %arg5[%get3A_336, %get3A_337] {strides = array<i32>} : memref<8x512xi32, #tpu.memory_space<vmem>>, vector<1x16xi32>,
      %get3A_339 = vector.shape_cast %get3A_338 : vector<1x16xi32> to vector<16xi32>
      %add3A_340 = vector.broadcast %sub3A_128 : i32 to vector<16xi32>
      %add3A_341 = arith.addi %get3A_339, %add3A_340 : vector<16xi32>
      %swap3A_342 = arith.index_cast %scan3A_123 : i32 to index
      %swap3A_343 = arith.constant 304 : index
      %swap3A_344 = tpu.vector_load %arg5[%swap3A_342, %swap3A_343] {strides = array<i32>} : memref<8x512xi32, #tpu.memory_space<vmem>>, vector<1x16xi32>,
      %swap3A_345 = vector.shape_cast %swap3A_344 : vector<1x16xi32> to vector<16xi32>
      %swap3A_346 = vector.shape_cast %add3A_341 : vector<16xi32> to vector<1x16xi32>
      tpu.vector_store %arg5[%swap3A_342, %swap3A_343], %swap3A_346 {strides = array<i32>} : memref<8x512xi32, #tpu.memory_space<vmem>>, vector<1x16xi32>,
      %get3A_347 = arith.index_cast %scan3A_123 : i32 to index
      %get3A_348 = arith.constant 320 : index
      %get3A_349 = tpu.vector_load %arg5[%get3A_347, %get3A_348] {strides = array<i32>} : memref<8x512xi32, #tpu.memory_space<vmem>>, vector<1x16xi32>,
      %get3A_350 = vector.shape_cast %get3A_349 : vector<1x16xi32> to vector<16xi32>
      %add3A_351 = vector.broadcast %sub3A_128 : i32 to vector<16xi32>
      %add3A_352 = arith.addi %get3A_350, %add3A_351 : vector<16xi32>
      %swap3A_353 = arith.index_cast %scan3A_123 : i32 to index
      %swap3A_354 = arith.constant 320 : index
      %swap3A_355 = tpu.vector_load %arg5[%swap3A_353, %swap3A_354] {strides = array<i32>} : memref<8x512xi32, #tpu.memory_space<vmem>>, vector<1x16xi32>,
      %swap3A_356 = vector.shape_cast %swap3A_355 : vector<1x16xi32> to vector<16xi32>
      %swap3A_357 = vector.shape_cast %add3A_352 : vector<16xi32> to vector<1x16xi32>
      tpu.vector_store %arg5[%swap3A_353, %swap3A_354], %swap3A_357 {strides = array<i32>} : memref<8x512xi32, #tpu.memory_space<vmem>>, vector<1x16xi32>,
      %get3A_358 = arith.index_cast %scan3A_123 : i32 to index
      %get3A_359 = arith.constant 336 : index
      %get3A_360 = tpu.vector_load %arg5[%get3A_358, %get3A_359] {strides = array<i32>} : memref<8x512xi32, #tpu.memory_space<vmem>>, vector<1x16xi32>,
      %get3A_361 = vector.shape_cast %get3A_360 : vector<1x16xi32> to vector<16xi32>
      %add3A_362 = vector.broadcast %sub3A_128 : i32 to vector<16xi32>
      %add3A_363 = arith.addi %get3A_361, %add3A_362 : vector<16xi32>
      %swap3A_364 = arith.index_cast %scan3A_123 : i32 to index
      %swap3A_365 = arith.constant 336 : index
      %swap3A_366 = tpu.vector_load %arg5[%swap3A_364, %swap3A_365] {strides = array<i32>} : memref<8x512xi32, #tpu.memory_space<vmem>>, vector<1x16xi32>,
      %swap3A_367 = vector.shape_cast %swap3A_366 : vector<1x16xi32> to vector<16xi32>
      %swap3A_368 = vector.shape_cast %add3A_363 : vector<16xi32> to vector<1x16xi32>
      tpu.vector_store %arg5[%swap3A_364, %swap3A_365], %swap3A_368 {strides = array<i32>} : memref<8x512xi32, #tpu.memory_space<vmem>>, vector<1x16xi32>,
      %get3A_369 = arith.index_cast %scan3A_123 : i32 to index
      %get3A_370 = arith.constant 352 : index
      %get3A_371 = tpu.vector_load %arg5[%get3A_369, %get3A_370] {strides = array<i32>} : memref<8x512xi32, #tpu.memory_space<vmem>>, vector<1x16xi32>,
      %get3A_372 = vector.shape_cast %get3A_371 : vector<1x16xi32> to vector<16xi32>
      %add3A_373 = vector.broadcast %sub3A_128 : i32 to vector<16xi32>
      %add3A_374 = arith.addi %get3A_372, %add3A_373 : vector<16xi32>
      %swap3A_375 = arith.index_cast %scan3A_123 : i32 to index
      %swap3A_376 = arith.constant 352 : index
      %swap3A_377 = tpu.vector_load %arg5[%swap3A_375, %swap3A_376] {strides = array<i32>} : memref<8x512xi32, #tpu.memory_space<vmem>>, vector<1x16xi32>,
      %swap3A_378 = vector.shape_cast %swap3A_377 : vector<1x16xi32> to vector<16xi32>
      %swap3A_379 = vector.shape_cast %add3A_374 : vector<16xi32> to vector<1x16xi32>
      tpu.vector_store %arg5[%swap3A_375, %swap3A_376], %swap3A_379 {strides = array<i32>} : memref<8x512xi32, #tpu.memory_space<vmem>>, vector<1x16xi32>,
      %get3A_380 = arith.index_cast %scan3A_123 : i32 to index
      %get3A_381 = arith.constant 368 : index
      %get3A_382 = tpu.vector_load %arg5[%get3A_380, %get3A_381] {strides = array<i32>} : memref<8x512xi32, #tpu.memory_space<vmem>>, vector<1x16xi32>,
      %get3A_383 = vector.shape_cast %get3A_382 : vector<1x16xi32> to vector<16xi32>
      %add3A_384 = vector.broadcast %sub3A_128 : i32 to vector<16xi32>
      %add3A_385 = arith.addi %get3A_383, %add3A_384 : vector<16xi32>
      %swap3A_386 = arith.index_cast %scan3A_123 : i32 to index
      %swap3A_387 = arith.constant 368 : index
      %swap3A_388 = tpu.vector_load %arg5[%swap3A_386, %swap3A_387] {strides = array<i32>} : memref<8x512xi32, #tpu.memory_space<vmem>>, vector<1x16xi32>,
      %swap3A_389 = vector.shape_cast %swap3A_388 : vector<1x16xi32> to vector<16xi32>
      %swap3A_390 = vector.shape_cast %add3A_385 : vector<16xi32> to vector<1x16xi32>
      tpu.vector_store %arg5[%swap3A_386, %swap3A_387], %swap3A_390 {strides = array<i32>} : memref<8x512xi32, #tpu.memory_space<vmem>>, vector<1x16xi32>,
      %get3A_391 = arith.index_cast %scan3A_123 : i32 to index
      %get3A_392 = arith.constant 384 : index
      %get3A_393 = tpu.vector_load %arg5[%get3A_391, %get3A_392] {strides = array<i32>} : memref<8x512xi32, #tpu.memory_space<vmem>>, vector<1x16xi32>,
      %get3A_394 = vector.shape_cast %get3A_393 : vector<1x16xi32> to vector<16xi32>
      %add3A_395 = vector.broadcast %sub3A_128 : i32 to vector<16xi32>
      %add3A_396 = arith.addi %get3A_394, %add3A_395 : vector<16xi32>
      %swap3A_397 = arith.index_cast %scan3A_123 : i32 to index
      %swap3A_398 = arith.constant 384 : index
      %swap3A_399 = tpu.vector_load %arg5[%swap3A_397, %swap3A_398] {strides = array<i32>} : memref<8x512xi32, #tpu.memory_space<vmem>>, vector<1x16xi32>,
      %swap3A_400 = vector.shape_cast %swap3A_399 : vector<1x16xi32> to vector<16xi32>
      %swap3A_401 = vector.shape_cast %add3A_396 : vector<16xi32> to vector<1x16xi32>
      tpu.vector_store %arg5[%swap3A_397, %swap3A_398], %swap3A_401 {strides = array<i32>} : memref<8x512xi32, #tpu.memory_space<vmem>>, vector<1x16xi32>,
      %get3A_402 = arith.index_cast %scan3A_123 : i32 to index
      %get3A_403 = arith.constant 400 : index
      %get3A_404 = tpu.vector_load %arg5[%get3A_402, %get3A_403] {strides = array<i32>} : memref<8x512xi32, #tpu.memory_space<vmem>>, vector<1x16xi32>,
      %get3A_405 = vector.shape_cast %get3A_404 : vector<1x16xi32> to vector<16xi32>
      %add3A_406 = vector.broadcast %sub3A_128 : i32 to vector<16xi32>
      %add3A_407 = arith.addi %get3A_405, %add3A_406 : vector<16xi32>
      %swap3A_408 = arith.index_cast %scan3A_123 : i32 to index
      %swap3A_409 = arith.constant 400 : index
      %swap3A_410 = tpu.vector_load %arg5[%swap3A_408, %swap3A_409] {strides = array<i32>} : memref<8x512xi32, #tpu.memory_space<vmem>>, vector<1x16xi32>,
      %swap3A_411 = vector.shape_cast %swap3A_410 : vector<1x16xi32> to vector<16xi32>
      %swap3A_412 = vector.shape_cast %add3A_407 : vector<16xi32> to vector<1x16xi32>
      tpu.vector_store %arg5[%swap3A_408, %swap3A_409], %swap3A_412 {strides = array<i32>} : memref<8x512xi32, #tpu.memory_space<vmem>>, vector<1x16xi32>,
      %get3A_413 = arith.index_cast %scan3A_123 : i32 to index
      %get3A_414 = arith.constant 416 : index
      %get3A_415 = tpu.vector_load %arg5[%get3A_413, %get3A_414] {strides = array<i32>} : memref<8x512xi32, #tpu.memory_space<vmem>>, vector<1x16xi32>,
      %get3A_416 = vector.shape_cast %get3A_415 : vector<1x16xi32> to vector<16xi32>
      %add3A_417 = vector.broadcast %sub3A_128 : i32 to vector<16xi32>
      %add3A_418 = arith.addi %get3A_416, %add3A_417 : vector<16xi32>
      %swap3A_419 = arith.index_cast %scan3A_123 : i32 to index
      %swap3A_420 = arith.constant 416 : index
      %swap3A_421 = tpu.vector_load %arg5[%swap3A_419, %swap3A_420] {strides = array<i32>} : memref<8x512xi32, #tpu.memory_space<vmem>>, vector<1x16xi32>,
      %swap3A_422 = vector.shape_cast %swap3A_421 : vector<1x16xi32> to vector<16xi32>
      %swap3A_423 = vector.shape_cast %add3A_418 : vector<16xi32> to vector<1x16xi32>
      tpu.vector_store %arg5[%swap3A_419, %swap3A_420], %swap3A_423 {strides = array<i32>} : memref<8x512xi32, #tpu.memory_space<vmem>>, vector<1x16xi32>,
      %get3A_424 = arith.index_cast %scan3A_123 : i32 to index
      %get3A_425 = arith.constant 432 : index
      %get3A_426 = tpu.vector_load %arg5[%get3A_424, %get3A_425] {strides = array<i32>} : memref<8x512xi32, #tpu.memory_space<vmem>>, vector<1x16xi32>,
      %get3A_427 = vector.shape_cast %get3A_426 : vector<1x16xi32> to vector<16xi32>
      %add3A_428 = vector.broadcast %sub3A_128 : i32 to vector<16xi32>
      %add3A_429 = arith.addi %get3A_427, %add3A_428 : vector<16xi32>
      %swap3A_430 = arith.index_cast %scan3A_123 : i32 to index
      %swap3A_431 = arith.constant 432 : index
      %swap3A_432 = tpu.vector_load %arg5[%swap3A_430, %swap3A_431] {strides = array<i32>} : memref<8x512xi32, #tpu.memory_space<vmem>>, vector<1x16xi32>,
      %swap3A_433 = vector.shape_cast %swap3A_432 : vector<1x16xi32> to vector<16xi32>
      %swap3A_434 = vector.shape_cast %add3A_429 : vector<16xi32> to vector<1x16xi32>
      tpu.vector_store %arg5[%swap3A_430, %swap3A_431], %swap3A_434 {strides = array<i32>} : memref<8x512xi32, #tpu.memory_space<vmem>>, vector<1x16xi32>,
      %get3A_435 = arith.index_cast %scan3A_123 : i32 to index
      %get3A_436 = arith.constant 448 : index
      %get3A_437 = tpu.vector_load %arg5[%get3A_435, %get3A_436] {strides = array<i32>} : memref<8x512xi32, #tpu.memory_space<vmem>>, vector<1x16xi32>,
      %get3A_438 = vector.shape_cast %get3A_437 : vector<1x16xi32> to vector<16xi32>
      %add3A_439 = vector.broadcast %sub3A_128 : i32 to vector<16xi32>
      %add3A_440 = arith.addi %get3A_438, %add3A_439 : vector<16xi32>
      %swap3A_441 = arith.index_cast %scan3A_123 : i32 to index
      %swap3A_442 = arith.constant 448 : index
      %swap3A_443 = tpu.vector_load %arg5[%swap3A_441, %swap3A_442] {strides = array<i32>} : memref<8x512xi32, #tpu.memory_space<vmem>>, vector<1x16xi32>,
      %swap3A_444 = vector.shape_cast %swap3A_443 : vector<1x16xi32> to vector<16xi32>
      %swap3A_445 = vector.shape_cast %add3A_440 : vector<16xi32> to vector<1x16xi32>
      tpu.vector_store %arg5[%swap3A_441, %swap3A_442], %swap3A_445 {strides = array<i32>} : memref<8x512xi32, #tpu.memory_space<vmem>>, vector<1x16xi32>,
      %get3A_446 = arith.index_cast %scan3A_123 : i32 to index
      %get3A_447 = arith.constant 464 : index
      %get3A_448 = tpu.vector_load %arg5[%get3A_446, %get3A_447] {strides = array<i32>} : memref<8x512xi32, #tpu.memory_space<vmem>>, vector<1x16xi32>,
      %get3A_449 = vector.shape_cast %get3A_448 : vector<1x16xi32> to vector<16xi32>
      %add3A_450 = vector.broadcast %sub3A_128 : i32 to vector<16xi32>
      %add3A_451 = arith.addi %get3A_449, %add3A_450 : vector<16xi32>
      %swap3A_452 = arith.index_cast %scan3A_123 : i32 to index
      %swap3A_453 = arith.constant 464 : index
      %swap3A_454 = tpu.vector_load %arg5[%swap3A_452, %swap3A_453] {strides = array<i32>} : memref<8x512xi32, #tpu.memory_space<vmem>>, vector<1x16xi32>,
      %swap3A_455 = vector.shape_cast %swap3A_454 : vector<1x16xi32> to vector<16xi32>
      %swap3A_456 = vector.shape_cast %add3A_451 : vector<16xi32> to vector<1x16xi32>
      tpu.vector_store %arg5[%swap3A_452, %swap3A_453], %swap3A_456 {strides = array<i32>} : memref<8x512xi32, #tpu.memory_space<vmem>>, vector<1x16xi32>,
      %get3A_457 = arith.index_cast %scan3A_123 : i32 to index
      %get3A_458 = arith.constant 480 : index
      %get3A_459 = tpu.vector_load %arg5[%get3A_457, %get3A_458] {strides = array<i32>} : memref<8x512xi32, #tpu.memory_space<vmem>>, vector<1x16xi32>,
      %get3A_460 = vector.shape_cast %get3A_459 : vector<1x16xi32> to vector<16xi32>
      %add3A_461 = vector.broadcast %sub3A_128 : i32 to vector<16xi32>
      %add3A_462 = arith.addi %get3A_460, %add3A_461 : vector<16xi32>
      %swap3A_463 = arith.index_cast %scan3A_123 : i32 to index
      %swap3A_464 = arith.constant 480 : index
      %swap3A_465 = tpu.vector_load %arg5[%swap3A_463, %swap3A_464] {strides = array<i32>} : memref<8x512xi32, #tpu.memory_space<vmem>>, vector<1x16xi32>,
      %swap3A_466 = vector.shape_cast %swap3A_465 : vector<1x16xi32> to vector<16xi32>
      %swap3A_467 = vector.shape_cast %add3A_462 : vector<16xi32> to vector<1x16xi32>
      tpu.vector_store %arg5[%swap3A_463, %swap3A_464], %swap3A_467 {strides = array<i32>} : memref<8x512xi32, #tpu.memory_space<vmem>>, vector<1x16xi32>,
      %get3A_468 = arith.index_cast %scan3A_123 : i32 to index
      %get3A_469 = arith.constant 496 : index
      %get3A_470 = tpu.vector_load %arg5[%get3A_468, %get3A_469] {strides = array<i32>} : memref<8x512xi32, #tpu.memory_space<vmem>>, vector<1x16xi32>,
      %get3A_471 = vector.shape_cast %get3A_470 : vector<1x16xi32> to vector<16xi32>
      %add3A_472 = vector.broadcast %sub3A_128 : i32 to vector<16xi32>
      %add3A_473 = arith.addi %get3A_471, %add3A_472 : vector<16xi32>
      %swap3A_474 = arith.index_cast %scan3A_123 : i32 to index
      %swap3A_475 = arith.constant 496 : index
      %swap3A_476 = tpu.vector_load %arg5[%swap3A_474, %swap3A_475] {strides = array<i32>} : memref<8x512xi32, #tpu.memory_space<vmem>>, vector<1x16xi32>,
      %swap3A_477 = vector.shape_cast %swap3A_476 : vector<1x16xi32> to vector<16xi32>
      %swap3A_478 = vector.shape_cast %add3A_473 : vector<16xi32> to vector<1x16xi32>
      tpu.vector_store %arg5[%swap3A_474, %swap3A_475], %swap3A_478 {strides = array<i32>} : memref<8x512xi32, #tpu.memory_space<vmem>>, vector<1x16xi32>,
    }
    %scan3A_7 = arith.constant 8 : i32
    %dma_start3A = arith.constant 0 : i32
    %dma_start3A_8 = arith.constant 0 : i32
    %dma_start3A_9 = arith.constant 0 : i32
    %dma_start3A_10 = tpu.memref_slice %arg6[%dma_start3A_9] : memref<4096xf32, #tpu.memory_space<vmem>> -> memref<128xf32, #tpu.memory_space<vmem>>
    %dma_start3A_11 = arith.constant 0 : i32
    %dma_start3A_12 = tpu.memref_slice %arg5[%dma_start3A_8, %dma_start3A_11] : memref<8x512xi32, #tpu.memory_space<vmem>> -> memref<1x128xi32, #tpu.memory_space<vmem>>
    %dma_start3A_13 = tpu.memref_squeeze %dma_start3A_12 : memref<1x128xi32, #tpu.memory_space<vmem>> -> memref<128xi32, #tpu.memory_space<vmem>>
    %dma_start3A_14 = arith.constant 0 : i32
    %dma_start3A_15 = tpu.memref_slice %arg3[%dma_start3A, %dma_start3A_14] : memref<1x800000xf32, #tpu.memory_space<hbm>> -> memref<1x800000xf32, #tpu.memory_space<hbm>>
    %dma_start3A_16 = tpu.memref_squeeze %dma_start3A_15 : memref<1x800000xf32, #tpu.memory_space<hbm>> -> memref<800000xf32, #tpu.memory_space<hbm>>
    %dma_start3A_17 = arith.constant 0 : i32
    %dma_start3A_18 = tpu.memref_slice %dma_start3A_16[%dma_start3A_17] : memref<800000xf32, #tpu.memory_space<hbm>> -> memref<800000xf32, #tpu.memory_space<hbm>>
    tpu.enqueue_indirect_dma source(%dma_start3A_18 : memref<800000xf32, #tpu.memory_space<hbm>>) target(%dma_start3A_10 : memref<128xf32, #tpu.memory_space<vmem>>) offsets(%dma_start3A_13 : memref<128xi32, #tpu.memory_space<vmem>>) semaphore(%arg8 : memref<!tpu.dma_semaphore, #tpu.memory_space<semaphore_mem>>)
    %dma_start3A_19 = arith.constant 0 : i32
    %dma_start3A_20 = arith.constant 0 : i32
    %dma_start3A_21 = arith.constant 128 : i32
    %dma_start3A_22 = tpu.memref_slice %arg6[%dma_start3A_21] : memref<4096xf32, #tpu.memory_space<vmem>> -> memref<128xf32, #tpu.memory_space<vmem>>
    %dma_start3A_23 = arith.constant 128 : i32
    %dma_start3A_24 = tpu.memref_slice %arg5[%dma_start3A_20, %dma_start3A_23] : memref<8x512xi32, #tpu.memory_space<vmem>> -> memref<1x128xi32, #tpu.memory_space<vmem>>
    %dma_start3A_25 = tpu.memref_squeeze %dma_start3A_24 : memref<1x128xi32, #tpu.memory_space<vmem>> -> memref<128xi32, #tpu.memory_space<vmem>>
    %dma_start3A_26 = arith.constant 0 : i32
    %dma_start3A_27 = tpu.memref_slice %arg3[%dma_start3A_19, %dma_start3A_26] : memref<1x800000xf32, #tpu.memory_space<hbm>> -> memref<1x800000xf32, #tpu.memory_space<hbm>>
    %dma_start3A_28 = tpu.memref_squeeze %dma_start3A_27 : memref<1x800000xf32, #tpu.memory_space<hbm>> -> memref<800000xf32, #tpu.memory_space<hbm>>
    %dma_start3A_29 = arith.constant 0 : i32
    %dma_start3A_30 = tpu.memref_slice %dma_start3A_28[%dma_start3A_29] : memref<800000xf32, #tpu.memory_space<hbm>> -> memref<800000xf32, #tpu.memory_space<hbm>>
    tpu.enqueue_indirect_dma source(%dma_start3A_30 : memref<800000xf32, #tpu.memory_space<hbm>>) target(%dma_start3A_22 : memref<128xf32, #tpu.memory_space<vmem>>) offsets(%dma_start3A_25 : memref<128xi32, #tpu.memory_space<vmem>>) semaphore(%arg8 : memref<!tpu.dma_semaphore, #tpu.memory_space<semaphore_mem>>)
    %dma_start3A_31 = arith.constant 0 : i32
    %dma_start3A_32 = arith.constant 0 : i32
    %dma_start3A_33 = arith.constant 256 : i32
    %dma_start3A_34 = tpu.memref_slice %arg6[%dma_start3A_33] : memref<4096xf32, #tpu.memory_space<vmem>> -> memref<128xf32, #tpu.memory_space<vmem>>
    %dma_start3A_35 = arith.constant 256 : i32
    %dma_start3A_36 = tpu.memref_slice %arg5[%dma_start3A_32, %dma_start3A_35] : memref<8x512xi32, #tpu.memory_space<vmem>> -> memref<1x128xi32, #tpu.memory_space<vmem>>
    %dma_start3A_37 = tpu.memref_squeeze %dma_start3A_36 : memref<1x128xi32, #tpu.memory_space<vmem>> -> memref<128xi32, #tpu.memory_space<vmem>>
    %dma_start3A_38 = arith.constant 0 : i32
    %dma_start3A_39 = tpu.memref_slice %arg3[%dma_start3A_31, %dma_start3A_38] : memref<1x800000xf32, #tpu.memory_space<hbm>> -> memref<1x800000xf32, #tpu.memory_space<hbm>>
    %dma_start3A_40 = tpu.memref_squeeze %dma_start3A_39 : memref<1x800000xf32, #tpu.memory_space<hbm>> -> memref<800000xf32, #tpu.memory_space<hbm>>
    %dma_start3A_41 = arith.constant 0 : i32
    %dma_start3A_42 = tpu.memref_slice %dma_start3A_40[%dma_start3A_41] : memref<800000xf32, #tpu.memory_space<hbm>> -> memref<800000xf32, #tpu.memory_space<hbm>>
    tpu.enqueue_indirect_dma source(%dma_start3A_42 : memref<800000xf32, #tpu.memory_space<hbm>>) target(%dma_start3A_34 : memref<128xf32, #tpu.memory_space<vmem>>) offsets(%dma_start3A_37 : memref<128xi32, #tpu.memory_space<vmem>>) semaphore(%arg8 : memref<!tpu.dma_semaphore, #tpu.memory_space<semaphore_mem>>)
    %dma_start3A_43 = arith.constant 0 : i32
    %dma_start3A_44 = arith.constant 0 : i32
    %dma_start3A_45 = arith.constant 384 : i32
    %dma_start3A_46 = tpu.memref_slice %arg6[%dma_start3A_45] : memref<4096xf32, #tpu.memory_space<vmem>> -> memref<128xf32, #tpu.memory_space<vmem>>
    %dma_start3A_47 = arith.constant 384 : i32
    %dma_start3A_48 = tpu.memref_slice %arg5[%dma_start3A_44, %dma_start3A_47] : memref<8x512xi32, #tpu.memory_space<vmem>> -> memref<1x128xi32, #tpu.memory_space<vmem>>
    %dma_start3A_49 = tpu.memref_squeeze %dma_start3A_48 : memref<1x128xi32, #tpu.memory_space<vmem>> -> memref<128xi32, #tpu.memory_space<vmem>>
    %dma_start3A_50 = arith.constant 0 : i32
    %dma_start3A_51 = tpu.memref_slice %arg3[%dma_start3A_43, %dma_start3A_50] : memref<1x800000xf32, #tpu.memory_space<hbm>> -> memref<1x800000xf32, #tpu.memory_space<hbm>>
    %dma_start3A_52 = tpu.memref_squeeze %dma_start3A_51 : memref<1x800000xf32, #tpu.memory_space<hbm>> -> memref<800000xf32, #tpu.memory_space<hbm>>
    %dma_start3A_53 = arith.constant 0 : i32
    %dma_start3A_54 = tpu.memref_slice %dma_start3A_52[%dma_start3A_53] : memref<800000xf32, #tpu.memory_space<hbm>> -> memref<800000xf32, #tpu.memory_space<hbm>>
    tpu.enqueue_indirect_dma source(%dma_start3A_54 : memref<800000xf32, #tpu.memory_space<hbm>>) target(%dma_start3A_46 : memref<128xf32, #tpu.memory_space<vmem>>) offsets(%dma_start3A_49 : memref<128xi32, #tpu.memory_space<vmem>>) semaphore(%arg8 : memref<!tpu.dma_semaphore, #tpu.memory_space<semaphore_mem>>)
    %dma_start3A_55 = arith.constant 0 : i32
    %dma_start3A_56 = arith.constant 1 : i32
    %dma_start3A_57 = arith.constant 512 : i32
    %dma_start3A_58 = tpu.memref_slice %arg6[%dma_start3A_57] : memref<4096xf32, #tpu.memory_space<vmem>> -> memref<128xf32, #tpu.memory_space<vmem>>
    %dma_start3A_59 = arith.constant 0 : i32
    %dma_start3A_60 = tpu.memref_slice %arg5[%dma_start3A_56, %dma_start3A_59] : memref<8x512xi32, #tpu.memory_space<vmem>> -> memref<1x128xi32, #tpu.memory_space<vmem>>
    %dma_start3A_61 = tpu.memref_squeeze %dma_start3A_60 : memref<1x128xi32, #tpu.memory_space<vmem>> -> memref<128xi32, #tpu.memory_space<vmem>>
    %dma_start3A_62 = arith.constant 0 : i32
    %dma_start3A_63 = tpu.memref_slice %arg3[%dma_start3A_55, %dma_start3A_62] : memref<1x800000xf32, #tpu.memory_space<hbm>> -> memref<1x800000xf32, #tpu.memory_space<hbm>>
    %dma_start3A_64 = tpu.memref_squeeze %dma_start3A_63 : memref<1x800000xf32, #tpu.memory_space<hbm>> -> memref<800000xf32, #tpu.memory_space<hbm>>
    %dma_start3A_65 = arith.constant 0 : i32
    %dma_start3A_66 = tpu.memref_slice %dma_start3A_64[%dma_start3A_65] : memref<800000xf32, #tpu.memory_space<hbm>> -> memref<800000xf32, #tpu.memory_space<hbm>>
    tpu.enqueue_indirect_dma source(%dma_start3A_66 : memref<800000xf32, #tpu.memory_space<hbm>>) target(%dma_start3A_58 : memref<128xf32, #tpu.memory_space<vmem>>) offsets(%dma_start3A_61 : memref<128xi32, #tpu.memory_space<vmem>>) semaphore(%arg8 : memref<!tpu.dma_semaphore, #tpu.memory_space<semaphore_mem>>)
    %dma_start3A_67 = arith.constant 0 : i32
    %dma_start3A_68 = arith.constant 1 : i32
    %dma_start3A_69 = arith.constant 640 : i32
    %dma_start3A_70 = tpu.memref_slice %arg6[%dma_start3A_69] : memref<4096xf32, #tpu.memory_space<vmem>> -> memref<128xf32, #tpu.memory_space<vmem>>
    %dma_start3A_71 = arith.constant 128 : i32
    %dma_start3A_72 = tpu.memref_slice %arg5[%dma_start3A_68, %dma_start3A_71] : memref<8x512xi32, #tpu.memory_space<vmem>> -> memref<1x128xi32, #tpu.memory_space<vmem>>
    %dma_start3A_73 = tpu.memref_squeeze %dma_start3A_72 : memref<1x128xi32, #tpu.memory_space<vmem>> -> memref<128xi32, #tpu.memory_space<vmem>>
    %dma_start3A_74 = arith.constant 0 : i32
    %dma_start3A_75 = tpu.memref_slice %arg3[%dma_start3A_67, %dma_start3A_74] : memref<1x800000xf32, #tpu.memory_space<hbm>> -> memref<1x800000xf32, #tpu.memory_space<hbm>>
    %dma_start3A_76 = tpu.memref_squeeze %dma_start3A_75 : memref<1x800000xf32, #tpu.memory_space<hbm>> -> memref<800000xf32, #tpu.memory_space<hbm>>
    %dma_start3A_77 = arith.constant 0 : i32
    %dma_start3A_78 = tpu.memref_slice %dma_start3A_76[%dma_start3A_77] : memref<800000xf32, #tpu.memory_space<hbm>> -> memref<800000xf32, #tpu.memory_space<hbm>>
    tpu.enqueue_indirect_dma source(%dma_start3A_78 : memref<800000xf32, #tpu.memory_space<hbm>>) target(%dma_start3A_70 : memref<128xf32, #tpu.memory_space<vmem>>) offsets(%dma_start3A_73 : memref<128xi32, #tpu.memory_space<vmem>>) semaphore(%arg8 : memref<!tpu.dma_semaphore, #tpu.memory_space<semaphore_mem>>)
    %dma_start3A_79 = arith.constant 0 : i32
    %dma_start3A_80 = arith.constant 1 : i32
    %dma_start3A_81 = arith.constant 768 : i32
    %dma_start3A_82 = tpu.memref_slice %arg6[%dma_start3A_81] : memref<4096xf32, #tpu.memory_space<vmem>> -> memref<128xf32, #tpu.memory_space<vmem>>
    %dma_start3A_83 = arith.constant 256 : i32
    %dma_start3A_84 = tpu.memref_slice %arg5[%dma_start3A_80, %dma_start3A_83] : memref<8x512xi32, #tpu.memory_space<vmem>> -> memref<1x128xi32, #tpu.memory_space<vmem>>
    %dma_start3A_85 = tpu.memref_squeeze %dma_start3A_84 : memref<1x128xi32, #tpu.memory_space<vmem>> -> memref<128xi32, #tpu.memory_space<vmem>>
    %dma_start3A_86 = arith.constant 0 : i32
    %dma_start3A_87 = tpu.memref_slice %arg3[%dma_start3A_79, %dma_start3A_86] : memref<1x800000xf32, #tpu.memory_space<hbm>> -> memref<1x800000xf32, #tpu.memory_space<hbm>>
    %dma_start3A_88 = tpu.memref_squeeze %dma_start3A_87 : memref<1x800000xf32, #tpu.memory_space<hbm>> -> memref<800000xf32, #tpu.memory_space<hbm>>
    %dma_start3A_89 = arith.constant 0 : i32
    %dma_start3A_90 = tpu.memref_slice %dma_start3A_88[%dma_start3A_89] : memref<800000xf32, #tpu.memory_space<hbm>> -> memref<800000xf32, #tpu.memory_space<hbm>>
    tpu.enqueue_indirect_dma source(%dma_start3A_90 : memref<800000xf32, #tpu.memory_space<hbm>>) target(%dma_start3A_82 : memref<128xf32, #tpu.memory_space<vmem>>) offsets(%dma_start3A_85 : memref<128xi32, #tpu.memory_space<vmem>>) semaphore(%arg8 : memref<!tpu.dma_semaphore, #tpu.memory_space<semaphore_mem>>)
    %dma_start3A_91 = arith.constant 0 : i32
    %dma_start3A_92 = arith.constant 1 : i32
    %dma_start3A_93 = arith.constant 896 : i32
    %dma_start3A_94 = tpu.memref_slice %arg6[%dma_start3A_93] : memref<4096xf32, #tpu.memory_space<vmem>> -> memref<128xf32, #tpu.memory_space<vmem>>
    %dma_start3A_95 = arith.constant 384 : i32
    %dma_start3A_96 = tpu.memref_slice %arg5[%dma_start3A_92, %dma_start3A_95] : memref<8x512xi32, #tpu.memory_space<vmem>> -> memref<1x128xi32, #tpu.memory_space<vmem>>
    %dma_start3A_97 = tpu.memref_squeeze %dma_start3A_96 : memref<1x128xi32, #tpu.memory_space<vmem>> -> memref<128xi32, #tpu.memory_space<vmem>>
    %dma_start3A_98 = arith.constant 0 : i32
    %dma_start3A_99 = tpu.memref_slice %arg3[%dma_start3A_91, %dma_start3A_98] : memref<1x800000xf32, #tpu.memory_space<hbm>> -> memref<1x800000xf32, #tpu.memory_space<hbm>>
    %dma_start3A_100 = tpu.memref_squeeze %dma_start3A_99 : memref<1x800000xf32, #tpu.memory_space<hbm>> -> memref<800000xf32, #tpu.memory_space<hbm>>
    %dma_start3A_101 = arith.constant 0 : i32
    %dma_start3A_102 = tpu.memref_slice %dma_start3A_100[%dma_start3A_101] : memref<800000xf32, #tpu.memory_space<hbm>> -> memref<800000xf32, #tpu.memory_space<hbm>>
    tpu.enqueue_indirect_dma source(%dma_start3A_102 : memref<800000xf32, #tpu.memory_space<hbm>>) target(%dma_start3A_94 : memref<128xf32, #tpu.memory_space<vmem>>) offsets(%dma_start3A_97 : memref<128xi32, #tpu.memory_space<vmem>>) semaphore(%arg8 : memref<!tpu.dma_semaphore, #tpu.memory_space<semaphore_mem>>)
    %scan3A_103 = arith.constant 0 : i32
    %scan3A_104 = arith.constant 0 : i32
    %scan3A_105 = arith.constant 0 : i32
    %scan3A_106 = arith.constant 24 : i32
    %scan3A_107 = arith.addi %scan3A_105, %scan3A_106 : i32
    %scan3A_108 = arith.constant 1 : i32
    scf.for %scan3A_123 = %scan3A_105 to %scan3A_107 step %scan3A_108  : i32 {
      %add3A_124 = arith.constant 8 : i32
      %add3A_125 = arith.addi %scan3A_123, %add3A_124 : i32
      %jit3A = arith.constant 4 : i32
      %div3A = arith.divsi %add3A_125, %jit3A : i32
      %sign3A = arith.constant 0 : i32
      %sign3A_126 = arith.cmpi sgt, %add3A_125, %sign3A : i32
      %sign3A_127 = arith.extui %sign3A_126 : i1 to i32
      %sign3A_128 = arith.constant 0 : i32
      %sign3A_129 = arith.cmpi slt, %add3A_125, %sign3A_128 : i32
      %sign3A_130 = arith.extui %sign3A_129 : i1 to i32
      %sign3A_131 = arith.subi %sign3A_127, %sign3A_130 : i32
      %sign3A_132 = arith.constant 0 : i32
      %sign3A_133 = arith.cmpi sgt, %jit3A, %sign3A_132 : i32
      %sign3A_134 = arith.extui %sign3A_133 : i1 to i32
      %sign3A_135 = arith.constant 0 : i32
      %sign3A_136 = arith.cmpi slt, %jit3A, %sign3A_135 : i32
      %sign3A_137 = arith.extui %sign3A_136 : i1 to i32
      %sign3A_138 = arith.subi %sign3A_134, %sign3A_137 : i32
      %ne3A = arith.cmpi ne, %sign3A_131, %sign3A_138 : i32
      %rem3A = arith.remsi %add3A_125, %jit3A : i32
      %ne3A_139 = arith.constant 0 : i32
      %ne3A_140 = arith.cmpi ne, %rem3A, %ne3A_139 : i32
      %and3A = arith.andi %ne3A, %ne3A_140 : i1
      %sub3A = arith.constant 1 : i32
      %sub3A_141 = arith.subi %div3A, %sub3A : i32
      %select_n3A = arith.select %and3A, %sub3A_141, %div3A : i32
      %jit3A_142 = arith.constant 4 : i32
      %eq3A = arith.constant 0 : i32
      %eq3A_143 = arith.cmpi eq, %jit3A_142, %eq3A : i32
      %jit3A_144 = arith.constant 1 : i32
      %select_n3A_145 = arith.select %eq3A_143, %jit3A_144, %jit3A_142 : i32
      %rem3A_146 = arith.remsi %add3A_125, %select_n3A_145 : i32
      %ne3A_147 = arith.constant 0 : i32
      %ne3A_148 = arith.cmpi ne, %rem3A_146, %ne3A_147 : i32
      %lt3A = arith.constant 0 : i32
      %lt3A_149 = arith.cmpi slt, %rem3A_146, %lt3A : i32
      %lt3A_150 = arith.constant 0 : i32
      %lt3A_151 = arith.cmpi slt, %select_n3A_145, %lt3A_150 : i32
      %ne3A_152 = arith.xori %lt3A_149, %lt3A_151 : i1
      %and3A_153 = arith.andi %ne3A_152, %ne3A_148 : i1
      %add3A_154 = arith.addi %rem3A_146, %select_n3A_145 : i32
      %select_n3A_155 = arith.select %and3A_153, %add3A_154, %rem3A_146 : i32
      %mul3A_156 = arith.constant 128 : i32
      %mul3A_157 = arith.muli %select_n3A_155, %mul3A_156 : i32
      %mul3A_158 = arith.constant 128 : i32
      %mul3A_159 = arith.muli %add3A_125, %mul3A_158 : i32
      %dma_start3A_160 = tpu.memref_slice %arg6[%mul3A_159] : memref<4096xf32, #tpu.memory_space<vmem>> -> memref<128xf32, #tpu.memory_space<vmem>>
      %dma_start3A_161 = tpu.memref_slice %arg5[%select_n3A, %mul3A_157] : memref<8x512xi32, #tpu.memory_space<vmem>> -> memref<1x128xi32, #tpu.memory_space<vmem>>
      %dma_start3A_162 = tpu.memref_squeeze %dma_start3A_161 : memref<1x128xi32, #tpu.memory_space<vmem>> -> memref<128xi32, #tpu.memory_space<vmem>>
      %dma_start3A_163 = arith.constant 0 : i32
      %dma_start3A_164 = tpu.memref_slice %arg3[%scan3A_104, %dma_start3A_163] : memref<1x800000xf32, #tpu.memory_space<hbm>> -> memref<1x800000xf32, #tpu.memory_space<hbm>>
      %dma_start3A_165 = tpu.memref_squeeze %dma_start3A_164 : memref<1x800000xf32, #tpu.memory_space<hbm>> -> memref<800000xf32, #tpu.memory_space<hbm>>
      %dma_start3A_166 = arith.constant 0 : i32
      %dma_start3A_167 = tpu.memref_slice %dma_start3A_165[%dma_start3A_166] : memref<800000xf32, #tpu.memory_space<hbm>> -> memref<800000xf32, #tpu.memory_space<hbm>>
      tpu.enqueue_indirect_dma source(%dma_start3A_167 : memref<800000xf32, #tpu.memory_space<hbm>>) target(%dma_start3A_160 : memref<128xf32, #tpu.memory_space<vmem>>) offsets(%dma_start3A_162 : memref<128xi32, #tpu.memory_space<vmem>>) semaphore(%arg8 : memref<!tpu.dma_semaphore, #tpu.memory_space<semaphore_mem>>)
      %jit3A_168 = arith.constant 4 : i32
      %div3A_169 = arith.divsi %scan3A_123, %jit3A_168 : i32
      %sign3A_170 = arith.constant 0 : i32
      %sign3A_171 = arith.cmpi sgt, %scan3A_123, %sign3A_170 : i32
      %sign3A_172 = arith.extui %sign3A_171 : i1 to i32
      %sign3A_173 = arith.constant 0 : i32
      %sign3A_174 = arith.cmpi slt, %scan3A_123, %sign3A_173 : i32
      %sign3A_175 = arith.extui %sign3A_174 : i1 to i32
      %sign3A_176 = arith.subi %sign3A_172, %sign3A_175 : i32
      %sign3A_177 = arith.constant 0 : i32
      %sign3A_178 = arith.cmpi sgt, %jit3A_168, %sign3A_177 : i32
      %sign3A_179 = arith.extui %sign3A_178 : i1 to i32
      %sign3A_180 = arith.constant 0 : i32
      %sign3A_181 = arith.cmpi slt, %jit3A_168, %sign3A_180 : i32
      %sign3A_182 = arith.extui %sign3A_181 : i1 to i32
      %sign3A_183 = arith.subi %sign3A_179, %sign3A_182 : i32
      %ne3A_184 = arith.cmpi ne, %sign3A_176, %sign3A_183 : i32
      %rem3A_185 = arith.remsi %scan3A_123, %jit3A_168 : i32
      %ne3A_186 = arith.constant 0 : i32
      %ne3A_187 = arith.cmpi ne, %rem3A_185, %ne3A_186 : i32
      %and3A_188 = arith.andi %ne3A_184, %ne3A_187 : i1
      %sub3A_189 = arith.constant 1 : i32
      %sub3A_190 = arith.subi %div3A_169, %sub3A_189 : i32
      %select_n3A_191 = arith.select %and3A_188, %sub3A_190, %div3A_169 : i32
      %jit3A_192 = arith.constant 4 : i32
      %eq3A_193 = arith.constant 0 : i32
      %eq3A_194 = arith.cmpi eq, %jit3A_192, %eq3A_193 : i32
      %jit3A_195 = arith.constant 1 : i32
      %select_n3A_196 = arith.select %eq3A_194, %jit3A_195, %jit3A_192 : i32
      %rem3A_197 = arith.remsi %scan3A_123, %select_n3A_196 : i32
      %ne3A_198 = arith.constant 0 : i32
      %ne3A_199 = arith.cmpi ne, %rem3A_197, %ne3A_198 : i32
      %lt3A_200 = arith.constant 0 : i32
      %lt3A_201 = arith.cmpi slt, %rem3A_197, %lt3A_200 : i32
      %lt3A_202 = arith.constant 0 : i32
      %lt3A_203 = arith.cmpi slt, %select_n3A_196, %lt3A_202 : i32
      %ne3A_204 = arith.xori %lt3A_201, %lt3A_203 : i1
      %and3A_205 = arith.andi %ne3A_204, %ne3A_199 : i1
      %add3A_206 = arith.addi %rem3A_197, %select_n3A_196 : i32
      %select_n3A_207 = arith.select %and3A_205, %add3A_206, %rem3A_197 : i32
      %mul3A_208 = arith.constant 128 : i32
      %mul3A_209 = arith.muli %select_n3A_207, %mul3A_208 : i32
      %mul3A_210 = arith.constant 128 : i32
      %mul3A_211 = arith.muli %scan3A_123, %mul3A_210 : i32
      %dma_wait3A = tpu.memref_slice %arg6[%mul3A_211] : memref<4096xf32, #tpu.memory_space<vmem>> -> memref<128xf32, #tpu.memory_space<vmem>>
      %dma_wait3A_212 = tpu.memref_slice %arg5[%select_n3A_191, %mul3A_209] : memref<8x512xi32, #tpu.memory_space<vmem>> -> memref<1x128xi32, #tpu.memory_space<vmem>>
      %dma_wait3A_213 = tpu.memref_squeeze %dma_wait3A_212 : memref<1x128xi32, #tpu.memory_space<vmem>> -> memref<128xi32, #tpu.memory_space<vmem>>
      %dma_wait3A_214 = arith.constant 0 : i32
      %dma_wait3A_215 = tpu.memref_slice %arg3[%scan3A_104, %dma_wait3A_214] : memref<1x800000xf32, #tpu.memory_space<hbm>> -> memref<1x800000xf32, #tpu.memory_space<hbm>>
      %dma_wait3A_216 = tpu.memref_squeeze %dma_wait3A_215 : memref<1x800000xf32, #tpu.memory_space<hbm>> -> memref<800000xf32, #tpu.memory_space<hbm>>
      %dma_wait3A_217 = arith.constant 0 : i32
      %dma_wait3A_218 = tpu.memref_slice %dma_wait3A_216[%dma_wait3A_217] : memref<800000xf32, #tpu.memory_space<hbm>> -> memref<800000xf32, #tpu.memory_space<hbm>>
      tpu.wait_indirect_dma semaphore(%arg8 : memref<!tpu.dma_semaphore, #tpu.memory_space<semaphore_mem>>) src(%dma_wait3A_218 : memref<800000xf32, #tpu.memory_space<hbm>>) dst(%dma_wait3A : memref<128xf32, #tpu.memory_space<vmem>>)
    }
    %scan3A_109 = arith.constant 24 : i32
    %scan3A_110 = arith.constant 0 : i32
    %scan3A_111 = arith.constant 0 : i32
    %scan3A_112 = arith.constant 24 : i32
    %scan3A_113 = arith.constant 8 : i32
    %scan3A_114 = arith.addi %scan3A_112, %scan3A_113 : i32
    %scan3A_115 = arith.constant 1 : i32
    scf.for %scan3A_123 = %scan3A_112 to %scan3A_114 step %scan3A_115  : i32 {
      %jit3A = arith.constant 4 : i32
      %div3A = arith.divsi %scan3A_123, %jit3A : i32
      %sign3A = arith.constant 0 : i32
      %sign3A_124 = arith.cmpi sgt, %scan3A_123, %sign3A : i32
      %sign3A_125 = arith.extui %sign3A_124 : i1 to i32
      %sign3A_126 = arith.constant 0 : i32
      %sign3A_127 = arith.cmpi slt, %scan3A_123, %sign3A_126 : i32
      %sign3A_128 = arith.extui %sign3A_127 : i1 to i32
      %sign3A_129 = arith.subi %sign3A_125, %sign3A_128 : i32
      %sign3A_130 = arith.constant 0 : i32
      %sign3A_131 = arith.cmpi sgt, %jit3A, %sign3A_130 : i32
      %sign3A_132 = arith.extui %sign3A_131 : i1 to i32
      %sign3A_133 = arith.constant 0 : i32
      %sign3A_134 = arith.cmpi slt, %jit3A, %sign3A_133 : i32
      %sign3A_135 = arith.extui %sign3A_134 : i1 to i32
      %sign3A_136 = arith.subi %sign3A_132, %sign3A_135 : i32
      %ne3A = arith.cmpi ne, %sign3A_129, %sign3A_136 : i32
      %rem3A = arith.remsi %scan3A_123, %jit3A : i32
      %ne3A_137 = arith.constant 0 : i32
      %ne3A_138 = arith.cmpi ne, %rem3A, %ne3A_137 : i32
      %and3A = arith.andi %ne3A, %ne3A_138 : i1
      %sub3A = arith.constant 1 : i32
      %sub3A_139 = arith.subi %div3A, %sub3A : i32
      %select_n3A = arith.select %and3A, %sub3A_139, %div3A : i32
      %jit3A_140 = arith.constant 4 : i32
      %eq3A = arith.constant 0 : i32
      %eq3A_141 = arith.cmpi eq, %jit3A_140, %eq3A : i32
      %jit3A_142 = arith.constant 1 : i32
      %select_n3A_143 = arith.select %eq3A_141, %jit3A_142, %jit3A_140 : i32
      %rem3A_144 = arith.remsi %scan3A_123, %select_n3A_143 : i32
      %ne3A_145 = arith.constant 0 : i32
      %ne3A_146 = arith.cmpi ne, %rem3A_144, %ne3A_145 : i32
      %lt3A = arith.constant 0 : i32
      %lt3A_147 = arith.cmpi slt, %rem3A_144, %lt3A : i32
      %lt3A_148 = arith.constant 0 : i32
      %lt3A_149 = arith.cmpi slt, %select_n3A_143, %lt3A_148 : i32
      %ne3A_150 = arith.xori %lt3A_147, %lt3A_149 : i1
      %and3A_151 = arith.andi %ne3A_150, %ne3A_146 : i1
      %add3A_152 = arith.addi %rem3A_144, %select_n3A_143 : i32
      %select_n3A_153 = arith.select %and3A_151, %add3A_152, %rem3A_144 : i32
      %mul3A_154 = arith.constant 128 : i32
      %mul3A_155 = arith.muli %select_n3A_153, %mul3A_154 : i32
      %mul3A_156 = arith.constant 128 : i32
      %mul3A_157 = arith.muli %scan3A_123, %mul3A_156 : i32
      %dma_wait3A = tpu.memref_slice %arg6[%mul3A_157] : memref<4096xf32, #tpu.memory_space<vmem>> -> memref<128xf32, #tpu.memory_space<vmem>>
      %dma_wait3A_158 = tpu.memref_slice %arg5[%select_n3A, %mul3A_155] : memref<8x512xi32, #tpu.memory_space<vmem>> -> memref<1x128xi32, #tpu.memory_space<vmem>>
      %dma_wait3A_159 = tpu.memref_squeeze %dma_wait3A_158 : memref<1x128xi32, #tpu.memory_space<vmem>> -> memref<128xi32, #tpu.memory_space<vmem>>
      %dma_wait3A_160 = arith.constant 0 : i32
      %dma_wait3A_161 = tpu.memref_slice %arg3[%scan3A_111, %dma_wait3A_160] : memref<1x800000xf32, #tpu.memory_space<hbm>> -> memref<1x800000xf32, #tpu.memory_space<hbm>>
      %dma_wait3A_162 = tpu.memref_squeeze %dma_wait3A_161 : memref<1x800000xf32, #tpu.memory_space<hbm>> -> memref<800000xf32, #tpu.memory_space<hbm>>
      %dma_wait3A_163 = arith.constant 0 : i32
      %dma_wait3A_164 = tpu.memref_slice %dma_wait3A_162[%dma_wait3A_163] : memref<800000xf32, #tpu.memory_space<hbm>> -> memref<800000xf32, #tpu.memory_space<hbm>>
      tpu.wait_indirect_dma semaphore(%arg8 : memref<!tpu.dma_semaphore, #tpu.memory_space<semaphore_mem>>) src(%dma_wait3A_164 : memref<800000xf32, #tpu.memory_space<hbm>>) dst(%dma_wait3A : memref<128xf32, #tpu.memory_space<vmem>>)
    }
    %scan3A_116 = arith.constant 8 : i32
    %scan3A_117 = arith.constant 0 : i32
    %scan3A_118 = arith.constant 0 : i32
    %scan3A_119 = arith.constant 32 : i32
    %scan3A_120 = arith.addi %scan3A_118, %scan3A_119 : i32
    %scan3A_121 = arith.constant 1 : i32
    scf.for %scan3A_123 = %scan3A_118 to %scan3A_120 step %scan3A_121  : i32 {
      %mul3A_124 = arith.constant 16 : i32
      %mul3A_125 = arith.muli %scan3A_123, %mul3A_124 : i32
      %get3A = arith.index_cast %mul3A_125 : i32 to index
      %get3A_126 = tpu.vector_load %arg6[%get3A] {strides = array<i32>} : memref<4096xf32, #tpu.memory_space<vmem>>, vector<16xf32>,
      %get3A_127 = vector.shape_cast %get3A_126 : vector<16xf32> to vector<16xf32>
      %mul3A_128 = arith.constant 16 : i32
      %mul3A_129 = arith.muli %scan3A_123, %mul3A_128 : i32
      %add3A_130 = arith.constant 512 : i32
      %add3A_131 = arith.addi %add3A_130, %mul3A_129 : i32
      %get3A_132 = arith.index_cast %add3A_131 : i32 to index
      %get3A_133 = tpu.vector_load %arg6[%get3A_132] {strides = array<i32>} : memref<4096xf32, #tpu.memory_space<vmem>>, vector<16xf32>,
      %get3A_134 = vector.shape_cast %get3A_133 : vector<16xf32> to vector<16xf32>
      %add3A_135 = arith.addf %get3A_127, %get3A_134 : vector<16xf32>
      %mul3A_136 = arith.constant 16 : i32
      %mul3A_137 = arith.muli %scan3A_123, %mul3A_136 : i32
      %add3A_138 = arith.constant 1024 : i32
      %add3A_139 = arith.addi %add3A_138, %mul3A_137 : i32
      %get3A_140 = arith.index_cast %add3A_139 : i32 to index
      %get3A_141 = tpu.vector_load %arg6[%get3A_140] {strides = array<i32>} : memref<4096xf32, #tpu.memory_space<vmem>>, vector<16xf32>,
      %get3A_142 = vector.shape_cast %get3A_141 : vector<16xf32> to vector<16xf32>
      %add3A_143 = arith.addf %add3A_135, %get3A_142 : vector<16xf32>
      %mul3A_144 = arith.constant 16 : i32
      %mul3A_145 = arith.muli %scan3A_123, %mul3A_144 : i32
      %add3A_146 = arith.constant 1536 : i32
      %add3A_147 = arith.addi %add3A_146, %mul3A_145 : i32
      %get3A_148 = arith.index_cast %add3A_147 : i32 to index
      %get3A_149 = tpu.vector_load %arg6[%get3A_148] {strides = array<i32>} : memref<4096xf32, #tpu.memory_space<vmem>>, vector<16xf32>,
      %get3A_150 = vector.shape_cast %get3A_149 : vector<16xf32> to vector<16xf32>
      %add3A_151 = arith.addf %add3A_143, %get3A_150 : vector<16xf32>
      %mul3A_152 = arith.constant 16 : i32
      %mul3A_153 = arith.muli %scan3A_123, %mul3A_152 : i32
      %add3A_154 = arith.constant 2048 : i32
      %add3A_155 = arith.addi %add3A_154, %mul3A_153 : i32
      %get3A_156 = arith.index_cast %add3A_155 : i32 to index
      %get3A_157 = tpu.vector_load %arg6[%get3A_156] {strides = array<i32>} : memref<4096xf32, #tpu.memory_space<vmem>>, vector<16xf32>,
      %get3A_158 = vector.shape_cast %get3A_157 : vector<16xf32> to vector<16xf32>
      %add3A_159 = arith.addf %add3A_151, %get3A_158 : vector<16xf32>
      %mul3A_160 = arith.constant 16 : i32
      %mul3A_161 = arith.muli %scan3A_123, %mul3A_160 : i32
      %add3A_162 = arith.constant 2560 : i32
      %add3A_163 = arith.addi %add3A_162, %mul3A_161 : i32
      %get3A_164 = arith.index_cast %add3A_163 : i32 to index
      %get3A_165 = tpu.vector_load %arg6[%get3A_164] {strides = array<i32>} : memref<4096xf32, #tpu.memory_space<vmem>>, vector<16xf32>,
      %get3A_166 = vector.shape_cast %get3A_165 : vector<16xf32> to vector<16xf32>
      %add3A_167 = arith.addf %add3A_159, %get3A_166 : vector<16xf32>
      %mul3A_168 = arith.constant 16 : i32
      %mul3A_169 = arith.muli %scan3A_123, %mul3A_168 : i32
      %add3A_170 = arith.constant 3072 : i32
      %add3A_171 = arith.addi %add3A_170, %mul3A_169 : i32
      %get3A_172 = arith.index_cast %add3A_171 : i32 to index
      %get3A_173 = tpu.vector_load %arg6[%get3A_172] {strides = array<i32>} : memref<4096xf32, #tpu.memory_space<vmem>>, vector<16xf32>,
      %get3A_174 = vector.shape_cast %get3A_173 : vector<16xf32> to vector<16xf32>
      %add3A_175 = arith.addf %add3A_167, %get3A_174 : vector<16xf32>
      %mul3A_176 = arith.constant 16 : i32
      %mul3A_177 = arith.muli %scan3A_123, %mul3A_176 : i32
      %add3A_178 = arith.constant 3584 : i32
      %add3A_179 = arith.addi %add3A_178, %mul3A_177 : i32
      %get3A_180 = arith.index_cast %add3A_179 : i32 to index
      %get3A_181 = tpu.vector_load %arg6[%get3A_180] {strides = array<i32>} : memref<4096xf32, #tpu.memory_space<vmem>>, vector<16xf32>,
      %get3A_182 = vector.shape_cast %get3A_181 : vector<16xf32> to vector<16xf32>
      %add3A_183 = arith.addf %add3A_175, %get3A_182 : vector<16xf32>
      %mul3A_184 = arith.constant 16 : i32
      %mul3A_185 = arith.muli %scan3A_123, %mul3A_184 : i32
      %swap3A = arith.index_cast %mul3A_185 : i32 to index
      %swap3A_186 = tpu.vector_load %arg7[%swap3A] {strides = array<i32>} : memref<512xf32, #tpu.memory_space<vmem>>, vector<16xf32>,
      %swap3A_187 = vector.shape_cast %swap3A_186 : vector<16xf32> to vector<16xf32>
      %swap3A_188 = vector.shape_cast %add3A_183 : vector<16xf32> to vector<16xf32>
      tpu.vector_store %arg7[%swap3A], %swap3A_188 {strides = array<i32>} : memref<512xf32, #tpu.memory_space<vmem>>, vector<16xf32>,
    }
    %scan3A_122 = arith.constant 32 : i32
    "tpu.region"() ({
      %run_scoped3A = tpu.sem_alloc : memref<!tpu.dma_semaphore, #tpu.memory_space<semaphore_mem>>
      %dma_start3A_123 = tpu.memref_slice %arg4[%mul3A_2] : memref<16384xf32, #tpu.memory_space<hbm>> -> memref<512xf32, #tpu.memory_space<hbm>>
      %dma_start3A_124 = tpu.memref_slice %arg4[%mul3A_2] : memref<16384xf32, #tpu.memory_space<hbm>> -> memref<512xf32, #tpu.memory_space<hbm>>
      tpu.enqueue_dma source(%arg7 : memref<512xf32, #tpu.memory_space<vmem>>) target(%dma_start3A_124 : memref<512xf32, #tpu.memory_space<hbm>>) target_semaphore(%run_scoped3A : memref<!tpu.dma_semaphore, #tpu.memory_space<semaphore_mem>>)
      %dma_wait3A = tpu.memref_slice %arg4[%mul3A_2] : memref<16384xf32, #tpu.memory_space<hbm>> -> memref<512xf32, #tpu.memory_space<hbm>>
      %dma_wait3A_125 = tpu.memref_slice %arg4[%mul3A_2] : memref<16384xf32, #tpu.memory_space<hbm>> -> memref<512xf32, #tpu.memory_space<hbm>>
      tpu.wait_dma2 semaphore(%run_scoped3A : memref<!tpu.dma_semaphore, #tpu.memory_space<semaphore_mem>>) src(%arg7 : memref<512xf32, #tpu.memory_space<vmem>>) dst(%dma_wait3A_125 : memref<512xf32, #tpu.memory_space<hbm>>)
      tpu.yield
    }) : () -> ()
    return
  }
}

#map = affine_map<(d0, d1) -> (0, 0)>
#map1 = affine_map<(d0, d1) -> (0)>
module attributes {stable_mosaic.version = 14 : i64} {
  func.func @emb_gather_f8_16(%arg0: i32, %arg1: i32, %arg2: memref<26x16384xi32, #tpu.memory_space<hbm>>, %arg3: memref<1x800000xf32, #tpu.memory_space<hbm>>, %arg4: memref<16384xf32, #tpu.memory_space<hbm>>, %arg5: memref<8x512xi32, #tpu.memory_space<vmem>>, %arg6: memref<4096xf32, #tpu.memory_space<vmem>>, %arg7: memref<512xf32, #tpu.memory_space<vmem>>, %arg8: memref<!tpu.dma_semaphore, #tpu.memory_space<semaphore_mem>>) attributes {dimension_semantics = [#tpu.dimension_semantics<core_parallel>, #tpu.dimension_semantics<subcore_parallel>], iteration_bounds = array<i64: 2, 16>, scalar_prefetch = 0 : i64, scratch_operands = 4 : i64, tpu.core_type = #tpu.core_type<sc_vector_subcore>, window_params = [{transform_indices = #map}, {transform_indices = #map}, {transform_indices = #map1}]} {
    %mul3A = arith.constant 2 : i32
    %mul3A_0 = arith.muli %arg1, %mul3A : i32
    %add3A = arith.addi %mul3A_0, %arg0 : i32
    %mul3A_1 = arith.constant 512 : i32
    %mul3A_2 = arith.muli %add3A, %mul3A_1 : i32
    "tpu.region"() ({
      %run_scoped3A = tpu.sem_alloc : memref<!tpu.dma_semaphore, #tpu.memory_space<semaphore_mem>>
      %dma_start3A_123 = arith.constant 8 : i32
      %dma_start3A_124 = tpu.memref_slice %arg2[%dma_start3A_123, %mul3A_2] : memref<26x16384xi32, #tpu.memory_space<hbm>> -> memref<8x512xi32, #tpu.memory_space<hbm>>
      %dma_start3A_125 = arith.constant 8 : i32
      %dma_start3A_126 = tpu.memref_slice %arg2[%dma_start3A_125, %mul3A_2] : memref<26x16384xi32, #tpu.memory_space<hbm>> -> memref<8x512xi32, #tpu.memory_space<hbm>>
      tpu.enqueue_dma source(%dma_start3A_126 : memref<8x512xi32, #tpu.memory_space<hbm>>) target(%arg5 : memref<8x512xi32, #tpu.memory_space<vmem>>) target_semaphore(%run_scoped3A : memref<!tpu.dma_semaphore, #tpu.memory_space<semaphore_mem>>)
      %dma_wait3A = arith.constant 8 : i32
      %dma_wait3A_127 = tpu.memref_slice %arg2[%dma_wait3A, %mul3A_2] : memref<26x16384xi32, #tpu.memory_space<hbm>> -> memref<8x512xi32, #tpu.memory_space<hbm>>
      %dma_wait3A_128 = arith.constant 8 : i32
      %dma_wait3A_129 = tpu.memref_slice %arg2[%dma_wait3A_128, %mul3A_2] : memref<26x16384xi32, #tpu.memory_space<hbm>> -> memref<8x512xi32, #tpu.memory_space<hbm>>
      tpu.wait_dma2 semaphore(%run_scoped3A : memref<!tpu.dma_semaphore, #tpu.memory_space<semaphore_mem>>) src(%dma_wait3A_129 : memref<8x512xi32, #tpu.memory_space<hbm>>) dst(%arg5 : memref<8x512xi32, #tpu.memory_space<vmem>>)
      tpu.yield
    }) : () -> ()
    %scan3A = arith.constant 0 : i32
    %scan3A_3 = arith.constant 0 : i32
    %scan3A_4 = arith.constant 8 : i32
    %scan3A_5 = arith.addi %scan3A_3, %scan3A_4 : i32
    %scan3A_6 = arith.constant 1 : i32
    scf.for %scan3A_123 = %scan3A_3 to %scan3A_5 step %scan3A_6  : i32 {
      %add3A_124 = arith.constant 8 : i32
      %add3A_125 = arith.addi %add3A_124, %scan3A_123 : i32
      %mul3A_126 = arith.constant 100000 : i32
      %mul3A_127 = arith.muli %add3A_125, %mul3A_126 : i32
      %sub3A = arith.constant 800000 : i32
      %sub3A_128 = arith.subi %mul3A_127, %sub3A : i32
      %get3A = arith.index_cast %scan3A_123 : i32 to index
      %get3A_129 = arith.constant 0 : index
      %get3A_130 = tpu.vector_load %arg5[%get3A, %get3A_129] {strides = array<i32>} : memref<8x512xi32, #tpu.memory_space<vmem>>, vector<1x16xi32>,
      %get3A_131 = vector.shape_cast %get3A_130 : vector<1x16xi32> to vector<16xi32>
      %add3A_132 = vector.broadcast %sub3A_128 : i32 to vector<16xi32>
      %add3A_133 = arith.addi %get3A_131, %add3A_132 : vector<16xi32>
      %swap3A = arith.index_cast %scan3A_123 : i32 to index
      %swap3A_134 = arith.constant 0 : index
      %swap3A_135 = tpu.vector_load %arg5[%swap3A, %swap3A_134] {strides = array<i32>} : memref<8x512xi32, #tpu.memory_space<vmem>>, vector<1x16xi32>,
      %swap3A_136 = vector.shape_cast %swap3A_135 : vector<1x16xi32> to vector<16xi32>
      %swap3A_137 = vector.shape_cast %add3A_133 : vector<16xi32> to vector<1x16xi32>
      tpu.vector_store %arg5[%swap3A, %swap3A_134], %swap3A_137 {strides = array<i32>} : memref<8x512xi32, #tpu.memory_space<vmem>>, vector<1x16xi32>,
      %get3A_138 = arith.index_cast %scan3A_123 : i32 to index
      %get3A_139 = arith.constant 16 : index
      %get3A_140 = tpu.vector_load %arg5[%get3A_138, %get3A_139] {strides = array<i32>} : memref<8x512xi32, #tpu.memory_space<vmem>>, vector<1x16xi32>,
      %get3A_141 = vector.shape_cast %get3A_140 : vector<1x16xi32> to vector<16xi32>
      %add3A_142 = vector.broadcast %sub3A_128 : i32 to vector<16xi32>
      %add3A_143 = arith.addi %get3A_141, %add3A_142 : vector<16xi32>
      %swap3A_144 = arith.index_cast %scan3A_123 : i32 to index
      %swap3A_145 = arith.constant 16 : index
      %swap3A_146 = tpu.vector_load %arg5[%swap3A_144, %swap3A_145] {strides = array<i32>} : memref<8x512xi32, #tpu.memory_space<vmem>>, vector<1x16xi32>,
      %swap3A_147 = vector.shape_cast %swap3A_146 : vector<1x16xi32> to vector<16xi32>
      %swap3A_148 = vector.shape_cast %add3A_143 : vector<16xi32> to vector<1x16xi32>
      tpu.vector_store %arg5[%swap3A_144, %swap3A_145], %swap3A_148 {strides = array<i32>} : memref<8x512xi32, #tpu.memory_space<vmem>>, vector<1x16xi32>,
      %get3A_149 = arith.index_cast %scan3A_123 : i32 to index
      %get3A_150 = arith.constant 32 : index
      %get3A_151 = tpu.vector_load %arg5[%get3A_149, %get3A_150] {strides = array<i32>} : memref<8x512xi32, #tpu.memory_space<vmem>>, vector<1x16xi32>,
      %get3A_152 = vector.shape_cast %get3A_151 : vector<1x16xi32> to vector<16xi32>
      %add3A_153 = vector.broadcast %sub3A_128 : i32 to vector<16xi32>
      %add3A_154 = arith.addi %get3A_152, %add3A_153 : vector<16xi32>
      %swap3A_155 = arith.index_cast %scan3A_123 : i32 to index
      %swap3A_156 = arith.constant 32 : index
      %swap3A_157 = tpu.vector_load %arg5[%swap3A_155, %swap3A_156] {strides = array<i32>} : memref<8x512xi32, #tpu.memory_space<vmem>>, vector<1x16xi32>,
      %swap3A_158 = vector.shape_cast %swap3A_157 : vector<1x16xi32> to vector<16xi32>
      %swap3A_159 = vector.shape_cast %add3A_154 : vector<16xi32> to vector<1x16xi32>
      tpu.vector_store %arg5[%swap3A_155, %swap3A_156], %swap3A_159 {strides = array<i32>} : memref<8x512xi32, #tpu.memory_space<vmem>>, vector<1x16xi32>,
      %get3A_160 = arith.index_cast %scan3A_123 : i32 to index
      %get3A_161 = arith.constant 48 : index
      %get3A_162 = tpu.vector_load %arg5[%get3A_160, %get3A_161] {strides = array<i32>} : memref<8x512xi32, #tpu.memory_space<vmem>>, vector<1x16xi32>,
      %get3A_163 = vector.shape_cast %get3A_162 : vector<1x16xi32> to vector<16xi32>
      %add3A_164 = vector.broadcast %sub3A_128 : i32 to vector<16xi32>
      %add3A_165 = arith.addi %get3A_163, %add3A_164 : vector<16xi32>
      %swap3A_166 = arith.index_cast %scan3A_123 : i32 to index
      %swap3A_167 = arith.constant 48 : index
      %swap3A_168 = tpu.vector_load %arg5[%swap3A_166, %swap3A_167] {strides = array<i32>} : memref<8x512xi32, #tpu.memory_space<vmem>>, vector<1x16xi32>,
      %swap3A_169 = vector.shape_cast %swap3A_168 : vector<1x16xi32> to vector<16xi32>
      %swap3A_170 = vector.shape_cast %add3A_165 : vector<16xi32> to vector<1x16xi32>
      tpu.vector_store %arg5[%swap3A_166, %swap3A_167], %swap3A_170 {strides = array<i32>} : memref<8x512xi32, #tpu.memory_space<vmem>>, vector<1x16xi32>,
      %get3A_171 = arith.index_cast %scan3A_123 : i32 to index
      %get3A_172 = arith.constant 64 : index
      %get3A_173 = tpu.vector_load %arg5[%get3A_171, %get3A_172] {strides = array<i32>} : memref<8x512xi32, #tpu.memory_space<vmem>>, vector<1x16xi32>,
      %get3A_174 = vector.shape_cast %get3A_173 : vector<1x16xi32> to vector<16xi32>
      %add3A_175 = vector.broadcast %sub3A_128 : i32 to vector<16xi32>
      %add3A_176 = arith.addi %get3A_174, %add3A_175 : vector<16xi32>
      %swap3A_177 = arith.index_cast %scan3A_123 : i32 to index
      %swap3A_178 = arith.constant 64 : index
      %swap3A_179 = tpu.vector_load %arg5[%swap3A_177, %swap3A_178] {strides = array<i32>} : memref<8x512xi32, #tpu.memory_space<vmem>>, vector<1x16xi32>,
      %swap3A_180 = vector.shape_cast %swap3A_179 : vector<1x16xi32> to vector<16xi32>
      %swap3A_181 = vector.shape_cast %add3A_176 : vector<16xi32> to vector<1x16xi32>
      tpu.vector_store %arg5[%swap3A_177, %swap3A_178], %swap3A_181 {strides = array<i32>} : memref<8x512xi32, #tpu.memory_space<vmem>>, vector<1x16xi32>,
      %get3A_182 = arith.index_cast %scan3A_123 : i32 to index
      %get3A_183 = arith.constant 80 : index
      %get3A_184 = tpu.vector_load %arg5[%get3A_182, %get3A_183] {strides = array<i32>} : memref<8x512xi32, #tpu.memory_space<vmem>>, vector<1x16xi32>,
      %get3A_185 = vector.shape_cast %get3A_184 : vector<1x16xi32> to vector<16xi32>
      %add3A_186 = vector.broadcast %sub3A_128 : i32 to vector<16xi32>
      %add3A_187 = arith.addi %get3A_185, %add3A_186 : vector<16xi32>
      %swap3A_188 = arith.index_cast %scan3A_123 : i32 to index
      %swap3A_189 = arith.constant 80 : index
      %swap3A_190 = tpu.vector_load %arg5[%swap3A_188, %swap3A_189] {strides = array<i32>} : memref<8x512xi32, #tpu.memory_space<vmem>>, vector<1x16xi32>,
      %swap3A_191 = vector.shape_cast %swap3A_190 : vector<1x16xi32> to vector<16xi32>
      %swap3A_192 = vector.shape_cast %add3A_187 : vector<16xi32> to vector<1x16xi32>
      tpu.vector_store %arg5[%swap3A_188, %swap3A_189], %swap3A_192 {strides = array<i32>} : memref<8x512xi32, #tpu.memory_space<vmem>>, vector<1x16xi32>,
      %get3A_193 = arith.index_cast %scan3A_123 : i32 to index
      %get3A_194 = arith.constant 96 : index
      %get3A_195 = tpu.vector_load %arg5[%get3A_193, %get3A_194] {strides = array<i32>} : memref<8x512xi32, #tpu.memory_space<vmem>>, vector<1x16xi32>,
      %get3A_196 = vector.shape_cast %get3A_195 : vector<1x16xi32> to vector<16xi32>
      %add3A_197 = vector.broadcast %sub3A_128 : i32 to vector<16xi32>
      %add3A_198 = arith.addi %get3A_196, %add3A_197 : vector<16xi32>
      %swap3A_199 = arith.index_cast %scan3A_123 : i32 to index
      %swap3A_200 = arith.constant 96 : index
      %swap3A_201 = tpu.vector_load %arg5[%swap3A_199, %swap3A_200] {strides = array<i32>} : memref<8x512xi32, #tpu.memory_space<vmem>>, vector<1x16xi32>,
      %swap3A_202 = vector.shape_cast %swap3A_201 : vector<1x16xi32> to vector<16xi32>
      %swap3A_203 = vector.shape_cast %add3A_198 : vector<16xi32> to vector<1x16xi32>
      tpu.vector_store %arg5[%swap3A_199, %swap3A_200], %swap3A_203 {strides = array<i32>} : memref<8x512xi32, #tpu.memory_space<vmem>>, vector<1x16xi32>,
      %get3A_204 = arith.index_cast %scan3A_123 : i32 to index
      %get3A_205 = arith.constant 112 : index
      %get3A_206 = tpu.vector_load %arg5[%get3A_204, %get3A_205] {strides = array<i32>} : memref<8x512xi32, #tpu.memory_space<vmem>>, vector<1x16xi32>,
      %get3A_207 = vector.shape_cast %get3A_206 : vector<1x16xi32> to vector<16xi32>
      %add3A_208 = vector.broadcast %sub3A_128 : i32 to vector<16xi32>
      %add3A_209 = arith.addi %get3A_207, %add3A_208 : vector<16xi32>
      %swap3A_210 = arith.index_cast %scan3A_123 : i32 to index
      %swap3A_211 = arith.constant 112 : index
      %swap3A_212 = tpu.vector_load %arg5[%swap3A_210, %swap3A_211] {strides = array<i32>} : memref<8x512xi32, #tpu.memory_space<vmem>>, vector<1x16xi32>,
      %swap3A_213 = vector.shape_cast %swap3A_212 : vector<1x16xi32> to vector<16xi32>
      %swap3A_214 = vector.shape_cast %add3A_209 : vector<16xi32> to vector<1x16xi32>
      tpu.vector_store %arg5[%swap3A_210, %swap3A_211], %swap3A_214 {strides = array<i32>} : memref<8x512xi32, #tpu.memory_space<vmem>>, vector<1x16xi32>,
      %get3A_215 = arith.index_cast %scan3A_123 : i32 to index
      %get3A_216 = arith.constant 128 : index
      %get3A_217 = tpu.vector_load %arg5[%get3A_215, %get3A_216] {strides = array<i32>} : memref<8x512xi32, #tpu.memory_space<vmem>>, vector<1x16xi32>,
      %get3A_218 = vector.shape_cast %get3A_217 : vector<1x16xi32> to vector<16xi32>
      %add3A_219 = vector.broadcast %sub3A_128 : i32 to vector<16xi32>
      %add3A_220 = arith.addi %get3A_218, %add3A_219 : vector<16xi32>
      %swap3A_221 = arith.index_cast %scan3A_123 : i32 to index
      %swap3A_222 = arith.constant 128 : index
      %swap3A_223 = tpu.vector_load %arg5[%swap3A_221, %swap3A_222] {strides = array<i32>} : memref<8x512xi32, #tpu.memory_space<vmem>>, vector<1x16xi32>,
      %swap3A_224 = vector.shape_cast %swap3A_223 : vector<1x16xi32> to vector<16xi32>
      %swap3A_225 = vector.shape_cast %add3A_220 : vector<16xi32> to vector<1x16xi32>
      tpu.vector_store %arg5[%swap3A_221, %swap3A_222], %swap3A_225 {strides = array<i32>} : memref<8x512xi32, #tpu.memory_space<vmem>>, vector<1x16xi32>,
      %get3A_226 = arith.index_cast %scan3A_123 : i32 to index
      %get3A_227 = arith.constant 144 : index
      %get3A_228 = tpu.vector_load %arg5[%get3A_226, %get3A_227] {strides = array<i32>} : memref<8x512xi32, #tpu.memory_space<vmem>>, vector<1x16xi32>,
      %get3A_229 = vector.shape_cast %get3A_228 : vector<1x16xi32> to vector<16xi32>
      %add3A_230 = vector.broadcast %sub3A_128 : i32 to vector<16xi32>
      %add3A_231 = arith.addi %get3A_229, %add3A_230 : vector<16xi32>
      %swap3A_232 = arith.index_cast %scan3A_123 : i32 to index
      %swap3A_233 = arith.constant 144 : index
      %swap3A_234 = tpu.vector_load %arg5[%swap3A_232, %swap3A_233] {strides = array<i32>} : memref<8x512xi32, #tpu.memory_space<vmem>>, vector<1x16xi32>,
      %swap3A_235 = vector.shape_cast %swap3A_234 : vector<1x16xi32> to vector<16xi32>
      %swap3A_236 = vector.shape_cast %add3A_231 : vector<16xi32> to vector<1x16xi32>
      tpu.vector_store %arg5[%swap3A_232, %swap3A_233], %swap3A_236 {strides = array<i32>} : memref<8x512xi32, #tpu.memory_space<vmem>>, vector<1x16xi32>,
      %get3A_237 = arith.index_cast %scan3A_123 : i32 to index
      %get3A_238 = arith.constant 160 : index
      %get3A_239 = tpu.vector_load %arg5[%get3A_237, %get3A_238] {strides = array<i32>} : memref<8x512xi32, #tpu.memory_space<vmem>>, vector<1x16xi32>,
      %get3A_240 = vector.shape_cast %get3A_239 : vector<1x16xi32> to vector<16xi32>
      %add3A_241 = vector.broadcast %sub3A_128 : i32 to vector<16xi32>
      %add3A_242 = arith.addi %get3A_240, %add3A_241 : vector<16xi32>
      %swap3A_243 = arith.index_cast %scan3A_123 : i32 to index
      %swap3A_244 = arith.constant 160 : index
      %swap3A_245 = tpu.vector_load %arg5[%swap3A_243, %swap3A_244] {strides = array<i32>} : memref<8x512xi32, #tpu.memory_space<vmem>>, vector<1x16xi32>,
      %swap3A_246 = vector.shape_cast %swap3A_245 : vector<1x16xi32> to vector<16xi32>
      %swap3A_247 = vector.shape_cast %add3A_242 : vector<16xi32> to vector<1x16xi32>
      tpu.vector_store %arg5[%swap3A_243, %swap3A_244], %swap3A_247 {strides = array<i32>} : memref<8x512xi32, #tpu.memory_space<vmem>>, vector<1x16xi32>,
      %get3A_248 = arith.index_cast %scan3A_123 : i32 to index
      %get3A_249 = arith.constant 176 : index
      %get3A_250 = tpu.vector_load %arg5[%get3A_248, %get3A_249] {strides = array<i32>} : memref<8x512xi32, #tpu.memory_space<vmem>>, vector<1x16xi32>,
      %get3A_251 = vector.shape_cast %get3A_250 : vector<1x16xi32> to vector<16xi32>
      %add3A_252 = vector.broadcast %sub3A_128 : i32 to vector<16xi32>
      %add3A_253 = arith.addi %get3A_251, %add3A_252 : vector<16xi32>
      %swap3A_254 = arith.index_cast %scan3A_123 : i32 to index
      %swap3A_255 = arith.constant 176 : index
      %swap3A_256 = tpu.vector_load %arg5[%swap3A_254, %swap3A_255] {strides = array<i32>} : memref<8x512xi32, #tpu.memory_space<vmem>>, vector<1x16xi32>,
      %swap3A_257 = vector.shape_cast %swap3A_256 : vector<1x16xi32> to vector<16xi32>
      %swap3A_258 = vector.shape_cast %add3A_253 : vector<16xi32> to vector<1x16xi32>
      tpu.vector_store %arg5[%swap3A_254, %swap3A_255], %swap3A_258 {strides = array<i32>} : memref<8x512xi32, #tpu.memory_space<vmem>>, vector<1x16xi32>,
      %get3A_259 = arith.index_cast %scan3A_123 : i32 to index
      %get3A_260 = arith.constant 192 : index
      %get3A_261 = tpu.vector_load %arg5[%get3A_259, %get3A_260] {strides = array<i32>} : memref<8x512xi32, #tpu.memory_space<vmem>>, vector<1x16xi32>,
      %get3A_262 = vector.shape_cast %get3A_261 : vector<1x16xi32> to vector<16xi32>
      %add3A_263 = vector.broadcast %sub3A_128 : i32 to vector<16xi32>
      %add3A_264 = arith.addi %get3A_262, %add3A_263 : vector<16xi32>
      %swap3A_265 = arith.index_cast %scan3A_123 : i32 to index
      %swap3A_266 = arith.constant 192 : index
      %swap3A_267 = tpu.vector_load %arg5[%swap3A_265, %swap3A_266] {strides = array<i32>} : memref<8x512xi32, #tpu.memory_space<vmem>>, vector<1x16xi32>,
      %swap3A_268 = vector.shape_cast %swap3A_267 : vector<1x16xi32> to vector<16xi32>
      %swap3A_269 = vector.shape_cast %add3A_264 : vector<16xi32> to vector<1x16xi32>
      tpu.vector_store %arg5[%swap3A_265, %swap3A_266], %swap3A_269 {strides = array<i32>} : memref<8x512xi32, #tpu.memory_space<vmem>>, vector<1x16xi32>,
      %get3A_270 = arith.index_cast %scan3A_123 : i32 to index
      %get3A_271 = arith.constant 208 : index
      %get3A_272 = tpu.vector_load %arg5[%get3A_270, %get3A_271] {strides = array<i32>} : memref<8x512xi32, #tpu.memory_space<vmem>>, vector<1x16xi32>,
      %get3A_273 = vector.shape_cast %get3A_272 : vector<1x16xi32> to vector<16xi32>
      %add3A_274 = vector.broadcast %sub3A_128 : i32 to vector<16xi32>
      %add3A_275 = arith.addi %get3A_273, %add3A_274 : vector<16xi32>
      %swap3A_276 = arith.index_cast %scan3A_123 : i32 to index
      %swap3A_277 = arith.constant 208 : index
      %swap3A_278 = tpu.vector_load %arg5[%swap3A_276, %swap3A_277] {strides = array<i32>} : memref<8x512xi32, #tpu.memory_space<vmem>>, vector<1x16xi32>,
      %swap3A_279 = vector.shape_cast %swap3A_278 : vector<1x16xi32> to vector<16xi32>
      %swap3A_280 = vector.shape_cast %add3A_275 : vector<16xi32> to vector<1x16xi32>
      tpu.vector_store %arg5[%swap3A_276, %swap3A_277], %swap3A_280 {strides = array<i32>} : memref<8x512xi32, #tpu.memory_space<vmem>>, vector<1x16xi32>,
      %get3A_281 = arith.index_cast %scan3A_123 : i32 to index
      %get3A_282 = arith.constant 224 : index
      %get3A_283 = tpu.vector_load %arg5[%get3A_281, %get3A_282] {strides = array<i32>} : memref<8x512xi32, #tpu.memory_space<vmem>>, vector<1x16xi32>,
      %get3A_284 = vector.shape_cast %get3A_283 : vector<1x16xi32> to vector<16xi32>
      %add3A_285 = vector.broadcast %sub3A_128 : i32 to vector<16xi32>
      %add3A_286 = arith.addi %get3A_284, %add3A_285 : vector<16xi32>
      %swap3A_287 = arith.index_cast %scan3A_123 : i32 to index
      %swap3A_288 = arith.constant 224 : index
      %swap3A_289 = tpu.vector_load %arg5[%swap3A_287, %swap3A_288] {strides = array<i32>} : memref<8x512xi32, #tpu.memory_space<vmem>>, vector<1x16xi32>,
      %swap3A_290 = vector.shape_cast %swap3A_289 : vector<1x16xi32> to vector<16xi32>
      %swap3A_291 = vector.shape_cast %add3A_286 : vector<16xi32> to vector<1x16xi32>
      tpu.vector_store %arg5[%swap3A_287, %swap3A_288], %swap3A_291 {strides = array<i32>} : memref<8x512xi32, #tpu.memory_space<vmem>>, vector<1x16xi32>,
      %get3A_292 = arith.index_cast %scan3A_123 : i32 to index
      %get3A_293 = arith.constant 240 : index
      %get3A_294 = tpu.vector_load %arg5[%get3A_292, %get3A_293] {strides = array<i32>} : memref<8x512xi32, #tpu.memory_space<vmem>>, vector<1x16xi32>,
      %get3A_295 = vector.shape_cast %get3A_294 : vector<1x16xi32> to vector<16xi32>
      %add3A_296 = vector.broadcast %sub3A_128 : i32 to vector<16xi32>
      %add3A_297 = arith.addi %get3A_295, %add3A_296 : vector<16xi32>
      %swap3A_298 = arith.index_cast %scan3A_123 : i32 to index
      %swap3A_299 = arith.constant 240 : index
      %swap3A_300 = tpu.vector_load %arg5[%swap3A_298, %swap3A_299] {strides = array<i32>} : memref<8x512xi32, #tpu.memory_space<vmem>>, vector<1x16xi32>,
      %swap3A_301 = vector.shape_cast %swap3A_300 : vector<1x16xi32> to vector<16xi32>
      %swap3A_302 = vector.shape_cast %add3A_297 : vector<16xi32> to vector<1x16xi32>
      tpu.vector_store %arg5[%swap3A_298, %swap3A_299], %swap3A_302 {strides = array<i32>} : memref<8x512xi32, #tpu.memory_space<vmem>>, vector<1x16xi32>,
      %get3A_303 = arith.index_cast %scan3A_123 : i32 to index
      %get3A_304 = arith.constant 256 : index
      %get3A_305 = tpu.vector_load %arg5[%get3A_303, %get3A_304] {strides = array<i32>} : memref<8x512xi32, #tpu.memory_space<vmem>>, vector<1x16xi32>,
      %get3A_306 = vector.shape_cast %get3A_305 : vector<1x16xi32> to vector<16xi32>
      %add3A_307 = vector.broadcast %sub3A_128 : i32 to vector<16xi32>
      %add3A_308 = arith.addi %get3A_306, %add3A_307 : vector<16xi32>
      %swap3A_309 = arith.index_cast %scan3A_123 : i32 to index
      %swap3A_310 = arith.constant 256 : index
      %swap3A_311 = tpu.vector_load %arg5[%swap3A_309, %swap3A_310] {strides = array<i32>} : memref<8x512xi32, #tpu.memory_space<vmem>>, vector<1x16xi32>,
      %swap3A_312 = vector.shape_cast %swap3A_311 : vector<1x16xi32> to vector<16xi32>
      %swap3A_313 = vector.shape_cast %add3A_308 : vector<16xi32> to vector<1x16xi32>
      tpu.vector_store %arg5[%swap3A_309, %swap3A_310], %swap3A_313 {strides = array<i32>} : memref<8x512xi32, #tpu.memory_space<vmem>>, vector<1x16xi32>,
      %get3A_314 = arith.index_cast %scan3A_123 : i32 to index
      %get3A_315 = arith.constant 272 : index
      %get3A_316 = tpu.vector_load %arg5[%get3A_314, %get3A_315] {strides = array<i32>} : memref<8x512xi32, #tpu.memory_space<vmem>>, vector<1x16xi32>,
      %get3A_317 = vector.shape_cast %get3A_316 : vector<1x16xi32> to vector<16xi32>
      %add3A_318 = vector.broadcast %sub3A_128 : i32 to vector<16xi32>
      %add3A_319 = arith.addi %get3A_317, %add3A_318 : vector<16xi32>
      %swap3A_320 = arith.index_cast %scan3A_123 : i32 to index
      %swap3A_321 = arith.constant 272 : index
      %swap3A_322 = tpu.vector_load %arg5[%swap3A_320, %swap3A_321] {strides = array<i32>} : memref<8x512xi32, #tpu.memory_space<vmem>>, vector<1x16xi32>,
      %swap3A_323 = vector.shape_cast %swap3A_322 : vector<1x16xi32> to vector<16xi32>
      %swap3A_324 = vector.shape_cast %add3A_319 : vector<16xi32> to vector<1x16xi32>
      tpu.vector_store %arg5[%swap3A_320, %swap3A_321], %swap3A_324 {strides = array<i32>} : memref<8x512xi32, #tpu.memory_space<vmem>>, vector<1x16xi32>,
      %get3A_325 = arith.index_cast %scan3A_123 : i32 to index
      %get3A_326 = arith.constant 288 : index
      %get3A_327 = tpu.vector_load %arg5[%get3A_325, %get3A_326] {strides = array<i32>} : memref<8x512xi32, #tpu.memory_space<vmem>>, vector<1x16xi32>,
      %get3A_328 = vector.shape_cast %get3A_327 : vector<1x16xi32> to vector<16xi32>
      %add3A_329 = vector.broadcast %sub3A_128 : i32 to vector<16xi32>
      %add3A_330 = arith.addi %get3A_328, %add3A_329 : vector<16xi32>
      %swap3A_331 = arith.index_cast %scan3A_123 : i32 to index
      %swap3A_332 = arith.constant 288 : index
      %swap3A_333 = tpu.vector_load %arg5[%swap3A_331, %swap3A_332] {strides = array<i32>} : memref<8x512xi32, #tpu.memory_space<vmem>>, vector<1x16xi32>,
      %swap3A_334 = vector.shape_cast %swap3A_333 : vector<1x16xi32> to vector<16xi32>
      %swap3A_335 = vector.shape_cast %add3A_330 : vector<16xi32> to vector<1x16xi32>
      tpu.vector_store %arg5[%swap3A_331, %swap3A_332], %swap3A_335 {strides = array<i32>} : memref<8x512xi32, #tpu.memory_space<vmem>>, vector<1x16xi32>,
      %get3A_336 = arith.index_cast %scan3A_123 : i32 to index
      %get3A_337 = arith.constant 304 : index
      %get3A_338 = tpu.vector_load %arg5[%get3A_336, %get3A_337] {strides = array<i32>} : memref<8x512xi32, #tpu.memory_space<vmem>>, vector<1x16xi32>,
      %get3A_339 = vector.shape_cast %get3A_338 : vector<1x16xi32> to vector<16xi32>
      %add3A_340 = vector.broadcast %sub3A_128 : i32 to vector<16xi32>
      %add3A_341 = arith.addi %get3A_339, %add3A_340 : vector<16xi32>
      %swap3A_342 = arith.index_cast %scan3A_123 : i32 to index
      %swap3A_343 = arith.constant 304 : index
      %swap3A_344 = tpu.vector_load %arg5[%swap3A_342, %swap3A_343] {strides = array<i32>} : memref<8x512xi32, #tpu.memory_space<vmem>>, vector<1x16xi32>,
      %swap3A_345 = vector.shape_cast %swap3A_344 : vector<1x16xi32> to vector<16xi32>
      %swap3A_346 = vector.shape_cast %add3A_341 : vector<16xi32> to vector<1x16xi32>
      tpu.vector_store %arg5[%swap3A_342, %swap3A_343], %swap3A_346 {strides = array<i32>} : memref<8x512xi32, #tpu.memory_space<vmem>>, vector<1x16xi32>,
      %get3A_347 = arith.index_cast %scan3A_123 : i32 to index
      %get3A_348 = arith.constant 320 : index
      %get3A_349 = tpu.vector_load %arg5[%get3A_347, %get3A_348] {strides = array<i32>} : memref<8x512xi32, #tpu.memory_space<vmem>>, vector<1x16xi32>,
      %get3A_350 = vector.shape_cast %get3A_349 : vector<1x16xi32> to vector<16xi32>
      %add3A_351 = vector.broadcast %sub3A_128 : i32 to vector<16xi32>
      %add3A_352 = arith.addi %get3A_350, %add3A_351 : vector<16xi32>
      %swap3A_353 = arith.index_cast %scan3A_123 : i32 to index
      %swap3A_354 = arith.constant 320 : index
      %swap3A_355 = tpu.vector_load %arg5[%swap3A_353, %swap3A_354] {strides = array<i32>} : memref<8x512xi32, #tpu.memory_space<vmem>>, vector<1x16xi32>,
      %swap3A_356 = vector.shape_cast %swap3A_355 : vector<1x16xi32> to vector<16xi32>
      %swap3A_357 = vector.shape_cast %add3A_352 : vector<16xi32> to vector<1x16xi32>
      tpu.vector_store %arg5[%swap3A_353, %swap3A_354], %swap3A_357 {strides = array<i32>} : memref<8x512xi32, #tpu.memory_space<vmem>>, vector<1x16xi32>,
      %get3A_358 = arith.index_cast %scan3A_123 : i32 to index
      %get3A_359 = arith.constant 336 : index
      %get3A_360 = tpu.vector_load %arg5[%get3A_358, %get3A_359] {strides = array<i32>} : memref<8x512xi32, #tpu.memory_space<vmem>>, vector<1x16xi32>,
      %get3A_361 = vector.shape_cast %get3A_360 : vector<1x16xi32> to vector<16xi32>
      %add3A_362 = vector.broadcast %sub3A_128 : i32 to vector<16xi32>
      %add3A_363 = arith.addi %get3A_361, %add3A_362 : vector<16xi32>
      %swap3A_364 = arith.index_cast %scan3A_123 : i32 to index
      %swap3A_365 = arith.constant 336 : index
      %swap3A_366 = tpu.vector_load %arg5[%swap3A_364, %swap3A_365] {strides = array<i32>} : memref<8x512xi32, #tpu.memory_space<vmem>>, vector<1x16xi32>,
      %swap3A_367 = vector.shape_cast %swap3A_366 : vector<1x16xi32> to vector<16xi32>
      %swap3A_368 = vector.shape_cast %add3A_363 : vector<16xi32> to vector<1x16xi32>
      tpu.vector_store %arg5[%swap3A_364, %swap3A_365], %swap3A_368 {strides = array<i32>} : memref<8x512xi32, #tpu.memory_space<vmem>>, vector<1x16xi32>,
      %get3A_369 = arith.index_cast %scan3A_123 : i32 to index
      %get3A_370 = arith.constant 352 : index
      %get3A_371 = tpu.vector_load %arg5[%get3A_369, %get3A_370] {strides = array<i32>} : memref<8x512xi32, #tpu.memory_space<vmem>>, vector<1x16xi32>,
      %get3A_372 = vector.shape_cast %get3A_371 : vector<1x16xi32> to vector<16xi32>
      %add3A_373 = vector.broadcast %sub3A_128 : i32 to vector<16xi32>
      %add3A_374 = arith.addi %get3A_372, %add3A_373 : vector<16xi32>
      %swap3A_375 = arith.index_cast %scan3A_123 : i32 to index
      %swap3A_376 = arith.constant 352 : index
      %swap3A_377 = tpu.vector_load %arg5[%swap3A_375, %swap3A_376] {strides = array<i32>} : memref<8x512xi32, #tpu.memory_space<vmem>>, vector<1x16xi32>,
      %swap3A_378 = vector.shape_cast %swap3A_377 : vector<1x16xi32> to vector<16xi32>
      %swap3A_379 = vector.shape_cast %add3A_374 : vector<16xi32> to vector<1x16xi32>
      tpu.vector_store %arg5[%swap3A_375, %swap3A_376], %swap3A_379 {strides = array<i32>} : memref<8x512xi32, #tpu.memory_space<vmem>>, vector<1x16xi32>,
      %get3A_380 = arith.index_cast %scan3A_123 : i32 to index
      %get3A_381 = arith.constant 368 : index
      %get3A_382 = tpu.vector_load %arg5[%get3A_380, %get3A_381] {strides = array<i32>} : memref<8x512xi32, #tpu.memory_space<vmem>>, vector<1x16xi32>,
      %get3A_383 = vector.shape_cast %get3A_382 : vector<1x16xi32> to vector<16xi32>
      %add3A_384 = vector.broadcast %sub3A_128 : i32 to vector<16xi32>
      %add3A_385 = arith.addi %get3A_383, %add3A_384 : vector<16xi32>
      %swap3A_386 = arith.index_cast %scan3A_123 : i32 to index
      %swap3A_387 = arith.constant 368 : index
      %swap3A_388 = tpu.vector_load %arg5[%swap3A_386, %swap3A_387] {strides = array<i32>} : memref<8x512xi32, #tpu.memory_space<vmem>>, vector<1x16xi32>,
      %swap3A_389 = vector.shape_cast %swap3A_388 : vector<1x16xi32> to vector<16xi32>
      %swap3A_390 = vector.shape_cast %add3A_385 : vector<16xi32> to vector<1x16xi32>
      tpu.vector_store %arg5[%swap3A_386, %swap3A_387], %swap3A_390 {strides = array<i32>} : memref<8x512xi32, #tpu.memory_space<vmem>>, vector<1x16xi32>,
      %get3A_391 = arith.index_cast %scan3A_123 : i32 to index
      %get3A_392 = arith.constant 384 : index
      %get3A_393 = tpu.vector_load %arg5[%get3A_391, %get3A_392] {strides = array<i32>} : memref<8x512xi32, #tpu.memory_space<vmem>>, vector<1x16xi32>,
      %get3A_394 = vector.shape_cast %get3A_393 : vector<1x16xi32> to vector<16xi32>
      %add3A_395 = vector.broadcast %sub3A_128 : i32 to vector<16xi32>
      %add3A_396 = arith.addi %get3A_394, %add3A_395 : vector<16xi32>
      %swap3A_397 = arith.index_cast %scan3A_123 : i32 to index
      %swap3A_398 = arith.constant 384 : index
      %swap3A_399 = tpu.vector_load %arg5[%swap3A_397, %swap3A_398] {strides = array<i32>} : memref<8x512xi32, #tpu.memory_space<vmem>>, vector<1x16xi32>,
      %swap3A_400 = vector.shape_cast %swap3A_399 : vector<1x16xi32> to vector<16xi32>
      %swap3A_401 = vector.shape_cast %add3A_396 : vector<16xi32> to vector<1x16xi32>
      tpu.vector_store %arg5[%swap3A_397, %swap3A_398], %swap3A_401 {strides = array<i32>} : memref<8x512xi32, #tpu.memory_space<vmem>>, vector<1x16xi32>,
      %get3A_402 = arith.index_cast %scan3A_123 : i32 to index
      %get3A_403 = arith.constant 400 : index
      %get3A_404 = tpu.vector_load %arg5[%get3A_402, %get3A_403] {strides = array<i32>} : memref<8x512xi32, #tpu.memory_space<vmem>>, vector<1x16xi32>,
      %get3A_405 = vector.shape_cast %get3A_404 : vector<1x16xi32> to vector<16xi32>
      %add3A_406 = vector.broadcast %sub3A_128 : i32 to vector<16xi32>
      %add3A_407 = arith.addi %get3A_405, %add3A_406 : vector<16xi32>
      %swap3A_408 = arith.index_cast %scan3A_123 : i32 to index
      %swap3A_409 = arith.constant 400 : index
      %swap3A_410 = tpu.vector_load %arg5[%swap3A_408, %swap3A_409] {strides = array<i32>} : memref<8x512xi32, #tpu.memory_space<vmem>>, vector<1x16xi32>,
      %swap3A_411 = vector.shape_cast %swap3A_410 : vector<1x16xi32> to vector<16xi32>
      %swap3A_412 = vector.shape_cast %add3A_407 : vector<16xi32> to vector<1x16xi32>
      tpu.vector_store %arg5[%swap3A_408, %swap3A_409], %swap3A_412 {strides = array<i32>} : memref<8x512xi32, #tpu.memory_space<vmem>>, vector<1x16xi32>,
      %get3A_413 = arith.index_cast %scan3A_123 : i32 to index
      %get3A_414 = arith.constant 416 : index
      %get3A_415 = tpu.vector_load %arg5[%get3A_413, %get3A_414] {strides = array<i32>} : memref<8x512xi32, #tpu.memory_space<vmem>>, vector<1x16xi32>,
      %get3A_416 = vector.shape_cast %get3A_415 : vector<1x16xi32> to vector<16xi32>
      %add3A_417 = vector.broadcast %sub3A_128 : i32 to vector<16xi32>
      %add3A_418 = arith.addi %get3A_416, %add3A_417 : vector<16xi32>
      %swap3A_419 = arith.index_cast %scan3A_123 : i32 to index
      %swap3A_420 = arith.constant 416 : index
      %swap3A_421 = tpu.vector_load %arg5[%swap3A_419, %swap3A_420] {strides = array<i32>} : memref<8x512xi32, #tpu.memory_space<vmem>>, vector<1x16xi32>,
      %swap3A_422 = vector.shape_cast %swap3A_421 : vector<1x16xi32> to vector<16xi32>
      %swap3A_423 = vector.shape_cast %add3A_418 : vector<16xi32> to vector<1x16xi32>
      tpu.vector_store %arg5[%swap3A_419, %swap3A_420], %swap3A_423 {strides = array<i32>} : memref<8x512xi32, #tpu.memory_space<vmem>>, vector<1x16xi32>,
      %get3A_424 = arith.index_cast %scan3A_123 : i32 to index
      %get3A_425 = arith.constant 432 : index
      %get3A_426 = tpu.vector_load %arg5[%get3A_424, %get3A_425] {strides = array<i32>} : memref<8x512xi32, #tpu.memory_space<vmem>>, vector<1x16xi32>,
      %get3A_427 = vector.shape_cast %get3A_426 : vector<1x16xi32> to vector<16xi32>
      %add3A_428 = vector.broadcast %sub3A_128 : i32 to vector<16xi32>
      %add3A_429 = arith.addi %get3A_427, %add3A_428 : vector<16xi32>
      %swap3A_430 = arith.index_cast %scan3A_123 : i32 to index
      %swap3A_431 = arith.constant 432 : index
      %swap3A_432 = tpu.vector_load %arg5[%swap3A_430, %swap3A_431] {strides = array<i32>} : memref<8x512xi32, #tpu.memory_space<vmem>>, vector<1x16xi32>,
      %swap3A_433 = vector.shape_cast %swap3A_432 : vector<1x16xi32> to vector<16xi32>
      %swap3A_434 = vector.shape_cast %add3A_429 : vector<16xi32> to vector<1x16xi32>
      tpu.vector_store %arg5[%swap3A_430, %swap3A_431], %swap3A_434 {strides = array<i32>} : memref<8x512xi32, #tpu.memory_space<vmem>>, vector<1x16xi32>,
      %get3A_435 = arith.index_cast %scan3A_123 : i32 to index
      %get3A_436 = arith.constant 448 : index
      %get3A_437 = tpu.vector_load %arg5[%get3A_435, %get3A_436] {strides = array<i32>} : memref<8x512xi32, #tpu.memory_space<vmem>>, vector<1x16xi32>,
      %get3A_438 = vector.shape_cast %get3A_437 : vector<1x16xi32> to vector<16xi32>
      %add3A_439 = vector.broadcast %sub3A_128 : i32 to vector<16xi32>
      %add3A_440 = arith.addi %get3A_438, %add3A_439 : vector<16xi32>
      %swap3A_441 = arith.index_cast %scan3A_123 : i32 to index
      %swap3A_442 = arith.constant 448 : index
      %swap3A_443 = tpu.vector_load %arg5[%swap3A_441, %swap3A_442] {strides = array<i32>} : memref<8x512xi32, #tpu.memory_space<vmem>>, vector<1x16xi32>,
      %swap3A_444 = vector.shape_cast %swap3A_443 : vector<1x16xi32> to vector<16xi32>
      %swap3A_445 = vector.shape_cast %add3A_440 : vector<16xi32> to vector<1x16xi32>
      tpu.vector_store %arg5[%swap3A_441, %swap3A_442], %swap3A_445 {strides = array<i32>} : memref<8x512xi32, #tpu.memory_space<vmem>>, vector<1x16xi32>,
      %get3A_446 = arith.index_cast %scan3A_123 : i32 to index
      %get3A_447 = arith.constant 464 : index
      %get3A_448 = tpu.vector_load %arg5[%get3A_446, %get3A_447] {strides = array<i32>} : memref<8x512xi32, #tpu.memory_space<vmem>>, vector<1x16xi32>,
      %get3A_449 = vector.shape_cast %get3A_448 : vector<1x16xi32> to vector<16xi32>
      %add3A_450 = vector.broadcast %sub3A_128 : i32 to vector<16xi32>
      %add3A_451 = arith.addi %get3A_449, %add3A_450 : vector<16xi32>
      %swap3A_452 = arith.index_cast %scan3A_123 : i32 to index
      %swap3A_453 = arith.constant 464 : index
      %swap3A_454 = tpu.vector_load %arg5[%swap3A_452, %swap3A_453] {strides = array<i32>} : memref<8x512xi32, #tpu.memory_space<vmem>>, vector<1x16xi32>,
      %swap3A_455 = vector.shape_cast %swap3A_454 : vector<1x16xi32> to vector<16xi32>
      %swap3A_456 = vector.shape_cast %add3A_451 : vector<16xi32> to vector<1x16xi32>
      tpu.vector_store %arg5[%swap3A_452, %swap3A_453], %swap3A_456 {strides = array<i32>} : memref<8x512xi32, #tpu.memory_space<vmem>>, vector<1x16xi32>,
      %get3A_457 = arith.index_cast %scan3A_123 : i32 to index
      %get3A_458 = arith.constant 480 : index
      %get3A_459 = tpu.vector_load %arg5[%get3A_457, %get3A_458] {strides = array<i32>} : memref<8x512xi32, #tpu.memory_space<vmem>>, vector<1x16xi32>,
      %get3A_460 = vector.shape_cast %get3A_459 : vector<1x16xi32> to vector<16xi32>
      %add3A_461 = vector.broadcast %sub3A_128 : i32 to vector<16xi32>
      %add3A_462 = arith.addi %get3A_460, %add3A_461 : vector<16xi32>
      %swap3A_463 = arith.index_cast %scan3A_123 : i32 to index
      %swap3A_464 = arith.constant 480 : index
      %swap3A_465 = tpu.vector_load %arg5[%swap3A_463, %swap3A_464] {strides = array<i32>} : memref<8x512xi32, #tpu.memory_space<vmem>>, vector<1x16xi32>,
      %swap3A_466 = vector.shape_cast %swap3A_465 : vector<1x16xi32> to vector<16xi32>
      %swap3A_467 = vector.shape_cast %add3A_462 : vector<16xi32> to vector<1x16xi32>
      tpu.vector_store %arg5[%swap3A_463, %swap3A_464], %swap3A_467 {strides = array<i32>} : memref<8x512xi32, #tpu.memory_space<vmem>>, vector<1x16xi32>,
      %get3A_468 = arith.index_cast %scan3A_123 : i32 to index
      %get3A_469 = arith.constant 496 : index
      %get3A_470 = tpu.vector_load %arg5[%get3A_468, %get3A_469] {strides = array<i32>} : memref<8x512xi32, #tpu.memory_space<vmem>>, vector<1x16xi32>,
      %get3A_471 = vector.shape_cast %get3A_470 : vector<1x16xi32> to vector<16xi32>
      %add3A_472 = vector.broadcast %sub3A_128 : i32 to vector<16xi32>
      %add3A_473 = arith.addi %get3A_471, %add3A_472 : vector<16xi32>
      %swap3A_474 = arith.index_cast %scan3A_123 : i32 to index
      %swap3A_475 = arith.constant 496 : index
      %swap3A_476 = tpu.vector_load %arg5[%swap3A_474, %swap3A_475] {strides = array<i32>} : memref<8x512xi32, #tpu.memory_space<vmem>>, vector<1x16xi32>,
      %swap3A_477 = vector.shape_cast %swap3A_476 : vector<1x16xi32> to vector<16xi32>
      %swap3A_478 = vector.shape_cast %add3A_473 : vector<16xi32> to vector<1x16xi32>
      tpu.vector_store %arg5[%swap3A_474, %swap3A_475], %swap3A_478 {strides = array<i32>} : memref<8x512xi32, #tpu.memory_space<vmem>>, vector<1x16xi32>,
    }
    %scan3A_7 = arith.constant 8 : i32
    %dma_start3A = arith.constant 0 : i32
    %dma_start3A_8 = arith.constant 0 : i32
    %dma_start3A_9 = arith.constant 0 : i32
    %dma_start3A_10 = tpu.memref_slice %arg6[%dma_start3A_9] : memref<4096xf32, #tpu.memory_space<vmem>> -> memref<128xf32, #tpu.memory_space<vmem>>
    %dma_start3A_11 = arith.constant 0 : i32
    %dma_start3A_12 = tpu.memref_slice %arg5[%dma_start3A_8, %dma_start3A_11] : memref<8x512xi32, #tpu.memory_space<vmem>> -> memref<1x128xi32, #tpu.memory_space<vmem>>
    %dma_start3A_13 = tpu.memref_squeeze %dma_start3A_12 : memref<1x128xi32, #tpu.memory_space<vmem>> -> memref<128xi32, #tpu.memory_space<vmem>>
    %dma_start3A_14 = arith.constant 0 : i32
    %dma_start3A_15 = tpu.memref_slice %arg3[%dma_start3A, %dma_start3A_14] : memref<1x800000xf32, #tpu.memory_space<hbm>> -> memref<1x800000xf32, #tpu.memory_space<hbm>>
    %dma_start3A_16 = tpu.memref_squeeze %dma_start3A_15 : memref<1x800000xf32, #tpu.memory_space<hbm>> -> memref<800000xf32, #tpu.memory_space<hbm>>
    %dma_start3A_17 = arith.constant 0 : i32
    %dma_start3A_18 = tpu.memref_slice %dma_start3A_16[%dma_start3A_17] : memref<800000xf32, #tpu.memory_space<hbm>> -> memref<800000xf32, #tpu.memory_space<hbm>>
    tpu.enqueue_indirect_dma source(%dma_start3A_18 : memref<800000xf32, #tpu.memory_space<hbm>>) target(%dma_start3A_10 : memref<128xf32, #tpu.memory_space<vmem>>) offsets(%dma_start3A_13 : memref<128xi32, #tpu.memory_space<vmem>>) semaphore(%arg8 : memref<!tpu.dma_semaphore, #tpu.memory_space<semaphore_mem>>)
    %dma_start3A_19 = arith.constant 0 : i32
    %dma_start3A_20 = arith.constant 0 : i32
    %dma_start3A_21 = arith.constant 128 : i32
    %dma_start3A_22 = tpu.memref_slice %arg6[%dma_start3A_21] : memref<4096xf32, #tpu.memory_space<vmem>> -> memref<128xf32, #tpu.memory_space<vmem>>
    %dma_start3A_23 = arith.constant 128 : i32
    %dma_start3A_24 = tpu.memref_slice %arg5[%dma_start3A_20, %dma_start3A_23] : memref<8x512xi32, #tpu.memory_space<vmem>> -> memref<1x128xi32, #tpu.memory_space<vmem>>
    %dma_start3A_25 = tpu.memref_squeeze %dma_start3A_24 : memref<1x128xi32, #tpu.memory_space<vmem>> -> memref<128xi32, #tpu.memory_space<vmem>>
    %dma_start3A_26 = arith.constant 0 : i32
    %dma_start3A_27 = tpu.memref_slice %arg3[%dma_start3A_19, %dma_start3A_26] : memref<1x800000xf32, #tpu.memory_space<hbm>> -> memref<1x800000xf32, #tpu.memory_space<hbm>>
    %dma_start3A_28 = tpu.memref_squeeze %dma_start3A_27 : memref<1x800000xf32, #tpu.memory_space<hbm>> -> memref<800000xf32, #tpu.memory_space<hbm>>
    %dma_start3A_29 = arith.constant 0 : i32
    %dma_start3A_30 = tpu.memref_slice %dma_start3A_28[%dma_start3A_29] : memref<800000xf32, #tpu.memory_space<hbm>> -> memref<800000xf32, #tpu.memory_space<hbm>>
    tpu.enqueue_indirect_dma source(%dma_start3A_30 : memref<800000xf32, #tpu.memory_space<hbm>>) target(%dma_start3A_22 : memref<128xf32, #tpu.memory_space<vmem>>) offsets(%dma_start3A_25 : memref<128xi32, #tpu.memory_space<vmem>>) semaphore(%arg8 : memref<!tpu.dma_semaphore, #tpu.memory_space<semaphore_mem>>)
    %dma_start3A_31 = arith.constant 0 : i32
    %dma_start3A_32 = arith.constant 0 : i32
    %dma_start3A_33 = arith.constant 256 : i32
    %dma_start3A_34 = tpu.memref_slice %arg6[%dma_start3A_33] : memref<4096xf32, #tpu.memory_space<vmem>> -> memref<128xf32, #tpu.memory_space<vmem>>
    %dma_start3A_35 = arith.constant 256 : i32
    %dma_start3A_36 = tpu.memref_slice %arg5[%dma_start3A_32, %dma_start3A_35] : memref<8x512xi32, #tpu.memory_space<vmem>> -> memref<1x128xi32, #tpu.memory_space<vmem>>
    %dma_start3A_37 = tpu.memref_squeeze %dma_start3A_36 : memref<1x128xi32, #tpu.memory_space<vmem>> -> memref<128xi32, #tpu.memory_space<vmem>>
    %dma_start3A_38 = arith.constant 0 : i32
    %dma_start3A_39 = tpu.memref_slice %arg3[%dma_start3A_31, %dma_start3A_38] : memref<1x800000xf32, #tpu.memory_space<hbm>> -> memref<1x800000xf32, #tpu.memory_space<hbm>>
    %dma_start3A_40 = tpu.memref_squeeze %dma_start3A_39 : memref<1x800000xf32, #tpu.memory_space<hbm>> -> memref<800000xf32, #tpu.memory_space<hbm>>
    %dma_start3A_41 = arith.constant 0 : i32
    %dma_start3A_42 = tpu.memref_slice %dma_start3A_40[%dma_start3A_41] : memref<800000xf32, #tpu.memory_space<hbm>> -> memref<800000xf32, #tpu.memory_space<hbm>>
    tpu.enqueue_indirect_dma source(%dma_start3A_42 : memref<800000xf32, #tpu.memory_space<hbm>>) target(%dma_start3A_34 : memref<128xf32, #tpu.memory_space<vmem>>) offsets(%dma_start3A_37 : memref<128xi32, #tpu.memory_space<vmem>>) semaphore(%arg8 : memref<!tpu.dma_semaphore, #tpu.memory_space<semaphore_mem>>)
    %dma_start3A_43 = arith.constant 0 : i32
    %dma_start3A_44 = arith.constant 0 : i32
    %dma_start3A_45 = arith.constant 384 : i32
    %dma_start3A_46 = tpu.memref_slice %arg6[%dma_start3A_45] : memref<4096xf32, #tpu.memory_space<vmem>> -> memref<128xf32, #tpu.memory_space<vmem>>
    %dma_start3A_47 = arith.constant 384 : i32
    %dma_start3A_48 = tpu.memref_slice %arg5[%dma_start3A_44, %dma_start3A_47] : memref<8x512xi32, #tpu.memory_space<vmem>> -> memref<1x128xi32, #tpu.memory_space<vmem>>
    %dma_start3A_49 = tpu.memref_squeeze %dma_start3A_48 : memref<1x128xi32, #tpu.memory_space<vmem>> -> memref<128xi32, #tpu.memory_space<vmem>>
    %dma_start3A_50 = arith.constant 0 : i32
    %dma_start3A_51 = tpu.memref_slice %arg3[%dma_start3A_43, %dma_start3A_50] : memref<1x800000xf32, #tpu.memory_space<hbm>> -> memref<1x800000xf32, #tpu.memory_space<hbm>>
    %dma_start3A_52 = tpu.memref_squeeze %dma_start3A_51 : memref<1x800000xf32, #tpu.memory_space<hbm>> -> memref<800000xf32, #tpu.memory_space<hbm>>
    %dma_start3A_53 = arith.constant 0 : i32
    %dma_start3A_54 = tpu.memref_slice %dma_start3A_52[%dma_start3A_53] : memref<800000xf32, #tpu.memory_space<hbm>> -> memref<800000xf32, #tpu.memory_space<hbm>>
    tpu.enqueue_indirect_dma source(%dma_start3A_54 : memref<800000xf32, #tpu.memory_space<hbm>>) target(%dma_start3A_46 : memref<128xf32, #tpu.memory_space<vmem>>) offsets(%dma_start3A_49 : memref<128xi32, #tpu.memory_space<vmem>>) semaphore(%arg8 : memref<!tpu.dma_semaphore, #tpu.memory_space<semaphore_mem>>)
    %dma_start3A_55 = arith.constant 0 : i32
    %dma_start3A_56 = arith.constant 1 : i32
    %dma_start3A_57 = arith.constant 512 : i32
    %dma_start3A_58 = tpu.memref_slice %arg6[%dma_start3A_57] : memref<4096xf32, #tpu.memory_space<vmem>> -> memref<128xf32, #tpu.memory_space<vmem>>
    %dma_start3A_59 = arith.constant 0 : i32
    %dma_start3A_60 = tpu.memref_slice %arg5[%dma_start3A_56, %dma_start3A_59] : memref<8x512xi32, #tpu.memory_space<vmem>> -> memref<1x128xi32, #tpu.memory_space<vmem>>
    %dma_start3A_61 = tpu.memref_squeeze %dma_start3A_60 : memref<1x128xi32, #tpu.memory_space<vmem>> -> memref<128xi32, #tpu.memory_space<vmem>>
    %dma_start3A_62 = arith.constant 0 : i32
    %dma_start3A_63 = tpu.memref_slice %arg3[%dma_start3A_55, %dma_start3A_62] : memref<1x800000xf32, #tpu.memory_space<hbm>> -> memref<1x800000xf32, #tpu.memory_space<hbm>>
    %dma_start3A_64 = tpu.memref_squeeze %dma_start3A_63 : memref<1x800000xf32, #tpu.memory_space<hbm>> -> memref<800000xf32, #tpu.memory_space<hbm>>
    %dma_start3A_65 = arith.constant 0 : i32
    %dma_start3A_66 = tpu.memref_slice %dma_start3A_64[%dma_start3A_65] : memref<800000xf32, #tpu.memory_space<hbm>> -> memref<800000xf32, #tpu.memory_space<hbm>>
    tpu.enqueue_indirect_dma source(%dma_start3A_66 : memref<800000xf32, #tpu.memory_space<hbm>>) target(%dma_start3A_58 : memref<128xf32, #tpu.memory_space<vmem>>) offsets(%dma_start3A_61 : memref<128xi32, #tpu.memory_space<vmem>>) semaphore(%arg8 : memref<!tpu.dma_semaphore, #tpu.memory_space<semaphore_mem>>)
    %dma_start3A_67 = arith.constant 0 : i32
    %dma_start3A_68 = arith.constant 1 : i32
    %dma_start3A_69 = arith.constant 640 : i32
    %dma_start3A_70 = tpu.memref_slice %arg6[%dma_start3A_69] : memref<4096xf32, #tpu.memory_space<vmem>> -> memref<128xf32, #tpu.memory_space<vmem>>
    %dma_start3A_71 = arith.constant 128 : i32
    %dma_start3A_72 = tpu.memref_slice %arg5[%dma_start3A_68, %dma_start3A_71] : memref<8x512xi32, #tpu.memory_space<vmem>> -> memref<1x128xi32, #tpu.memory_space<vmem>>
    %dma_start3A_73 = tpu.memref_squeeze %dma_start3A_72 : memref<1x128xi32, #tpu.memory_space<vmem>> -> memref<128xi32, #tpu.memory_space<vmem>>
    %dma_start3A_74 = arith.constant 0 : i32
    %dma_start3A_75 = tpu.memref_slice %arg3[%dma_start3A_67, %dma_start3A_74] : memref<1x800000xf32, #tpu.memory_space<hbm>> -> memref<1x800000xf32, #tpu.memory_space<hbm>>
    %dma_start3A_76 = tpu.memref_squeeze %dma_start3A_75 : memref<1x800000xf32, #tpu.memory_space<hbm>> -> memref<800000xf32, #tpu.memory_space<hbm>>
    %dma_start3A_77 = arith.constant 0 : i32
    %dma_start3A_78 = tpu.memref_slice %dma_start3A_76[%dma_start3A_77] : memref<800000xf32, #tpu.memory_space<hbm>> -> memref<800000xf32, #tpu.memory_space<hbm>>
    tpu.enqueue_indirect_dma source(%dma_start3A_78 : memref<800000xf32, #tpu.memory_space<hbm>>) target(%dma_start3A_70 : memref<128xf32, #tpu.memory_space<vmem>>) offsets(%dma_start3A_73 : memref<128xi32, #tpu.memory_space<vmem>>) semaphore(%arg8 : memref<!tpu.dma_semaphore, #tpu.memory_space<semaphore_mem>>)
    %dma_start3A_79 = arith.constant 0 : i32
    %dma_start3A_80 = arith.constant 1 : i32
    %dma_start3A_81 = arith.constant 768 : i32
    %dma_start3A_82 = tpu.memref_slice %arg6[%dma_start3A_81] : memref<4096xf32, #tpu.memory_space<vmem>> -> memref<128xf32, #tpu.memory_space<vmem>>
    %dma_start3A_83 = arith.constant 256 : i32
    %dma_start3A_84 = tpu.memref_slice %arg5[%dma_start3A_80, %dma_start3A_83] : memref<8x512xi32, #tpu.memory_space<vmem>> -> memref<1x128xi32, #tpu.memory_space<vmem>>
    %dma_start3A_85 = tpu.memref_squeeze %dma_start3A_84 : memref<1x128xi32, #tpu.memory_space<vmem>> -> memref<128xi32, #tpu.memory_space<vmem>>
    %dma_start3A_86 = arith.constant 0 : i32
    %dma_start3A_87 = tpu.memref_slice %arg3[%dma_start3A_79, %dma_start3A_86] : memref<1x800000xf32, #tpu.memory_space<hbm>> -> memref<1x800000xf32, #tpu.memory_space<hbm>>
    %dma_start3A_88 = tpu.memref_squeeze %dma_start3A_87 : memref<1x800000xf32, #tpu.memory_space<hbm>> -> memref<800000xf32, #tpu.memory_space<hbm>>
    %dma_start3A_89 = arith.constant 0 : i32
    %dma_start3A_90 = tpu.memref_slice %dma_start3A_88[%dma_start3A_89] : memref<800000xf32, #tpu.memory_space<hbm>> -> memref<800000xf32, #tpu.memory_space<hbm>>
    tpu.enqueue_indirect_dma source(%dma_start3A_90 : memref<800000xf32, #tpu.memory_space<hbm>>) target(%dma_start3A_82 : memref<128xf32, #tpu.memory_space<vmem>>) offsets(%dma_start3A_85 : memref<128xi32, #tpu.memory_space<vmem>>) semaphore(%arg8 : memref<!tpu.dma_semaphore, #tpu.memory_space<semaphore_mem>>)
    %dma_start3A_91 = arith.constant 0 : i32
    %dma_start3A_92 = arith.constant 1 : i32
    %dma_start3A_93 = arith.constant 896 : i32
    %dma_start3A_94 = tpu.memref_slice %arg6[%dma_start3A_93] : memref<4096xf32, #tpu.memory_space<vmem>> -> memref<128xf32, #tpu.memory_space<vmem>>
    %dma_start3A_95 = arith.constant 384 : i32
    %dma_start3A_96 = tpu.memref_slice %arg5[%dma_start3A_92, %dma_start3A_95] : memref<8x512xi32, #tpu.memory_space<vmem>> -> memref<1x128xi32, #tpu.memory_space<vmem>>
    %dma_start3A_97 = tpu.memref_squeeze %dma_start3A_96 : memref<1x128xi32, #tpu.memory_space<vmem>> -> memref<128xi32, #tpu.memory_space<vmem>>
    %dma_start3A_98 = arith.constant 0 : i32
    %dma_start3A_99 = tpu.memref_slice %arg3[%dma_start3A_91, %dma_start3A_98] : memref<1x800000xf32, #tpu.memory_space<hbm>> -> memref<1x800000xf32, #tpu.memory_space<hbm>>
    %dma_start3A_100 = tpu.memref_squeeze %dma_start3A_99 : memref<1x800000xf32, #tpu.memory_space<hbm>> -> memref<800000xf32, #tpu.memory_space<hbm>>
    %dma_start3A_101 = arith.constant 0 : i32
    %dma_start3A_102 = tpu.memref_slice %dma_start3A_100[%dma_start3A_101] : memref<800000xf32, #tpu.memory_space<hbm>> -> memref<800000xf32, #tpu.memory_space<hbm>>
    tpu.enqueue_indirect_dma source(%dma_start3A_102 : memref<800000xf32, #tpu.memory_space<hbm>>) target(%dma_start3A_94 : memref<128xf32, #tpu.memory_space<vmem>>) offsets(%dma_start3A_97 : memref<128xi32, #tpu.memory_space<vmem>>) semaphore(%arg8 : memref<!tpu.dma_semaphore, #tpu.memory_space<semaphore_mem>>)
    %scan3A_103 = arith.constant 0 : i32
    %scan3A_104 = arith.constant 0 : i32
    %scan3A_105 = arith.constant 0 : i32
    %scan3A_106 = arith.constant 24 : i32
    %scan3A_107 = arith.addi %scan3A_105, %scan3A_106 : i32
    %scan3A_108 = arith.constant 1 : i32
    scf.for %scan3A_123 = %scan3A_105 to %scan3A_107 step %scan3A_108  : i32 {
      %add3A_124 = arith.constant 8 : i32
      %add3A_125 = arith.addi %scan3A_123, %add3A_124 : i32
      %jit3A = arith.constant 4 : i32
      %div3A = arith.divsi %add3A_125, %jit3A : i32
      %sign3A = arith.constant 0 : i32
      %sign3A_126 = arith.cmpi sgt, %add3A_125, %sign3A : i32
      %sign3A_127 = arith.extui %sign3A_126 : i1 to i32
      %sign3A_128 = arith.constant 0 : i32
      %sign3A_129 = arith.cmpi slt, %add3A_125, %sign3A_128 : i32
      %sign3A_130 = arith.extui %sign3A_129 : i1 to i32
      %sign3A_131 = arith.subi %sign3A_127, %sign3A_130 : i32
      %sign3A_132 = arith.constant 0 : i32
      %sign3A_133 = arith.cmpi sgt, %jit3A, %sign3A_132 : i32
      %sign3A_134 = arith.extui %sign3A_133 : i1 to i32
      %sign3A_135 = arith.constant 0 : i32
      %sign3A_136 = arith.cmpi slt, %jit3A, %sign3A_135 : i32
      %sign3A_137 = arith.extui %sign3A_136 : i1 to i32
      %sign3A_138 = arith.subi %sign3A_134, %sign3A_137 : i32
      %ne3A = arith.cmpi ne, %sign3A_131, %sign3A_138 : i32
      %rem3A = arith.remsi %add3A_125, %jit3A : i32
      %ne3A_139 = arith.constant 0 : i32
      %ne3A_140 = arith.cmpi ne, %rem3A, %ne3A_139 : i32
      %and3A = arith.andi %ne3A, %ne3A_140 : i1
      %sub3A = arith.constant 1 : i32
      %sub3A_141 = arith.subi %div3A, %sub3A : i32
      %select_n3A = arith.select %and3A, %sub3A_141, %div3A : i32
      %jit3A_142 = arith.constant 4 : i32
      %eq3A = arith.constant 0 : i32
      %eq3A_143 = arith.cmpi eq, %jit3A_142, %eq3A : i32
      %jit3A_144 = arith.constant 1 : i32
      %select_n3A_145 = arith.select %eq3A_143, %jit3A_144, %jit3A_142 : i32
      %rem3A_146 = arith.remsi %add3A_125, %select_n3A_145 : i32
      %ne3A_147 = arith.constant 0 : i32
      %ne3A_148 = arith.cmpi ne, %rem3A_146, %ne3A_147 : i32
      %lt3A = arith.constant 0 : i32
      %lt3A_149 = arith.cmpi slt, %rem3A_146, %lt3A : i32
      %lt3A_150 = arith.constant 0 : i32
      %lt3A_151 = arith.cmpi slt, %select_n3A_145, %lt3A_150 : i32
      %ne3A_152 = arith.xori %lt3A_149, %lt3A_151 : i1
      %and3A_153 = arith.andi %ne3A_152, %ne3A_148 : i1
      %add3A_154 = arith.addi %rem3A_146, %select_n3A_145 : i32
      %select_n3A_155 = arith.select %and3A_153, %add3A_154, %rem3A_146 : i32
      %mul3A_156 = arith.constant 128 : i32
      %mul3A_157 = arith.muli %select_n3A_155, %mul3A_156 : i32
      %mul3A_158 = arith.constant 128 : i32
      %mul3A_159 = arith.muli %add3A_125, %mul3A_158 : i32
      %dma_start3A_160 = tpu.memref_slice %arg6[%mul3A_159] : memref<4096xf32, #tpu.memory_space<vmem>> -> memref<128xf32, #tpu.memory_space<vmem>>
      %dma_start3A_161 = tpu.memref_slice %arg5[%select_n3A, %mul3A_157] : memref<8x512xi32, #tpu.memory_space<vmem>> -> memref<1x128xi32, #tpu.memory_space<vmem>>
      %dma_start3A_162 = tpu.memref_squeeze %dma_start3A_161 : memref<1x128xi32, #tpu.memory_space<vmem>> -> memref<128xi32, #tpu.memory_space<vmem>>
      %dma_start3A_163 = arith.constant 0 : i32
      %dma_start3A_164 = tpu.memref_slice %arg3[%scan3A_104, %dma_start3A_163] : memref<1x800000xf32, #tpu.memory_space<hbm>> -> memref<1x800000xf32, #tpu.memory_space<hbm>>
      %dma_start3A_165 = tpu.memref_squeeze %dma_start3A_164 : memref<1x800000xf32, #tpu.memory_space<hbm>> -> memref<800000xf32, #tpu.memory_space<hbm>>
      %dma_start3A_166 = arith.constant 0 : i32
      %dma_start3A_167 = tpu.memref_slice %dma_start3A_165[%dma_start3A_166] : memref<800000xf32, #tpu.memory_space<hbm>> -> memref<800000xf32, #tpu.memory_space<hbm>>
      tpu.enqueue_indirect_dma source(%dma_start3A_167 : memref<800000xf32, #tpu.memory_space<hbm>>) target(%dma_start3A_160 : memref<128xf32, #tpu.memory_space<vmem>>) offsets(%dma_start3A_162 : memref<128xi32, #tpu.memory_space<vmem>>) semaphore(%arg8 : memref<!tpu.dma_semaphore, #tpu.memory_space<semaphore_mem>>)
      %jit3A_168 = arith.constant 4 : i32
      %div3A_169 = arith.divsi %scan3A_123, %jit3A_168 : i32
      %sign3A_170 = arith.constant 0 : i32
      %sign3A_171 = arith.cmpi sgt, %scan3A_123, %sign3A_170 : i32
      %sign3A_172 = arith.extui %sign3A_171 : i1 to i32
      %sign3A_173 = arith.constant 0 : i32
      %sign3A_174 = arith.cmpi slt, %scan3A_123, %sign3A_173 : i32
      %sign3A_175 = arith.extui %sign3A_174 : i1 to i32
      %sign3A_176 = arith.subi %sign3A_172, %sign3A_175 : i32
      %sign3A_177 = arith.constant 0 : i32
      %sign3A_178 = arith.cmpi sgt, %jit3A_168, %sign3A_177 : i32
      %sign3A_179 = arith.extui %sign3A_178 : i1 to i32
      %sign3A_180 = arith.constant 0 : i32
      %sign3A_181 = arith.cmpi slt, %jit3A_168, %sign3A_180 : i32
      %sign3A_182 = arith.extui %sign3A_181 : i1 to i32
      %sign3A_183 = arith.subi %sign3A_179, %sign3A_182 : i32
      %ne3A_184 = arith.cmpi ne, %sign3A_176, %sign3A_183 : i32
      %rem3A_185 = arith.remsi %scan3A_123, %jit3A_168 : i32
      %ne3A_186 = arith.constant 0 : i32
      %ne3A_187 = arith.cmpi ne, %rem3A_185, %ne3A_186 : i32
      %and3A_188 = arith.andi %ne3A_184, %ne3A_187 : i1
      %sub3A_189 = arith.constant 1 : i32
      %sub3A_190 = arith.subi %div3A_169, %sub3A_189 : i32
      %select_n3A_191 = arith.select %and3A_188, %sub3A_190, %div3A_169 : i32
      %jit3A_192 = arith.constant 4 : i32
      %eq3A_193 = arith.constant 0 : i32
      %eq3A_194 = arith.cmpi eq, %jit3A_192, %eq3A_193 : i32
      %jit3A_195 = arith.constant 1 : i32
      %select_n3A_196 = arith.select %eq3A_194, %jit3A_195, %jit3A_192 : i32
      %rem3A_197 = arith.remsi %scan3A_123, %select_n3A_196 : i32
      %ne3A_198 = arith.constant 0 : i32
      %ne3A_199 = arith.cmpi ne, %rem3A_197, %ne3A_198 : i32
      %lt3A_200 = arith.constant 0 : i32
      %lt3A_201 = arith.cmpi slt, %rem3A_197, %lt3A_200 : i32
      %lt3A_202 = arith.constant 0 : i32
      %lt3A_203 = arith.cmpi slt, %select_n3A_196, %lt3A_202 : i32
      %ne3A_204 = arith.xori %lt3A_201, %lt3A_203 : i1
      %and3A_205 = arith.andi %ne3A_204, %ne3A_199 : i1
      %add3A_206 = arith.addi %rem3A_197, %select_n3A_196 : i32
      %select_n3A_207 = arith.select %and3A_205, %add3A_206, %rem3A_197 : i32
      %mul3A_208 = arith.constant 128 : i32
      %mul3A_209 = arith.muli %select_n3A_207, %mul3A_208 : i32
      %mul3A_210 = arith.constant 128 : i32
      %mul3A_211 = arith.muli %scan3A_123, %mul3A_210 : i32
      %dma_wait3A = tpu.memref_slice %arg6[%mul3A_211] : memref<4096xf32, #tpu.memory_space<vmem>> -> memref<128xf32, #tpu.memory_space<vmem>>
      %dma_wait3A_212 = tpu.memref_slice %arg5[%select_n3A_191, %mul3A_209] : memref<8x512xi32, #tpu.memory_space<vmem>> -> memref<1x128xi32, #tpu.memory_space<vmem>>
      %dma_wait3A_213 = tpu.memref_squeeze %dma_wait3A_212 : memref<1x128xi32, #tpu.memory_space<vmem>> -> memref<128xi32, #tpu.memory_space<vmem>>
      %dma_wait3A_214 = arith.constant 0 : i32
      %dma_wait3A_215 = tpu.memref_slice %arg3[%scan3A_104, %dma_wait3A_214] : memref<1x800000xf32, #tpu.memory_space<hbm>> -> memref<1x800000xf32, #tpu.memory_space<hbm>>
      %dma_wait3A_216 = tpu.memref_squeeze %dma_wait3A_215 : memref<1x800000xf32, #tpu.memory_space<hbm>> -> memref<800000xf32, #tpu.memory_space<hbm>>
      %dma_wait3A_217 = arith.constant 0 : i32
      %dma_wait3A_218 = tpu.memref_slice %dma_wait3A_216[%dma_wait3A_217] : memref<800000xf32, #tpu.memory_space<hbm>> -> memref<800000xf32, #tpu.memory_space<hbm>>
      tpu.wait_indirect_dma semaphore(%arg8 : memref<!tpu.dma_semaphore, #tpu.memory_space<semaphore_mem>>) src(%dma_wait3A_218 : memref<800000xf32, #tpu.memory_space<hbm>>) dst(%dma_wait3A : memref<128xf32, #tpu.memory_space<vmem>>)
    }
    %scan3A_109 = arith.constant 24 : i32
    %scan3A_110 = arith.constant 0 : i32
    %scan3A_111 = arith.constant 0 : i32
    %scan3A_112 = arith.constant 24 : i32
    %scan3A_113 = arith.constant 8 : i32
    %scan3A_114 = arith.addi %scan3A_112, %scan3A_113 : i32
    %scan3A_115 = arith.constant 1 : i32
    scf.for %scan3A_123 = %scan3A_112 to %scan3A_114 step %scan3A_115  : i32 {
      %jit3A = arith.constant 4 : i32
      %div3A = arith.divsi %scan3A_123, %jit3A : i32
      %sign3A = arith.constant 0 : i32
      %sign3A_124 = arith.cmpi sgt, %scan3A_123, %sign3A : i32
      %sign3A_125 = arith.extui %sign3A_124 : i1 to i32
      %sign3A_126 = arith.constant 0 : i32
      %sign3A_127 = arith.cmpi slt, %scan3A_123, %sign3A_126 : i32
      %sign3A_128 = arith.extui %sign3A_127 : i1 to i32
      %sign3A_129 = arith.subi %sign3A_125, %sign3A_128 : i32
      %sign3A_130 = arith.constant 0 : i32
      %sign3A_131 = arith.cmpi sgt, %jit3A, %sign3A_130 : i32
      %sign3A_132 = arith.extui %sign3A_131 : i1 to i32
      %sign3A_133 = arith.constant 0 : i32
      %sign3A_134 = arith.cmpi slt, %jit3A, %sign3A_133 : i32
      %sign3A_135 = arith.extui %sign3A_134 : i1 to i32
      %sign3A_136 = arith.subi %sign3A_132, %sign3A_135 : i32
      %ne3A = arith.cmpi ne, %sign3A_129, %sign3A_136 : i32
      %rem3A = arith.remsi %scan3A_123, %jit3A : i32
      %ne3A_137 = arith.constant 0 : i32
      %ne3A_138 = arith.cmpi ne, %rem3A, %ne3A_137 : i32
      %and3A = arith.andi %ne3A, %ne3A_138 : i1
      %sub3A = arith.constant 1 : i32
      %sub3A_139 = arith.subi %div3A, %sub3A : i32
      %select_n3A = arith.select %and3A, %sub3A_139, %div3A : i32
      %jit3A_140 = arith.constant 4 : i32
      %eq3A = arith.constant 0 : i32
      %eq3A_141 = arith.cmpi eq, %jit3A_140, %eq3A : i32
      %jit3A_142 = arith.constant 1 : i32
      %select_n3A_143 = arith.select %eq3A_141, %jit3A_142, %jit3A_140 : i32
      %rem3A_144 = arith.remsi %scan3A_123, %select_n3A_143 : i32
      %ne3A_145 = arith.constant 0 : i32
      %ne3A_146 = arith.cmpi ne, %rem3A_144, %ne3A_145 : i32
      %lt3A = arith.constant 0 : i32
      %lt3A_147 = arith.cmpi slt, %rem3A_144, %lt3A : i32
      %lt3A_148 = arith.constant 0 : i32
      %lt3A_149 = arith.cmpi slt, %select_n3A_143, %lt3A_148 : i32
      %ne3A_150 = arith.xori %lt3A_147, %lt3A_149 : i1
      %and3A_151 = arith.andi %ne3A_150, %ne3A_146 : i1
      %add3A_152 = arith.addi %rem3A_144, %select_n3A_143 : i32
      %select_n3A_153 = arith.select %and3A_151, %add3A_152, %rem3A_144 : i32
      %mul3A_154 = arith.constant 128 : i32
      %mul3A_155 = arith.muli %select_n3A_153, %mul3A_154 : i32
      %mul3A_156 = arith.constant 128 : i32
      %mul3A_157 = arith.muli %scan3A_123, %mul3A_156 : i32
      %dma_wait3A = tpu.memref_slice %arg6[%mul3A_157] : memref<4096xf32, #tpu.memory_space<vmem>> -> memref<128xf32, #tpu.memory_space<vmem>>
      %dma_wait3A_158 = tpu.memref_slice %arg5[%select_n3A, %mul3A_155] : memref<8x512xi32, #tpu.memory_space<vmem>> -> memref<1x128xi32, #tpu.memory_space<vmem>>
      %dma_wait3A_159 = tpu.memref_squeeze %dma_wait3A_158 : memref<1x128xi32, #tpu.memory_space<vmem>> -> memref<128xi32, #tpu.memory_space<vmem>>
      %dma_wait3A_160 = arith.constant 0 : i32
      %dma_wait3A_161 = tpu.memref_slice %arg3[%scan3A_111, %dma_wait3A_160] : memref<1x800000xf32, #tpu.memory_space<hbm>> -> memref<1x800000xf32, #tpu.memory_space<hbm>>
      %dma_wait3A_162 = tpu.memref_squeeze %dma_wait3A_161 : memref<1x800000xf32, #tpu.memory_space<hbm>> -> memref<800000xf32, #tpu.memory_space<hbm>>
      %dma_wait3A_163 = arith.constant 0 : i32
      %dma_wait3A_164 = tpu.memref_slice %dma_wait3A_162[%dma_wait3A_163] : memref<800000xf32, #tpu.memory_space<hbm>> -> memref<800000xf32, #tpu.memory_space<hbm>>
      tpu.wait_indirect_dma semaphore(%arg8 : memref<!tpu.dma_semaphore, #tpu.memory_space<semaphore_mem>>) src(%dma_wait3A_164 : memref<800000xf32, #tpu.memory_space<hbm>>) dst(%dma_wait3A : memref<128xf32, #tpu.memory_space<vmem>>)
    }
    %scan3A_116 = arith.constant 8 : i32
    %scan3A_117 = arith.constant 0 : i32
    %scan3A_118 = arith.constant 0 : i32
    %scan3A_119 = arith.constant 32 : i32
    %scan3A_120 = arith.addi %scan3A_118, %scan3A_119 : i32
    %scan3A_121 = arith.constant 1 : i32
    scf.for %scan3A_123 = %scan3A_118 to %scan3A_120 step %scan3A_121  : i32 {
      %mul3A_124 = arith.constant 16 : i32
      %mul3A_125 = arith.muli %scan3A_123, %mul3A_124 : i32
      %get3A = arith.index_cast %mul3A_125 : i32 to index
      %get3A_126 = tpu.vector_load %arg6[%get3A] {strides = array<i32>} : memref<4096xf32, #tpu.memory_space<vmem>>, vector<16xf32>,
      %get3A_127 = vector.shape_cast %get3A_126 : vector<16xf32> to vector<16xf32>
      %mul3A_128 = arith.constant 16 : i32
      %mul3A_129 = arith.muli %scan3A_123, %mul3A_128 : i32
      %add3A_130 = arith.constant 512 : i32
      %add3A_131 = arith.addi %add3A_130, %mul3A_129 : i32
      %get3A_132 = arith.index_cast %add3A_131 : i32 to index
      %get3A_133 = tpu.vector_load %arg6[%get3A_132] {strides = array<i32>} : memref<4096xf32, #tpu.memory_space<vmem>>, vector<16xf32>,
      %get3A_134 = vector.shape_cast %get3A_133 : vector<16xf32> to vector<16xf32>
      %add3A_135 = arith.addf %get3A_127, %get3A_134 : vector<16xf32>
      %mul3A_136 = arith.constant 16 : i32
      %mul3A_137 = arith.muli %scan3A_123, %mul3A_136 : i32
      %add3A_138 = arith.constant 1024 : i32
      %add3A_139 = arith.addi %add3A_138, %mul3A_137 : i32
      %get3A_140 = arith.index_cast %add3A_139 : i32 to index
      %get3A_141 = tpu.vector_load %arg6[%get3A_140] {strides = array<i32>} : memref<4096xf32, #tpu.memory_space<vmem>>, vector<16xf32>,
      %get3A_142 = vector.shape_cast %get3A_141 : vector<16xf32> to vector<16xf32>
      %add3A_143 = arith.addf %add3A_135, %get3A_142 : vector<16xf32>
      %mul3A_144 = arith.constant 16 : i32
      %mul3A_145 = arith.muli %scan3A_123, %mul3A_144 : i32
      %add3A_146 = arith.constant 1536 : i32
      %add3A_147 = arith.addi %add3A_146, %mul3A_145 : i32
      %get3A_148 = arith.index_cast %add3A_147 : i32 to index
      %get3A_149 = tpu.vector_load %arg6[%get3A_148] {strides = array<i32>} : memref<4096xf32, #tpu.memory_space<vmem>>, vector<16xf32>,
      %get3A_150 = vector.shape_cast %get3A_149 : vector<16xf32> to vector<16xf32>
      %add3A_151 = arith.addf %add3A_143, %get3A_150 : vector<16xf32>
      %mul3A_152 = arith.constant 16 : i32
      %mul3A_153 = arith.muli %scan3A_123, %mul3A_152 : i32
      %add3A_154 = arith.constant 2048 : i32
      %add3A_155 = arith.addi %add3A_154, %mul3A_153 : i32
      %get3A_156 = arith.index_cast %add3A_155 : i32 to index
      %get3A_157 = tpu.vector_load %arg6[%get3A_156] {strides = array<i32>} : memref<4096xf32, #tpu.memory_space<vmem>>, vector<16xf32>,
      %get3A_158 = vector.shape_cast %get3A_157 : vector<16xf32> to vector<16xf32>
      %add3A_159 = arith.addf %add3A_151, %get3A_158 : vector<16xf32>
      %mul3A_160 = arith.constant 16 : i32
      %mul3A_161 = arith.muli %scan3A_123, %mul3A_160 : i32
      %add3A_162 = arith.constant 2560 : i32
      %add3A_163 = arith.addi %add3A_162, %mul3A_161 : i32
      %get3A_164 = arith.index_cast %add3A_163 : i32 to index
      %get3A_165 = tpu.vector_load %arg6[%get3A_164] {strides = array<i32>} : memref<4096xf32, #tpu.memory_space<vmem>>, vector<16xf32>,
      %get3A_166 = vector.shape_cast %get3A_165 : vector<16xf32> to vector<16xf32>
      %add3A_167 = arith.addf %add3A_159, %get3A_166 : vector<16xf32>
      %mul3A_168 = arith.constant 16 : i32
      %mul3A_169 = arith.muli %scan3A_123, %mul3A_168 : i32
      %add3A_170 = arith.constant 3072 : i32
      %add3A_171 = arith.addi %add3A_170, %mul3A_169 : i32
      %get3A_172 = arith.index_cast %add3A_171 : i32 to index
      %get3A_173 = tpu.vector_load %arg6[%get3A_172] {strides = array<i32>} : memref<4096xf32, #tpu.memory_space<vmem>>, vector<16xf32>,
      %get3A_174 = vector.shape_cast %get3A_173 : vector<16xf32> to vector<16xf32>
      %add3A_175 = arith.addf %add3A_167, %get3A_174 : vector<16xf32>
      %mul3A_176 = arith.constant 16 : i32
      %mul3A_177 = arith.muli %scan3A_123, %mul3A_176 : i32
      %add3A_178 = arith.constant 3584 : i32
      %add3A_179 = arith.addi %add3A_178, %mul3A_177 : i32
      %get3A_180 = arith.index_cast %add3A_179 : i32 to index
      %get3A_181 = tpu.vector_load %arg6[%get3A_180] {strides = array<i32>} : memref<4096xf32, #tpu.memory_space<vmem>>, vector<16xf32>,
      %get3A_182 = vector.shape_cast %get3A_181 : vector<16xf32> to vector<16xf32>
      %add3A_183 = arith.addf %add3A_175, %get3A_182 : vector<16xf32>
      %mul3A_184 = arith.constant 16 : i32
      %mul3A_185 = arith.muli %scan3A_123, %mul3A_184 : i32
      %swap3A = arith.index_cast %mul3A_185 : i32 to index
      %swap3A_186 = tpu.vector_load %arg7[%swap3A] {strides = array<i32>} : memref<512xf32, #tpu.memory_space<vmem>>, vector<16xf32>,
      %swap3A_187 = vector.shape_cast %swap3A_186 : vector<16xf32> to vector<16xf32>
      %swap3A_188 = vector.shape_cast %add3A_183 : vector<16xf32> to vector<16xf32>
      tpu.vector_store %arg7[%swap3A], %swap3A_188 {strides = array<i32>} : memref<512xf32, #tpu.memory_space<vmem>>, vector<16xf32>,
    }
    %scan3A_122 = arith.constant 32 : i32
    "tpu.region"() ({
      %run_scoped3A = tpu.sem_alloc : memref<!tpu.dma_semaphore, #tpu.memory_space<semaphore_mem>>
      %dma_start3A_123 = tpu.memref_slice %arg4[%mul3A_2] : memref<16384xf32, #tpu.memory_space<hbm>> -> memref<512xf32, #tpu.memory_space<hbm>>
      %dma_start3A_124 = tpu.memref_slice %arg4[%mul3A_2] : memref<16384xf32, #tpu.memory_space<hbm>> -> memref<512xf32, #tpu.memory_space<hbm>>
      tpu.enqueue_dma source(%arg7 : memref<512xf32, #tpu.memory_space<vmem>>) target(%dma_start3A_124 : memref<512xf32, #tpu.memory_space<hbm>>) target_semaphore(%run_scoped3A : memref<!tpu.dma_semaphore, #tpu.memory_space<semaphore_mem>>)
      %dma_wait3A = tpu.memref_slice %arg4[%mul3A_2] : memref<16384xf32, #tpu.memory_space<hbm>> -> memref<512xf32, #tpu.memory_space<hbm>>
      %dma_wait3A_125 = tpu.memref_slice %arg4[%mul3A_2] : memref<16384xf32, #tpu.memory_space<hbm>> -> memref<512xf32, #tpu.memory_space<hbm>>
      tpu.wait_dma2 semaphore(%run_scoped3A : memref<!tpu.dma_semaphore, #tpu.memory_space<semaphore_mem>>) src(%arg7 : memref<512xf32, #tpu.memory_space<vmem>>) dst(%dma_wait3A_125 : memref<512xf32, #tpu.memory_space<hbm>>)
      tpu.yield
    }) : () -> ()
    return
  }
}

#map = affine_map<(d0, d1) -> (0, 0)>
#map1 = affine_map<(d0, d1) -> (0)>
module attributes {stable_mosaic.version = 14 : i64} {
  func.func @emb_gather_f20_26(%arg0: i32, %arg1: i32, %arg2: memref<26x16384xi32, #tpu.memory_space<hbm>>, %arg3: memref<1x600000xf32, #tpu.memory_space<hbm>>, %arg4: memref<16384xf32, #tpu.memory_space<hbm>>, %arg5: memref<6x512xi32, #tpu.memory_space<vmem>>, %arg6: memref<3072xf32, #tpu.memory_space<vmem>>, %arg7: memref<512xf32, #tpu.memory_space<vmem>>, %arg8: memref<!tpu.dma_semaphore, #tpu.memory_space<semaphore_mem>>) attributes {dimension_semantics = [#tpu.dimension_semantics<core_parallel>, #tpu.dimension_semantics<subcore_parallel>], iteration_bounds = array<i64: 2, 16>, scalar_prefetch = 0 : i64, scratch_operands = 4 : i64, tpu.core_type = #tpu.core_type<sc_vector_subcore>, window_params = [{transform_indices = #map}, {transform_indices = #map}, {transform_indices = #map1}]} {
    %mul3A = arith.constant 2 : i32
    %mul3A_0 = arith.muli %arg1, %mul3A : i32
    %add3A = arith.addi %mul3A_0, %arg0 : i32
    %mul3A_1 = arith.constant 512 : i32
    %mul3A_2 = arith.muli %add3A, %mul3A_1 : i32
    "tpu.region"() ({
      %run_scoped3A = tpu.sem_alloc : memref<!tpu.dma_semaphore, #tpu.memory_space<semaphore_mem>>
      %dma_start3A_123 = arith.constant 20 : i32
      %dma_start3A_124 = tpu.memref_slice %arg2[%dma_start3A_123, %mul3A_2] : memref<26x16384xi32, #tpu.memory_space<hbm>> -> memref<6x512xi32, #tpu.memory_space<hbm>>
      %dma_start3A_125 = arith.constant 20 : i32
      %dma_start3A_126 = tpu.memref_slice %arg2[%dma_start3A_125, %mul3A_2] : memref<26x16384xi32, #tpu.memory_space<hbm>> -> memref<6x512xi32, #tpu.memory_space<hbm>>
      tpu.enqueue_dma source(%dma_start3A_126 : memref<6x512xi32, #tpu.memory_space<hbm>>) target(%arg5 : memref<6x512xi32, #tpu.memory_space<vmem>>) target_semaphore(%run_scoped3A : memref<!tpu.dma_semaphore, #tpu.memory_space<semaphore_mem>>)
      %dma_wait3A = arith.constant 20 : i32
      %dma_wait3A_127 = tpu.memref_slice %arg2[%dma_wait3A, %mul3A_2] : memref<26x16384xi32, #tpu.memory_space<hbm>> -> memref<6x512xi32, #tpu.memory_space<hbm>>
      %dma_wait3A_128 = arith.constant 20 : i32
      %dma_wait3A_129 = tpu.memref_slice %arg2[%dma_wait3A_128, %mul3A_2] : memref<26x16384xi32, #tpu.memory_space<hbm>> -> memref<6x512xi32, #tpu.memory_space<hbm>>
      tpu.wait_dma2 semaphore(%run_scoped3A : memref<!tpu.dma_semaphore, #tpu.memory_space<semaphore_mem>>) src(%dma_wait3A_129 : memref<6x512xi32, #tpu.memory_space<hbm>>) dst(%arg5 : memref<6x512xi32, #tpu.memory_space<vmem>>)
      tpu.yield
    }) : () -> ()
    %scan3A = arith.constant 0 : i32
    %scan3A_3 = arith.constant 0 : i32
    %scan3A_4 = arith.constant 6 : i32
    %scan3A_5 = arith.addi %scan3A_3, %scan3A_4 : i32
    %scan3A_6 = arith.constant 1 : i32
    scf.for %scan3A_123 = %scan3A_3 to %scan3A_5 step %scan3A_6  : i32 {
      %add3A_124 = arith.constant 20 : i32
      %add3A_125 = arith.addi %add3A_124, %scan3A_123 : i32
      %mul3A_126 = arith.constant 100000 : i32
      %mul3A_127 = arith.muli %add3A_125, %mul3A_126 : i32
      %sub3A = arith.constant 2000000 : i32
      %sub3A_128 = arith.subi %mul3A_127, %sub3A : i32
      %get3A = arith.index_cast %scan3A_123 : i32 to index
      %get3A_129 = arith.constant 0 : index
      %get3A_130 = tpu.vector_load %arg5[%get3A, %get3A_129] {strides = array<i32>} : memref<6x512xi32, #tpu.memory_space<vmem>>, vector<1x16xi32>,
      %get3A_131 = vector.shape_cast %get3A_130 : vector<1x16xi32> to vector<16xi32>
      %add3A_132 = vector.broadcast %sub3A_128 : i32 to vector<16xi32>
      %add3A_133 = arith.addi %get3A_131, %add3A_132 : vector<16xi32>
      %swap3A = arith.index_cast %scan3A_123 : i32 to index
      %swap3A_134 = arith.constant 0 : index
      %swap3A_135 = tpu.vector_load %arg5[%swap3A, %swap3A_134] {strides = array<i32>} : memref<6x512xi32, #tpu.memory_space<vmem>>, vector<1x16xi32>,
      %swap3A_136 = vector.shape_cast %swap3A_135 : vector<1x16xi32> to vector<16xi32>
      %swap3A_137 = vector.shape_cast %add3A_133 : vector<16xi32> to vector<1x16xi32>
      tpu.vector_store %arg5[%swap3A, %swap3A_134], %swap3A_137 {strides = array<i32>} : memref<6x512xi32, #tpu.memory_space<vmem>>, vector<1x16xi32>,
      %get3A_138 = arith.index_cast %scan3A_123 : i32 to index
      %get3A_139 = arith.constant 16 : index
      %get3A_140 = tpu.vector_load %arg5[%get3A_138, %get3A_139] {strides = array<i32>} : memref<6x512xi32, #tpu.memory_space<vmem>>, vector<1x16xi32>,
      %get3A_141 = vector.shape_cast %get3A_140 : vector<1x16xi32> to vector<16xi32>
      %add3A_142 = vector.broadcast %sub3A_128 : i32 to vector<16xi32>
      %add3A_143 = arith.addi %get3A_141, %add3A_142 : vector<16xi32>
      %swap3A_144 = arith.index_cast %scan3A_123 : i32 to index
      %swap3A_145 = arith.constant 16 : index
      %swap3A_146 = tpu.vector_load %arg5[%swap3A_144, %swap3A_145] {strides = array<i32>} : memref<6x512xi32, #tpu.memory_space<vmem>>, vector<1x16xi32>,
      %swap3A_147 = vector.shape_cast %swap3A_146 : vector<1x16xi32> to vector<16xi32>
      %swap3A_148 = vector.shape_cast %add3A_143 : vector<16xi32> to vector<1x16xi32>
      tpu.vector_store %arg5[%swap3A_144, %swap3A_145], %swap3A_148 {strides = array<i32>} : memref<6x512xi32, #tpu.memory_space<vmem>>, vector<1x16xi32>,
      %get3A_149 = arith.index_cast %scan3A_123 : i32 to index
      %get3A_150 = arith.constant 32 : index
      %get3A_151 = tpu.vector_load %arg5[%get3A_149, %get3A_150] {strides = array<i32>} : memref<6x512xi32, #tpu.memory_space<vmem>>, vector<1x16xi32>,
      %get3A_152 = vector.shape_cast %get3A_151 : vector<1x16xi32> to vector<16xi32>
      %add3A_153 = vector.broadcast %sub3A_128 : i32 to vector<16xi32>
      %add3A_154 = arith.addi %get3A_152, %add3A_153 : vector<16xi32>
      %swap3A_155 = arith.index_cast %scan3A_123 : i32 to index
      %swap3A_156 = arith.constant 32 : index
      %swap3A_157 = tpu.vector_load %arg5[%swap3A_155, %swap3A_156] {strides = array<i32>} : memref<6x512xi32, #tpu.memory_space<vmem>>, vector<1x16xi32>,
      %swap3A_158 = vector.shape_cast %swap3A_157 : vector<1x16xi32> to vector<16xi32>
      %swap3A_159 = vector.shape_cast %add3A_154 : vector<16xi32> to vector<1x16xi32>
      tpu.vector_store %arg5[%swap3A_155, %swap3A_156], %swap3A_159 {strides = array<i32>} : memref<6x512xi32, #tpu.memory_space<vmem>>, vector<1x16xi32>,
      %get3A_160 = arith.index_cast %scan3A_123 : i32 to index
      %get3A_161 = arith.constant 48 : index
      %get3A_162 = tpu.vector_load %arg5[%get3A_160, %get3A_161] {strides = array<i32>} : memref<6x512xi32, #tpu.memory_space<vmem>>, vector<1x16xi32>,
      %get3A_163 = vector.shape_cast %get3A_162 : vector<1x16xi32> to vector<16xi32>
      %add3A_164 = vector.broadcast %sub3A_128 : i32 to vector<16xi32>
      %add3A_165 = arith.addi %get3A_163, %add3A_164 : vector<16xi32>
      %swap3A_166 = arith.index_cast %scan3A_123 : i32 to index
      %swap3A_167 = arith.constant 48 : index
      %swap3A_168 = tpu.vector_load %arg5[%swap3A_166, %swap3A_167] {strides = array<i32>} : memref<6x512xi32, #tpu.memory_space<vmem>>, vector<1x16xi32>,
      %swap3A_169 = vector.shape_cast %swap3A_168 : vector<1x16xi32> to vector<16xi32>
      %swap3A_170 = vector.shape_cast %add3A_165 : vector<16xi32> to vector<1x16xi32>
      tpu.vector_store %arg5[%swap3A_166, %swap3A_167], %swap3A_170 {strides = array<i32>} : memref<6x512xi32, #tpu.memory_space<vmem>>, vector<1x16xi32>,
      %get3A_171 = arith.index_cast %scan3A_123 : i32 to index
      %get3A_172 = arith.constant 64 : index
      %get3A_173 = tpu.vector_load %arg5[%get3A_171, %get3A_172] {strides = array<i32>} : memref<6x512xi32, #tpu.memory_space<vmem>>, vector<1x16xi32>,
      %get3A_174 = vector.shape_cast %get3A_173 : vector<1x16xi32> to vector<16xi32>
      %add3A_175 = vector.broadcast %sub3A_128 : i32 to vector<16xi32>
      %add3A_176 = arith.addi %get3A_174, %add3A_175 : vector<16xi32>
      %swap3A_177 = arith.index_cast %scan3A_123 : i32 to index
      %swap3A_178 = arith.constant 64 : index
      %swap3A_179 = tpu.vector_load %arg5[%swap3A_177, %swap3A_178] {strides = array<i32>} : memref<6x512xi32, #tpu.memory_space<vmem>>, vector<1x16xi32>,
      %swap3A_180 = vector.shape_cast %swap3A_179 : vector<1x16xi32> to vector<16xi32>
      %swap3A_181 = vector.shape_cast %add3A_176 : vector<16xi32> to vector<1x16xi32>
      tpu.vector_store %arg5[%swap3A_177, %swap3A_178], %swap3A_181 {strides = array<i32>} : memref<6x512xi32, #tpu.memory_space<vmem>>, vector<1x16xi32>,
      %get3A_182 = arith.index_cast %scan3A_123 : i32 to index
      %get3A_183 = arith.constant 80 : index
      %get3A_184 = tpu.vector_load %arg5[%get3A_182, %get3A_183] {strides = array<i32>} : memref<6x512xi32, #tpu.memory_space<vmem>>, vector<1x16xi32>,
      %get3A_185 = vector.shape_cast %get3A_184 : vector<1x16xi32> to vector<16xi32>
      %add3A_186 = vector.broadcast %sub3A_128 : i32 to vector<16xi32>
      %add3A_187 = arith.addi %get3A_185, %add3A_186 : vector<16xi32>
      %swap3A_188 = arith.index_cast %scan3A_123 : i32 to index
      %swap3A_189 = arith.constant 80 : index
      %swap3A_190 = tpu.vector_load %arg5[%swap3A_188, %swap3A_189] {strides = array<i32>} : memref<6x512xi32, #tpu.memory_space<vmem>>, vector<1x16xi32>,
      %swap3A_191 = vector.shape_cast %swap3A_190 : vector<1x16xi32> to vector<16xi32>
      %swap3A_192 = vector.shape_cast %add3A_187 : vector<16xi32> to vector<1x16xi32>
      tpu.vector_store %arg5[%swap3A_188, %swap3A_189], %swap3A_192 {strides = array<i32>} : memref<6x512xi32, #tpu.memory_space<vmem>>, vector<1x16xi32>,
      %get3A_193 = arith.index_cast %scan3A_123 : i32 to index
      %get3A_194 = arith.constant 96 : index
      %get3A_195 = tpu.vector_load %arg5[%get3A_193, %get3A_194] {strides = array<i32>} : memref<6x512xi32, #tpu.memory_space<vmem>>, vector<1x16xi32>,
      %get3A_196 = vector.shape_cast %get3A_195 : vector<1x16xi32> to vector<16xi32>
      %add3A_197 = vector.broadcast %sub3A_128 : i32 to vector<16xi32>
      %add3A_198 = arith.addi %get3A_196, %add3A_197 : vector<16xi32>
      %swap3A_199 = arith.index_cast %scan3A_123 : i32 to index
      %swap3A_200 = arith.constant 96 : index
      %swap3A_201 = tpu.vector_load %arg5[%swap3A_199, %swap3A_200] {strides = array<i32>} : memref<6x512xi32, #tpu.memory_space<vmem>>, vector<1x16xi32>,
      %swap3A_202 = vector.shape_cast %swap3A_201 : vector<1x16xi32> to vector<16xi32>
      %swap3A_203 = vector.shape_cast %add3A_198 : vector<16xi32> to vector<1x16xi32>
      tpu.vector_store %arg5[%swap3A_199, %swap3A_200], %swap3A_203 {strides = array<i32>} : memref<6x512xi32, #tpu.memory_space<vmem>>, vector<1x16xi32>,
      %get3A_204 = arith.index_cast %scan3A_123 : i32 to index
      %get3A_205 = arith.constant 112 : index
      %get3A_206 = tpu.vector_load %arg5[%get3A_204, %get3A_205] {strides = array<i32>} : memref<6x512xi32, #tpu.memory_space<vmem>>, vector<1x16xi32>,
      %get3A_207 = vector.shape_cast %get3A_206 : vector<1x16xi32> to vector<16xi32>
      %add3A_208 = vector.broadcast %sub3A_128 : i32 to vector<16xi32>
      %add3A_209 = arith.addi %get3A_207, %add3A_208 : vector<16xi32>
      %swap3A_210 = arith.index_cast %scan3A_123 : i32 to index
      %swap3A_211 = arith.constant 112 : index
      %swap3A_212 = tpu.vector_load %arg5[%swap3A_210, %swap3A_211] {strides = array<i32>} : memref<6x512xi32, #tpu.memory_space<vmem>>, vector<1x16xi32>,
      %swap3A_213 = vector.shape_cast %swap3A_212 : vector<1x16xi32> to vector<16xi32>
      %swap3A_214 = vector.shape_cast %add3A_209 : vector<16xi32> to vector<1x16xi32>
      tpu.vector_store %arg5[%swap3A_210, %swap3A_211], %swap3A_214 {strides = array<i32>} : memref<6x512xi32, #tpu.memory_space<vmem>>, vector<1x16xi32>,
      %get3A_215 = arith.index_cast %scan3A_123 : i32 to index
      %get3A_216 = arith.constant 128 : index
      %get3A_217 = tpu.vector_load %arg5[%get3A_215, %get3A_216] {strides = array<i32>} : memref<6x512xi32, #tpu.memory_space<vmem>>, vector<1x16xi32>,
      %get3A_218 = vector.shape_cast %get3A_217 : vector<1x16xi32> to vector<16xi32>
      %add3A_219 = vector.broadcast %sub3A_128 : i32 to vector<16xi32>
      %add3A_220 = arith.addi %get3A_218, %add3A_219 : vector<16xi32>
      %swap3A_221 = arith.index_cast %scan3A_123 : i32 to index
      %swap3A_222 = arith.constant 128 : index
      %swap3A_223 = tpu.vector_load %arg5[%swap3A_221, %swap3A_222] {strides = array<i32>} : memref<6x512xi32, #tpu.memory_space<vmem>>, vector<1x16xi32>,
      %swap3A_224 = vector.shape_cast %swap3A_223 : vector<1x16xi32> to vector<16xi32>
      %swap3A_225 = vector.shape_cast %add3A_220 : vector<16xi32> to vector<1x16xi32>
      tpu.vector_store %arg5[%swap3A_221, %swap3A_222], %swap3A_225 {strides = array<i32>} : memref<6x512xi32, #tpu.memory_space<vmem>>, vector<1x16xi32>,
      %get3A_226 = arith.index_cast %scan3A_123 : i32 to index
      %get3A_227 = arith.constant 144 : index
      %get3A_228 = tpu.vector_load %arg5[%get3A_226, %get3A_227] {strides = array<i32>} : memref<6x512xi32, #tpu.memory_space<vmem>>, vector<1x16xi32>,
      %get3A_229 = vector.shape_cast %get3A_228 : vector<1x16xi32> to vector<16xi32>
      %add3A_230 = vector.broadcast %sub3A_128 : i32 to vector<16xi32>
      %add3A_231 = arith.addi %get3A_229, %add3A_230 : vector<16xi32>
      %swap3A_232 = arith.index_cast %scan3A_123 : i32 to index
      %swap3A_233 = arith.constant 144 : index
      %swap3A_234 = tpu.vector_load %arg5[%swap3A_232, %swap3A_233] {strides = array<i32>} : memref<6x512xi32, #tpu.memory_space<vmem>>, vector<1x16xi32>,
      %swap3A_235 = vector.shape_cast %swap3A_234 : vector<1x16xi32> to vector<16xi32>
      %swap3A_236 = vector.shape_cast %add3A_231 : vector<16xi32> to vector<1x16xi32>
      tpu.vector_store %arg5[%swap3A_232, %swap3A_233], %swap3A_236 {strides = array<i32>} : memref<6x512xi32, #tpu.memory_space<vmem>>, vector<1x16xi32>,
      %get3A_237 = arith.index_cast %scan3A_123 : i32 to index
      %get3A_238 = arith.constant 160 : index
      %get3A_239 = tpu.vector_load %arg5[%get3A_237, %get3A_238] {strides = array<i32>} : memref<6x512xi32, #tpu.memory_space<vmem>>, vector<1x16xi32>,
      %get3A_240 = vector.shape_cast %get3A_239 : vector<1x16xi32> to vector<16xi32>
      %add3A_241 = vector.broadcast %sub3A_128 : i32 to vector<16xi32>
      %add3A_242 = arith.addi %get3A_240, %add3A_241 : vector<16xi32>
      %swap3A_243 = arith.index_cast %scan3A_123 : i32 to index
      %swap3A_244 = arith.constant 160 : index
      %swap3A_245 = tpu.vector_load %arg5[%swap3A_243, %swap3A_244] {strides = array<i32>} : memref<6x512xi32, #tpu.memory_space<vmem>>, vector<1x16xi32>,
      %swap3A_246 = vector.shape_cast %swap3A_245 : vector<1x16xi32> to vector<16xi32>
      %swap3A_247 = vector.shape_cast %add3A_242 : vector<16xi32> to vector<1x16xi32>
      tpu.vector_store %arg5[%swap3A_243, %swap3A_244], %swap3A_247 {strides = array<i32>} : memref<6x512xi32, #tpu.memory_space<vmem>>, vector<1x16xi32>,
      %get3A_248 = arith.index_cast %scan3A_123 : i32 to index
      %get3A_249 = arith.constant 176 : index
      %get3A_250 = tpu.vector_load %arg5[%get3A_248, %get3A_249] {strides = array<i32>} : memref<6x512xi32, #tpu.memory_space<vmem>>, vector<1x16xi32>,
      %get3A_251 = vector.shape_cast %get3A_250 : vector<1x16xi32> to vector<16xi32>
      %add3A_252 = vector.broadcast %sub3A_128 : i32 to vector<16xi32>
      %add3A_253 = arith.addi %get3A_251, %add3A_252 : vector<16xi32>
      %swap3A_254 = arith.index_cast %scan3A_123 : i32 to index
      %swap3A_255 = arith.constant 176 : index
      %swap3A_256 = tpu.vector_load %arg5[%swap3A_254, %swap3A_255] {strides = array<i32>} : memref<6x512xi32, #tpu.memory_space<vmem>>, vector<1x16xi32>,
      %swap3A_257 = vector.shape_cast %swap3A_256 : vector<1x16xi32> to vector<16xi32>
      %swap3A_258 = vector.shape_cast %add3A_253 : vector<16xi32> to vector<1x16xi32>
      tpu.vector_store %arg5[%swap3A_254, %swap3A_255], %swap3A_258 {strides = array<i32>} : memref<6x512xi32, #tpu.memory_space<vmem>>, vector<1x16xi32>,
      %get3A_259 = arith.index_cast %scan3A_123 : i32 to index
      %get3A_260 = arith.constant 192 : index
      %get3A_261 = tpu.vector_load %arg5[%get3A_259, %get3A_260] {strides = array<i32>} : memref<6x512xi32, #tpu.memory_space<vmem>>, vector<1x16xi32>,
      %get3A_262 = vector.shape_cast %get3A_261 : vector<1x16xi32> to vector<16xi32>
      %add3A_263 = vector.broadcast %sub3A_128 : i32 to vector<16xi32>
      %add3A_264 = arith.addi %get3A_262, %add3A_263 : vector<16xi32>
      %swap3A_265 = arith.index_cast %scan3A_123 : i32 to index
      %swap3A_266 = arith.constant 192 : index
      %swap3A_267 = tpu.vector_load %arg5[%swap3A_265, %swap3A_266] {strides = array<i32>} : memref<6x512xi32, #tpu.memory_space<vmem>>, vector<1x16xi32>,
      %swap3A_268 = vector.shape_cast %swap3A_267 : vector<1x16xi32> to vector<16xi32>
      %swap3A_269 = vector.shape_cast %add3A_264 : vector<16xi32> to vector<1x16xi32>
      tpu.vector_store %arg5[%swap3A_265, %swap3A_266], %swap3A_269 {strides = array<i32>} : memref<6x512xi32, #tpu.memory_space<vmem>>, vector<1x16xi32>,
      %get3A_270 = arith.index_cast %scan3A_123 : i32 to index
      %get3A_271 = arith.constant 208 : index
      %get3A_272 = tpu.vector_load %arg5[%get3A_270, %get3A_271] {strides = array<i32>} : memref<6x512xi32, #tpu.memory_space<vmem>>, vector<1x16xi32>,
      %get3A_273 = vector.shape_cast %get3A_272 : vector<1x16xi32> to vector<16xi32>
      %add3A_274 = vector.broadcast %sub3A_128 : i32 to vector<16xi32>
      %add3A_275 = arith.addi %get3A_273, %add3A_274 : vector<16xi32>
      %swap3A_276 = arith.index_cast %scan3A_123 : i32 to index
      %swap3A_277 = arith.constant 208 : index
      %swap3A_278 = tpu.vector_load %arg5[%swap3A_276, %swap3A_277] {strides = array<i32>} : memref<6x512xi32, #tpu.memory_space<vmem>>, vector<1x16xi32>,
      %swap3A_279 = vector.shape_cast %swap3A_278 : vector<1x16xi32> to vector<16xi32>
      %swap3A_280 = vector.shape_cast %add3A_275 : vector<16xi32> to vector<1x16xi32>
      tpu.vector_store %arg5[%swap3A_276, %swap3A_277], %swap3A_280 {strides = array<i32>} : memref<6x512xi32, #tpu.memory_space<vmem>>, vector<1x16xi32>,
      %get3A_281 = arith.index_cast %scan3A_123 : i32 to index
      %get3A_282 = arith.constant 224 : index
      %get3A_283 = tpu.vector_load %arg5[%get3A_281, %get3A_282] {strides = array<i32>} : memref<6x512xi32, #tpu.memory_space<vmem>>, vector<1x16xi32>,
      %get3A_284 = vector.shape_cast %get3A_283 : vector<1x16xi32> to vector<16xi32>
      %add3A_285 = vector.broadcast %sub3A_128 : i32 to vector<16xi32>
      %add3A_286 = arith.addi %get3A_284, %add3A_285 : vector<16xi32>
      %swap3A_287 = arith.index_cast %scan3A_123 : i32 to index
      %swap3A_288 = arith.constant 224 : index
      %swap3A_289 = tpu.vector_load %arg5[%swap3A_287, %swap3A_288] {strides = array<i32>} : memref<6x512xi32, #tpu.memory_space<vmem>>, vector<1x16xi32>,
      %swap3A_290 = vector.shape_cast %swap3A_289 : vector<1x16xi32> to vector<16xi32>
      %swap3A_291 = vector.shape_cast %add3A_286 : vector<16xi32> to vector<1x16xi32>
      tpu.vector_store %arg5[%swap3A_287, %swap3A_288], %swap3A_291 {strides = array<i32>} : memref<6x512xi32, #tpu.memory_space<vmem>>, vector<1x16xi32>,
      %get3A_292 = arith.index_cast %scan3A_123 : i32 to index
      %get3A_293 = arith.constant 240 : index
      %get3A_294 = tpu.vector_load %arg5[%get3A_292, %get3A_293] {strides = array<i32>} : memref<6x512xi32, #tpu.memory_space<vmem>>, vector<1x16xi32>,
      %get3A_295 = vector.shape_cast %get3A_294 : vector<1x16xi32> to vector<16xi32>
      %add3A_296 = vector.broadcast %sub3A_128 : i32 to vector<16xi32>
      %add3A_297 = arith.addi %get3A_295, %add3A_296 : vector<16xi32>
      %swap3A_298 = arith.index_cast %scan3A_123 : i32 to index
      %swap3A_299 = arith.constant 240 : index
      %swap3A_300 = tpu.vector_load %arg5[%swap3A_298, %swap3A_299] {strides = array<i32>} : memref<6x512xi32, #tpu.memory_space<vmem>>, vector<1x16xi32>,
      %swap3A_301 = vector.shape_cast %swap3A_300 : vector<1x16xi32> to vector<16xi32>
      %swap3A_302 = vector.shape_cast %add3A_297 : vector<16xi32> to vector<1x16xi32>
      tpu.vector_store %arg5[%swap3A_298, %swap3A_299], %swap3A_302 {strides = array<i32>} : memref<6x512xi32, #tpu.memory_space<vmem>>, vector<1x16xi32>,
      %get3A_303 = arith.index_cast %scan3A_123 : i32 to index
      %get3A_304 = arith.constant 256 : index
      %get3A_305 = tpu.vector_load %arg5[%get3A_303, %get3A_304] {strides = array<i32>} : memref<6x512xi32, #tpu.memory_space<vmem>>, vector<1x16xi32>,
      %get3A_306 = vector.shape_cast %get3A_305 : vector<1x16xi32> to vector<16xi32>
      %add3A_307 = vector.broadcast %sub3A_128 : i32 to vector<16xi32>
      %add3A_308 = arith.addi %get3A_306, %add3A_307 : vector<16xi32>
      %swap3A_309 = arith.index_cast %scan3A_123 : i32 to index
      %swap3A_310 = arith.constant 256 : index
      %swap3A_311 = tpu.vector_load %arg5[%swap3A_309, %swap3A_310] {strides = array<i32>} : memref<6x512xi32, #tpu.memory_space<vmem>>, vector<1x16xi32>,
      %swap3A_312 = vector.shape_cast %swap3A_311 : vector<1x16xi32> to vector<16xi32>
      %swap3A_313 = vector.shape_cast %add3A_308 : vector<16xi32> to vector<1x16xi32>
      tpu.vector_store %arg5[%swap3A_309, %swap3A_310], %swap3A_313 {strides = array<i32>} : memref<6x512xi32, #tpu.memory_space<vmem>>, vector<1x16xi32>,
      %get3A_314 = arith.index_cast %scan3A_123 : i32 to index
      %get3A_315 = arith.constant 272 : index
      %get3A_316 = tpu.vector_load %arg5[%get3A_314, %get3A_315] {strides = array<i32>} : memref<6x512xi32, #tpu.memory_space<vmem>>, vector<1x16xi32>,
      %get3A_317 = vector.shape_cast %get3A_316 : vector<1x16xi32> to vector<16xi32>
      %add3A_318 = vector.broadcast %sub3A_128 : i32 to vector<16xi32>
      %add3A_319 = arith.addi %get3A_317, %add3A_318 : vector<16xi32>
      %swap3A_320 = arith.index_cast %scan3A_123 : i32 to index
      %swap3A_321 = arith.constant 272 : index
      %swap3A_322 = tpu.vector_load %arg5[%swap3A_320, %swap3A_321] {strides = array<i32>} : memref<6x512xi32, #tpu.memory_space<vmem>>, vector<1x16xi32>,
      %swap3A_323 = vector.shape_cast %swap3A_322 : vector<1x16xi32> to vector<16xi32>
      %swap3A_324 = vector.shape_cast %add3A_319 : vector<16xi32> to vector<1x16xi32>
      tpu.vector_store %arg5[%swap3A_320, %swap3A_321], %swap3A_324 {strides = array<i32>} : memref<6x512xi32, #tpu.memory_space<vmem>>, vector<1x16xi32>,
      %get3A_325 = arith.index_cast %scan3A_123 : i32 to index
      %get3A_326 = arith.constant 288 : index
      %get3A_327 = tpu.vector_load %arg5[%get3A_325, %get3A_326] {strides = array<i32>} : memref<6x512xi32, #tpu.memory_space<vmem>>, vector<1x16xi32>,
      %get3A_328 = vector.shape_cast %get3A_327 : vector<1x16xi32> to vector<16xi32>
      %add3A_329 = vector.broadcast %sub3A_128 : i32 to vector<16xi32>
      %add3A_330 = arith.addi %get3A_328, %add3A_329 : vector<16xi32>
      %swap3A_331 = arith.index_cast %scan3A_123 : i32 to index
      %swap3A_332 = arith.constant 288 : index
      %swap3A_333 = tpu.vector_load %arg5[%swap3A_331, %swap3A_332] {strides = array<i32>} : memref<6x512xi32, #tpu.memory_space<vmem>>, vector<1x16xi32>,
      %swap3A_334 = vector.shape_cast %swap3A_333 : vector<1x16xi32> to vector<16xi32>
      %swap3A_335 = vector.shape_cast %add3A_330 : vector<16xi32> to vector<1x16xi32>
      tpu.vector_store %arg5[%swap3A_331, %swap3A_332], %swap3A_335 {strides = array<i32>} : memref<6x512xi32, #tpu.memory_space<vmem>>, vector<1x16xi32>,
      %get3A_336 = arith.index_cast %scan3A_123 : i32 to index
      %get3A_337 = arith.constant 304 : index
      %get3A_338 = tpu.vector_load %arg5[%get3A_336, %get3A_337] {strides = array<i32>} : memref<6x512xi32, #tpu.memory_space<vmem>>, vector<1x16xi32>,
      %get3A_339 = vector.shape_cast %get3A_338 : vector<1x16xi32> to vector<16xi32>
      %add3A_340 = vector.broadcast %sub3A_128 : i32 to vector<16xi32>
      %add3A_341 = arith.addi %get3A_339, %add3A_340 : vector<16xi32>
      %swap3A_342 = arith.index_cast %scan3A_123 : i32 to index
      %swap3A_343 = arith.constant 304 : index
      %swap3A_344 = tpu.vector_load %arg5[%swap3A_342, %swap3A_343] {strides = array<i32>} : memref<6x512xi32, #tpu.memory_space<vmem>>, vector<1x16xi32>,
      %swap3A_345 = vector.shape_cast %swap3A_344 : vector<1x16xi32> to vector<16xi32>
      %swap3A_346 = vector.shape_cast %add3A_341 : vector<16xi32> to vector<1x16xi32>
      tpu.vector_store %arg5[%swap3A_342, %swap3A_343], %swap3A_346 {strides = array<i32>} : memref<6x512xi32, #tpu.memory_space<vmem>>, vector<1x16xi32>,
      %get3A_347 = arith.index_cast %scan3A_123 : i32 to index
      %get3A_348 = arith.constant 320 : index
      %get3A_349 = tpu.vector_load %arg5[%get3A_347, %get3A_348] {strides = array<i32>} : memref<6x512xi32, #tpu.memory_space<vmem>>, vector<1x16xi32>,
      %get3A_350 = vector.shape_cast %get3A_349 : vector<1x16xi32> to vector<16xi32>
      %add3A_351 = vector.broadcast %sub3A_128 : i32 to vector<16xi32>
      %add3A_352 = arith.addi %get3A_350, %add3A_351 : vector<16xi32>
      %swap3A_353 = arith.index_cast %scan3A_123 : i32 to index
      %swap3A_354 = arith.constant 320 : index
      %swap3A_355 = tpu.vector_load %arg5[%swap3A_353, %swap3A_354] {strides = array<i32>} : memref<6x512xi32, #tpu.memory_space<vmem>>, vector<1x16xi32>,
      %swap3A_356 = vector.shape_cast %swap3A_355 : vector<1x16xi32> to vector<16xi32>
      %swap3A_357 = vector.shape_cast %add3A_352 : vector<16xi32> to vector<1x16xi32>
      tpu.vector_store %arg5[%swap3A_353, %swap3A_354], %swap3A_357 {strides = array<i32>} : memref<6x512xi32, #tpu.memory_space<vmem>>, vector<1x16xi32>,
      %get3A_358 = arith.index_cast %scan3A_123 : i32 to index
      %get3A_359 = arith.constant 336 : index
      %get3A_360 = tpu.vector_load %arg5[%get3A_358, %get3A_359] {strides = array<i32>} : memref<6x512xi32, #tpu.memory_space<vmem>>, vector<1x16xi32>,
      %get3A_361 = vector.shape_cast %get3A_360 : vector<1x16xi32> to vector<16xi32>
      %add3A_362 = vector.broadcast %sub3A_128 : i32 to vector<16xi32>
      %add3A_363 = arith.addi %get3A_361, %add3A_362 : vector<16xi32>
      %swap3A_364 = arith.index_cast %scan3A_123 : i32 to index
      %swap3A_365 = arith.constant 336 : index
      %swap3A_366 = tpu.vector_load %arg5[%swap3A_364, %swap3A_365] {strides = array<i32>} : memref<6x512xi32, #tpu.memory_space<vmem>>, vector<1x16xi32>,
      %swap3A_367 = vector.shape_cast %swap3A_366 : vector<1x16xi32> to vector<16xi32>
      %swap3A_368 = vector.shape_cast %add3A_363 : vector<16xi32> to vector<1x16xi32>
      tpu.vector_store %arg5[%swap3A_364, %swap3A_365], %swap3A_368 {strides = array<i32>} : memref<6x512xi32, #tpu.memory_space<vmem>>, vector<1x16xi32>,
      %get3A_369 = arith.index_cast %scan3A_123 : i32 to index
      %get3A_370 = arith.constant 352 : index
      %get3A_371 = tpu.vector_load %arg5[%get3A_369, %get3A_370] {strides = array<i32>} : memref<6x512xi32, #tpu.memory_space<vmem>>, vector<1x16xi32>,
      %get3A_372 = vector.shape_cast %get3A_371 : vector<1x16xi32> to vector<16xi32>
      %add3A_373 = vector.broadcast %sub3A_128 : i32 to vector<16xi32>
      %add3A_374 = arith.addi %get3A_372, %add3A_373 : vector<16xi32>
      %swap3A_375 = arith.index_cast %scan3A_123 : i32 to index
      %swap3A_376 = arith.constant 352 : index
      %swap3A_377 = tpu.vector_load %arg5[%swap3A_375, %swap3A_376] {strides = array<i32>} : memref<6x512xi32, #tpu.memory_space<vmem>>, vector<1x16xi32>,
      %swap3A_378 = vector.shape_cast %swap3A_377 : vector<1x16xi32> to vector<16xi32>
      %swap3A_379 = vector.shape_cast %add3A_374 : vector<16xi32> to vector<1x16xi32>
      tpu.vector_store %arg5[%swap3A_375, %swap3A_376], %swap3A_379 {strides = array<i32>} : memref<6x512xi32, #tpu.memory_space<vmem>>, vector<1x16xi32>,
      %get3A_380 = arith.index_cast %scan3A_123 : i32 to index
      %get3A_381 = arith.constant 368 : index
      %get3A_382 = tpu.vector_load %arg5[%get3A_380, %get3A_381] {strides = array<i32>} : memref<6x512xi32, #tpu.memory_space<vmem>>, vector<1x16xi32>,
      %get3A_383 = vector.shape_cast %get3A_382 : vector<1x16xi32> to vector<16xi32>
      %add3A_384 = vector.broadcast %sub3A_128 : i32 to vector<16xi32>
      %add3A_385 = arith.addi %get3A_383, %add3A_384 : vector<16xi32>
      %swap3A_386 = arith.index_cast %scan3A_123 : i32 to index
      %swap3A_387 = arith.constant 368 : index
      %swap3A_388 = tpu.vector_load %arg5[%swap3A_386, %swap3A_387] {strides = array<i32>} : memref<6x512xi32, #tpu.memory_space<vmem>>, vector<1x16xi32>,
      %swap3A_389 = vector.shape_cast %swap3A_388 : vector<1x16xi32> to vector<16xi32>
      %swap3A_390 = vector.shape_cast %add3A_385 : vector<16xi32> to vector<1x16xi32>
      tpu.vector_store %arg5[%swap3A_386, %swap3A_387], %swap3A_390 {strides = array<i32>} : memref<6x512xi32, #tpu.memory_space<vmem>>, vector<1x16xi32>,
      %get3A_391 = arith.index_cast %scan3A_123 : i32 to index
      %get3A_392 = arith.constant 384 : index
      %get3A_393 = tpu.vector_load %arg5[%get3A_391, %get3A_392] {strides = array<i32>} : memref<6x512xi32, #tpu.memory_space<vmem>>, vector<1x16xi32>,
      %get3A_394 = vector.shape_cast %get3A_393 : vector<1x16xi32> to vector<16xi32>
      %add3A_395 = vector.broadcast %sub3A_128 : i32 to vector<16xi32>
      %add3A_396 = arith.addi %get3A_394, %add3A_395 : vector<16xi32>
      %swap3A_397 = arith.index_cast %scan3A_123 : i32 to index
      %swap3A_398 = arith.constant 384 : index
      %swap3A_399 = tpu.vector_load %arg5[%swap3A_397, %swap3A_398] {strides = array<i32>} : memref<6x512xi32, #tpu.memory_space<vmem>>, vector<1x16xi32>,
      %swap3A_400 = vector.shape_cast %swap3A_399 : vector<1x16xi32> to vector<16xi32>
      %swap3A_401 = vector.shape_cast %add3A_396 : vector<16xi32> to vector<1x16xi32>
      tpu.vector_store %arg5[%swap3A_397, %swap3A_398], %swap3A_401 {strides = array<i32>} : memref<6x512xi32, #tpu.memory_space<vmem>>, vector<1x16xi32>,
      %get3A_402 = arith.index_cast %scan3A_123 : i32 to index
      %get3A_403 = arith.constant 400 : index
      %get3A_404 = tpu.vector_load %arg5[%get3A_402, %get3A_403] {strides = array<i32>} : memref<6x512xi32, #tpu.memory_space<vmem>>, vector<1x16xi32>,
      %get3A_405 = vector.shape_cast %get3A_404 : vector<1x16xi32> to vector<16xi32>
      %add3A_406 = vector.broadcast %sub3A_128 : i32 to vector<16xi32>
      %add3A_407 = arith.addi %get3A_405, %add3A_406 : vector<16xi32>
      %swap3A_408 = arith.index_cast %scan3A_123 : i32 to index
      %swap3A_409 = arith.constant 400 : index
      %swap3A_410 = tpu.vector_load %arg5[%swap3A_408, %swap3A_409] {strides = array<i32>} : memref<6x512xi32, #tpu.memory_space<vmem>>, vector<1x16xi32>,
      %swap3A_411 = vector.shape_cast %swap3A_410 : vector<1x16xi32> to vector<16xi32>
      %swap3A_412 = vector.shape_cast %add3A_407 : vector<16xi32> to vector<1x16xi32>
      tpu.vector_store %arg5[%swap3A_408, %swap3A_409], %swap3A_412 {strides = array<i32>} : memref<6x512xi32, #tpu.memory_space<vmem>>, vector<1x16xi32>,
      %get3A_413 = arith.index_cast %scan3A_123 : i32 to index
      %get3A_414 = arith.constant 416 : index
      %get3A_415 = tpu.vector_load %arg5[%get3A_413, %get3A_414] {strides = array<i32>} : memref<6x512xi32, #tpu.memory_space<vmem>>, vector<1x16xi32>,
      %get3A_416 = vector.shape_cast %get3A_415 : vector<1x16xi32> to vector<16xi32>
      %add3A_417 = vector.broadcast %sub3A_128 : i32 to vector<16xi32>
      %add3A_418 = arith.addi %get3A_416, %add3A_417 : vector<16xi32>
      %swap3A_419 = arith.index_cast %scan3A_123 : i32 to index
      %swap3A_420 = arith.constant 416 : index
      %swap3A_421 = tpu.vector_load %arg5[%swap3A_419, %swap3A_420] {strides = array<i32>} : memref<6x512xi32, #tpu.memory_space<vmem>>, vector<1x16xi32>,
      %swap3A_422 = vector.shape_cast %swap3A_421 : vector<1x16xi32> to vector<16xi32>
      %swap3A_423 = vector.shape_cast %add3A_418 : vector<16xi32> to vector<1x16xi32>
      tpu.vector_store %arg5[%swap3A_419, %swap3A_420], %swap3A_423 {strides = array<i32>} : memref<6x512xi32, #tpu.memory_space<vmem>>, vector<1x16xi32>,
      %get3A_424 = arith.index_cast %scan3A_123 : i32 to index
      %get3A_425 = arith.constant 432 : index
      %get3A_426 = tpu.vector_load %arg5[%get3A_424, %get3A_425] {strides = array<i32>} : memref<6x512xi32, #tpu.memory_space<vmem>>, vector<1x16xi32>,
      %get3A_427 = vector.shape_cast %get3A_426 : vector<1x16xi32> to vector<16xi32>
      %add3A_428 = vector.broadcast %sub3A_128 : i32 to vector<16xi32>
      %add3A_429 = arith.addi %get3A_427, %add3A_428 : vector<16xi32>
      %swap3A_430 = arith.index_cast %scan3A_123 : i32 to index
      %swap3A_431 = arith.constant 432 : index
      %swap3A_432 = tpu.vector_load %arg5[%swap3A_430, %swap3A_431] {strides = array<i32>} : memref<6x512xi32, #tpu.memory_space<vmem>>, vector<1x16xi32>,
      %swap3A_433 = vector.shape_cast %swap3A_432 : vector<1x16xi32> to vector<16xi32>
      %swap3A_434 = vector.shape_cast %add3A_429 : vector<16xi32> to vector<1x16xi32>
      tpu.vector_store %arg5[%swap3A_430, %swap3A_431], %swap3A_434 {strides = array<i32>} : memref<6x512xi32, #tpu.memory_space<vmem>>, vector<1x16xi32>,
      %get3A_435 = arith.index_cast %scan3A_123 : i32 to index
      %get3A_436 = arith.constant 448 : index
      %get3A_437 = tpu.vector_load %arg5[%get3A_435, %get3A_436] {strides = array<i32>} : memref<6x512xi32, #tpu.memory_space<vmem>>, vector<1x16xi32>,
      %get3A_438 = vector.shape_cast %get3A_437 : vector<1x16xi32> to vector<16xi32>
      %add3A_439 = vector.broadcast %sub3A_128 : i32 to vector<16xi32>
      %add3A_440 = arith.addi %get3A_438, %add3A_439 : vector<16xi32>
      %swap3A_441 = arith.index_cast %scan3A_123 : i32 to index
      %swap3A_442 = arith.constant 448 : index
      %swap3A_443 = tpu.vector_load %arg5[%swap3A_441, %swap3A_442] {strides = array<i32>} : memref<6x512xi32, #tpu.memory_space<vmem>>, vector<1x16xi32>,
      %swap3A_444 = vector.shape_cast %swap3A_443 : vector<1x16xi32> to vector<16xi32>
      %swap3A_445 = vector.shape_cast %add3A_440 : vector<16xi32> to vector<1x16xi32>
      tpu.vector_store %arg5[%swap3A_441, %swap3A_442], %swap3A_445 {strides = array<i32>} : memref<6x512xi32, #tpu.memory_space<vmem>>, vector<1x16xi32>,
      %get3A_446 = arith.index_cast %scan3A_123 : i32 to index
      %get3A_447 = arith.constant 464 : index
      %get3A_448 = tpu.vector_load %arg5[%get3A_446, %get3A_447] {strides = array<i32>} : memref<6x512xi32, #tpu.memory_space<vmem>>, vector<1x16xi32>,
      %get3A_449 = vector.shape_cast %get3A_448 : vector<1x16xi32> to vector<16xi32>
      %add3A_450 = vector.broadcast %sub3A_128 : i32 to vector<16xi32>
      %add3A_451 = arith.addi %get3A_449, %add3A_450 : vector<16xi32>
      %swap3A_452 = arith.index_cast %scan3A_123 : i32 to index
      %swap3A_453 = arith.constant 464 : index
      %swap3A_454 = tpu.vector_load %arg5[%swap3A_452, %swap3A_453] {strides = array<i32>} : memref<6x512xi32, #tpu.memory_space<vmem>>, vector<1x16xi32>,
      %swap3A_455 = vector.shape_cast %swap3A_454 : vector<1x16xi32> to vector<16xi32>
      %swap3A_456 = vector.shape_cast %add3A_451 : vector<16xi32> to vector<1x16xi32>
      tpu.vector_store %arg5[%swap3A_452, %swap3A_453], %swap3A_456 {strides = array<i32>} : memref<6x512xi32, #tpu.memory_space<vmem>>, vector<1x16xi32>,
      %get3A_457 = arith.index_cast %scan3A_123 : i32 to index
      %get3A_458 = arith.constant 480 : index
      %get3A_459 = tpu.vector_load %arg5[%get3A_457, %get3A_458] {strides = array<i32>} : memref<6x512xi32, #tpu.memory_space<vmem>>, vector<1x16xi32>,
      %get3A_460 = vector.shape_cast %get3A_459 : vector<1x16xi32> to vector<16xi32>
      %add3A_461 = vector.broadcast %sub3A_128 : i32 to vector<16xi32>
      %add3A_462 = arith.addi %get3A_460, %add3A_461 : vector<16xi32>
      %swap3A_463 = arith.index_cast %scan3A_123 : i32 to index
      %swap3A_464 = arith.constant 480 : index
      %swap3A_465 = tpu.vector_load %arg5[%swap3A_463, %swap3A_464] {strides = array<i32>} : memref<6x512xi32, #tpu.memory_space<vmem>>, vector<1x16xi32>,
      %swap3A_466 = vector.shape_cast %swap3A_465 : vector<1x16xi32> to vector<16xi32>
      %swap3A_467 = vector.shape_cast %add3A_462 : vector<16xi32> to vector<1x16xi32>
      tpu.vector_store %arg5[%swap3A_463, %swap3A_464], %swap3A_467 {strides = array<i32>} : memref<6x512xi32, #tpu.memory_space<vmem>>, vector<1x16xi32>,
      %get3A_468 = arith.index_cast %scan3A_123 : i32 to index
      %get3A_469 = arith.constant 496 : index
      %get3A_470 = tpu.vector_load %arg5[%get3A_468, %get3A_469] {strides = array<i32>} : memref<6x512xi32, #tpu.memory_space<vmem>>, vector<1x16xi32>,
      %get3A_471 = vector.shape_cast %get3A_470 : vector<1x16xi32> to vector<16xi32>
      %add3A_472 = vector.broadcast %sub3A_128 : i32 to vector<16xi32>
      %add3A_473 = arith.addi %get3A_471, %add3A_472 : vector<16xi32>
      %swap3A_474 = arith.index_cast %scan3A_123 : i32 to index
      %swap3A_475 = arith.constant 496 : index
      %swap3A_476 = tpu.vector_load %arg5[%swap3A_474, %swap3A_475] {strides = array<i32>} : memref<6x512xi32, #tpu.memory_space<vmem>>, vector<1x16xi32>,
      %swap3A_477 = vector.shape_cast %swap3A_476 : vector<1x16xi32> to vector<16xi32>
      %swap3A_478 = vector.shape_cast %add3A_473 : vector<16xi32> to vector<1x16xi32>
      tpu.vector_store %arg5[%swap3A_474, %swap3A_475], %swap3A_478 {strides = array<i32>} : memref<6x512xi32, #tpu.memory_space<vmem>>, vector<1x16xi32>,
    }
    %scan3A_7 = arith.constant 6 : i32
    %dma_start3A = arith.constant 0 : i32
    %dma_start3A_8 = arith.constant 0 : i32
    %dma_start3A_9 = arith.constant 0 : i32
    %dma_start3A_10 = tpu.memref_slice %arg6[%dma_start3A_9] : memref<3072xf32, #tpu.memory_space<vmem>> -> memref<128xf32, #tpu.memory_space<vmem>>
    %dma_start3A_11 = arith.constant 0 : i32
    %dma_start3A_12 = tpu.memref_slice %arg5[%dma_start3A_8, %dma_start3A_11] : memref<6x512xi32, #tpu.memory_space<vmem>> -> memref<1x128xi32, #tpu.memory_space<vmem>>
    %dma_start3A_13 = tpu.memref_squeeze %dma_start3A_12 : memref<1x128xi32, #tpu.memory_space<vmem>> -> memref<128xi32, #tpu.memory_space<vmem>>
    %dma_start3A_14 = arith.constant 0 : i32
    %dma_start3A_15 = tpu.memref_slice %arg3[%dma_start3A, %dma_start3A_14] : memref<1x600000xf32, #tpu.memory_space<hbm>> -> memref<1x600000xf32, #tpu.memory_space<hbm>>
    %dma_start3A_16 = tpu.memref_squeeze %dma_start3A_15 : memref<1x600000xf32, #tpu.memory_space<hbm>> -> memref<600000xf32, #tpu.memory_space<hbm>>
    %dma_start3A_17 = arith.constant 0 : i32
    %dma_start3A_18 = tpu.memref_slice %dma_start3A_16[%dma_start3A_17] : memref<600000xf32, #tpu.memory_space<hbm>> -> memref<600000xf32, #tpu.memory_space<hbm>>
    tpu.enqueue_indirect_dma source(%dma_start3A_18 : memref<600000xf32, #tpu.memory_space<hbm>>) target(%dma_start3A_10 : memref<128xf32, #tpu.memory_space<vmem>>) offsets(%dma_start3A_13 : memref<128xi32, #tpu.memory_space<vmem>>) semaphore(%arg8 : memref<!tpu.dma_semaphore, #tpu.memory_space<semaphore_mem>>)
    %dma_start3A_19 = arith.constant 0 : i32
    %dma_start3A_20 = arith.constant 0 : i32
    %dma_start3A_21 = arith.constant 128 : i32
    %dma_start3A_22 = tpu.memref_slice %arg6[%dma_start3A_21] : memref<3072xf32, #tpu.memory_space<vmem>> -> memref<128xf32, #tpu.memory_space<vmem>>
    %dma_start3A_23 = arith.constant 128 : i32
    %dma_start3A_24 = tpu.memref_slice %arg5[%dma_start3A_20, %dma_start3A_23] : memref<6x512xi32, #tpu.memory_space<vmem>> -> memref<1x128xi32, #tpu.memory_space<vmem>>
    %dma_start3A_25 = tpu.memref_squeeze %dma_start3A_24 : memref<1x128xi32, #tpu.memory_space<vmem>> -> memref<128xi32, #tpu.memory_space<vmem>>
    %dma_start3A_26 = arith.constant 0 : i32
    %dma_start3A_27 = tpu.memref_slice %arg3[%dma_start3A_19, %dma_start3A_26] : memref<1x600000xf32, #tpu.memory_space<hbm>> -> memref<1x600000xf32, #tpu.memory_space<hbm>>
    %dma_start3A_28 = tpu.memref_squeeze %dma_start3A_27 : memref<1x600000xf32, #tpu.memory_space<hbm>> -> memref<600000xf32, #tpu.memory_space<hbm>>
    %dma_start3A_29 = arith.constant 0 : i32
    %dma_start3A_30 = tpu.memref_slice %dma_start3A_28[%dma_start3A_29] : memref<600000xf32, #tpu.memory_space<hbm>> -> memref<600000xf32, #tpu.memory_space<hbm>>
    tpu.enqueue_indirect_dma source(%dma_start3A_30 : memref<600000xf32, #tpu.memory_space<hbm>>) target(%dma_start3A_22 : memref<128xf32, #tpu.memory_space<vmem>>) offsets(%dma_start3A_25 : memref<128xi32, #tpu.memory_space<vmem>>) semaphore(%arg8 : memref<!tpu.dma_semaphore, #tpu.memory_space<semaphore_mem>>)
    %dma_start3A_31 = arith.constant 0 : i32
    %dma_start3A_32 = arith.constant 0 : i32
    %dma_start3A_33 = arith.constant 256 : i32
    %dma_start3A_34 = tpu.memref_slice %arg6[%dma_start3A_33] : memref<3072xf32, #tpu.memory_space<vmem>> -> memref<128xf32, #tpu.memory_space<vmem>>
    %dma_start3A_35 = arith.constant 256 : i32
    %dma_start3A_36 = tpu.memref_slice %arg5[%dma_start3A_32, %dma_start3A_35] : memref<6x512xi32, #tpu.memory_space<vmem>> -> memref<1x128xi32, #tpu.memory_space<vmem>>
    %dma_start3A_37 = tpu.memref_squeeze %dma_start3A_36 : memref<1x128xi32, #tpu.memory_space<vmem>> -> memref<128xi32, #tpu.memory_space<vmem>>
    %dma_start3A_38 = arith.constant 0 : i32
    %dma_start3A_39 = tpu.memref_slice %arg3[%dma_start3A_31, %dma_start3A_38] : memref<1x600000xf32, #tpu.memory_space<hbm>> -> memref<1x600000xf32, #tpu.memory_space<hbm>>
    %dma_start3A_40 = tpu.memref_squeeze %dma_start3A_39 : memref<1x600000xf32, #tpu.memory_space<hbm>> -> memref<600000xf32, #tpu.memory_space<hbm>>
    %dma_start3A_41 = arith.constant 0 : i32
    %dma_start3A_42 = tpu.memref_slice %dma_start3A_40[%dma_start3A_41] : memref<600000xf32, #tpu.memory_space<hbm>> -> memref<600000xf32, #tpu.memory_space<hbm>>
    tpu.enqueue_indirect_dma source(%dma_start3A_42 : memref<600000xf32, #tpu.memory_space<hbm>>) target(%dma_start3A_34 : memref<128xf32, #tpu.memory_space<vmem>>) offsets(%dma_start3A_37 : memref<128xi32, #tpu.memory_space<vmem>>) semaphore(%arg8 : memref<!tpu.dma_semaphore, #tpu.memory_space<semaphore_mem>>)
    %dma_start3A_43 = arith.constant 0 : i32
    %dma_start3A_44 = arith.constant 0 : i32
    %dma_start3A_45 = arith.constant 384 : i32
    %dma_start3A_46 = tpu.memref_slice %arg6[%dma_start3A_45] : memref<3072xf32, #tpu.memory_space<vmem>> -> memref<128xf32, #tpu.memory_space<vmem>>
    %dma_start3A_47 = arith.constant 384 : i32
    %dma_start3A_48 = tpu.memref_slice %arg5[%dma_start3A_44, %dma_start3A_47] : memref<6x512xi32, #tpu.memory_space<vmem>> -> memref<1x128xi32, #tpu.memory_space<vmem>>
    %dma_start3A_49 = tpu.memref_squeeze %dma_start3A_48 : memref<1x128xi32, #tpu.memory_space<vmem>> -> memref<128xi32, #tpu.memory_space<vmem>>
    %dma_start3A_50 = arith.constant 0 : i32
    %dma_start3A_51 = tpu.memref_slice %arg3[%dma_start3A_43, %dma_start3A_50] : memref<1x600000xf32, #tpu.memory_space<hbm>> -> memref<1x600000xf32, #tpu.memory_space<hbm>>
    %dma_start3A_52 = tpu.memref_squeeze %dma_start3A_51 : memref<1x600000xf32, #tpu.memory_space<hbm>> -> memref<600000xf32, #tpu.memory_space<hbm>>
    %dma_start3A_53 = arith.constant 0 : i32
    %dma_start3A_54 = tpu.memref_slice %dma_start3A_52[%dma_start3A_53] : memref<600000xf32, #tpu.memory_space<hbm>> -> memref<600000xf32, #tpu.memory_space<hbm>>
    tpu.enqueue_indirect_dma source(%dma_start3A_54 : memref<600000xf32, #tpu.memory_space<hbm>>) target(%dma_start3A_46 : memref<128xf32, #tpu.memory_space<vmem>>) offsets(%dma_start3A_49 : memref<128xi32, #tpu.memory_space<vmem>>) semaphore(%arg8 : memref<!tpu.dma_semaphore, #tpu.memory_space<semaphore_mem>>)
    %dma_start3A_55 = arith.constant 0 : i32
    %dma_start3A_56 = arith.constant 1 : i32
    %dma_start3A_57 = arith.constant 512 : i32
    %dma_start3A_58 = tpu.memref_slice %arg6[%dma_start3A_57] : memref<3072xf32, #tpu.memory_space<vmem>> -> memref<128xf32, #tpu.memory_space<vmem>>
    %dma_start3A_59 = arith.constant 0 : i32
    %dma_start3A_60 = tpu.memref_slice %arg5[%dma_start3A_56, %dma_start3A_59] : memref<6x512xi32, #tpu.memory_space<vmem>> -> memref<1x128xi32, #tpu.memory_space<vmem>>
    %dma_start3A_61 = tpu.memref_squeeze %dma_start3A_60 : memref<1x128xi32, #tpu.memory_space<vmem>> -> memref<128xi32, #tpu.memory_space<vmem>>
    %dma_start3A_62 = arith.constant 0 : i32
    %dma_start3A_63 = tpu.memref_slice %arg3[%dma_start3A_55, %dma_start3A_62] : memref<1x600000xf32, #tpu.memory_space<hbm>> -> memref<1x600000xf32, #tpu.memory_space<hbm>>
    %dma_start3A_64 = tpu.memref_squeeze %dma_start3A_63 : memref<1x600000xf32, #tpu.memory_space<hbm>> -> memref<600000xf32, #tpu.memory_space<hbm>>
    %dma_start3A_65 = arith.constant 0 : i32
    %dma_start3A_66 = tpu.memref_slice %dma_start3A_64[%dma_start3A_65] : memref<600000xf32, #tpu.memory_space<hbm>> -> memref<600000xf32, #tpu.memory_space<hbm>>
    tpu.enqueue_indirect_dma source(%dma_start3A_66 : memref<600000xf32, #tpu.memory_space<hbm>>) target(%dma_start3A_58 : memref<128xf32, #tpu.memory_space<vmem>>) offsets(%dma_start3A_61 : memref<128xi32, #tpu.memory_space<vmem>>) semaphore(%arg8 : memref<!tpu.dma_semaphore, #tpu.memory_space<semaphore_mem>>)
    %dma_start3A_67 = arith.constant 0 : i32
    %dma_start3A_68 = arith.constant 1 : i32
    %dma_start3A_69 = arith.constant 640 : i32
    %dma_start3A_70 = tpu.memref_slice %arg6[%dma_start3A_69] : memref<3072xf32, #tpu.memory_space<vmem>> -> memref<128xf32, #tpu.memory_space<vmem>>
    %dma_start3A_71 = arith.constant 128 : i32
    %dma_start3A_72 = tpu.memref_slice %arg5[%dma_start3A_68, %dma_start3A_71] : memref<6x512xi32, #tpu.memory_space<vmem>> -> memref<1x128xi32, #tpu.memory_space<vmem>>
    %dma_start3A_73 = tpu.memref_squeeze %dma_start3A_72 : memref<1x128xi32, #tpu.memory_space<vmem>> -> memref<128xi32, #tpu.memory_space<vmem>>
    %dma_start3A_74 = arith.constant 0 : i32
    %dma_start3A_75 = tpu.memref_slice %arg3[%dma_start3A_67, %dma_start3A_74] : memref<1x600000xf32, #tpu.memory_space<hbm>> -> memref<1x600000xf32, #tpu.memory_space<hbm>>
    %dma_start3A_76 = tpu.memref_squeeze %dma_start3A_75 : memref<1x600000xf32, #tpu.memory_space<hbm>> -> memref<600000xf32, #tpu.memory_space<hbm>>
    %dma_start3A_77 = arith.constant 0 : i32
    %dma_start3A_78 = tpu.memref_slice %dma_start3A_76[%dma_start3A_77] : memref<600000xf32, #tpu.memory_space<hbm>> -> memref<600000xf32, #tpu.memory_space<hbm>>
    tpu.enqueue_indirect_dma source(%dma_start3A_78 : memref<600000xf32, #tpu.memory_space<hbm>>) target(%dma_start3A_70 : memref<128xf32, #tpu.memory_space<vmem>>) offsets(%dma_start3A_73 : memref<128xi32, #tpu.memory_space<vmem>>) semaphore(%arg8 : memref<!tpu.dma_semaphore, #tpu.memory_space<semaphore_mem>>)
    %dma_start3A_79 = arith.constant 0 : i32
    %dma_start3A_80 = arith.constant 1 : i32
    %dma_start3A_81 = arith.constant 768 : i32
    %dma_start3A_82 = tpu.memref_slice %arg6[%dma_start3A_81] : memref<3072xf32, #tpu.memory_space<vmem>> -> memref<128xf32, #tpu.memory_space<vmem>>
    %dma_start3A_83 = arith.constant 256 : i32
    %dma_start3A_84 = tpu.memref_slice %arg5[%dma_start3A_80, %dma_start3A_83] : memref<6x512xi32, #tpu.memory_space<vmem>> -> memref<1x128xi32, #tpu.memory_space<vmem>>
    %dma_start3A_85 = tpu.memref_squeeze %dma_start3A_84 : memref<1x128xi32, #tpu.memory_space<vmem>> -> memref<128xi32, #tpu.memory_space<vmem>>
    %dma_start3A_86 = arith.constant 0 : i32
    %dma_start3A_87 = tpu.memref_slice %arg3[%dma_start3A_79, %dma_start3A_86] : memref<1x600000xf32, #tpu.memory_space<hbm>> -> memref<1x600000xf32, #tpu.memory_space<hbm>>
    %dma_start3A_88 = tpu.memref_squeeze %dma_start3A_87 : memref<1x600000xf32, #tpu.memory_space<hbm>> -> memref<600000xf32, #tpu.memory_space<hbm>>
    %dma_start3A_89 = arith.constant 0 : i32
    %dma_start3A_90 = tpu.memref_slice %dma_start3A_88[%dma_start3A_89] : memref<600000xf32, #tpu.memory_space<hbm>> -> memref<600000xf32, #tpu.memory_space<hbm>>
    tpu.enqueue_indirect_dma source(%dma_start3A_90 : memref<600000xf32, #tpu.memory_space<hbm>>) target(%dma_start3A_82 : memref<128xf32, #tpu.memory_space<vmem>>) offsets(%dma_start3A_85 : memref<128xi32, #tpu.memory_space<vmem>>) semaphore(%arg8 : memref<!tpu.dma_semaphore, #tpu.memory_space<semaphore_mem>>)
    %dma_start3A_91 = arith.constant 0 : i32
    %dma_start3A_92 = arith.constant 1 : i32
    %dma_start3A_93 = arith.constant 896 : i32
    %dma_start3A_94 = tpu.memref_slice %arg6[%dma_start3A_93] : memref<3072xf32, #tpu.memory_space<vmem>> -> memref<128xf32, #tpu.memory_space<vmem>>
    %dma_start3A_95 = arith.constant 384 : i32
    %dma_start3A_96 = tpu.memref_slice %arg5[%dma_start3A_92, %dma_start3A_95] : memref<6x512xi32, #tpu.memory_space<vmem>> -> memref<1x128xi32, #tpu.memory_space<vmem>>
    %dma_start3A_97 = tpu.memref_squeeze %dma_start3A_96 : memref<1x128xi32, #tpu.memory_space<vmem>> -> memref<128xi32, #tpu.memory_space<vmem>>
    %dma_start3A_98 = arith.constant 0 : i32
    %dma_start3A_99 = tpu.memref_slice %arg3[%dma_start3A_91, %dma_start3A_98] : memref<1x600000xf32, #tpu.memory_space<hbm>> -> memref<1x600000xf32, #tpu.memory_space<hbm>>
    %dma_start3A_100 = tpu.memref_squeeze %dma_start3A_99 : memref<1x600000xf32, #tpu.memory_space<hbm>> -> memref<600000xf32, #tpu.memory_space<hbm>>
    %dma_start3A_101 = arith.constant 0 : i32
    %dma_start3A_102 = tpu.memref_slice %dma_start3A_100[%dma_start3A_101] : memref<600000xf32, #tpu.memory_space<hbm>> -> memref<600000xf32, #tpu.memory_space<hbm>>
    tpu.enqueue_indirect_dma source(%dma_start3A_102 : memref<600000xf32, #tpu.memory_space<hbm>>) target(%dma_start3A_94 : memref<128xf32, #tpu.memory_space<vmem>>) offsets(%dma_start3A_97 : memref<128xi32, #tpu.memory_space<vmem>>) semaphore(%arg8 : memref<!tpu.dma_semaphore, #tpu.memory_space<semaphore_mem>>)
    %scan3A_103 = arith.constant 0 : i32
    %scan3A_104 = arith.constant 0 : i32
    %scan3A_105 = arith.constant 0 : i32
    %scan3A_106 = arith.constant 16 : i32
    %scan3A_107 = arith.addi %scan3A_105, %scan3A_106 : i32
    %scan3A_108 = arith.constant 1 : i32
    scf.for %scan3A_123 = %scan3A_105 to %scan3A_107 step %scan3A_108  : i32 {
      %add3A_124 = arith.constant 8 : i32
      %add3A_125 = arith.addi %scan3A_123, %add3A_124 : i32
      %jit3A = arith.constant 4 : i32
      %div3A = arith.divsi %add3A_125, %jit3A : i32
      %sign3A = arith.constant 0 : i32
      %sign3A_126 = arith.cmpi sgt, %add3A_125, %sign3A : i32
      %sign3A_127 = arith.extui %sign3A_126 : i1 to i32
      %sign3A_128 = arith.constant 0 : i32
      %sign3A_129 = arith.cmpi slt, %add3A_125, %sign3A_128 : i32
      %sign3A_130 = arith.extui %sign3A_129 : i1 to i32
      %sign3A_131 = arith.subi %sign3A_127, %sign3A_130 : i32
      %sign3A_132 = arith.constant 0 : i32
      %sign3A_133 = arith.cmpi sgt, %jit3A, %sign3A_132 : i32
      %sign3A_134 = arith.extui %sign3A_133 : i1 to i32
      %sign3A_135 = arith.constant 0 : i32
      %sign3A_136 = arith.cmpi slt, %jit3A, %sign3A_135 : i32
      %sign3A_137 = arith.extui %sign3A_136 : i1 to i32
      %sign3A_138 = arith.subi %sign3A_134, %sign3A_137 : i32
      %ne3A = arith.cmpi ne, %sign3A_131, %sign3A_138 : i32
      %rem3A = arith.remsi %add3A_125, %jit3A : i32
      %ne3A_139 = arith.constant 0 : i32
      %ne3A_140 = arith.cmpi ne, %rem3A, %ne3A_139 : i32
      %and3A = arith.andi %ne3A, %ne3A_140 : i1
      %sub3A = arith.constant 1 : i32
      %sub3A_141 = arith.subi %div3A, %sub3A : i32
      %select_n3A = arith.select %and3A, %sub3A_141, %div3A : i32
      %jit3A_142 = arith.constant 4 : i32
      %eq3A = arith.constant 0 : i32
      %eq3A_143 = arith.cmpi eq, %jit3A_142, %eq3A : i32
      %jit3A_144 = arith.constant 1 : i32
      %select_n3A_145 = arith.select %eq3A_143, %jit3A_144, %jit3A_142 : i32
      %rem3A_146 = arith.remsi %add3A_125, %select_n3A_145 : i32
      %ne3A_147 = arith.constant 0 : i32
      %ne3A_148 = arith.cmpi ne, %rem3A_146, %ne3A_147 : i32
      %lt3A = arith.constant 0 : i32
      %lt3A_149 = arith.cmpi slt, %rem3A_146, %lt3A : i32
      %lt3A_150 = arith.constant 0 : i32
      %lt3A_151 = arith.cmpi slt, %select_n3A_145, %lt3A_150 : i32
      %ne3A_152 = arith.xori %lt3A_149, %lt3A_151 : i1
      %and3A_153 = arith.andi %ne3A_152, %ne3A_148 : i1
      %add3A_154 = arith.addi %rem3A_146, %select_n3A_145 : i32
      %select_n3A_155 = arith.select %and3A_153, %add3A_154, %rem3A_146 : i32
      %mul3A_156 = arith.constant 128 : i32
      %mul3A_157 = arith.muli %select_n3A_155, %mul3A_156 : i32
      %mul3A_158 = arith.constant 128 : i32
      %mul3A_159 = arith.muli %add3A_125, %mul3A_158 : i32
      %dma_start3A_160 = tpu.memref_slice %arg6[%mul3A_159] : memref<3072xf32, #tpu.memory_space<vmem>> -> memref<128xf32, #tpu.memory_space<vmem>>
      %dma_start3A_161 = tpu.memref_slice %arg5[%select_n3A, %mul3A_157] : memref<6x512xi32, #tpu.memory_space<vmem>> -> memref<1x128xi32, #tpu.memory_space<vmem>>
      %dma_start3A_162 = tpu.memref_squeeze %dma_start3A_161 : memref<1x128xi32, #tpu.memory_space<vmem>> -> memref<128xi32, #tpu.memory_space<vmem>>
      %dma_start3A_163 = arith.constant 0 : i32
      %dma_start3A_164 = tpu.memref_slice %arg3[%scan3A_104, %dma_start3A_163] : memref<1x600000xf32, #tpu.memory_space<hbm>> -> memref<1x600000xf32, #tpu.memory_space<hbm>>
      %dma_start3A_165 = tpu.memref_squeeze %dma_start3A_164 : memref<1x600000xf32, #tpu.memory_space<hbm>> -> memref<600000xf32, #tpu.memory_space<hbm>>
      %dma_start3A_166 = arith.constant 0 : i32
      %dma_start3A_167 = tpu.memref_slice %dma_start3A_165[%dma_start3A_166] : memref<600000xf32, #tpu.memory_space<hbm>> -> memref<600000xf32, #tpu.memory_space<hbm>>
      tpu.enqueue_indirect_dma source(%dma_start3A_167 : memref<600000xf32, #tpu.memory_space<hbm>>) target(%dma_start3A_160 : memref<128xf32, #tpu.memory_space<vmem>>) offsets(%dma_start3A_162 : memref<128xi32, #tpu.memory_space<vmem>>) semaphore(%arg8 : memref<!tpu.dma_semaphore, #tpu.memory_space<semaphore_mem>>)
      %jit3A_168 = arith.constant 4 : i32
      %div3A_169 = arith.divsi %scan3A_123, %jit3A_168 : i32
      %sign3A_170 = arith.constant 0 : i32
      %sign3A_171 = arith.cmpi sgt, %scan3A_123, %sign3A_170 : i32
      %sign3A_172 = arith.extui %sign3A_171 : i1 to i32
      %sign3A_173 = arith.constant 0 : i32
      %sign3A_174 = arith.cmpi slt, %scan3A_123, %sign3A_173 : i32
      %sign3A_175 = arith.extui %sign3A_174 : i1 to i32
      %sign3A_176 = arith.subi %sign3A_172, %sign3A_175 : i32
      %sign3A_177 = arith.constant 0 : i32
      %sign3A_178 = arith.cmpi sgt, %jit3A_168, %sign3A_177 : i32
      %sign3A_179 = arith.extui %sign3A_178 : i1 to i32
      %sign3A_180 = arith.constant 0 : i32
      %sign3A_181 = arith.cmpi slt, %jit3A_168, %sign3A_180 : i32
      %sign3A_182 = arith.extui %sign3A_181 : i1 to i32
      %sign3A_183 = arith.subi %sign3A_179, %sign3A_182 : i32
      %ne3A_184 = arith.cmpi ne, %sign3A_176, %sign3A_183 : i32
      %rem3A_185 = arith.remsi %scan3A_123, %jit3A_168 : i32
      %ne3A_186 = arith.constant 0 : i32
      %ne3A_187 = arith.cmpi ne, %rem3A_185, %ne3A_186 : i32
      %and3A_188 = arith.andi %ne3A_184, %ne3A_187 : i1
      %sub3A_189 = arith.constant 1 : i32
      %sub3A_190 = arith.subi %div3A_169, %sub3A_189 : i32
      %select_n3A_191 = arith.select %and3A_188, %sub3A_190, %div3A_169 : i32
      %jit3A_192 = arith.constant 4 : i32
      %eq3A_193 = arith.constant 0 : i32
      %eq3A_194 = arith.cmpi eq, %jit3A_192, %eq3A_193 : i32
      %jit3A_195 = arith.constant 1 : i32
      %select_n3A_196 = arith.select %eq3A_194, %jit3A_195, %jit3A_192 : i32
      %rem3A_197 = arith.remsi %scan3A_123, %select_n3A_196 : i32
      %ne3A_198 = arith.constant 0 : i32
      %ne3A_199 = arith.cmpi ne, %rem3A_197, %ne3A_198 : i32
      %lt3A_200 = arith.constant 0 : i32
      %lt3A_201 = arith.cmpi slt, %rem3A_197, %lt3A_200 : i32
      %lt3A_202 = arith.constant 0 : i32
      %lt3A_203 = arith.cmpi slt, %select_n3A_196, %lt3A_202 : i32
      %ne3A_204 = arith.xori %lt3A_201, %lt3A_203 : i1
      %and3A_205 = arith.andi %ne3A_204, %ne3A_199 : i1
      %add3A_206 = arith.addi %rem3A_197, %select_n3A_196 : i32
      %select_n3A_207 = arith.select %and3A_205, %add3A_206, %rem3A_197 : i32
      %mul3A_208 = arith.constant 128 : i32
      %mul3A_209 = arith.muli %select_n3A_207, %mul3A_208 : i32
      %mul3A_210 = arith.constant 128 : i32
      %mul3A_211 = arith.muli %scan3A_123, %mul3A_210 : i32
      %dma_wait3A = tpu.memref_slice %arg6[%mul3A_211] : memref<3072xf32, #tpu.memory_space<vmem>> -> memref<128xf32, #tpu.memory_space<vmem>>
      %dma_wait3A_212 = tpu.memref_slice %arg5[%select_n3A_191, %mul3A_209] : memref<6x512xi32, #tpu.memory_space<vmem>> -> memref<1x128xi32, #tpu.memory_space<vmem>>
      %dma_wait3A_213 = tpu.memref_squeeze %dma_wait3A_212 : memref<1x128xi32, #tpu.memory_space<vmem>> -> memref<128xi32, #tpu.memory_space<vmem>>
      %dma_wait3A_214 = arith.constant 0 : i32
      %dma_wait3A_215 = tpu.memref_slice %arg3[%scan3A_104, %dma_wait3A_214] : memref<1x600000xf32, #tpu.memory_space<hbm>> -> memref<1x600000xf32, #tpu.memory_space<hbm>>
      %dma_wait3A_216 = tpu.memref_squeeze %dma_wait3A_215 : memref<1x600000xf32, #tpu.memory_space<hbm>> -> memref<600000xf32, #tpu.memory_space<hbm>>
      %dma_wait3A_217 = arith.constant 0 : i32
      %dma_wait3A_218 = tpu.memref_slice %dma_wait3A_216[%dma_wait3A_217] : memref<600000xf32, #tpu.memory_space<hbm>> -> memref<600000xf32, #tpu.memory_space<hbm>>
      tpu.wait_indirect_dma semaphore(%arg8 : memref<!tpu.dma_semaphore, #tpu.memory_space<semaphore_mem>>) src(%dma_wait3A_218 : memref<600000xf32, #tpu.memory_space<hbm>>) dst(%dma_wait3A : memref<128xf32, #tpu.memory_space<vmem>>)
    }
    %scan3A_109 = arith.constant 16 : i32
    %scan3A_110 = arith.constant 0 : i32
    %scan3A_111 = arith.constant 0 : i32
    %scan3A_112 = arith.constant 16 : i32
    %scan3A_113 = arith.constant 8 : i32
    %scan3A_114 = arith.addi %scan3A_112, %scan3A_113 : i32
    %scan3A_115 = arith.constant 1 : i32
    scf.for %scan3A_123 = %scan3A_112 to %scan3A_114 step %scan3A_115  : i32 {
      %jit3A = arith.constant 4 : i32
      %div3A = arith.divsi %scan3A_123, %jit3A : i32
      %sign3A = arith.constant 0 : i32
      %sign3A_124 = arith.cmpi sgt, %scan3A_123, %sign3A : i32
      %sign3A_125 = arith.extui %sign3A_124 : i1 to i32
      %sign3A_126 = arith.constant 0 : i32
      %sign3A_127 = arith.cmpi slt, %scan3A_123, %sign3A_126 : i32
      %sign3A_128 = arith.extui %sign3A_127 : i1 to i32
      %sign3A_129 = arith.subi %sign3A_125, %sign3A_128 : i32
      %sign3A_130 = arith.constant 0 : i32
      %sign3A_131 = arith.cmpi sgt, %jit3A, %sign3A_130 : i32
      %sign3A_132 = arith.extui %sign3A_131 : i1 to i32
      %sign3A_133 = arith.constant 0 : i32
      %sign3A_134 = arith.cmpi slt, %jit3A, %sign3A_133 : i32
      %sign3A_135 = arith.extui %sign3A_134 : i1 to i32
      %sign3A_136 = arith.subi %sign3A_132, %sign3A_135 : i32
      %ne3A = arith.cmpi ne, %sign3A_129, %sign3A_136 : i32
      %rem3A = arith.remsi %scan3A_123, %jit3A : i32
      %ne3A_137 = arith.constant 0 : i32
      %ne3A_138 = arith.cmpi ne, %rem3A, %ne3A_137 : i32
      %and3A = arith.andi %ne3A, %ne3A_138 : i1
      %sub3A = arith.constant 1 : i32
      %sub3A_139 = arith.subi %div3A, %sub3A : i32
      %select_n3A = arith.select %and3A, %sub3A_139, %div3A : i32
      %jit3A_140 = arith.constant 4 : i32
      %eq3A = arith.constant 0 : i32
      %eq3A_141 = arith.cmpi eq, %jit3A_140, %eq3A : i32
      %jit3A_142 = arith.constant 1 : i32
      %select_n3A_143 = arith.select %eq3A_141, %jit3A_142, %jit3A_140 : i32
      %rem3A_144 = arith.remsi %scan3A_123, %select_n3A_143 : i32
      %ne3A_145 = arith.constant 0 : i32
      %ne3A_146 = arith.cmpi ne, %rem3A_144, %ne3A_145 : i32
      %lt3A = arith.constant 0 : i32
      %lt3A_147 = arith.cmpi slt, %rem3A_144, %lt3A : i32
      %lt3A_148 = arith.constant 0 : i32
      %lt3A_149 = arith.cmpi slt, %select_n3A_143, %lt3A_148 : i32
      %ne3A_150 = arith.xori %lt3A_147, %lt3A_149 : i1
      %and3A_151 = arith.andi %ne3A_150, %ne3A_146 : i1
      %add3A_152 = arith.addi %rem3A_144, %select_n3A_143 : i32
      %select_n3A_153 = arith.select %and3A_151, %add3A_152, %rem3A_144 : i32
      %mul3A_154 = arith.constant 128 : i32
      %mul3A_155 = arith.muli %select_n3A_153, %mul3A_154 : i32
      %mul3A_156 = arith.constant 128 : i32
      %mul3A_157 = arith.muli %scan3A_123, %mul3A_156 : i32
      %dma_wait3A = tpu.memref_slice %arg6[%mul3A_157] : memref<3072xf32, #tpu.memory_space<vmem>> -> memref<128xf32, #tpu.memory_space<vmem>>
      %dma_wait3A_158 = tpu.memref_slice %arg5[%select_n3A, %mul3A_155] : memref<6x512xi32, #tpu.memory_space<vmem>> -> memref<1x128xi32, #tpu.memory_space<vmem>>
      %dma_wait3A_159 = tpu.memref_squeeze %dma_wait3A_158 : memref<1x128xi32, #tpu.memory_space<vmem>> -> memref<128xi32, #tpu.memory_space<vmem>>
      %dma_wait3A_160 = arith.constant 0 : i32
      %dma_wait3A_161 = tpu.memref_slice %arg3[%scan3A_111, %dma_wait3A_160] : memref<1x600000xf32, #tpu.memory_space<hbm>> -> memref<1x600000xf32, #tpu.memory_space<hbm>>
      %dma_wait3A_162 = tpu.memref_squeeze %dma_wait3A_161 : memref<1x600000xf32, #tpu.memory_space<hbm>> -> memref<600000xf32, #tpu.memory_space<hbm>>
      %dma_wait3A_163 = arith.constant 0 : i32
      %dma_wait3A_164 = tpu.memref_slice %dma_wait3A_162[%dma_wait3A_163] : memref<600000xf32, #tpu.memory_space<hbm>> -> memref<600000xf32, #tpu.memory_space<hbm>>
      tpu.wait_indirect_dma semaphore(%arg8 : memref<!tpu.dma_semaphore, #tpu.memory_space<semaphore_mem>>) src(%dma_wait3A_164 : memref<600000xf32, #tpu.memory_space<hbm>>) dst(%dma_wait3A : memref<128xf32, #tpu.memory_space<vmem>>)
    }
    %scan3A_116 = arith.constant 8 : i32
    %scan3A_117 = arith.constant 0 : i32
    %scan3A_118 = arith.constant 0 : i32
    %scan3A_119 = arith.constant 32 : i32
    %scan3A_120 = arith.addi %scan3A_118, %scan3A_119 : i32
    %scan3A_121 = arith.constant 1 : i32
    scf.for %scan3A_123 = %scan3A_118 to %scan3A_120 step %scan3A_121  : i32 {
      %mul3A_124 = arith.constant 16 : i32
      %mul3A_125 = arith.muli %scan3A_123, %mul3A_124 : i32
      %get3A = arith.index_cast %mul3A_125 : i32 to index
      %get3A_126 = tpu.vector_load %arg6[%get3A] {strides = array<i32>} : memref<3072xf32, #tpu.memory_space<vmem>>, vector<16xf32>,
      %get3A_127 = vector.shape_cast %get3A_126 : vector<16xf32> to vector<16xf32>
      %mul3A_128 = arith.constant 16 : i32
      %mul3A_129 = arith.muli %scan3A_123, %mul3A_128 : i32
      %add3A_130 = arith.constant 512 : i32
      %add3A_131 = arith.addi %add3A_130, %mul3A_129 : i32
      %get3A_132 = arith.index_cast %add3A_131 : i32 to index
      %get3A_133 = tpu.vector_load %arg6[%get3A_132] {strides = array<i32>} : memref<3072xf32, #tpu.memory_space<vmem>>, vector<16xf32>,
      %get3A_134 = vector.shape_cast %get3A_133 : vector<16xf32> to vector<16xf32>
      %add3A_135 = arith.addf %get3A_127, %get3A_134 : vector<16xf32>
      %mul3A_136 = arith.constant 16 : i32
      %mul3A_137 = arith.muli %scan3A_123, %mul3A_136 : i32
      %add3A_138 = arith.constant 1024 : i32
      %add3A_139 = arith.addi %add3A_138, %mul3A_137 : i32
      %get3A_140 = arith.index_cast %add3A_139 : i32 to index
      %get3A_141 = tpu.vector_load %arg6[%get3A_140] {strides = array<i32>} : memref<3072xf32, #tpu.memory_space<vmem>>, vector<16xf32>,
      %get3A_142 = vector.shape_cast %get3A_141 : vector<16xf32> to vector<16xf32>
      %add3A_143 = arith.addf %add3A_135, %get3A_142 : vector<16xf32>
      %mul3A_144 = arith.constant 16 : i32
      %mul3A_145 = arith.muli %scan3A_123, %mul3A_144 : i32
      %add3A_146 = arith.constant 1536 : i32
      %add3A_147 = arith.addi %add3A_146, %mul3A_145 : i32
      %get3A_148 = arith.index_cast %add3A_147 : i32 to index
      %get3A_149 = tpu.vector_load %arg6[%get3A_148] {strides = array<i32>} : memref<3072xf32, #tpu.memory_space<vmem>>, vector<16xf32>,
      %get3A_150 = vector.shape_cast %get3A_149 : vector<16xf32> to vector<16xf32>
      %add3A_151 = arith.addf %add3A_143, %get3A_150 : vector<16xf32>
      %mul3A_152 = arith.constant 16 : i32
      %mul3A_153 = arith.muli %scan3A_123, %mul3A_152 : i32
      %add3A_154 = arith.constant 2048 : i32
      %add3A_155 = arith.addi %add3A_154, %mul3A_153 : i32
      %get3A_156 = arith.index_cast %add3A_155 : i32 to index
      %get3A_157 = tpu.vector_load %arg6[%get3A_156] {strides = array<i32>} : memref<3072xf32, #tpu.memory_space<vmem>>, vector<16xf32>,
      %get3A_158 = vector.shape_cast %get3A_157 : vector<16xf32> to vector<16xf32>
      %add3A_159 = arith.addf %add3A_151, %get3A_158 : vector<16xf32>
      %mul3A_160 = arith.constant 16 : i32
      %mul3A_161 = arith.muli %scan3A_123, %mul3A_160 : i32
      %add3A_162 = arith.constant 2560 : i32
      %add3A_163 = arith.addi %add3A_162, %mul3A_161 : i32
      %get3A_164 = arith.index_cast %add3A_163 : i32 to index
      %get3A_165 = tpu.vector_load %arg6[%get3A_164] {strides = array<i32>} : memref<3072xf32, #tpu.memory_space<vmem>>, vector<16xf32>,
      %get3A_166 = vector.shape_cast %get3A_165 : vector<16xf32> to vector<16xf32>
      %add3A_167 = arith.addf %add3A_159, %get3A_166 : vector<16xf32>
      %mul3A_168 = arith.constant 16 : i32
      %mul3A_169 = arith.muli %scan3A_123, %mul3A_168 : i32
      %swap3A = arith.index_cast %mul3A_169 : i32 to index
      %swap3A_170 = tpu.vector_load %arg7[%swap3A] {strides = array<i32>} : memref<512xf32, #tpu.memory_space<vmem>>, vector<16xf32>,
      %swap3A_171 = vector.shape_cast %swap3A_170 : vector<16xf32> to vector<16xf32>
      %swap3A_172 = vector.shape_cast %add3A_167 : vector<16xf32> to vector<16xf32>
      tpu.vector_store %arg7[%swap3A], %swap3A_172 {strides = array<i32>} : memref<512xf32, #tpu.memory_space<vmem>>, vector<16xf32>,
    }
    %scan3A_122 = arith.constant 32 : i32
    "tpu.region"() ({
      %run_scoped3A = tpu.sem_alloc : memref<!tpu.dma_semaphore, #tpu.memory_space<semaphore_mem>>
      %dma_start3A_123 = tpu.memref_slice %arg4[%mul3A_2] : memref<16384xf32, #tpu.memory_space<hbm>> -> memref<512xf32, #tpu.memory_space<hbm>>
      %dma_start3A_124 = tpu.memref_slice %arg4[%mul3A_2] : memref<16384xf32, #tpu.memory_space<hbm>> -> memref<512xf32, #tpu.memory_space<hbm>>
      tpu.enqueue_dma source(%arg7 : memref<512xf32, #tpu.memory_space<vmem>>) target(%dma_start3A_124 : memref<512xf32, #tpu.memory_space<hbm>>) target_semaphore(%run_scoped3A : memref<!tpu.dma_semaphore, #tpu.memory_space<semaphore_mem>>)
      %dma_wait3A = tpu.memref_slice %arg4[%mul3A_2] : memref<16384xf32, #tpu.memory_space<hbm>> -> memref<512xf32, #tpu.memory_space<hbm>>
      %dma_wait3A_125 = tpu.memref_slice %arg4[%mul3A_2] : memref<16384xf32, #tpu.memory_space<hbm>> -> memref<512xf32, #tpu.memory_space<hbm>>
      tpu.wait_dma2 semaphore(%run_scoped3A : memref<!tpu.dma_semaphore, #tpu.memory_space<semaphore_mem>>) src(%arg7 : memref<512xf32, #tpu.memory_space<vmem>>) dst(%dma_wait3A_125 : memref<512xf32, #tpu.memory_space<hbm>>)
      tpu.yield
    }) : () -> ()
    return
  }
}

module attributes {stable_mosaic.version = 14 : i64} {
  func.func @cont_matvec(%arg0: i32, %arg1: memref<2048x128xf32, #tpu.memory_space<vmem>>, %arg2: memref<1x128xf32, #tpu.memory_space<vmem>>, %arg3: memref<1x1xf32, #tpu.memory_space<vmem>>, %arg4: memref<2048xf32, #tpu.memory_space<vmem>>) attributes {dimension_semantics = [#tpu.dimension_semantics<arbitrary>], iteration_bounds = array<i64: 8>, scalar_prefetch = 0 : i64, scratch_operands = 0 : i64, tpu.core_type = #tpu.core_type<tc>, window_params = [{transform_indices = @transform_0, window_bounds = array<i64: 2048, 128>}, {pipeline_mode = #tpu.pipeline_mode<synchronous>, transform_indices = @transform_1, window_bounds = array<i64: 1, 128>}, {pipeline_mode = #tpu.pipeline_mode<synchronous>, transform_indices = @transform_2, window_bounds = array<i64: 1, 1>}, {transform_indices = @transform_3, window_bounds = array<i64: 2048>}]} {
    %get3A = arith.constant 0 : index
    %get3A_0 = arith.constant 0 : index
    %get3A_1 = vector.load %arg1[%get3A, %get3A_0] : memref<2048x128xf32, #tpu.memory_space<vmem>>, vector<2048x128xf32>
    %get3A_2 = arith.constant 0 : index
    %get3A_3 = arith.constant 0 : index
    %get3A_4 = vector.load %arg2[%get3A_2, %get3A_3] : memref<1x128xf32, #tpu.memory_space<vmem>>, vector<1x128xf32>
    %mul3A = vector.broadcast %get3A_4 : vector<1x128xf32> to vector<2048x128xf32>
    %mul3A_5 = arith.mulf %get3A_1, %mul3A : vector<2048x128xf32>
    %reduce_sum3A = arith.constant dense<0.000000e+00> : vector<2048xf32>
    %reduce_sum3A_6 = vector.multi_reduction <add>, %mul3A_5, %reduce_sum3A [1] : vector<2048x128xf32> to vector<2048xf32>
    %get3A_7 = arith.constant 0 : index
    %get3A_8 = arith.constant 0 : index
    %get3A_9 = vector.load %arg3[%get3A_7, %get3A_8] : memref<1x1xf32, #tpu.memory_space<vmem>>, vector<1x1xf32>
    %get3A_10 = vector.extract %get3A_9[0, 0] : f32 from vector<1x1xf32>
    %add3A = vector.broadcast %get3A_10 : f32 to vector<2048xf32>
    %add3A_11 = arith.addf %reduce_sum3A_6, %add3A : vector<2048xf32>
    %swap3A = arith.constant 0 : index
    %swap3A_12 = vector.load %arg4[%swap3A] : memref<2048xf32, #tpu.memory_space<vmem>>, vector<2048xf32>
    tpu.vector_store %arg4[%swap3A], %add3A_11 {strides = array<i32>} : memref<2048xf32, #tpu.memory_space<vmem>>, vector<2048xf32>,
    return
  }
  func.func @transform_0(%arg0: i32) -> (i32, i32) {
    %c0_i32 = arith.constant 0 : i32
    %c0_i32_0 = arith.constant 0 : i32
    return %arg0, %c0_i32 : i32, i32
  }
  func.func @transform_1(%arg0: i32) -> (i32, i32) {
    %c0_i32 = arith.constant 0 : i32
    %c0_i32_0 = arith.constant 0 : i32
    %c0_i32_1 = arith.constant 0 : i32
    return %c0_i32, %c0_i32_0 : i32, i32
  }
  func.func @transform_2(%arg0: i32) -> (i32, i32) {
    %c0_i32 = arith.constant 0 : i32
    %c0_i32_0 = arith.constant 0 : i32
    %c0_i32_1 = arith.constant 0 : i32
    return %c0_i32, %c0_i32_0 : i32, i32
  }
  func.func @transform_3(%arg0: i32) -> i32 {
    %c0_i32 = arith.constant 0 : i32
    return %arg0 : i32
  }
}

module attributes {stable_mosaic.version = 14 : i64} {
  func.func @combine(%arg0: i32, %arg1: memref<4096xf32, #tpu.memory_space<vmem>>, %arg2: memref<4096xf32, #tpu.memory_space<vmem>>, %arg3: memref<4096xf32, #tpu.memory_space<vmem>>, %arg4: memref<4096xf32, #tpu.memory_space<vmem>>, %arg5: memref<4096xf32, #tpu.memory_space<vmem>>, %arg6: memref<4096xf32, #tpu.memory_space<vmem>>) attributes {dimension_semantics = [#tpu.dimension_semantics<arbitrary>], iteration_bounds = array<i64: 4>, scalar_prefetch = 0 : i64, scratch_operands = 0 : i64, tpu.core_type = #tpu.core_type<tc>, window_params = [{transform_indices = @transform_0, window_bounds = array<i64: 4096>}, {transform_indices = @transform_1, window_bounds = array<i64: 4096>}, {transform_indices = @transform_2, window_bounds = array<i64: 4096>}, {transform_indices = @transform_3, window_bounds = array<i64: 4096>}, {transform_indices = @transform_4, window_bounds = array<i64: 4096>}, {transform_indices = @transform_5, window_bounds = array<i64: 4096>}]} {
    %get3A = arith.constant 0 : index
    %get3A_0 = vector.load %arg1[%get3A] : memref<4096xf32, #tpu.memory_space<vmem>>, vector<4096xf32>
    %get3A_1 = arith.constant 0 : index
    %get3A_2 = vector.load %arg2[%get3A_1] : memref<4096xf32, #tpu.memory_space<vmem>>, vector<4096xf32>
    %add3A = arith.addf %get3A_0, %get3A_2 : vector<4096xf32>
    %get3A_3 = arith.constant 0 : index
    %get3A_4 = vector.load %arg3[%get3A_3] : memref<4096xf32, #tpu.memory_space<vmem>>, vector<4096xf32>
    %add3A_5 = arith.addf %add3A, %get3A_4 : vector<4096xf32>
    %get3A_6 = arith.constant 0 : index
    %get3A_7 = vector.load %arg4[%get3A_6] : memref<4096xf32, #tpu.memory_space<vmem>>, vector<4096xf32>
    %add3A_8 = arith.addf %add3A_5, %get3A_7 : vector<4096xf32>
    %get3A_9 = arith.constant 0 : index
    %get3A_10 = vector.load %arg5[%get3A_9] : memref<4096xf32, #tpu.memory_space<vmem>>, vector<4096xf32>
    %add3A_11 = arith.addf %add3A_8, %get3A_10 : vector<4096xf32>
    %swap3A = arith.constant 0 : index
    %swap3A_12 = vector.load %arg6[%swap3A] : memref<4096xf32, #tpu.memory_space<vmem>>, vector<4096xf32>
    tpu.vector_store %arg6[%swap3A], %add3A_11 {strides = array<i32>} : memref<4096xf32, #tpu.memory_space<vmem>>, vector<4096xf32>,
    return
  }
  func.func @transform_0(%arg0: i32) -> i32 {
    %c0_i32 = arith.constant 0 : i32
    return %arg0 : i32
  }
  func.func @transform_1(%arg0: i32) -> i32 {
    %c0_i32 = arith.constant 0 : i32
    return %arg0 : i32
  }
  func.func @transform_2(%arg0: i32) -> i32 {
    %c0_i32 = arith.constant 0 : i32
    return %arg0 : i32
  }
  func.func @transform_3(%arg0: i32) -> i32 {
    %c0_i32 = arith.constant 0 : i32
    return %arg0 : i32
  }
  func.func @transform_4(%arg0: i32) -> i32 {
    %c0_i32 = arith.constant 0 : i32
    return %arg0 : i32
  }
  func.func @transform_5(%arg0: i32) -> i32 {
    %c0_i32 = arith.constant 0 : i32
    return %arg0 : i32
  }
}

</mosaic_0001>

<sc_bundles>
// kernel: emb_gather_f0_8.3.cloned.1.call-start
scs
__scs_entry_jumppad:
0x0: {  	(pc) =	sbr.rel $0x88, $3  }
0x1: {  	(tag) =	ssettag $0x0;
	lr =	simm.s32 $0x1  }
0x2: {  	[smem:$0x3F9C] =	sst lr;
	_ =	strace $0xD0000000  }
0x3: {  	_ = 	snop  }
0x4: {  	_ = 	snop  }
0x5: {  	_ = 	snop  }
0x6: {  	_ = 	snop  }
0x7: {  	_ = 	snop  }
__scs_overlays_trampoline_lowered:
0x8: {  	[smem:$0x3FAB] =	sst s0  }
0x9: {  	[smem:$0x3FAC] =	sst s1  }
0xa: {  	[smem:$0x3FAD] =	sst s2  }
0xb: {  	[smem:$0x3FAE] =	sst s3  }
0xc: {  	[smem:$0x3FAF] =	sst s4  }
0xd: {  	[smem:$0x3FB0] =	sst s5  }
0xe: {  	[smem:$0x3FB1] =	sst s6  }
0xf: {  	[smem:$0x3FB2] =	sst s7  }
0x10: {  	[smem:$0x3FB3] =	sst s8  }
0x11: {  	[smem:$0x3FB4] =	sst s9;
	s0 =	simm.s32 @!p0 $0x0  }
0x12: {  	s1 =	sld [smem:$0x3F9A];
	s0 =	simm.s32 @p0 $0x1  }
0x13: {  	[smem:$0x3FB5] =	sst s0;
	s0 =	simm.s32 @!p1 $0x0  }
0x14: {  	s2 =	sld [smem:$0x3F99];
	s0 =	simm.s32 @p1 $0x1  }
0x15: {  	[smem:$0x3FB6] =	sst s0;
	s0 =	simm.s32 @!p2 $0x0  }
0x16: {  	s3 =	sld [smem:$0x3FDB];
	s0 =	simm.s32 @p2 $0x1  }
0x17: {  	s4 =	simm.s32 $0x1BF5;
	[smem:$0x3FB8] =	sst s0  }
0x18: {  	s0 =	sld [smem:$0x3F9B];
	_ =	swait.ge [sflag:s4], $0x0  }
0x19: {  	s7 =	sld [smem:$0x3F9C]  }
0x1a: {  	s8 =	sadd.s32 $0xFFFFE003, lr  }
0x1b: {  	s9 =	sadd.s32 $0xFFFFFEF7, lr;
	s5 =	simm.s32 $0xFFFFFFFF;
	p2 =	slt.u32 s8, $0xFFFFF086  }
0x1c: {  	p1 =	slt.u32 s9, $0xF7A;
	s5 =	simm.s32 @!p2 $0x0  }
0x1d: {  	s5 =	simm.s32 @p1 $0x1;
	p0 =	seq.s32 s7, s2  }
0x1e: {  	s7 =	smul.u32 @!p0 $0xF7A, s2;
	p2 =	seq.s32 @!p0 s5, $0x0  }
0x1f: {  	s9 =	smul.u32 $0xF7A, s1;
	s8 =	simm.s32 @!p0 $0x1BF5;
	p2 =	por !p2, p0  }
0x20: {  	[sflag:s8] =	ssyncset.s32 @!p0 $0xFFFFF086;
	s6 =	sadd.s32 @!p0 s3, s7;
	s7 =	simm.s32 @!p0 $0x108  }
0x21: {  	s3 =	sadd.s32 s3, s9;
	s6 =	sadd.s32 @!p0 $0x88, s6;
	s7 =	simm.s32 @p2 $0x1082  }
0x22: {  	[simem:s7], [sflag:s8] =	dma.local @!p0 [hbm:s6], $0xF7A  }
0x23: {  	s9 =	sor.u32 $0xD0000000, s2;
	s6 =	simm.s32 $0x108;
	_ =	swait.ge @!p0 [sflag:s8], $0x0  }
0x24: {  	s3 =	sadd.s32 $0x88, s3;
	s6 =	simm.s32 @!p1 $0x1082;
	[sflag:s4] =	ssyncset.s32 $0xFFFFF086  }
0x25: {  	[simem:s6], [sflag:s4] =	dma.local [hbm:s3], $0xF7A  }
0x26: {  	[smem:$0x3F9C] =	sst s1;
	(tag) =	ssettag s2;
	_ =	strace s9  }
0x27: {  	s1 =	sld [smem:$0x3FAC]  }
0x28: {  	s2 =	sld [smem:$0x3FAD]  }
0x29: {  	s4 =	sld [smem:$0x3FAF]  }
0x2a: {  	p0 =	seq.s32 s5, $0x0;
	s5 =	sld [smem:$0x3FB0]  }
0x2b: {  	s6 =	sld [smem:$0x3FB1]  }
0x2c: {  	s7 =	sld [smem:$0x3FB2]  }
0x2d: {  	s3 =	simm.s32 $0x108;
	s8 =	sld [smem:$0x3FB3]  }
0x2e: {  	s3 =	simm.s32 @!p0 $0x1082;
	s9 =	sld [smem:$0x3FB4]  }
0x2f: {  	lr =	sadd.s32 s0, s3;
	s0 =	sld [smem:$0x3FAB]  }
0x30: {  	s3 =	sld [smem:$0x3FAE]  }
0x31: {  	[smem:$0x3FB7] =	sst s10  }
0x32: {  	s10 =	sld [smem:$0x3FB5];
	_ =	sdelay $0x3  }
0x33: {  	p0 =	seq.s32 s10, $0x1;
	s10 =	sld [smem:$0x3FB7];
	_ =	sdelay $0x3  }
0x34: {  	[smem:$0x3FB7] =	sst s10  }
0x35: {  	s10 =	sld [smem:$0x3FB6];
	_ =	sdelay $0x3  }
0x36: {  	p1 =	seq.s32 s10, $0x1;
	s10 =	sld [smem:$0x3FB7];
	_ =	sdelay $0x3  }
0x37: {  	[smem:$0x3FB7] =	sst s10  }
0x38: {  	s10 =	sld [smem:$0x3FB8]  }
0x39: {  	_ = 	snop;
	(pc) =	sbr.ind lr, $3  }
0x3a: {  	_ = 	snop  }
0x3b: {  	_ = 	snop  }
0x3c: {  	p2 =	seq.s32 s10, $0x1;
	s10 =	sld [smem:$0x3FB7]  }
0x3d: {  	_ =	shalt  }
0x3e: {  	_ =	shalt  }
0x3f: {  	_ =	shalt  }
0x40: {  	_ =	shalt  }
0x41: {  	_ =	shalt  }
0x42: {  	_ =	shalt  }
0x43: {  	_ =	shalt  }
0x44: {  	_ =	shalt  }
0x45: {  	_ =	shalt  }
0x46: {  	_ =	shalt  }
0x47: {  	_ =	shalt  }
0x48: {  	_ =	shalt  }
0x49: {  	_ =	shalt  }
0x4a: {  	_ =	shalt  }
0x4b: {  	_ =	shalt  }
0x4c: {  	_ =	shalt  }
0x4d: {  	_ =	shalt  }
0x4e: {  	_ =	shalt  }
0x4f: {  	_ =	shalt  }
0x50: {  	_ =	shalt  }
0x51: {  	_ =	shalt  }
0x52: {  	_ =	shalt  }
0x53: {  	_ =	shalt  }
0x54: {  	_ =	shalt  }
0x55: {  	_ =	shalt  }
0x56: {  	_ =	shalt  }
0x57: {  	_ =	shalt  }
0x58: {  	_ =	shalt  }
0x59: {  	_ =	shalt  }
0x5a: {  	_ =	shalt  }
0x5b: {  	_ =	shalt  }
0x5c: {  	_ =	shalt  }
0x5d: {  	_ =	shalt  }
0x5e: {  	_ =	shalt  }
0x5f: {  	_ =	shalt  }
0x60: {  	_ =	shalt  }
0x61: {  	_ =	shalt  }
0x62: {  	_ =	shalt  }
0x63: {  	_ =	shalt  }
0x64: {  	_ =	shalt  }
0x65: {  	_ =	shalt  }
0x66: {  	_ =	shalt  }
0x67: {  	_ =	shalt  }
0x68: {  	_ =	shalt  }
0x69: {  	_ =	shalt  }
0x6a: {  	_ =	shalt  }
0x6b: {  	_ =	shalt  }
0x6c: {  	_ =	shalt  }
0x6d: {  	_ =	shalt  }
0x6e: {  	_ =	shalt  }
0x6f: {  	_ =	shalt  }
0x70: {  	_ =	shalt  }
0x71: {  	_ =	shalt  }
0x72: {  	_ =	shalt  }
0x73: {  	_ =	shalt  }
0x74: {  	_ =	shalt  }
0x75: {  	_ =	shalt  }
0x76: {  	_ =	shalt  }
0x77: {  	_ =	shalt  }
0x78: {  	_ =	shalt  }
0x79: {  	_ =	shalt  }
0x7a: {  	_ =	shalt  }
0x7b: {  	_ =	shalt  }
0x7c: {  	_ =	shalt  }
0x7d: {  	_ =	shalt  }
0x7e: {  	_ =	shalt  }
0x7f: {  	_ =	shalt  }
0x80: {  	_ =	shalt  }
0x81: {  	_ =	shalt  }
0x82: {  	_ =	shalt  }
0x83: {  	_ =	shalt  }
0x84: {  	_ =	shalt  }
0x85: {  	_ =	shalt  }
0x86: {  	_ =	shalt  }
0x87: {  	_ =	shalt  }
.Lfunc_end0:
.L_simem_size_0:
called_computation.1_lowered:
.L_overlay_start_0:
0x88: {  	s2 =	sld [smem:$0x3FD9]  }
0x89: {  	s3 =	sld [smem:$0x3FFE];
	_ =	sdelay $0x1  }
0x8a: {  	s1 =	srdreg.scid  }
0x8b: {  	s0 =	sand.u32 $0x1, s1  }
0x8c: {  	s16 =	sshll.u32 s0, $0xA;
	s2 =	sadd.s32 s3, s2  }
0x8d: {  	s2 =	sadd.s32 s2, s16  }
0x8e: {  	[smem:$0x3FC3] =	sst s2  }
0x8f: {  	_ = 	snop  }
0x90: {  	(tm) =	ssettm $0x1  }
0x91: {  	s17 =	sld [smem:$0x3FFB];
	_ =	sdelay $0x3  }
0x92: {  	_ =	strace s17  }
0x93: {  	s2 =	sld [smem:$0x3FFC];
	_ =	sdelay $0x3  }
0x94: {  	_ =	strace s2  }
0x95: {  	s2 =	sld [smem:$0x3FFD];
	_ =	sdelay $0x3  }
0x96: {  	_ =	strace s2  }
0x97: {  	_ =	strace $0x8FFFFFFF  }
0x98: {  	s18 =	sld [smem:$0x3FDB];
	_ =	sdelay $0x1  }
0x99: {  	s19 =	simm.s32 $_scs_section_size  }
0x9a: {  	s4 =	simm.s32 $_size__tile_overlayer_lowered;
	s5 =	simm.s32 $_tile_overlayer_lowered  }
0x9b: {  	s22 =	simm.s32 $0x1BFF;
	s21 =	sshll.u32 s5, $0x1;
	s2 =	sadd.s32 s19, s18  }
0x9c: {  	s6 =	simm.s32 $0x0;
	s20 =	sshll.u32 s4, $0x1;
	s4 =	sadd.s32 s21, s2  }
0x9d: {  	[timem:s6], [sflag:s22] =	dma.local [hbm:s4], s20  }
0x9e: {  	_ =	swait.ge [sflag:s22], s20  }
0x9f: {  	s3 =	ssub.s32 $0x0, s20;
	[sflag:s22] =	ssyncset.done $0x0  }
0xa0: {  	[sflag:s22] =	ssyncadd.s32 s3;
	_ =	sdelay $0x1  }
0xa1: {  	s23 =	simm.s32 $0x1B8B  }
0xa2: {  	_ =	swait.ge [sflag:s23], $0x1  }
0xa3: {  	[sflag:s23] =	ssyncset.done $0x0  }
0xa4: {  	s25 =	simm.s32 $0x1B8E;
	s24 =	sld [smem:$0x3FFE];
	[sflag:s23] =	ssyncadd.s32 $0xFFFFFFFF  }
0xa5: {  	s26 =	simm.s32 $execute0_lowered;
	[smem:$0x3FD2] =	sst s25  }
0xa6: {  	s4 =	sshll.u32 s26, $0x1;
	_ =	strace $0x80000046;
	[dreg:$0x1] =	wrdreg $0xFFFFFFFF  }
0xa7: {  	s28 =	simm.s32 $_size_execute0_lowered;
	s2 =	sadd.s32 s2, s4;
	[dreg:$0x0] =	wrdreg $0x0  }
0xa8: {  	s4 =	sshll.u32 s28, $0x1;
	[dreg:$0x2] =	wrdreg s2  }
0xa9: {  	[dreg:$0x3] =	wrdreg s4  }
0xaa: {  	[dreg:$0x4] =	wrdreg $0xC0  }
0xab: {  	_ =	task [dreg:s6], $0x5FFFF  }
0xac: {  	[dreg:$0x1] =	wrdreg $0xFFFFFFFF  }
0xad: {  	[dreg:$0x0] =	wrdreg $0x60  }
0xae: {  	[dreg:$0x2] =	wrdreg s24  }
0xaf: {  	[dreg:$0x3] =	wrdreg $0xA  }
0xb0: {  	_ =	task.clear_ibuf [dreg:s6], $0x4FFFF;
	_ =	strace $0x90000046  }
0xb1: {  	s29 =	simm.s32 $0xA;
	_ =	strace $0x80000048  }
0xb2: {  	_ =	swait.ge [sflag:s29], $0x1  }
0xb3: {  	[sflag:s29] =	ssyncadd.s32 $0xFFFFFFFF  }
0xb4: {  	_ =	strace $0x90000048  }
0xb5: {  	_ =	sfence  }
0xb6: {  	s30 =	sld [smem:$0x0];
	_ =	sdelay $0x2  }
0xb7: {  	s31 =	sshll.u32 s1, $0xD;
	s1 =	sshrl.u32 s1, $0x2  }
0xb8: {  	s3 =	sand.u32 $0x4000, s31;
	s1 =	sadd.s32 s1, s30  }
0xb9: {  	s0 =	sor.u32 s3, s0;
	s1 =	sshll.u32 s1, $0x11  }
0xba: {  	s0 =	sor.u32 s1, s0  }
0xbb: {  	s0 =	sadd.s32 $0x8F2B, s0  }
0xbc: {  	[sflag:s0] =	ssyncadd.remote.s32 $0x1  }
0xbd: {  	_ =	sfence.sel $0xFFFF  }
0xbe: {  	[dreg:$0x0] =	wrdreg $0xFFFFFFFF;
	(pc) =	sbr.abs _section_cstart, $3  }
0xbf: {  	[dreg:$0x1] =	wrdreg $0xFFFFFFFF  }
0xc0: {  	_ =	task.clear_ibuf [dreg:s6], $0x2FFFF;
	_ =	strace $0x9FFFFFFF  }
0xc1: {  	(tm) =	ssettm $0x7FFFFFFF  }
tec
execute0_lowered:
.L_overlay_start_1:
0x0: {  	(tag) =	ssettag $0x1  }
0x1: {  	s3 =	rddreg [dreg:$0x0];
	s2 =	srdreg.scid  }
0x2: {  	s0 =	rddreg [dreg:$0x1];
	s1 =	stileid.u32;
	s7 =	simm.s32 $0x200  }
0x3: {  	s8 =	simm.s32 $0x4000;
	s9 =	simm.s32 $0x2;
	s10 =	simm.s32 $0x80  }
0x4: {  	s11 =	simm.s32 $0x1080;
	s12 =	simm.s32 $0x100;
	s13 =	simm.s32 $0x1100  }
0x5: {  	s14 =	simm.s32 $0x180;
	s15 =	simm.s32 $0x1180;
	s16 =	simm.s32 $0x1200  }
0x6: {  	s17 =	simm.s32 $0x280;
	s18 =	simm.s32 $0x1280;
	s19 =	simm.s32 $0x300  }
0x7: {  	s20 =	simm.s32 $0x1300;
	s21 =	simm.s32 $0x380;
	s22 =	simm.s32 $0x1380  }
0x8: {  	s23 =	simm.s32 $0x1;
	s24 =	simm.s32 $0x2000;
	s25 =	simm.s32 $0x0  }
0x9: {  	s4 =	sand.u32 $0x1, s2;
	s2 =	simm.s32 $0x0;
	s5 =	sshll.u32 s1, $0x7  }
0xa: {  	s6 =	sshll.u32 s4, $0x6;
	[smem:$0x7FF] =	sst s2;
	s4 =	ssub.s32 $0x2, s4  }
0xb: {  	s5 =	sor.u32 s6, s5;
	_ =	strace $0x80000047;
	s31 =	sshrl.u32 s4, $0x1  }
0xc: {  	s5 =	sadd.s32 s5, s3;
	s3 =	sadd.s32 $0x1600, s3;
	s6 =	ssub.s32 s4, s31  }
0xd: {  	s4 =	sadd.s32 $0x32600, s5;
	s5 =	sadd.s32 $0x3F600, s5;
	s6 =	smax.u32 s6, $0x1  }
.LBB2_1:
0xe: {  	[tilespmem:s2], [sflag:$0x2] =	stream.strided.gather [hbm4b:s4+s7], $0x1000, s8, s7, $0x38;
	[tilespmem:$0x2200] =	vst v63  }
0xf: {  	_ =	swait.ge [sflag:s9], $0x1000  }
0x10: {  	[sflag:s9] =	ssyncset.done $0x0  }
0x11: {  	[sflag:s9] =	ssyncadd.s32 $0xFFFFF000  }
0x12: {  	v0 =	vld [tilespmem:s12+$0xFFFFFF00]  }
0x13: {  	v1 =	vld [tilespmem:s12+$0xFFFFFF10]  }
0x14: {  	v2 =	vld [tilespmem:s12+$0xFFFFFF20]  }
0x15: {  	v3 =	vld [tilespmem:s12+$0xFFFFFF30]  }
0x16: {  	v4 =	vld [tilespmem:s12+$0xFFFFFF40]  }
0x17: {  	v5 =	vld [tilespmem:s12+$0xFFFFFF50];
	v0 =	vadd.s32 s2, v0  }
0x18: {  	[tilespmem:s12+$0xFFFFFF00] =	vst v0;
	v0 =	vadd.s32 s2, v1;
	v1 =	vld [tilespmem:s12+$0xFFFFFF60]  }
0x19: {  	[tilespmem:s12+$0xFFFFFF10] =	vst v0;
	v0 =	vadd.s32 s2, v2;
	v2 =	vld [tilespmem:s12+$0xFFFFFF70]  }
0x1a: {  	[tilespmem:s12+$0xFFFFFF20] =	vst v0;
	v0 =	vadd.s32 s2, v3;
	v3 =	vld [tilespmem:s12+$0xFFFFFF80]  }
0x1b: {  	[tilespmem:s12+$0xFFFFFF30] =	vst v0;
	v0 =	vadd.s32 s2, v4;
	v4 =	vld [tilespmem:s12+$0xFFFFFF90]  }
0x1c: {  	[tilespmem:s12+$0xFFFFFF40] =	vst v0;
	v0 =	vadd.s32 s2, v5;
	v5 =	vld [tilespmem:s12+$0xFFFFFFA0]  }
0x1d: {  	[tilespmem:s12+$0xFFFFFF50] =	vst v0;
	v0 =	vadd.s32 s2, v1;
	v1 =	vld [tilespmem:s12+$0xFFFFFFB0]  }
0x1e: {  	[tilespmem:s12+$0xFFFFFF60] =	vst v0;
	v0 =	vadd.s32 s2, v2;
	v2 =	vld [tilespmem:s12+$0xFFFFFFC0]  }
0x1f: {  	[tilespmem:s12+$0xFFFFFF70] =	vst v0;
	v0 =	vadd.s32 s2, v3;
	v3 =	vld [tilespmem:s12+$0xFFFFFFD0]  }
0x20: {  	[tilespmem:s12+$0xFFFFFF80] =	vst v0;
	v0 =	vadd.s32 s2, v4;
	v4 =	vld [tilespmem:s12+$0xFFFFFFE0]  }
0x21: {  	[tilespmem:s12+$0xFFFFFF90] =	vst v0;
	v0 =	vadd.s32 s2, v5;
	v5 =	vld [tilespmem:s12+$0x0]  }
0x22: {  	[tilespmem:s12+$0xFFFFFFA0] =	vst v0;
	v0 =	vadd.s32 s2, v1;
	v1 =	vld [tilespmem:s12+$0x10]  }
0x23: {  	[tilespmem:s12+$0xFFFFFFB0] =	vst v0;
	v0 =	vadd.s32 s2, v2;
	v2 =	vld [tilespmem:s12+$0x20]  }
0x24: {  	[tilespmem:s12+$0xFFFFFFC0] =	vst v0;
	v0 =	vadd.s32 s2, v3;
	v3 =	vld [tilespmem:s12+$0x30]  }
0x25: {  	[tilespmem:s12+$0xFFFFFFD0] =	vst v0;
	v0 =	vadd.s32 s2, v4;
	v4 =	vld [tilespmem:s12+$0x40]  }
0x26: {  	[tilespmem:s12+$0xFFFFFFE0] =	vst v0;
	v0 =	vadd.s32 s2, v5;
	v5 =	vld [tilespmem:s12+$0x50]  }
0x27: {  	[tilespmem:s12+$0x0] =	vst v0;
	v0 =	vadd.s32 s2, v1;
	v1 =	vld [tilespmem:s12+$0x60]  }
0x28: {  	[tilespmem:s12+$0x10] =	vst v0;
	v0 =	vadd.s32 s2, v2;
	v2 =	vld [tilespmem:s12+$0x70]  }
0x29: {  	[tilespmem:s12+$0x20] =	vst v0;
	v0 =	vadd.s32 s2, v3;
	v3 =	vld [tilespmem:s12+$0x80]  }
0x2a: {  	[tilespmem:s12+$0x30] =	vst v0;
	v0 =	vadd.s32 s2, v4;
	v4 =	vld [tilespmem:s12+$0x90]  }
0x2b: {  	[tilespmem:s12+$0x40] =	vst v0;
	v0 =	vadd.s32 s2, v5;
	v5 =	vld [tilespmem:s12+$0xA0]  }
0x2c: {  	[tilespmem:s12+$0x50] =	vst v0;
	v1 =	vadd.s32 s2, v1;
	v0 =	vld [tilespmem:s12+$0xB0]  }
0x2d: {  	[tilespmem:s12+$0x60] =	vst v1;
	v2 =	vadd.s32 s2, v2;
	v1 =	vld [tilespmem:s12+$0xC0]  }
0x2e: {  	[tilespmem:s12+$0x70] =	vst v2;
	v3 =	vadd.s32 s2, v3;
	v2 =	vld [tilespmem:s12+$0xD0]  }
0x2f: {  	s29 =	simm.s32 $0x186A0;
	[tilespmem:s12+$0x80] =	vst v3;
	v4 =	vadd.s32 s2, v4;
	v3 =	vld [tilespmem:s12+$0xE0]  }
0x30: {  	s26 =	simm.s32 $0x100;
	s28 =	simm.s32 $0x0;
	s30 =	simm.s32 $0x100;
	[tilespmem:s12+$0x90] =	vst v4;
	v5 =	vadd.s32 s2, v5;
	v4 =	vld [tilespmem:s12+$0xF0]  }
.LBB2_2:
0x31: {  	p0 =	sne.s32 s29, $0xAAE60;
	v6 =	vld [tilespmem:s26+$0xFFFFFFF0];
	[tilespmem:s26+$0xA0] =	vst v5;
	v0 =	vadd.s32 s28, v0;
	s30 =	sadd.s32 $0x200, s30  }
0x32: {  	v5 =	vld [tilespmem:s30+$0xFFFFFF00];
	[tilespmem:s26+$0xB0] =	vst v0;
	v0 =	vadd.s32 s28, v1  }
0x33: {  	v1 =	vld [tilespmem:s30+$0xFFFFFF10];
	[tilespmem:s26+$0xC0] =	vst v0;
	v0 =	vadd.s32 s28, v2  }
0x34: {  	v2 =	vld [tilespmem:s30+$0xFFFFFF20];
	[tilespmem:s26+$0xD0] =	vst v0;
	v0 =	vadd.s32 s28, v3  }
0x35: {  	v3 =	vld [tilespmem:s30+$0xFFFFFF30];
	[tilespmem:s26+$0xE0] =	vst v0;
	v0 =	vadd.s32 s28, v4  }
0x36: {  	v4 =	vld [tilespmem:s30+$0xFFFFFF40];
	v6 =	vadd.s32 s28, v6;
	[tilespmem:s26+$0xF0] =	vst v0;
	s28 =	smov.u32 s29  }
0x37: {  	v0 =	vadd.s32 s29, v5;
	v5 =	vld [tilespmem:s30+$0xFFFFFF50];
	[tilespmem:s26+$0xFFFFFFF0] =	vst v6;
	s26 =	smov.u32 s30  }
0x38: {  	[tilespmem:s30+$0xFFFFFF00] =	vst v0;
	v0 =	vadd.s32 s29, v1;
	v1 =	vld [tilespmem:s30+$0xFFFFFF60]  }
0x39: {  	[tilespmem:s30+$0xFFFFFF10] =	vst v0;
	v0 =	vadd.s32 s29, v2;
	v2 =	vld [tilespmem:s30+$0xFFFFFF70]  }
0x3a: {  	[tilespmem:s30+$0xFFFFFF20] =	vst v0;
	v0 =	vadd.s32 s29, v3;
	v3 =	vld [tilespmem:s30+$0xFFFFFF80]  }
0x3b: {  	[tilespmem:s30+$0xFFFFFF30] =	vst v0;
	v0 =	vadd.s32 s29, v4;
	v4 =	vld [tilespmem:s30+$0xFFFFFF90]  }
0x3c: {  	[tilespmem:s30+$0xFFFFFF40] =	vst v0;
	v0 =	vadd.s32 s29, v5;
	v5 =	vld [tilespmem:s30+$0xFFFFFFA0]  }
0x3d: {  	[tilespmem:s30+$0xFFFFFF50] =	vst v0;
	v0 =	vadd.s32 s29, v1;
	v1 =	vld [tilespmem:s30+$0xFFFFFFB0]  }
0x3e: {  	[tilespmem:s30+$0xFFFFFF60] =	vst v0;
	v0 =	vadd.s32 s29, v2;
	v2 =	vld [tilespmem:s30+$0xFFFFFFC0]  }
0x3f: {  	[tilespmem:s30+$0xFFFFFF70] =	vst v0;
	v0 =	vadd.s32 s29, v3;
	v3 =	vld [tilespmem:s30+$0xFFFFFFD0]  }
0x40: {  	[tilespmem:s30+$0xFFFFFF80] =	vst v0;
	v0 =	vadd.s32 s29, v4;
	v4 =	vld [tilespmem:s30+$0xFFFFFFE0]  }
0x41: {  	[tilespmem:s30+$0xFFFFFF90] =	vst v0;
	v0 =	vadd.s32 s29, v5;
	v5 =	vld [tilespmem:s30+$0x0]  }
0x42: {  	[tilespmem:s30+$0xFFFFFFA0] =	vst v0;
	v0 =	vadd.s32 s29, v1;
	v1 =	vld [tilespmem:s30+$0x10]  }
0x43: {  	[tilespmem:s30+$0xFFFFFFB0] =	vst v0;
	v0 =	vadd.s32 s29, v2;
	v2 =	vld [tilespmem:s30+$0x20]  }
0x44: {  	[tilespmem:s30+$0xFFFFFFC0] =	vst v0;
	v0 =	vadd.s32 s29, v3;
	v3 =	vld [tilespmem:s30+$0x30]  }
0x45: {  	[tilespmem:s30+$0xFFFFFFD0] =	vst v0;
	v0 =	vadd.s32 s29, v4;
	v4 =	vld [tilespmem:s30+$0x40]  }
0x46: {  	[tilespmem:s30+$0xFFFFFFE0] =	vst v0;
	v0 =	vadd.s32 s29, v5;
	v5 =	vld [tilespmem:s30+$0x50]  }
0x47: {  	[tilespmem:s30+$0x0] =	vst v0;
	v0 =	vadd.s32 s29, v1;
	v1 =	vld [tilespmem:s30+$0x60]  }
0x48: {  	[tilespmem:s30+$0x10] =	vst v0;
	v0 =	vadd.s32 s29, v2;
	v2 =	vld [tilespmem:s30+$0x70]  }
0x49: {  	[tilespmem:s30+$0x20] =	vst v0;
	v0 =	vadd.s32 s29, v3;
	v3 =	vld [tilespmem:s30+$0x80]  }
0x4a: {  	[tilespmem:s30+$0x30] =	vst v0;
	v0 =	vadd.s32 s29, v4;
	v4 =	vld [tilespmem:s30+$0x90]  }
0x4b: {  	[tilespmem:s30+$0x40] =	vst v0;
	v0 =	vadd.s32 s29, v5;
	v5 =	vld [tilespmem:s30+$0xA0]  }
.Ltmp0:
0x4c: {  	[tilespmem:s30+$0x50] =	vst v0;
	v1 =	vadd.s32 s29, v1;
	v0 =	vld [tilespmem:s30+$0xB0];
	(pc) =	sbr.rel @p0 .LBB2_2-.Ltmp0, $4  }
0x4d: {  	[tilespmem:s30+$0x60] =	vst v1;
	v2 =	vadd.s32 s29, v2;
	v1 =	vld [tilespmem:s30+$0xC0]  }
0x4e: {  	[tilespmem:s30+$0x70] =	vst v2;
	v3 =	vadd.s32 s29, v3;
	v2 =	vld [tilespmem:s30+$0xD0]  }
0x4f: {  	[tilespmem:s30+$0x80] =	vst v3;
	v4 =	vadd.s32 s29, v4;
	v3 =	vld [tilespmem:s30+$0xE0]  }
0x50: {  	s29 =	sadd.s32 $0x186A0, s29;
	[tilespmem:s30+$0x90] =	vst v4;
	v5 =	vadd.s32 s28, v5;
	v4 =	vld [tilespmem:s30+$0xF0]  }
0x51: {  	v6 =	vld [tilespmem:s26+$0xFFFFFFF0];
	[tilespmem:s26+$0xA0] =	vst v5;
	v0 =	vadd.s32 s28, v0  }
0x52: {  	[tilespmem:s26+$0xB0] =	vst v0;
	v59 =	vadd.s32 s28, v1  }
0x53: {  	[tilespmem:s26+$0xC0] =	vst v59;
	v60 =	vadd.s32 s28, v2  }
0x54: {  	[tilespmem:s26+$0xD0] =	vst v60;
	v61 =	vadd.s32 s28, v3  }
0x55: {  	[tilespmem:s26+$0xE0] =	vst v61;
	v62 =	vadd.s32 s28, v4  }
0x56: {  	v63 =	vadd.s32 s28, v6;
	[tilespmem:s26+$0xF0] =	vst v62  }
0x57: {  	s28 =	simm.s32 $0x1000;
	[tilespmem:s26+$0xFFFFFFF0] =	vst v63;
	s26 =	simm.s32 $0x0  }
0x58: {  	[tilespmem:s28], [sflag:$0x1] =	stream.indirect.gather [hbm4b:s3+s10], $0x1, s26, s10, $0xb8;
	[tilespmem:$0x2200] =	vst v63  }
0x59: {  	_ = 	snop  }
0x5a: {  	[tilespmem:s11], [sflag:$0x1] =	stream.indirect.gather [hbm4b:s3+s10], $0x1, s10, s10, $0xb8;
	[tilespmem:$0x2200] =	vst v63  }
0x5b: {  	_ = 	snop  }
0x5c: {  	[tilespmem:s13], [sflag:$0x1] =	stream.indirect.gather [hbm4b:s3+s10], $0x1, s12, s10, $0xb8;
	[tilespmem:$0x2200] =	vst v63  }
0x5d: {  	_ = 	snop  }
0x5e: {  	[tilespmem:s15], [sflag:$0x1] =	stream.indirect.gather [hbm4b:s3+s10], $0x1, s14, s10, $0xb8;
	[tilespmem:$0x2200] =	vst v63  }
0x5f: {  	_ = 	snop  }
0x60: {  	[tilespmem:s16], [sflag:$0x1] =	stream.indirect.gather [hbm4b:s3+s10], $0x1, s7, s10, $0xb8;
	[tilespmem:$0x2200] =	vst v63  }
0x61: {  	_ = 	snop  }
0x62: {  	[tilespmem:s18], [sflag:$0x1] =	stream.indirect.gather [hbm4b:s3+s10], $0x1, s17, s10, $0xb8;
	[tilespmem:$0x2200] =	vst v63  }
0x63: {  	s28 =	sand.u32 $0x7800, s28  }
0x64: {  	[tilespmem:s20], [sflag:$0x1] =	stream.indirect.gather [hbm4b:s3+s10], $0x1, s19, s10, $0xb8;
	[tilespmem:$0x2200] =	vst v63  }
0x65: {  	s29 =	sand.u32 $0x180, s26;
	s28 =	sshrl.u32 s28, $0x2  }
0x66: {  	[tilespmem:s22], [sflag:$0x1] =	stream.indirect.gather [hbm4b:s3+s10], $0x1, s21, s10, $0xb8;
	[tilespmem:$0x2200] =	vst v63  }
0x67: {  	s30 =	simm.s32 $0x1400;
	s28 =	sor.u32 s29, s28  }
0x68: {  	[tilespmem:s30], [sflag:$0x1] =	stream.indirect.gather [hbm4b:s3+s10], $0x1, s28, s10, $0xb8;
	[tilespmem:$0x2200] =	vst v63  }
0x69: {  	s28 =	simm.s32 $0x1200  }
.LBB2_4:
0x6a: {  	s29 =	sshra.s32 s28, $0x2;
	p0 =	sne.s32 s28, $0x3E00  }
.Ltmp1:
0x6b: {  	_ =	swait.ge [sflag:s23], $0x80;
	s26 =	sadd.s32 $0x80, s26;
	(pc) =	sbr.rel @p0 .LBB2_4-.Ltmp1, $4  }
0x6c: {  	s30 =	sand.u32 $0x7800, s28;
	s29 =	sadd.s32 $0x1000, s29;
	[sflag:s23] =	ssyncset.done $0x0  }
0x6d: {  	s31 =	sand.u32 $0x180, s26;
	s30 =	sshrl.u32 s30, $0x2;
	[sflag:s23] =	ssyncadd.s32 $0xFFFFFF80  }
0x6e: {  	s28 =	sadd.s32 $0x200, s28;
	s30 =	sor.u32 s31, s30  }
0x6f: {  	[tilespmem:s29], [sflag:$0x1] =	stream.indirect.gather [hbm4b:s3+s10], $0x1, s30, s10, $0xb8;
	[tilespmem:$0x2200] =	vst v63  }
0x70: {  	_ =	swait.ge [sflag:s23], $0x80  }
0x71: {  	[sflag:s23] =	ssyncset.done $0x0  }
0x72: {  	[sflag:s23] =	ssyncadd.s32 $0xFFFFFF80  }
0x73: {  	_ =	swait.ge [sflag:s23], $0x80  }
0x74: {  	[sflag:s23] =	ssyncset.done $0x0  }
0x75: {  	[sflag:s23] =	ssyncadd.s32 $0xFFFFFF80  }
0x76: {  	_ =	swait.ge [sflag:s23], $0x80  }
0x77: {  	[sflag:s23] =	ssyncset.done $0x0  }
0x78: {  	[sflag:s23] =	ssyncadd.s32 $0xFFFFFF80  }
0x79: {  	_ =	swait.ge [sflag:s23], $0x80  }
0x7a: {  	[sflag:s23] =	ssyncset.done $0x0  }
0x7b: {  	[sflag:s23] =	ssyncadd.s32 $0xFFFFFF80  }
0x7c: {  	_ =	swait.ge [sflag:s23], $0x80  }
0x7d: {  	[sflag:s23] =	ssyncset.done $0x0  }
0x7e: {  	[sflag:s23] =	ssyncadd.s32 $0xFFFFFF80  }
0x7f: {  	_ =	swait.ge [sflag:s23], $0x80  }
0x80: {  	[sflag:s23] =	ssyncset.done $0x0  }
0x81: {  	[sflag:s23] =	ssyncadd.s32 $0xFFFFFF80  }
0x82: {  	_ =	swait.ge [sflag:s23], $0x80  }
0x83: {  	[sflag:s23] =	ssyncset.done $0x0  }
0x84: {  	[sflag:s23] =	ssyncadd.s32 $0xFFFFFF80  }
0x85: {  	_ =	swait.ge [sflag:s23], $0x80  }
0x86: {  	[sflag:s23] =	ssyncset.done $0x0  }
0x87: {  	[sflag:s23] =	ssyncadd.s32 $0xFFFFFF80  }
0x88: {  	_ =	swait.ge [sflag:s23], $0x80  }
0x89: {  	[sflag:s23] =	ssyncset.done $0x0  }
0x8a: {  	s28 =	simm.s32 $0x0;
	[sflag:s23] =	ssyncadd.s32 $0xFFFFFF80  }
0x8b: {  	v0 =	vld [tilespmem:s28+$0x1000]  }
0x8c: {  	v1 =	vld [tilespmem:s28+$0x1200];
	_ =	sdelay $0x1  }
0x8d: {  	v2 =	vld [tilespmem:s28+$0x1400];
	_ =	sdelay $0x1  }
0x8e: {  	v3 =	vld [tilespmem:s28+$0x1600]  }
0x8f: {  	v4 =	vld [tilespmem:s28+$0x1A00];
	v0 =	vadd.f32 v1, v0  }
0x90: {  	s26 =	simm.s32 $0x10;
	v1 =	vld [tilespmem:s28+$0x1800]  }
0x91: {  	v5 =	vld [tilespmem:s26+$0x1000];
	v0 =	vadd.f32 v2, v0  }
0x92: {  	v6 =	vld [tilespmem:s26+$0x1200]  }
0x93: {  	v7 =	vld [tilespmem:s28+$0x1C00];
	v0 =	vadd.f32 v3, v0  }
0x94: {  	v8 =	vld [tilespmem:s26+$0x1400]  }
0x95: {  	v2 =	vld [tilespmem:s28+$0x1E00];
	v3 =	vadd.f32 v1, v0  }
0x96: {  	v1 =	vld [tilespmem:s26+$0x1600]  }
0x97: {  	v5 =	vadd.f32 v6, v5;
	v0 =	vld [tilespmem:s26+$0x1A00];
	v6 =	vadd.f32 v4, v3  }
0x98: {  	s29 =	simm.s32 $0x20;
	v3 =	vld [tilespmem:s26+$0x1800]  }
0x99: {  	s30 =	simm.s32 $0xC0;
	v5 =	vadd.f32 v8, v5;
	v4 =	vld [tilespmem:s29+$0x1000];
	v6 =	vadd.f32 v7, v6  }
.LBB2_6:
0x9a: {  	p0 =	sne.s32 s30, $0x7C0;
	v7 =	vld [tilespmem:s29+$0x1200]  }
0x9b: {  	v1 =	vadd.f32 v1, v5;
	v8 =	vld [tilespmem:s26+$0x1C00];
	v5 =	vadd.f32 v2, v6  }
0x9c: {  	v6 =	vld [tilespmem:s29+$0x1400]  }
.Ltmp2:
0x9d: {  	v3 =	vadd.f32 v3, v1;
	v2 =	vld [tilespmem:s26+$0x1E00];
	[tilespmem:s28+$0x2000] =	vst v5;
	s28 =	smov.u32 s26;
	s26 =	smov.u32 s29;
	(pc) =	sbr.rel @p0 .LBB2_6-.Ltmp2, $4  }
0x9e: {  	v1 =	vld [tilespmem:s26+$0x1600]  }
0x9f: {  	v5 =	vadd.f32 v7, v4;
	v7 =	vadd.f32 v0, v3;
	v0 =	vld [tilespmem:s26+$0x1A00]  }
0xa0: {  	s29 =	sshra.s32 s30, $0x2;
	v3 =	vld [tilespmem:s26+$0x1800]  }
0xa1: {  	s30 =	sadd.s32 $0x40, s30;
	v4 =	vld [tilespmem:s29+$0x1000];
	v5 =	vadd.f32 v6, v5;
	v6 =	vadd.f32 v8, v7  }
0xa2: {  	v7 =	vld [tilespmem:s29+$0x1200]  }
0xa3: {  	v8 =	vld [tilespmem:s26+$0x1C00];
	v2 =	vadd.f32 v2, v6  }
0xa4: {  	v59 =	vld [tilespmem:s29+$0x1400]  }
0xa5: {  	v9 =	vld [tilespmem:s26+$0x1E00];
	[tilespmem:s28+$0x2000] =	vst v2  }
0xa6: {  	v2 =	vld [tilespmem:s29+$0x1600]  }
0xa7: {  	v4 =	vadd.f32 v7, v4  }
0xa8: {  	v60 =	vld [tilespmem:s29+$0x1800]  }
0xa9: {  	v4 =	vadd.f32 v59, v4  }
0xaa: {  	v1 =	vadd.f32 v1, v5;
	v61 =	vld [tilespmem:s29+$0x1A00]  }
0xab: {  	v2 =	vadd.f32 v2, v4  }
0xac: {  	v1 =	vadd.f32 v3, v1;
	v62 =	vld [tilespmem:s29+$0x1C00]  }
0xad: {  	v2 =	vadd.f32 v60, v2  }
0xae: {  	v63 =	vld [tilespmem:s29+$0x1E00];
	v0 =	vadd.f32 v0, v1  }
0xaf: {  	v2 =	vadd.f32 v61, v2  }
0xb0: {  	v0 =	vadd.f32 v8, v0  }
0xb1: {  	v2 =	vadd.f32 v62, v2  }
0xb2: {  	v0 =	vadd.f32 v9, v0  }
0xb3: {  	s25 =	sadd.s32 $0x1, s25;
	v1 =	vadd.f32 v63, v2  }
0xb4: {  	p0 =	sne.s32 s25, s6;
	[tilespmem:s26+$0x2000] =	vst v0  }
.Ltmp3:
0xb5: {  	[tilespmem:s29+$0x2000] =	vst v1;
	(pc) =	sbr.rel @p0 .LBB2_1-.Ltmp3, $4  }
0xb6: {  	[hbm4b:s5+s2] =	stream.linear.scatter [tilespmem:s24], [sflag:$0x2], $0x200, $0x38;
	[tilespmem:$0x2200] =	vst v63  }
0xb7: {  	_ =	swait.ge [sflag:s9], $0x200  }
0xb8: {  	[sflag:s9] =	ssyncset.done $0x0  }
0xb9: {  	[sflag:s9] =	ssyncadd.s32 $0xFFFFFE00  }
0xba: {  	_ =	sfence.sel $0x180000  }
0xbb: {  	[bflag:$0x0] =	sbarrier.arrive $0xFFFF  }
0xbc: {  	p0 =	sne.s32 s1, $0x0;
	_ =	strace $0x90000047  }
0xbd: {  	s0 =	sadd.s32 @!p0 $0x100000, s0;
	[bflag:$0x2] =	sbarrier.arrive $0xFFFF  }
0xbe: {  	[sflag:s0] =	ssyncadd.tile.s32 @!p0 $0x1;
	_ =	shalt  }
.Lfunc_end2:
_tile_overlayer_lowered:
.L_overlay_start_2:
0xbf: {  	(tag) =	ssettag $0x2  }
0xc0: {  	s0 =	rddreg [dreg:$0x0];
	s2 =	stileid.u32  }
0xc1: {  	s1 =	rddreg [dreg:$0x1];
	p0 =	sne.s32 s2, $0x0  }
0xc2: {  	s3 =	rddreg [dreg:$0x2];
	[bflag:$0x3] =	sbarrier.arrive $0xFFFF;
	s2 =	simm.s32 @!p0 $0x1C02  }
0xc3: {  	[timem:s3], [sflag:s2] =	dma.local @!p0 [hbm:s0], s1  }
0xc4: {  	s0 =	simm.s32 @!p0 $0x2  }
0xc5: {  	_ =	swait.ge @!p0 [sflag:s0], s1  }
0xc6: {  	s1 =	ssub.s32 @!p0 $0x0, s1;
	[sflag:s0] =	ssyncset.done @!p0 $0x0  }
0xc7: {  	[sflag:s0] =	ssyncadd.s32 @!p0 s1  }
0xc8: {  	[bflag:$0x3] =	sbarrier.arrive $0xFFFF  }
0xc9: {  	_ =	shalt  }

// kernel: emb_gather_f16_20.3.cloned.1.call-start
scs
__scs_entry_jumppad:
0x0: {  	(pc) =	sbr.rel $0x88, $3  }
0x1: {  	(tag) =	ssettag $0x0;
	lr =	simm.s32 $0x1  }
0x2: {  	[smem:$0x3F9C] =	sst lr;
	_ =	strace $0xD0000000  }
0x3: {  	_ = 	snop  }
0x4: {  	_ = 	snop  }
0x5: {  	_ = 	snop  }
0x6: {  	_ = 	snop  }
0x7: {  	_ = 	snop  }
__scs_overlays_trampoline_lowered:
0x8: {  	[smem:$0x3FAB] =	sst s0  }
0x9: {  	[smem:$0x3FAC] =	sst s1  }
0xa: {  	[smem:$0x3FAD] =	sst s2  }
0xb: {  	[smem:$0x3FAE] =	sst s3  }
0xc: {  	[smem:$0x3FAF] =	sst s4  }
0xd: {  	[smem:$0x3FB0] =	sst s5  }
0xe: {  	[smem:$0x3FB1] =	sst s6  }
0xf: {  	[smem:$0x3FB2] =	sst s7  }
0x10: {  	[smem:$0x3FB3] =	sst s8  }
0x11: {  	[smem:$0x3FB4] =	sst s9;
	s0 =	simm.s32 @!p0 $0x0  }
0x12: {  	s1 =	sld [smem:$0x3F9A];
	s0 =	simm.s32 @p0 $0x1  }
0x13: {  	[smem:$0x3FB5] =	sst s0;
	s0 =	simm.s32 @!p1 $0x0  }
0x14: {  	s2 =	sld [smem:$0x3F99];
	s0 =	simm.s32 @p1 $0x1  }
0x15: {  	[smem:$0x3FB6] =	sst s0;
	s0 =	simm.s32 @!p2 $0x0  }
0x16: {  	s3 =	sld [smem:$0x3FDB];
	s0 =	simm.s32 @p2 $0x1  }
0x17: {  	s4 =	simm.s32 $0x1BF5;
	[smem:$0x3FB8] =	sst s0  }
0x18: {  	s0 =	sld [smem:$0x3F9B];
	_ =	swait.ge [sflag:s4], $0x0  }
0x19: {  	s7 =	sld [smem:$0x3F9C]  }
0x1a: {  	s8 =	sadd.s32 $0xFFFFE003, lr  }
0x1b: {  	s9 =	sadd.s32 $0xFFFFFEF7, lr;
	s5 =	simm.s32 $0xFFFFFFFF;
	p2 =	slt.u32 s8, $0xFFFFF086  }
0x1c: {  	p1 =	slt.u32 s9, $0xF7A;
	s5 =	simm.s32 @!p2 $0x0  }
0x1d: {  	s5 =	simm.s32 @p1 $0x1;
	p0 =	seq.s32 s7, s2  }
0x1e: {  	s7 =	smul.u32 @!p0 $0xF7A, s2;
	p2 =	seq.s32 @!p0 s5, $0x0  }
0x1f: {  	s9 =	smul.u32 $0xF7A, s1;
	s8 =	simm.s32 @!p0 $0x1BF5;
	p2 =	por !p2, p0  }
0x20: {  	[sflag:s8] =	ssyncset.s32 @!p0 $0xFFFFF086;
	s6 =	sadd.s32 @!p0 s3, s7;
	s7 =	simm.s32 @!p0 $0x108  }
0x21: {  	s3 =	sadd.s32 s3, s9;
	s6 =	sadd.s32 @!p0 $0x88, s6;
	s7 =	simm.s32 @p2 $0x1082  }
0x22: {  	[simem:s7], [sflag:s8] =	dma.local @!p0 [hbm:s6], $0xF7A  }
0x23: {  	s9 =	sor.u32 $0xD0000000, s2;
	s6 =	simm.s32 $0x108;
	_ =	swait.ge @!p0 [sflag:s8], $0x0  }
0x24: {  	s3 =	sadd.s32 $0x88, s3;
	s6 =	simm.s32 @!p1 $0x1082;
	[sflag:s4] =	ssyncset.s32 $0xFFFFF086  }
0x25: {  	[simem:s6], [sflag:s4] =	dma.local [hbm:s3], $0xF7A  }
0x26: {  	[smem:$0x3F9C] =	sst s1;
	(tag) =	ssettag s2;
	_ =	strace s9  }
0x27: {  	s1 =	sld [smem:$0x3FAC]  }
0x28: {  	s2 =	sld [smem:$0x3FAD]  }
0x29: {  	s4 =	sld [smem:$0x3FAF]  }
0x2a: {  	p0 =	seq.s32 s5, $0x0;
	s5 =	sld [smem:$0x3FB0]  }
0x2b: {  	s6 =	sld [smem:$0x3FB1]  }
0x2c: {  	s7 =	sld [smem:$0x3FB2]  }
0x2d: {  	s3 =	simm.s32 $0x108;
	s8 =	sld [smem:$0x3FB3]  }
0x2e: {  	s3 =	simm.s32 @!p0 $0x1082;
	s9 =	sld [smem:$0x3FB4]  }
0x2f: {  	lr =	sadd.s32 s0, s3;
	s0 =	sld [smem:$0x3FAB]  }
0x30: {  	s3 =	sld [smem:$0x3FAE]  }
0x31: {  	[smem:$0x3FB7] =	sst s10  }
0x32: {  	s10 =	sld [smem:$0x3FB5];
	_ =	sdelay $0x3  }
0x33: {  	p0 =	seq.s32 s10, $0x1;
	s10 =	sld [smem:$0x3FB7];
	_ =	sdelay $0x3  }
0x34: {  	[smem:$0x3FB7] =	sst s10  }
0x35: {  	s10 =	sld [smem:$0x3FB6];
	_ =	sdelay $0x3  }
0x36: {  	p1 =	seq.s32 s10, $0x1;
	s10 =	sld [smem:$0x3FB7];
	_ =	sdelay $0x3  }
0x37: {  	[smem:$0x3FB7] =	sst s10  }
0x38: {  	s10 =	sld [smem:$0x3FB8]  }
0x39: {  	_ = 	snop;
	(pc) =	sbr.ind lr, $3  }
0x3a: {  	_ = 	snop  }
0x3b: {  	_ = 	snop  }
0x3c: {  	p2 =	seq.s32 s10, $0x1;
	s10 =	sld [smem:$0x3FB7]  }
0x3d: {  	_ =	shalt  }
0x3e: {  	_ =	shalt  }
0x3f: {  	_ =	shalt  }
0x40: {  	_ =	shalt  }
0x41: {  	_ =	shalt  }
0x42: {  	_ =	shalt  }
0x43: {  	_ =	shalt  }
0x44: {  	_ =	shalt  }
0x45: {  	_ =	shalt  }
0x46: {  	_ =	shalt  }
0x47: {  	_ =	shalt  }
0x48: {  	_ =	shalt  }
0x49: {  	_ =	shalt  }
0x4a: {  	_ =	shalt  }
0x4b: {  	_ =	shalt  }
0x4c: {  	_ =	shalt  }
0x4d: {  	_ =	shalt  }
0x4e: {  	_ =	shalt  }
0x4f: {  	_ =	shalt  }
0x50: {  	_ =	shalt  }
0x51: {  	_ =	shalt  }
0x52: {  	_ =	shalt  }
0x53: {  	_ =	shalt  }
0x54: {  	_ =	shalt  }
0x55: {  	_ =	shalt  }
0x56: {  	_ =	shalt  }
0x57: {  	_ =	shalt  }
0x58: {  	_ =	shalt  }
0x59: {  	_ =	shalt  }
0x5a: {  	_ =	shalt  }
0x5b: {  	_ =	shalt  }
0x5c: {  	_ =	shalt  }
0x5d: {  	_ =	shalt  }
0x5e: {  	_ =	shalt  }
0x5f: {  	_ =	shalt  }
0x60: {  	_ =	shalt  }
0x61: {  	_ =	shalt  }
0x62: {  	_ =	shalt  }
0x63: {  	_ =	shalt  }
0x64: {  	_ =	shalt  }
0x65: {  	_ =	shalt  }
0x66: {  	_ =	shalt  }
0x67: {  	_ =	shalt  }
0x68: {  	_ =	shalt  }
0x69: {  	_ =	shalt  }
0x6a: {  	_ =	shalt  }
0x6b: {  	_ =	shalt  }
0x6c: {  	_ =	shalt  }
0x6d: {  	_ =	shalt  }
0x6e: {  	_ =	shalt  }
0x6f: {  	_ =	shalt  }
0x70: {  	_ =	shalt  }
0x71: {  	_ =	shalt  }
0x72: {  	_ =	shalt  }
0x73: {  	_ =	shalt  }
0x74: {  	_ =	shalt  }
0x75: {  	_ =	shalt  }
0x76: {  	_ =	shalt  }
0x77: {  	_ =	shalt  }
0x78: {  	_ =	shalt  }
0x79: {  	_ =	shalt  }
0x7a: {  	_ =	shalt  }
0x7b: {  	_ =	shalt  }
0x7c: {  	_ =	shalt  }
0x7d: {  	_ =	shalt  }
0x7e: {  	_ =	shalt  }
0x7f: {  	_ =	shalt  }
0x80: {  	_ =	shalt  }
0x81: {  	_ =	shalt  }
0x82: {  	_ =	shalt  }
0x83: {  	_ =	shalt  }
0x84: {  	_ =	shalt  }
0x85: {  	_ =	shalt  }
0x86: {  	_ =	shalt  }
0x87: {  	_ =	shalt  }
.Lfunc_end0:
.L_simem_size_0:
called_computation.3_lowered:
.L_overlay_start_0:
0x88: {  	s2 =	sld [smem:$0x3FD9]  }
0x89: {  	s3 =	sld [smem:$0x3FFE];
	_ =	sdelay $0x1  }
0x8a: {  	s1 =	srdreg.scid  }
0x8b: {  	s0 =	sand.u32 $0x1, s1  }
0x8c: {  	s17 =	sshll.u32 s0, $0xA;
	s2 =	sadd.s32 s3, s2  }
0x8d: {  	s2 =	sadd.s32 s2, s17  }
0x8e: {  	[smem:$0x3FC3] =	sst s2  }
0x8f: {  	_ = 	snop  }
0x90: {  	s18 =	sld [smem:$0x3FD0];
	(tm) =	ssettm $0x1  }
0x91: {  	s19 =	sld [smem:$0x3FFB];
	_ =	sdelay $0x3  }
0x92: {  	_ =	strace s19  }
0x93: {  	s2 =	sld [smem:$0x3FFC];
	_ =	sdelay $0x3  }
0x94: {  	_ =	strace s2  }
0x95: {  	s2 =	sld [smem:$0x3FFD];
	_ =	sdelay $0x3  }
0x96: {  	_ =	strace s2  }
0x97: {  	_ =	strace $0x8FFFFFFF  }
0x98: {  	s20 =	sld [smem:$0x3FDB];
	_ =	sdelay $0x1  }
0x99: {  	s4 =	simm.s32 $_scs_section_size  }
0x9a: {  	s5 =	simm.s32 $_size__tile_overlayer_lowered;
	s6 =	simm.s32 $_tile_overlayer_lowered  }
0x9b: {  	s7 =	simm.s32 $0x1BFF;
	s21 =	sshll.u32 s6, $0x1;
	s4 =	sadd.s32 s4, s20  }
0x9c: {  	s22 =	simm.s32 $0x0;
	s5 =	sshll.u32 s5, $0x1;
	s6 =	sadd.s32 s21, s4  }
0x9d: {  	[timem:s22], [sflag:s7] =	dma.local [hbm:s6], s5  }
0x9e: {  	_ =	swait.ge [sflag:s7], s5  }
0x9f: {  	s5 =	ssub.s32 $0x0, s5;
	[sflag:s7] =	ssyncset.done $0x0  }
0xa0: {  	[sflag:s7] =	ssyncadd.s32 s5;
	_ =	sdelay $0x1  }
0xa1: {  	s23 =	simm.s32 $0x1B8B  }
0xa2: {  	_ =	swait.ge [sflag:s23], $0x1  }
0xa3: {  	[sflag:s23] =	ssyncset.done $0x0  }
0xa4: {  	[sflag:s23] =	ssyncadd.s32 $0xFFFFFFFF  }
0xa5: {  	s5 =	sld [smem:$0x0]  }
0xa6: {  	s6 =	sand.u32 $0xFFFFFFFE, s1  }
0xa7: {  	p0 =	sne.s32 s1, s6  }
0xa8: {  	s6 =	sshll.u32 @p0 s6, $0xE  }
0xa9: {  	s6 =	sadd.s32 @p0 $0x11B8D, s6;
	s7 =	sshll.u32 @p0 s5, $0x11  }
0xaa: {  	s6 =	sor.u32 @p0 s7, s6  }
0xab: {  	[sflag:s6] =	ssyncadd.remote.s32 @p0 $0x1;
	_ =	sdelay $0x1  }
0xac: {  	s6 =	simm.s32 @p0 $0x1B8D  }
0xad: {  	_ =	swait.eq @p0 [sflag:s6], $0x1  }
0xae: {  	[sflag:s6] =	ssyncadd.s32 @p0 $0xFFFFFFFF  }
0xaf: {  	s7 =	sshll.u32 @!p0 s1, $0xE  }
0xb0: {  	s7 =	sor.u32 @!p0 $0x4000, s7;
	s6 =	simm.s32 @!p0 $0x1B8D  }
0xb1: {  	s5 =	sshll.u32 @!p0 s5, $0x11;
	s7 =	sadd.s32 @!p0 $0x11B8D, s7;
	_ =	swait.eq @!p0 [sflag:s6], $0x1  }
0xb2: {  	s5 =	sor.u32 @!p0 s5, s7;
	[sflag:s6] =	ssyncadd.s32 @!p0 $0xFFFFFFFF  }
0xb3: {  	s25 =	simm.s32 $0x1B8E;
	s24 =	sld [smem:$0x3FFE];
	[sflag:s5] =	ssyncadd.remote.s32 @!p0 $0x1  }
0xb4: {  	s26 =	simm.s32 $execute0_lowered;
	[smem:$0x3FD2] =	sst s25  }
0xb5: {  	s6 =	sshll.u32 s26, $0x1;
	_ =	strace $0x8000004F;
	[dreg:$0x1] =	wrdreg $0xFFFFFFFF  }
0xb6: {  	s28 =	simm.s32 $_size_execute0_lowered;
	s4 =	sadd.s32 s4, s6;
	[dreg:$0x0] =	wrdreg $0x0  }
0xb7: {  	s6 =	sshll.u32 s28, $0x1;
	[dreg:$0x2] =	wrdreg s4  }
0xb8: {  	[dreg:$0x3] =	wrdreg s6  }
0xb9: {  	[dreg:$0x4] =	wrdreg $0xC0  }
0xba: {  	_ =	task [dreg:s22], $0x5FFFF  }
0xbb: {  	[dreg:$0x1] =	wrdreg $0xFFFFFFFF  }
0xbc: {  	[dreg:$0x0] =	wrdreg $0x60  }
0xbd: {  	[dreg:$0x2] =	wrdreg s24  }
0xbe: {  	[dreg:$0x3] =	wrdreg s18  }
0xbf: {  	[dreg:$0x4] =	wrdreg $0xC  }
0xc0: {  	_ =	task.clear_ibuf [dreg:s22], $0x5FFFF;
	_ =	strace $0x9000004F  }
0xc1: {  	s29 =	simm.s32 $0xC;
	_ =	strace $0x80000051  }
0xc2: {  	_ =	swait.ge [sflag:s29], $0x1  }
0xc3: {  	[sflag:s29] =	ssyncadd.s32 $0xFFFFFFFF  }
0xc4: {  	_ =	strace $0x90000051  }
0xc5: {  	_ =	sfence  }
0xc6: {  	s30 =	sld [smem:$0x0];
	_ =	sdelay $0x2  }
0xc7: {  	s31 =	sshll.u32 s1, $0xD;
	s1 =	sshrl.u32 s1, $0x2  }
0xc8: {  	s4 =	sand.u32 $0x4000, s31;
	s1 =	sadd.s32 s1, s30  }
0xc9: {  	s0 =	sor.u32 s4, s0;
	s1 =	sshll.u32 s1, $0x11  }
0xca: {  	s0 =	sor.u32 s1, s0  }
0xcb: {  	s0 =	sadd.s32 $0x8F2B, s0  }
0xcc: {  	[sflag:s0] =	ssyncadd.remote.s32 $0x1  }
0xcd: {  	_ =	sfence.sel $0xFFFF  }
0xce: {  	[dreg:$0x0] =	wrdreg $0xFFFFFFFF;
	(pc) =	sbr.abs _section_cstart, $3  }
0xcf: {  	[dreg:$0x1] =	wrdreg $0xFFFFFFFF  }
0xd0: {  	_ =	task.clear_ibuf [dreg:s22], $0x2FFFF;
	_ =	strace $0x9FFFFFFF  }
0xd1: {  	(tm) =	ssettm $0x7FFFFFFF  }
tec
execute0_lowered:
.L_overlay_start_1:
0x0: {  	(tag) =	ssettag $0x1  }
0x1: {  	s0 =	rddreg [dreg:$0x0]  }
0x2: {  	s1 =	rddreg [dreg:$0x1]  }
0x3: {  	s2 =	simm.s32 $0x0;
	s3 =	srdreg.scid;
	s4 =	stileid.u32  }
0x4: {  	s9 =	simm.s32 $0x2;
	s10 =	simm.s32 $0x80;
	s13 =	simm.s32 $0x100  }
0x5: {  	s28 =	simm.s32 $0x480;
	s29 =	simm.s32 $0xC80;
	s30 =	simm.s32 $0x500  }
0x6: {  	s31 =	simm.s32 $0xD00;
	s8 =	simm.s32 $0x600;
	s11 =	simm.s32 $0xE00  }
0x7: {  	s12 =	simm.s32 $0x680;
	s14 =	simm.s32 $0xE80;
	s15 =	simm.s32 $0x700  }
0x8: {  	s16 =	simm.s32 $0xF00;
	s17 =	simm.s32 $0x780;
	s18 =	simm.s32 $0xF80  }
0x9: {  	s19 =	simm.s32 $0x1000;
	s20 =	simm.s32 $0x0;
	s3 =	sand.u32 $0x1, s3  }
0xa: {  	[smem:$0x7FF] =	sst s2;
	s4 =	sshll.u32 s4, $0x7;
	s5 =	sshll.u32 s3, $0x6  }
0xb: {  	s6 =	ssub.s32 $0x2, s3;
	_ =	strace $0x80000050;
	s5 =	sor.u32 s5, s4  }
0xc: {  	s3 =	sadd.s32 $0x53400, s0;
	s25 =	sshrl.u32 s6, $0x1;
	s7 =	sadd.s32 s5, s0  }
0xd: {  	s26 =	ssub.s32 s6, s25;
	s5 =	sadd.s32 s1, s5;
	s25 =	simm.s32 $0xC00  }
0xe: {  	s0 =	simm.s32 $0x580;
	s1 =	simm.s32 $0xD80;
	s4 =	sadd.s32 $0x3A600, s7  }
0xf: {  	s6 =	smax.u32 s26, $0x1;
	s7 =	simm.s32 $0x200;
	s26 =	simm.s32 $0x1  }
.LBB2_1:
0x10: {  	s21 =	simm.s32 $0x4000  }
0x11: {  	[tilespmem:s2], [sflag:$0x2] =	stream.strided.gather [hbm4b:s4+s7], $0x800, s21, s7, $0x38;
	[tilespmem:$0x1200] =	vst v63  }
0x12: {  	_ =	swait.ge [sflag:s9], $0x800  }
0x13: {  	[sflag:s9] =	ssyncset.done $0x0  }
0x14: {  	[sflag:s9] =	ssyncadd.s32 $0xFFFFF800  }
0x15: {  	v0 =	vld [tilespmem:s13+$0xFFFFFF00]  }
0x16: {  	v1 =	vld [tilespmem:s13+$0xFFFFFF10]  }
0x17: {  	v2 =	vld [tilespmem:s13+$0xFFFFFF20]  }
0x18: {  	v3 =	vld [tilespmem:s13+$0xFFFFFF30]  }
0x19: {  	v4 =	vld [tilespmem:s13+$0xFFFFFF40]  }
0x1a: {  	v5 =	vld [tilespmem:s13+$0xFFFFFF50];
	v0 =	vadd.s32 s2, v0  }
0x1b: {  	[tilespmem:s13+$0xFFFFFF00] =	vst v0;
	v0 =	vadd.s32 s2, v1;
	v1 =	vld [tilespmem:s13+$0xFFFFFF60]  }
0x1c: {  	[tilespmem:s13+$0xFFFFFF10] =	vst v0;
	v0 =	vadd.s32 s2, v2;
	v2 =	vld [tilespmem:s13+$0xFFFFFF70]  }
0x1d: {  	[tilespmem:s13+$0xFFFFFF20] =	vst v0;
	v0 =	vadd.s32 s2, v3;
	v3 =	vld [tilespmem:s13+$0xFFFFFF80]  }
0x1e: {  	[tilespmem:s13+$0xFFFFFF30] =	vst v0;
	v0 =	vadd.s32 s2, v4;
	v4 =	vld [tilespmem:s13+$0xFFFFFF90]  }
0x1f: {  	[tilespmem:s13+$0xFFFFFF40] =	vst v0;
	v0 =	vadd.s32 s2, v5;
	v5 =	vld [tilespmem:s13+$0xFFFFFFA0]  }
0x20: {  	[tilespmem:s13+$0xFFFFFF50] =	vst v0;
	v0 =	vadd.s32 s2, v1;
	v1 =	vld [tilespmem:s13+$0xFFFFFFB0]  }
0x21: {  	[tilespmem:s13+$0xFFFFFF60] =	vst v0;
	v0 =	vadd.s32 s2, v2;
	v2 =	vld [tilespmem:s13+$0xFFFFFFC0]  }
0x22: {  	[tilespmem:s13+$0xFFFFFF70] =	vst v0;
	v0 =	vadd.s32 s2, v3;
	v3 =	vld [tilespmem:s13+$0xFFFFFFD0]  }
0x23: {  	[tilespmem:s13+$0xFFFFFF80] =	vst v0;
	v0 =	vadd.s32 s2, v4;
	v4 =	vld [tilespmem:s13+$0xFFFFFFE0]  }
0x24: {  	[tilespmem:s13+$0xFFFFFF90] =	vst v0;
	v0 =	vadd.s32 s2, v5;
	v5 =	vld [tilespmem:s13+$0x0]  }
0x25: {  	[tilespmem:s13+$0xFFFFFFA0] =	vst v0;
	v0 =	vadd.s32 s2, v1;
	v1 =	vld [tilespmem:s13+$0x10]  }
0x26: {  	[tilespmem:s13+$0xFFFFFFB0] =	vst v0;
	v0 =	vadd.s32 s2, v2;
	v2 =	vld [tilespmem:s13+$0x20]  }
0x27: {  	[tilespmem:s13+$0xFFFFFFC0] =	vst v0;
	v0 =	vadd.s32 s2, v3;
	v3 =	vld [tilespmem:s13+$0x30]  }
0x28: {  	[tilespmem:s13+$0xFFFFFFD0] =	vst v0;
	v0 =	vadd.s32 s2, v4;
	v4 =	vld [tilespmem:s13+$0x40]  }
0x29: {  	[tilespmem:s13+$0xFFFFFFE0] =	vst v0;
	v0 =	vadd.s32 s2, v5;
	v5 =	vld [tilespmem:s13+$0x50]  }
0x2a: {  	[tilespmem:s13+$0x0] =	vst v0;
	v0 =	vadd.s32 s2, v1;
	v1 =	vld [tilespmem:s13+$0x60]  }
0x2b: {  	[tilespmem:s13+$0x10] =	vst v0;
	v0 =	vadd.s32 s2, v2;
	v2 =	vld [tilespmem:s13+$0x70]  }
0x2c: {  	[tilespmem:s13+$0x20] =	vst v0;
	v0 =	vadd.s32 s2, v3;
	v3 =	vld [tilespmem:s13+$0x80]  }
0x2d: {  	[tilespmem:s13+$0x30] =	vst v0;
	v0 =	vadd.s32 s2, v4;
	v4 =	vld [tilespmem:s13+$0x90]  }
0x2e: {  	[tilespmem:s13+$0x40] =	vst v0;
	v0 =	vadd.s32 s2, v5;
	v5 =	vld [tilespmem:s13+$0xA0]  }
0x2f: {  	[tilespmem:s13+$0x50] =	vst v0;
	v1 =	vadd.s32 s2, v1;
	v0 =	vld [tilespmem:s13+$0xB0]  }
0x30: {  	[tilespmem:s13+$0x60] =	vst v1;
	v2 =	vadd.s32 s2, v2;
	v1 =	vld [tilespmem:s13+$0xC0]  }
0x31: {  	[tilespmem:s13+$0x70] =	vst v2;
	v3 =	vadd.s32 s2, v3;
	v2 =	vld [tilespmem:s13+$0xD0]  }
0x32: {  	s23 =	simm.s32 $0x186A0;
	[tilespmem:s13+$0x80] =	vst v3;
	v4 =	vadd.s32 s2, v4;
	v3 =	vld [tilespmem:s13+$0xE0]  }
0x33: {  	s22 =	simm.s32 $0x0;
	s24 =	simm.s32 $0x100;
	s21 =	simm.s32 $0x100;
	[tilespmem:s13+$0x90] =	vst v4;
	v5 =	vadd.s32 s2, v5;
	v4 =	vld [tilespmem:s13+$0xF0]  }
.LBB2_2:
0x34: {  	p0 =	sne.s32 s23, $0x493E0;
	v6 =	vld [tilespmem:s21+$0xFFFFFFF0];
	[tilespmem:s21+$0xA0] =	vst v5;
	v0 =	vadd.s32 s22, v0;
	s24 =	sadd.s32 $0x200, s24  }
0x35: {  	v5 =	vld [tilespmem:s24+$0xFFFFFF00];
	[tilespmem:s21+$0xB0] =	vst v0;
	v0 =	vadd.s32 s22, v1  }
0x36: {  	v1 =	vld [tilespmem:s24+$0xFFFFFF10];
	[tilespmem:s21+$0xC0] =	vst v0;
	v0 =	vadd.s32 s22, v2  }
0x37: {  	v2 =	vld [tilespmem:s24+$0xFFFFFF20];
	[tilespmem:s21+$0xD0] =	vst v0;
	v0 =	vadd.s32 s22, v3  }
0x38: {  	v3 =	vld [tilespmem:s24+$0xFFFFFF30];
	[tilespmem:s21+$0xE0] =	vst v0;
	v0 =	vadd.s32 s22, v4  }
0x39: {  	v4 =	vld [tilespmem:s24+$0xFFFFFF40];
	v6 =	vadd.s32 s22, v6;
	[tilespmem:s21+$0xF0] =	vst v0;
	s22 =	smov.u32 s23  }
0x3a: {  	v0 =	vadd.s32 s23, v5;
	v5 =	vld [tilespmem:s24+$0xFFFFFF50];
	[tilespmem:s21+$0xFFFFFFF0] =	vst v6;
	s21 =	smov.u32 s24  }
0x3b: {  	[tilespmem:s24+$0xFFFFFF00] =	vst v0;
	v0 =	vadd.s32 s23, v1;
	v1 =	vld [tilespmem:s24+$0xFFFFFF60]  }
0x3c: {  	[tilespmem:s24+$0xFFFFFF10] =	vst v0;
	v0 =	vadd.s32 s23, v2;
	v2 =	vld [tilespmem:s24+$0xFFFFFF70]  }
0x3d: {  	[tilespmem:s24+$0xFFFFFF20] =	vst v0;
	v0 =	vadd.s32 s23, v3;
	v3 =	vld [tilespmem:s24+$0xFFFFFF80]  }
0x3e: {  	[tilespmem:s24+$0xFFFFFF30] =	vst v0;
	v0 =	vadd.s32 s23, v4;
	v4 =	vld [tilespmem:s24+$0xFFFFFF90]  }
0x3f: {  	[tilespmem:s24+$0xFFFFFF40] =	vst v0;
	v0 =	vadd.s32 s23, v5;
	v5 =	vld [tilespmem:s24+$0xFFFFFFA0]  }
0x40: {  	[tilespmem:s24+$0xFFFFFF50] =	vst v0;
	v0 =	vadd.s32 s23, v1;
	v1 =	vld [tilespmem:s24+$0xFFFFFFB0]  }
0x41: {  	[tilespmem:s24+$0xFFFFFF60] =	vst v0;
	v0 =	vadd.s32 s23, v2;
	v2 =	vld [tilespmem:s24+$0xFFFFFFC0]  }
0x42: {  	[tilespmem:s24+$0xFFFFFF70] =	vst v0;
	v0 =	vadd.s32 s23, v3;
	v3 =	vld [tilespmem:s24+$0xFFFFFFD0]  }
0x43: {  	[tilespmem:s24+$0xFFFFFF80] =	vst v0;
	v0 =	vadd.s32 s23, v4;
	v4 =	vld [tilespmem:s24+$0xFFFFFFE0]  }
0x44: {  	[tilespmem:s24+$0xFFFFFF90] =	vst v0;
	v0 =	vadd.s32 s23, v5;
	v5 =	vld [tilespmem:s24+$0x0]  }
0x45: {  	[tilespmem:s24+$0xFFFFFFA0] =	vst v0;
	v0 =	vadd.s32 s23, v1;
	v1 =	vld [tilespmem:s24+$0x10]  }
0x46: {  	[tilespmem:s24+$0xFFFFFFB0] =	vst v0;
	v0 =	vadd.s32 s23, v2;
	v2 =	vld [tilespmem:s24+$0x20]  }
0x47: {  	[tilespmem:s24+$0xFFFFFFC0] =	vst v0;
	v0 =	vadd.s32 s23, v3;
	v3 =	vld [tilespmem:s24+$0x30]  }
0x48: {  	[tilespmem:s24+$0xFFFFFFD0] =	vst v0;
	v0 =	vadd.s32 s23, v4;
	v4 =	vld [tilespmem:s24+$0x40]  }
0x49: {  	[tilespmem:s24+$0xFFFFFFE0] =	vst v0;
	v0 =	vadd.s32 s23, v5;
	v5 =	vld [tilespmem:s24+$0x50]  }
0x4a: {  	[tilespmem:s24+$0x0] =	vst v0;
	v0 =	vadd.s32 s23, v1;
	v1 =	vld [tilespmem:s24+$0x60]  }
0x4b: {  	[tilespmem:s24+$0x10] =	vst v0;
	v0 =	vadd.s32 s23, v2;
	v2 =	vld [tilespmem:s24+$0x70]  }
0x4c: {  	[tilespmem:s24+$0x20] =	vst v0;
	v0 =	vadd.s32 s23, v3;
	v3 =	vld [tilespmem:s24+$0x80]  }
0x4d: {  	[tilespmem:s24+$0x30] =	vst v0;
	v0 =	vadd.s32 s23, v4;
	v4 =	vld [tilespmem:s24+$0x90]  }
0x4e: {  	[tilespmem:s24+$0x40] =	vst v0;
	v0 =	vadd.s32 s23, v5;
	v5 =	vld [tilespmem:s24+$0xA0]  }
.Ltmp0:
0x4f: {  	[tilespmem:s24+$0x50] =	vst v0;
	v1 =	vadd.s32 s23, v1;
	v0 =	vld [tilespmem:s24+$0xB0];
	(pc) =	sbr.rel @p0 .LBB2_2-.Ltmp0, $4  }
0x50: {  	[tilespmem:s24+$0x60] =	vst v1;
	v2 =	vadd.s32 s23, v2;
	v1 =	vld [tilespmem:s24+$0xC0]  }
0x51: {  	[tilespmem:s24+$0x70] =	vst v2;
	v3 =	vadd.s32 s23, v3;
	v2 =	vld [tilespmem:s24+$0xD0]  }
0x52: {  	[tilespmem:s24+$0x80] =	vst v3;
	v4 =	vadd.s32 s23, v4;
	v3 =	vld [tilespmem:s24+$0xE0]  }
0x53: {  	s23 =	sadd.s32 $0x186A0, s23;
	[tilespmem:s24+$0x90] =	vst v4;
	v5 =	vadd.s32 s22, v5;
	v4 =	vld [tilespmem:s24+$0xF0]  }
0x54: {  	v6 =	vld [tilespmem:s21+$0xFFFFFFF0];
	[tilespmem:s21+$0xA0] =	vst v5;
	v0 =	vadd.s32 s22, v0  }
0x55: {  	[tilespmem:s21+$0xB0] =	vst v0;
	v0 =	vadd.s32 s22, v1  }
0x56: {  	[tilespmem:s21+$0xC0] =	vst v0;
	v0 =	vadd.s32 s22, v2  }
0x57: {  	[tilespmem:s21+$0xD0] =	vst v0;
	v0 =	vadd.s32 s22, v3  }
0x58: {  	[tilespmem:s21+$0xE0] =	vst v0;
	v0 =	vadd.s32 s22, v4  }
0x59: {  	v1 =	vadd.s32 s22, v6;
	[tilespmem:s21+$0xF0] =	vst v0  }
0x5a: {  	s23 =	simm.s32 $0x800;
	s22 =	simm.s32 $0x0;
	[tilespmem:s21+$0xFFFFFFF0] =	vst v1  }
0x5b: {  	[tilespmem:s23], [sflag:$0x1] =	stream.indirect.gather [hbm4b:s3+s10], $0x1, s22, s10, $0xb8;
	[tilespmem:$0x1200] =	vst v63  }
0x5c: {  	s24 =	simm.s32 $0x880  }
0x5d: {  	[tilespmem:s24], [sflag:$0x1] =	stream.indirect.gather [hbm4b:s3+s10], $0x1, s10, s10, $0xb8;
	[tilespmem:$0x1200] =	vst v63  }
0x5e: {  	s22 =	simm.s32 $0x900  }
0x5f: {  	[tilespmem:s22], [sflag:$0x1] =	stream.indirect.gather [hbm4b:s3+s10], $0x1, s13, s10, $0xb8;
	[tilespmem:$0x1200] =	vst v63  }
0x60: {  	s23 =	simm.s32 $0x180;
	s24 =	simm.s32 $0x980  }
0x61: {  	[tilespmem:s24], [sflag:$0x1] =	stream.indirect.gather [hbm4b:s3+s10], $0x1, s23, s10, $0xb8;
	[tilespmem:$0x1200] =	vst v63  }
0x62: {  	s22 =	simm.s32 $0xA00  }
0x63: {  	[tilespmem:s22], [sflag:$0x1] =	stream.indirect.gather [hbm4b:s3+s10], $0x1, s7, s10, $0xb8;
	[tilespmem:$0x1200] =	vst v63  }
0x64: {  	s23 =	simm.s32 $0x280;
	s24 =	simm.s32 $0xA80  }
0x65: {  	[tilespmem:s24], [sflag:$0x1] =	stream.indirect.gather [hbm4b:s3+s10], $0x1, s23, s10, $0xb8;
	[tilespmem:$0x1200] =	vst v63  }
0x66: {  	s23 =	simm.s32 $0x300;
	s24 =	simm.s32 $0xB00  }
0x67: {  	[tilespmem:s24], [sflag:$0x1] =	stream.indirect.gather [hbm4b:s3+s10], $0x1, s23, s10, $0xb8;
	[tilespmem:$0x1200] =	vst v63  }
0x68: {  	s22 =	simm.s32 $0x380;
	s23 =	simm.s32 $0xB80  }
0x69: {  	[tilespmem:s23], [sflag:$0x1] =	stream.indirect.gather [hbm4b:s3+s10], $0x1, s22, s10, $0xb8;
	[tilespmem:$0x1200] =	vst v63  }
0x6a: {  	s24 =	simm.s32 $0x400  }
0x6b: {  	[tilespmem:s25], [sflag:$0x1] =	stream.indirect.gather [hbm4b:s3+s10], $0x1, s24, s10, $0xb8;
	[tilespmem:$0x1200] =	vst v63  }
0x6c: {  	_ =	swait.ge [sflag:s26], $0x80  }
0x6d: {  	[sflag:s26] =	ssyncset.done $0x0  }
0x6e: {  	[sflag:s26] =	ssyncadd.s32 $0xFFFFFF80  }
0x6f: {  	[tilespmem:s29], [sflag:$0x1] =	stream.indirect.gather [hbm4b:s3+s10], $0x1, s28, s10, $0xb8;
	[tilespmem:$0x1200] =	vst v63  }
0x70: {  	_ =	swait.ge [sflag:s26], $0x80  }
0x71: {  	[sflag:s26] =	ssyncset.done $0x0  }
0x72: {  	[sflag:s26] =	ssyncadd.s32 $0xFFFFFF80  }
0x73: {  	[tilespmem:s31], [sflag:$0x1] =	stream.indirect.gather [hbm4b:s3+s10], $0x1, s30, s10, $0xb8;
	[tilespmem:$0x1200] =	vst v63  }
0x74: {  	_ =	swait.ge [sflag:s26], $0x80  }
0x75: {  	[sflag:s26] =	ssyncset.done $0x0  }
0x76: {  	[sflag:s26] =	ssyncadd.s32 $0xFFFFFF80  }
0x77: {  	[tilespmem:s1], [sflag:$0x1] =	stream.indirect.gather [hbm4b:s3+s10], $0x1, s0, s10, $0xb8;
	[tilespmem:$0x1200] =	vst v63  }
0x78: {  	_ =	swait.ge [sflag:s26], $0x80  }
0x79: {  	[sflag:s26] =	ssyncset.done $0x0  }
0x7a: {  	[sflag:s26] =	ssyncadd.s32 $0xFFFFFF80  }
0x7b: {  	[tilespmem:s11], [sflag:$0x1] =	stream.indirect.gather [hbm4b:s3+s10], $0x1, s8, s10, $0xb8;
	[tilespmem:$0x1200] =	vst v63  }
0x7c: {  	_ =	swait.ge [sflag:s26], $0x80  }
0x7d: {  	[sflag:s26] =	ssyncset.done $0x0  }
0x7e: {  	[sflag:s26] =	ssyncadd.s32 $0xFFFFFF80  }
0x7f: {  	[tilespmem:s14], [sflag:$0x1] =	stream.indirect.gather [hbm4b:s3+s10], $0x1, s12, s10, $0xb8;
	[tilespmem:$0x1200] =	vst v63  }
0x80: {  	_ =	swait.ge [sflag:s26], $0x80  }
0x81: {  	[sflag:s26] =	ssyncset.done $0x0  }
0x82: {  	[sflag:s26] =	ssyncadd.s32 $0xFFFFFF80  }
0x83: {  	[tilespmem:s16], [sflag:$0x1] =	stream.indirect.gather [hbm4b:s3+s10], $0x1, s15, s10, $0xb8;
	[tilespmem:$0x1200] =	vst v63  }
0x84: {  	_ =	swait.ge [sflag:s26], $0x80  }
0x85: {  	[sflag:s26] =	ssyncset.done $0x0  }
0x86: {  	[sflag:s26] =	ssyncadd.s32 $0xFFFFFF80  }
0x87: {  	[tilespmem:s18], [sflag:$0x1] =	stream.indirect.gather [hbm4b:s3+s10], $0x1, s17, s10, $0xb8;
	[tilespmem:$0x1200] =	vst v63  }
0x88: {  	_ =	swait.ge [sflag:s26], $0x80  }
0x89: {  	[sflag:s26] =	ssyncset.done $0x0  }
0x8a: {  	[sflag:s26] =	ssyncadd.s32 $0xFFFFFF80  }
0x8b: {  	_ =	swait.ge [sflag:s26], $0x80  }
0x8c: {  	[sflag:s26] =	ssyncset.done $0x0  }
0x8d: {  	[sflag:s26] =	ssyncadd.s32 $0xFFFFFF80  }
0x8e: {  	_ =	swait.ge [sflag:s26], $0x80  }
0x8f: {  	[sflag:s26] =	ssyncset.done $0x0  }
0x90: {  	[sflag:s26] =	ssyncadd.s32 $0xFFFFFF80  }
0x91: {  	_ =	swait.ge [sflag:s26], $0x80  }
0x92: {  	[sflag:s26] =	ssyncset.done $0x0  }
0x93: {  	[sflag:s26] =	ssyncadd.s32 $0xFFFFFF80  }
0x94: {  	_ =	swait.ge [sflag:s26], $0x80  }
0x95: {  	[sflag:s26] =	ssyncset.done $0x0  }
0x96: {  	[sflag:s26] =	ssyncadd.s32 $0xFFFFFF80  }
0x97: {  	_ =	swait.ge [sflag:s26], $0x80  }
0x98: {  	[sflag:s26] =	ssyncset.done $0x0  }
0x99: {  	[sflag:s26] =	ssyncadd.s32 $0xFFFFFF80  }
0x9a: {  	_ =	swait.ge [sflag:s26], $0x80  }
0x9b: {  	[sflag:s26] =	ssyncset.done $0x0  }
0x9c: {  	[sflag:s26] =	ssyncadd.s32 $0xFFFFFF80  }
0x9d: {  	_ =	swait.ge [sflag:s26], $0x80  }
0x9e: {  	[sflag:s26] =	ssyncset.done $0x0  }
0x9f: {  	[sflag:s26] =	ssyncadd.s32 $0xFFFFFF80  }
0xa0: {  	_ =	swait.ge [sflag:s26], $0x80  }
0xa1: {  	[sflag:s26] =	ssyncset.done $0x0  }
0xa2: {  	s21 =	simm.s32 $0x0;
	[sflag:s26] =	ssyncadd.s32 $0xFFFFFF80  }
0xa3: {  	v0 =	vld [tilespmem:s21+$0x800]  }
0xa4: {  	v1 =	vld [tilespmem:s21+$0xA00];
	_ =	sdelay $0x1  }
0xa5: {  	v2 =	vld [tilespmem:s21+$0xC00];
	_ =	sdelay $0x2  }
0xa6: {  	s22 =	simm.s32 $0x10;
	v3 =	vld [tilespmem:s21+$0xE00];
	v1 =	vadd.f32 v1, v0  }
0xa7: {  	v0 =	vld [tilespmem:s22+$0x800]  }
0xa8: {  	v4 =	vadd.f32 v2, v1;
	v2 =	vld [tilespmem:s22+$0xA00];
	_ =	sdelay $0x1  }
0xa9: {  	v1 =	vld [tilespmem:s22+$0xC00]  }
0xaa: {  	s23 =	simm.s32 $0x80;
	v3 =	vadd.f32 v3, v4  }
.LBB2_4:
0xab: {  	s24 =	sshra.s32 s23, $0x2;
	v4 =	vld [tilespmem:s22+$0xE00];
	p0 =	sne.s32 s23, $0x7C0  }
.Ltmp1:
0xac: {  	s23 =	sadd.s32 $0x40, s23;
	v5 =	vadd.f32 v2, v0;
	v0 =	vld [tilespmem:s24+$0x800];
	[tilespmem:s21+$0x1000] =	vst v3;
	(pc) =	sbr.rel @p0 .LBB2_4-.Ltmp1, $4  }
0xad: {  	s21 =	smov.u32 s22;
	s22 =	smov.u32 s24;
	v2 =	vld [tilespmem:s24+$0xA00]  }
0xae: {  	v3 =	vadd.f32 v1, v5  }
0xaf: {  	v1 =	vld [tilespmem:s22+$0xC00]  }
0xb0: {  	v3 =	vadd.f32 v4, v3  }
0xb1: {  	v4 =	vld [tilespmem:s22+$0xE00]  }
0xb2: {  	v0 =	vadd.f32 v2, v0;
	_ =	sdelay $0x1  }
0xb3: {  	v0 =	vadd.f32 v1, v0;
	_ =	sdelay $0x1  }
0xb4: {  	s20 =	sadd.s32 $0x1, s20;
	v0 =	vadd.f32 v4, v0  }
0xb5: {  	[tilespmem:s21+$0x1000] =	vst v3;
	p0 =	sne.s32 s20, s6  }
.Ltmp2:
0xb6: {  	[tilespmem:s22+$0x1000] =	vst v0;
	(pc) =	sbr.rel @p0 .LBB2_1-.Ltmp2, $4  }
0xb7: {  	[hbm4b:s5+s2] =	stream.linear.scatter [tilespmem:s19], [sflag:$0x2], $0x200, $0x38;
	[tilespmem:$0x1200] =	vst v63  }
0xb8: {  	_ =	swait.ge [sflag:s9], $0x200  }
0xb9: {  	[sflag:s9] =	ssyncset.done $0x0  }
0xba: {  	[sflag:s9] =	ssyncadd.s32 $0xFFFFFE00  }
0xbb: {  	_ =	sfence.sel $0x180000  }
0xbc: {  	[bflag:$0x0] =	sbarrier.arrive $0xFFFF  }
0xbd: {  	_ =	strace $0x90000050  }
0xbe: {  	s0 =	stileid.u32;
	[bflag:$0x2] =	sbarrier.arrive $0xFFFF  }
0xbf: {  	p0 =	sne.s32 s0, $0x0;
	s0 =	rddreg [dreg:$0x2]  }
0xc0: {  	s0 =	sadd.s32 @!p0 $0x100000, s0  }
0xc1: {  	[sflag:s0] =	ssyncadd.tile.s32 @!p0 $0x1;
	_ =	shalt  }
.Lfunc_end2:
_tile_overlayer_lowered:
.L_overlay_start_2:
0xc2: {  	(tag) =	ssettag $0x2  }
0xc3: {  	s0 =	rddreg [dreg:$0x0];
	s2 =	stileid.u32  }
0xc4: {  	s1 =	rddreg [dreg:$0x1];
	p0 =	sne.s32 s2, $0x0  }
0xc5: {  	s3 =	rddreg [dreg:$0x2];
	[bflag:$0x3] =	sbarrier.arrive $0xFFFF;
	s2 =	simm.s32 @!p0 $0x1C02  }
0xc6: {  	[timem:s3], [sflag:s2] =	dma.local @!p0 [hbm:s0], s1  }
0xc7: {  	s0 =	simm.s32 @!p0 $0x2  }
0xc8: {  	_ =	swait.ge @!p0 [sflag:s0], s1  }
0xc9: {  	s1 =	ssub.s32 @!p0 $0x0, s1;
	[sflag:s0] =	ssyncset.done @!p0 $0x0  }
0xca: {  	[sflag:s0] =	ssyncadd.s32 @!p0 s1  }
0xcb: {  	[bflag:$0x3] =	sbarrier.arrive $0xFFFF  }
0xcc: {  	_ =	shalt  }

// kernel: emb_gather_f20_26.3.cloned.1.call-start
scs
__scs_entry_jumppad:
0x0: {  	(pc) =	sbr.rel $0x88, $3  }
0x1: {  	(tag) =	ssettag $0x0;
	lr =	simm.s32 $0x1  }
0x2: {  	[smem:$0x3F9C] =	sst lr;
	_ =	strace $0xD0000000  }
0x3: {  	_ = 	snop  }
0x4: {  	_ = 	snop  }
0x5: {  	_ = 	snop  }
0x6: {  	_ = 	snop  }
0x7: {  	_ = 	snop  }
__scs_overlays_trampoline_lowered:
0x8: {  	[smem:$0x3FAB] =	sst s0  }
0x9: {  	[smem:$0x3FAC] =	sst s1  }
0xa: {  	[smem:$0x3FAD] =	sst s2  }
0xb: {  	[smem:$0x3FAE] =	sst s3  }
0xc: {  	[smem:$0x3FAF] =	sst s4  }
0xd: {  	[smem:$0x3FB0] =	sst s5  }
0xe: {  	[smem:$0x3FB1] =	sst s6  }
0xf: {  	[smem:$0x3FB2] =	sst s7  }
0x10: {  	[smem:$0x3FB3] =	sst s8  }
0x11: {  	[smem:$0x3FB4] =	sst s9;
	s0 =	simm.s32 @!p0 $0x0  }
0x12: {  	s1 =	sld [smem:$0x3F9A];
	s0 =	simm.s32 @p0 $0x1  }
0x13: {  	[smem:$0x3FB5] =	sst s0;
	s0 =	simm.s32 @!p1 $0x0  }
0x14: {  	s2 =	sld [smem:$0x3F99];
	s0 =	simm.s32 @p1 $0x1  }
0x15: {  	[smem:$0x3FB6] =	sst s0;
	s0 =	simm.s32 @!p2 $0x0  }
0x16: {  	s3 =	sld [smem:$0x3FDB];
	s0 =	simm.s32 @p2 $0x1  }
0x17: {  	s4 =	simm.s32 $0x1BF5;
	[smem:$0x3FB8] =	sst s0  }
0x18: {  	s0 =	sld [smem:$0x3F9B];
	_ =	swait.ge [sflag:s4], $0x0  }
0x19: {  	s7 =	sld [smem:$0x3F9C]  }
0x1a: {  	s8 =	sadd.s32 $0xFFFFE003, lr  }
0x1b: {  	s9 =	sadd.s32 $0xFFFFFEF7, lr;
	s5 =	simm.s32 $0xFFFFFFFF;
	p2 =	slt.u32 s8, $0xFFFFF086  }
0x1c: {  	p1 =	slt.u32 s9, $0xF7A;
	s5 =	simm.s32 @!p2 $0x0  }
0x1d: {  	s5 =	simm.s32 @p1 $0x1;
	p0 =	seq.s32 s7, s2  }
0x1e: {  	s7 =	smul.u32 @!p0 $0xF7A, s2;
	p2 =	seq.s32 @!p0 s5, $0x0  }
0x1f: {  	s9 =	smul.u32 $0xF7A, s1;
	s8 =	simm.s32 @!p0 $0x1BF5;
	p2 =	por !p2, p0  }
0x20: {  	[sflag:s8] =	ssyncset.s32 @!p0 $0xFFFFF086;
	s6 =	sadd.s32 @!p0 s3, s7;
	s7 =	simm.s32 @!p0 $0x108  }
0x21: {  	s3 =	sadd.s32 s3, s9;
	s6 =	sadd.s32 @!p0 $0x88, s6;
	s7 =	simm.s32 @p2 $0x1082  }
0x22: {  	[simem:s7], [sflag:s8] =	dma.local @!p0 [hbm:s6], $0xF7A  }
0x23: {  	s9 =	sor.u32 $0xD0000000, s2;
	s6 =	simm.s32 $0x108;
	_ =	swait.ge @!p0 [sflag:s8], $0x0  }
0x24: {  	s3 =	sadd.s32 $0x88, s3;
	s6 =	simm.s32 @!p1 $0x1082;
	[sflag:s4] =	ssyncset.s32 $0xFFFFF086  }
0x25: {  	[simem:s6], [sflag:s4] =	dma.local [hbm:s3], $0xF7A  }
0x26: {  	[smem:$0x3F9C] =	sst s1;
	(tag) =	ssettag s2;
	_ =	strace s9  }
0x27: {  	s1 =	sld [smem:$0x3FAC]  }
0x28: {  	s2 =	sld [smem:$0x3FAD]  }
0x29: {  	s4 =	sld [smem:$0x3FAF]  }
0x2a: {  	p0 =	seq.s32 s5, $0x0;
	s5 =	sld [smem:$0x3FB0]  }
0x2b: {  	s6 =	sld [smem:$0x3FB1]  }
0x2c: {  	s7 =	sld [smem:$0x3FB2]  }
0x2d: {  	s3 =	simm.s32 $0x108;
	s8 =	sld [smem:$0x3FB3]  }
0x2e: {  	s3 =	simm.s32 @!p0 $0x1082;
	s9 =	sld [smem:$0x3FB4]  }
0x2f: {  	lr =	sadd.s32 s0, s3;
	s0 =	sld [smem:$0x3FAB]  }
0x30: {  	s3 =	sld [smem:$0x3FAE]  }
0x31: {  	[smem:$0x3FB7] =	sst s10  }
0x32: {  	s10 =	sld [smem:$0x3FB5];
	_ =	sdelay $0x3  }
0x33: {  	p0 =	seq.s32 s10, $0x1;
	s10 =	sld [smem:$0x3FB7];
	_ =	sdelay $0x3  }
0x34: {  	[smem:$0x3FB7] =	sst s10  }
0x35: {  	s10 =	sld [smem:$0x3FB6];
	_ =	sdelay $0x3  }
0x36: {  	p1 =	seq.s32 s10, $0x1;
	s10 =	sld [smem:$0x3FB7];
	_ =	sdelay $0x3  }
0x37: {  	[smem:$0x3FB7] =	sst s10  }
0x38: {  	s10 =	sld [smem:$0x3FB8]  }
0x39: {  	_ = 	snop;
	(pc) =	sbr.ind lr, $3  }
0x3a: {  	_ = 	snop  }
0x3b: {  	_ = 	snop  }
0x3c: {  	p2 =	seq.s32 s10, $0x1;
	s10 =	sld [smem:$0x3FB7]  }
0x3d: {  	_ =	shalt  }
0x3e: {  	_ =	shalt  }
0x3f: {  	_ =	shalt  }
0x40: {  	_ =	shalt  }
0x41: {  	_ =	shalt  }
0x42: {  	_ =	shalt  }
0x43: {  	_ =	shalt  }
0x44: {  	_ =	shalt  }
0x45: {  	_ =	shalt  }
0x46: {  	_ =	shalt  }
0x47: {  	_ =	shalt  }
0x48: {  	_ =	shalt  }
0x49: {  	_ =	shalt  }
0x4a: {  	_ =	shalt  }
0x4b: {  	_ =	shalt  }
0x4c: {  	_ =	shalt  }
0x4d: {  	_ =	shalt  }
0x4e: {  	_ =	shalt  }
0x4f: {  	_ =	shalt  }
0x50: {  	_ =	shalt  }
0x51: {  	_ =	shalt  }
0x52: {  	_ =	shalt  }
0x53: {  	_ =	shalt  }
0x54: {  	_ =	shalt  }
0x55: {  	_ =	shalt  }
0x56: {  	_ =	shalt  }
0x57: {  	_ =	shalt  }
0x58: {  	_ =	shalt  }
0x59: {  	_ =	shalt  }
0x5a: {  	_ =	shalt  }
0x5b: {  	_ =	shalt  }
0x5c: {  	_ =	shalt  }
0x5d: {  	_ =	shalt  }
0x5e: {  	_ =	shalt  }
0x5f: {  	_ =	shalt  }
0x60: {  	_ =	shalt  }
0x61: {  	_ =	shalt  }
0x62: {  	_ =	shalt  }
0x63: {  	_ =	shalt  }
0x64: {  	_ =	shalt  }
0x65: {  	_ =	shalt  }
0x66: {  	_ =	shalt  }
0x67: {  	_ =	shalt  }
0x68: {  	_ =	shalt  }
0x69: {  	_ =	shalt  }
0x6a: {  	_ =	shalt  }
0x6b: {  	_ =	shalt  }
0x6c: {  	_ =	shalt  }
0x6d: {  	_ =	shalt  }
0x6e: {  	_ =	shalt  }
0x6f: {  	_ =	shalt  }
0x70: {  	_ =	shalt  }
0x71: {  	_ =	shalt  }
0x72: {  	_ =	shalt  }
0x73: {  	_ =	shalt  }
0x74: {  	_ =	shalt  }
0x75: {  	_ =	shalt  }
0x76: {  	_ =	shalt  }
0x77: {  	_ =	shalt  }
0x78: {  	_ =	shalt  }
0x79: {  	_ =	shalt  }
0x7a: {  	_ =	shalt  }
0x7b: {  	_ =	shalt  }
0x7c: {  	_ =	shalt  }
0x7d: {  	_ =	shalt  }
0x7e: {  	_ =	shalt  }
0x7f: {  	_ =	shalt  }
0x80: {  	_ =	shalt  }
0x81: {  	_ =	shalt  }
0x82: {  	_ =	shalt  }
0x83: {  	_ =	shalt  }
0x84: {  	_ =	shalt  }
0x85: {  	_ =	shalt  }
0x86: {  	_ =	shalt  }
0x87: {  	_ =	shalt  }
.Lfunc_end0:
.L_simem_size_0:
called_computation.2_lowered:
.L_overlay_start_0:
0x88: {  	s2 =	sld [smem:$0x3FD9]  }
0x89: {  	s3 =	sld [smem:$0x3FFE];
	_ =	sdelay $0x1  }
0x8a: {  	s1 =	srdreg.scid  }
0x8b: {  	s0 =	sand.u32 $0x1, s1  }
0x8c: {  	s17 =	sshll.u32 s0, $0xA;
	s2 =	sadd.s32 s3, s2  }
0x8d: {  	s2 =	sadd.s32 s2, s17  }
0x8e: {  	[smem:$0x3FC3] =	sst s2  }
0x8f: {  	_ = 	snop  }
0x90: {  	(tm) =	ssettm $0x1  }
0x91: {  	s18 =	sld [smem:$0x3FFB];
	_ =	sdelay $0x3  }
0x92: {  	_ =	strace s18  }
0x93: {  	s2 =	sld [smem:$0x3FFC];
	_ =	sdelay $0x3  }
0x94: {  	_ =	strace s2  }
0x95: {  	s2 =	sld [smem:$0x3FFD];
	_ =	sdelay $0x3  }
0x96: {  	_ =	strace s2  }
0x97: {  	_ =	strace $0x8FFFFFFF  }
0x98: {  	s19 =	sld [smem:$0x3FDB];
	_ =	sdelay $0x1  }
0x99: {  	s20 =	simm.s32 $_scs_section_size  }
0x9a: {  	s4 =	simm.s32 $_size__tile_overlayer_lowered;
	s5 =	simm.s32 $_tile_overlayer_lowered  }
0x9b: {  	s6 =	simm.s32 $0x1BFF;
	s21 =	sshll.u32 s5, $0x1;
	s3 =	sadd.s32 s20, s19  }
0x9c: {  	s22 =	simm.s32 $0x0;
	s4 =	sshll.u32 s4, $0x1;
	s5 =	sadd.s32 s21, s3  }
0x9d: {  	[timem:s22], [sflag:s6] =	dma.local [hbm:s5], s4  }
0x9e: {  	_ =	swait.ge [sflag:s6], s4  }
0x9f: {  	s4 =	ssub.s32 $0x0, s4;
	[sflag:s6] =	ssyncset.done $0x0  }
0xa0: {  	[sflag:s6] =	ssyncadd.s32 s4;
	_ =	sdelay $0x1  }
0xa1: {  	s23 =	simm.s32 $0x1B8B  }
0xa2: {  	_ =	swait.ge [sflag:s23], $0x1  }
0xa3: {  	[sflag:s23] =	ssyncset.done $0x0  }
0xa4: {  	[sflag:s23] =	ssyncadd.s32 $0xFFFFFFFF  }
0xa5: {  	s4 =	sld [smem:$0x0]  }
0xa6: {  	s5 =	sand.u32 $0xFFFFFFFE, s1  }
0xa7: {  	p0 =	sne.s32 s1, s5  }
0xa8: {  	s5 =	sshll.u32 @p0 s5, $0xE  }
0xa9: {  	s5 =	sadd.s32 @p0 $0x11B8D, s5;
	s6 =	sshll.u32 @p0 s4, $0x11  }
0xaa: {  	s5 =	sor.u32 @p0 s6, s5  }
0xab: {  	[sflag:s5] =	ssyncadd.remote.s32 @p0 $0x1;
	_ =	sdelay $0x1  }
0xac: {  	s5 =	simm.s32 @p0 $0x1B8D  }
0xad: {  	_ =	swait.eq @p0 [sflag:s5], $0x1  }
0xae: {  	[sflag:s5] =	ssyncadd.s32 @p0 $0xFFFFFFFF  }
0xaf: {  	s6 =	sshll.u32 @!p0 s1, $0xE  }
0xb0: {  	s6 =	sor.u32 @!p0 $0x4000, s6;
	s5 =	simm.s32 @!p0 $0x1B8D  }
0xb1: {  	s4 =	sshll.u32 @!p0 s4, $0x11;
	s6 =	sadd.s32 @!p0 $0x11B8D, s6;
	_ =	swait.eq @!p0 [sflag:s5], $0x1  }
0xb2: {  	s4 =	sor.u32 @!p0 s4, s6;
	[sflag:s5] =	ssyncadd.s32 @!p0 $0xFFFFFFFF  }
0xb3: {  	s25 =	simm.s32 $0x1B8E;
	s24 =	sld [smem:$0x3FFE];
	[sflag:s4] =	ssyncadd.remote.s32 @!p0 $0x1  }
0xb4: {  	s26 =	simm.s32 $execute0_lowered;
	[smem:$0x3FD2] =	sst s25  }
0xb5: {  	s5 =	sshll.u32 s26, $0x1;
	_ =	strace $0x8000004C;
	[dreg:$0x1] =	wrdreg $0xFFFFFFFF  }
0xb6: {  	s28 =	simm.s32 $_size_execute0_lowered;
	s3 =	sadd.s32 s3, s5;
	[dreg:$0x0] =	wrdreg $0x0  }
0xb7: {  	s5 =	sshll.u32 s28, $0x1;
	[dreg:$0x2] =	wrdreg s3  }
0xb8: {  	[dreg:$0x3] =	wrdreg s5  }
0xb9: {  	[dreg:$0x4] =	wrdreg $0xC0  }
0xba: {  	_ =	task [dreg:s22], $0x5FFFF  }
0xbb: {  	[dreg:$0x1] =	wrdreg $0xFFFFFFFF  }
0xbc: {  	[dreg:$0x0] =	wrdreg $0x60  }
0xbd: {  	[dreg:$0x2] =	wrdreg s24  }
0xbe: {  	[dreg:$0x3] =	wrdreg $0xB  }
0xbf: {  	_ =	task.clear_ibuf [dreg:s22], $0x4FFFF;
	_ =	strace $0x9000004C  }
0xc0: {  	s29 =	simm.s32 $0xB;
	_ =	strace $0x8000004E  }
0xc1: {  	_ =	swait.ge [sflag:s29], $0x1  }
0xc2: {  	[sflag:s29] =	ssyncadd.s32 $0xFFFFFFFF  }
0xc3: {  	_ =	strace $0x9000004E  }
0xc4: {  	_ =	sfence  }
0xc5: {  	s30 =	sld [smem:$0x0];
	_ =	sdelay $0x2  }
0xc6: {  	s31 =	sshll.u32 s1, $0xD;
	s1 =	sshrl.u32 s1, $0x2  }
0xc7: {  	s4 =	sand.u32 $0x4000, s31;
	s1 =	sadd.s32 s1, s30  }
0xc8: {  	s0 =	sor.u32 s4, s0;
	s1 =	sshll.u32 s1, $0x11  }
0xc9: {  	s0 =	sor.u32 s1, s0  }
0xca: {  	s0 =	sadd.s32 $0x8F2B, s0  }
0xcb: {  	[sflag:s0] =	ssyncadd.remote.s32 $0x1  }
0xcc: {  	_ =	sfence.sel $0xFFFF  }
0xcd: {  	[dreg:$0x0] =	wrdreg $0xFFFFFFFF;
	(pc) =	sbr.abs _section_cstart, $3  }
0xce: {  	[dreg:$0x1] =	wrdreg $0xFFFFFFFF  }
0xcf: {  	_ =	task.clear_ibuf [dreg:s22], $0x2FFFF;
	_ =	strace $0x9FFFFFFF  }
0xd0: {  	(tm) =	ssettm $0x7FFFFFFF  }
0xd1: {  	_ =	shalt  }
tec
execute0_lowered:
.L_overlay_start_1:
0x0: {  	(tag) =	ssettag $0x1  }
0x1: {  	s4 =	rddreg [dreg:$0x0];
	s3 =	srdreg.scid  }
0x2: {  	s2 =	simm.s32 $0x0;
	s1 =	stileid.u32;
	s7 =	simm.s32 $0x200  }
0x3: {  	s8 =	simm.s32 $0x4000;
	s9 =	simm.s32 $0x2;
	s10 =	simm.s32 $0x80  }
0x4: {  	s11 =	simm.s32 $0xC00;
	s12 =	simm.s32 $0xC80;
	s13 =	simm.s32 $0x100  }
0x5: {  	s14 =	simm.s32 $0xD00;
	s15 =	simm.s32 $0x180;
	s16 =	simm.s32 $0xD80  }
0x6: {  	s17 =	simm.s32 $0xE00;
	s18 =	simm.s32 $0x280;
	s19 =	simm.s32 $0xE80  }
0x7: {  	s20 =	simm.s32 $0x300;
	s21 =	simm.s32 $0xF00;
	s22 =	simm.s32 $0x380  }
0x8: {  	s23 =	simm.s32 $0xF80;
	s24 =	simm.s32 $0x1;
	s25 =	simm.s32 $0x1800  }
0x9: {  	s26 =	simm.s32 $0x0;
	s3 =	sand.u32 $0x1, s3;
	[smem:$0x7FF] =	sst s2  }
0xa: {  	s5 =	sshll.u32 s1, $0x7;
	s6 =	sshll.u32 s3, $0x6;
	s30 =	ssub.s32 $0x2, s3  }
0xb: {  	_ =	strace $0x8000004D;
	s5 =	sor.u32 s6, s5;
	s31 =	sshrl.u32 s30, $0x1  }
0xc: {  	s3 =	sadd.s32 $0x40600, s4;
	s5 =	sadd.s32 s5, s4;
	s6 =	ssub.s32 s30, s31  }
0xd: {  	s4 =	sadd.s32 $0x3C600, s5;
	s5 =	sadd.s32 $0x52C00, s5;
	s6 =	smax.u32 s6, $0x1  }
.LBB2_1:
0xe: {  	[tilespmem:s2], [sflag:$0x2] =	stream.strided.gather [hbm4b:s4+s7], $0xC00, s8, s7, $0x38;
	[tilespmem:$0x1A00] =	vst v63  }
0xf: {  	_ =	swait.ge [sflag:s9], $0xC00  }
0x10: {  	[sflag:s9] =	ssyncset.done $0x0  }
0x11: {  	[sflag:s9] =	ssyncadd.s32 $0xFFFFF400  }
0x12: {  	v0 =	vld [tilespmem:s13+$0xFFFFFF00]  }
0x13: {  	v1 =	vld [tilespmem:s13+$0xFFFFFF10]  }
0x14: {  	v2 =	vld [tilespmem:s13+$0xFFFFFF20]  }
0x15: {  	v3 =	vld [tilespmem:s13+$0xFFFFFF30]  }
0x16: {  	v4 =	vld [tilespmem:s13+$0xFFFFFF40]  }
0x17: {  	v5 =	vld [tilespmem:s13+$0xFFFFFF50];
	v0 =	vadd.s32 s2, v0  }
0x18: {  	[tilespmem:s13+$0xFFFFFF00] =	vst v0;
	v0 =	vadd.s32 s2, v1;
	v1 =	vld [tilespmem:s13+$0xFFFFFF60]  }
0x19: {  	[tilespmem:s13+$0xFFFFFF10] =	vst v0;
	v0 =	vadd.s32 s2, v2;
	v2 =	vld [tilespmem:s13+$0xFFFFFF70]  }
0x1a: {  	[tilespmem:s13+$0xFFFFFF20] =	vst v0;
	v0 =	vadd.s32 s2, v3;
	v3 =	vld [tilespmem:s13+$0xFFFFFF80]  }
0x1b: {  	[tilespmem:s13+$0xFFFFFF30] =	vst v0;
	v0 =	vadd.s32 s2, v4;
	v4 =	vld [tilespmem:s13+$0xFFFFFF90]  }
0x1c: {  	[tilespmem:s13+$0xFFFFFF40] =	vst v0;
	v0 =	vadd.s32 s2, v5;
	v5 =	vld [tilespmem:s13+$0xFFFFFFA0]  }
0x1d: {  	[tilespmem:s13+$0xFFFFFF50] =	vst v0;
	v0 =	vadd.s32 s2, v1;
	v1 =	vld [tilespmem:s13+$0xFFFFFFB0]  }
0x1e: {  	[tilespmem:s13+$0xFFFFFF60] =	vst v0;
	v0 =	vadd.s32 s2, v2;
	v2 =	vld [tilespmem:s13+$0xFFFFFFC0]  }
0x1f: {  	[tilespmem:s13+$0xFFFFFF70] =	vst v0;
	v0 =	vadd.s32 s2, v3;
	v3 =	vld [tilespmem:s13+$0xFFFFFFD0]  }
0x20: {  	[tilespmem:s13+$0xFFFFFF80] =	vst v0;
	v0 =	vadd.s32 s2, v4;
	v4 =	vld [tilespmem:s13+$0xFFFFFFE0]  }
0x21: {  	[tilespmem:s13+$0xFFFFFF90] =	vst v0;
	v0 =	vadd.s32 s2, v5;
	v5 =	vld [tilespmem:s13+$0x0]  }
0x22: {  	[tilespmem:s13+$0xFFFFFFA0] =	vst v0;
	v0 =	vadd.s32 s2, v1;
	v1 =	vld [tilespmem:s13+$0x10]  }
0x23: {  	[tilespmem:s13+$0xFFFFFFB0] =	vst v0;
	v0 =	vadd.s32 s2, v2;
	v2 =	vld [tilespmem:s13+$0x20]  }
0x24: {  	[tilespmem:s13+$0xFFFFFFC0] =	vst v0;
	v0 =	vadd.s32 s2, v3;
	v3 =	vld [tilespmem:s13+$0x30]  }
0x25: {  	[tilespmem:s13+$0xFFFFFFD0] =	vst v0;
	v0 =	vadd.s32 s2, v4;
	v4 =	vld [tilespmem:s13+$0x40]  }
0x26: {  	[tilespmem:s13+$0xFFFFFFE0] =	vst v0;
	v0 =	vadd.s32 s2, v5;
	v5 =	vld [tilespmem:s13+$0x50]  }
0x27: {  	[tilespmem:s13+$0x0] =	vst v0;
	v0 =	vadd.s32 s2, v1;
	v1 =	vld [tilespmem:s13+$0x60]  }
0x28: {  	[tilespmem:s13+$0x10] =	vst v0;
	v0 =	vadd.s32 s2, v2;
	v2 =	vld [tilespmem:s13+$0x70]  }
0x29: {  	[tilespmem:s13+$0x20] =	vst v0;
	v0 =	vadd.s32 s2, v3;
	v3 =	vld [tilespmem:s13+$0x80]  }
0x2a: {  	[tilespmem:s13+$0x30] =	vst v0;
	v0 =	vadd.s32 s2, v4;
	v4 =	vld [tilespmem:s13+$0x90]  }
0x2b: {  	[tilespmem:s13+$0x40] =	vst v0;
	v0 =	vadd.s32 s2, v5;
	v5 =	vld [tilespmem:s13+$0xA0]  }
0x2c: {  	[tilespmem:s13+$0x50] =	vst v0;
	v1 =	vadd.s32 s2, v1;
	v0 =	vld [tilespmem:s13+$0xB0]  }
0x2d: {  	[tilespmem:s13+$0x60] =	vst v1;
	v2 =	vadd.s32 s2, v2;
	v1 =	vld [tilespmem:s13+$0xC0]  }
0x2e: {  	[tilespmem:s13+$0x70] =	vst v2;
	v3 =	vadd.s32 s2, v3;
	v2 =	vld [tilespmem:s13+$0xD0]  }
0x2f: {  	s30 =	simm.s32 $0x186A0;
	[tilespmem:s13+$0x80] =	vst v3;
	v4 =	vadd.s32 s2, v4;
	v3 =	vld [tilespmem:s13+$0xE0]  }
0x30: {  	s28 =	simm.s32 $0x100;
	s29 =	simm.s32 $0x0;
	s31 =	simm.s32 $0x100;
	[tilespmem:s13+$0x90] =	vst v4;
	v5 =	vadd.s32 s2, v5;
	v4 =	vld [tilespmem:s13+$0xF0]  }
.LBB2_2:
0x31: {  	p0 =	sne.s32 s30, $0x7A120;
	v6 =	vld [tilespmem:s28+$0xFFFFFFF0];
	[tilespmem:s28+$0xA0] =	vst v5;
	v0 =	vadd.s32 s29, v0;
	s31 =	sadd.s32 $0x200, s31  }
0x32: {  	v5 =	vld [tilespmem:s31+$0xFFFFFF00];
	[tilespmem:s28+$0xB0] =	vst v0;
	v0 =	vadd.s32 s29, v1  }
0x33: {  	v1 =	vld [tilespmem:s31+$0xFFFFFF10];
	[tilespmem:s28+$0xC0] =	vst v0;
	v0 =	vadd.s32 s29, v2  }
0x34: {  	v2 =	vld [tilespmem:s31+$0xFFFFFF20];
	[tilespmem:s28+$0xD0] =	vst v0;
	v0 =	vadd.s32 s29, v3  }
0x35: {  	v3 =	vld [tilespmem:s31+$0xFFFFFF30];
	[tilespmem:s28+$0xE0] =	vst v0;
	v0 =	vadd.s32 s29, v4  }
0x36: {  	v4 =	vld [tilespmem:s31+$0xFFFFFF40];
	v6 =	vadd.s32 s29, v6;
	[tilespmem:s28+$0xF0] =	vst v0;
	s29 =	smov.u32 s30  }
0x37: {  	v0 =	vadd.s32 s30, v5;
	v5 =	vld [tilespmem:s31+$0xFFFFFF50];
	[tilespmem:s28+$0xFFFFFFF0] =	vst v6;
	s28 =	smov.u32 s31  }
0x38: {  	[tilespmem:s31+$0xFFFFFF00] =	vst v0;
	v0 =	vadd.s32 s30, v1;
	v1 =	vld [tilespmem:s31+$0xFFFFFF60]  }
0x39: {  	[tilespmem:s31+$0xFFFFFF10] =	vst v0;
	v0 =	vadd.s32 s30, v2;
	v2 =	vld [tilespmem:s31+$0xFFFFFF70]  }
0x3a: {  	[tilespmem:s31+$0xFFFFFF20] =	vst v0;
	v0 =	vadd.s32 s30, v3;
	v3 =	vld [tilespmem:s31+$0xFFFFFF80]  }
0x3b: {  	[tilespmem:s31+$0xFFFFFF30] =	vst v0;
	v0 =	vadd.s32 s30, v4;
	v4 =	vld [tilespmem:s31+$0xFFFFFF90]  }
0x3c: {  	[tilespmem:s31+$0xFFFFFF40] =	vst v0;
	v0 =	vadd.s32 s30, v5;
	v5 =	vld [tilespmem:s31+$0xFFFFFFA0]  }
0x3d: {  	[tilespmem:s31+$0xFFFFFF50] =	vst v0;
	v0 =	vadd.s32 s30, v1;
	v1 =	vld [tilespmem:s31+$0xFFFFFFB0]  }
0x3e: {  	[tilespmem:s31+$0xFFFFFF60] =	vst v0;
	v0 =	vadd.s32 s30, v2;
	v2 =	vld [tilespmem:s31+$0xFFFFFFC0]  }
0x3f: {  	[tilespmem:s31+$0xFFFFFF70] =	vst v0;
	v0 =	vadd.s32 s30, v3;
	v3 =	vld [tilespmem:s31+$0xFFFFFFD0]  }
0x40: {  	[tilespmem:s31+$0xFFFFFF80] =	vst v0;
	v0 =	vadd.s32 s30, v4;
	v4 =	vld [tilespmem:s31+$0xFFFFFFE0]  }
0x41: {  	[tilespmem:s31+$0xFFFFFF90] =	vst v0;
	v0 =	vadd.s32 s30, v5;
	v5 =	vld [tilespmem:s31+$0x0]  }
0x42: {  	[tilespmem:s31+$0xFFFFFFA0] =	vst v0;
	v0 =	vadd.s32 s30, v1;
	v1 =	vld [tilespmem:s31+$0x10]  }
0x43: {  	[tilespmem:s31+$0xFFFFFFB0] =	vst v0;
	v0 =	vadd.s32 s30, v2;
	v2 =	vld [tilespmem:s31+$0x20]  }
0x44: {  	[tilespmem:s31+$0xFFFFFFC0] =	vst v0;
	v0 =	vadd.s32 s30, v3;
	v3 =	vld [tilespmem:s31+$0x30]  }
0x45: {  	[tilespmem:s31+$0xFFFFFFD0] =	vst v0;
	v0 =	vadd.s32 s30, v4;
	v4 =	vld [tilespmem:s31+$0x40]  }
0x46: {  	[tilespmem:s31+$0xFFFFFFE0] =	vst v0;
	v0 =	vadd.s32 s30, v5;
	v5 =	vld [tilespmem:s31+$0x50]  }
0x47: {  	[tilespmem:s31+$0x0] =	vst v0;
	v0 =	vadd.s32 s30, v1;
	v1 =	vld [tilespmem:s31+$0x60]  }
0x48: {  	[tilespmem:s31+$0x10] =	vst v0;
	v0 =	vadd.s32 s30, v2;
	v2 =	vld [tilespmem:s31+$0x70]  }
0x49: {  	[tilespmem:s31+$0x20] =	vst v0;
	v0 =	vadd.s32 s30, v3;
	v3 =	vld [tilespmem:s31+$0x80]  }
0x4a: {  	[tilespmem:s31+$0x30] =	vst v0;
	v0 =	vadd.s32 s30, v4;
	v4 =	vld [tilespmem:s31+$0x90]  }
0x4b: {  	[tilespmem:s31+$0x40] =	vst v0;
	v0 =	vadd.s32 s30, v5;
	v5 =	vld [tilespmem:s31+$0xA0]  }
.Ltmp0:
0x4c: {  	[tilespmem:s31+$0x50] =	vst v0;
	v1 =	vadd.s32 s30, v1;
	v0 =	vld [tilespmem:s31+$0xB0];
	(pc) =	sbr.rel @p0 .LBB2_2-.Ltmp0, $4  }
0x4d: {  	[tilespmem:s31+$0x60] =	vst v1;
	v2 =	vadd.s32 s30, v2;
	v1 =	vld [tilespmem:s31+$0xC0]  }
0x4e: {  	[tilespmem:s31+$0x70] =	vst v2;
	v3 =	vadd.s32 s30, v3;
	v2 =	vld [tilespmem:s31+$0xD0]  }
0x4f: {  	[tilespmem:s31+$0x80] =	vst v3;
	v4 =	vadd.s32 s30, v4;
	v3 =	vld [tilespmem:s31+$0xE0]  }
0x50: {  	s30 =	sadd.s32 $0x186A0, s30;
	[tilespmem:s31+$0x90] =	vst v4;
	v5 =	vadd.s32 s29, v5;
	v4 =	vld [tilespmem:s31+$0xF0]  }
0x51: {  	v6 =	vld [tilespmem:s28+$0xFFFFFFF0];
	[tilespmem:s28+$0xA0] =	vst v5;
	v0 =	vadd.s32 s29, v0  }
0x52: {  	[tilespmem:s28+$0xB0] =	vst v0;
	v59 =	vadd.s32 s29, v1  }
0x53: {  	[tilespmem:s28+$0xC0] =	vst v59;
	v60 =	vadd.s32 s29, v2  }
0x54: {  	[tilespmem:s28+$0xD0] =	vst v60;
	v61 =	vadd.s32 s29, v3  }
0x55: {  	[tilespmem:s28+$0xE0] =	vst v61;
	v62 =	vadd.s32 s29, v4  }
0x56: {  	v63 =	vadd.s32 s29, v6;
	[tilespmem:s28+$0xF0] =	vst v62  }
0x57: {  	[tilespmem:s28+$0xFFFFFFF0] =	vst v63;
	s28 =	simm.s32 $0x0  }
0x58: {  	[tilespmem:s11], [sflag:$0x1] =	stream.indirect.gather [hbm4b:s3+s10], $0x1, s28, s10, $0xb8;
	[tilespmem:$0x1A00] =	vst v63  }
0x59: {  	_ = 	snop  }
0x5a: {  	[tilespmem:s12], [sflag:$0x1] =	stream.indirect.gather [hbm4b:s3+s10], $0x1, s10, s10, $0xb8;
	[tilespmem:$0x1A00] =	vst v63  }
0x5b: {  	_ = 	snop  }
0x5c: {  	[tilespmem:s14], [sflag:$0x1] =	stream.indirect.gather [hbm4b:s3+s10], $0x1, s13, s10, $0xb8;
	[tilespmem:$0x1A00] =	vst v63  }
0x5d: {  	_ = 	snop  }
0x5e: {  	[tilespmem:s16], [sflag:$0x1] =	stream.indirect.gather [hbm4b:s3+s10], $0x1, s15, s10, $0xb8;
	[tilespmem:$0x1A00] =	vst v63  }
0x5f: {  	_ = 	snop  }
0x60: {  	[tilespmem:s17], [sflag:$0x1] =	stream.indirect.gather [hbm4b:s3+s10], $0x1, s7, s10, $0xb8;
	[tilespmem:$0x1A00] =	vst v63  }
0x61: {  	s29 =	simm.s32 $0x1000  }
0x62: {  	[tilespmem:s19], [sflag:$0x1] =	stream.indirect.gather [hbm4b:s3+s10], $0x1, s18, s10, $0xb8;
	[tilespmem:$0x1A00] =	vst v63  }
0x63: {  	s29 =	sand.u32 $0x3800, s29  }
0x64: {  	[tilespmem:s21], [sflag:$0x1] =	stream.indirect.gather [hbm4b:s3+s10], $0x1, s20, s10, $0xb8;
	[tilespmem:$0x1A00] =	vst v63  }
0x65: {  	s30 =	sand.u32 $0x180, s28;
	s29 =	sshrl.u32 s29, $0x2  }
0x66: {  	[tilespmem:s23], [sflag:$0x1] =	stream.indirect.gather [hbm4b:s3+s10], $0x1, s22, s10, $0xb8;
	[tilespmem:$0x1A00] =	vst v63  }
0x67: {  	s31 =	simm.s32 $0x1000;
	s29 =	sor.u32 s30, s29  }
0x68: {  	[tilespmem:s31], [sflag:$0x1] =	stream.indirect.gather [hbm4b:s3+s10], $0x1, s29, s10, $0xb8;
	[tilespmem:$0x1A00] =	vst v63  }
0x69: {  	s29 =	simm.s32 $0x1200  }
.LBB2_4:
0x6a: {  	s30 =	sshra.s32 s29, $0x2;
	p0 =	sne.s32 s29, $0x2E00  }
.Ltmp1:
0x6b: {  	_ =	swait.ge [sflag:s24], $0x80;
	s28 =	sadd.s32 $0x80, s28;
	(pc) =	sbr.rel @p0 .LBB2_4-.Ltmp1, $4  }
0x6c: {  	s31 =	sand.u32 $0x3800, s29;
	s30 =	sadd.s32 $0xC00, s30;
	[sflag:s24] =	ssyncset.done $0x0  }
0x6d: {  	s0 =	sand.u32 $0x180, s28;
	s31 =	sshrl.u32 s31, $0x2;
	[sflag:s24] =	ssyncadd.s32 $0xFFFFFF80  }
0x6e: {  	s29 =	sadd.s32 $0x200, s29;
	s0 =	sor.u32 s0, s31  }
0x6f: {  	[tilespmem:s30], [sflag:$0x1] =	stream.indirect.gather [hbm4b:s3+s10], $0x1, s0, s10, $0xb8;
	[tilespmem:$0x1A00] =	vst v63  }
0x70: {  	_ =	swait.ge [sflag:s24], $0x80  }
0x71: {  	[sflag:s24] =	ssyncset.done $0x0  }
0x72: {  	[sflag:s24] =	ssyncadd.s32 $0xFFFFFF80  }
0x73: {  	_ =	swait.ge [sflag:s24], $0x80  }
0x74: {  	[sflag:s24] =	ssyncset.done $0x0  }
0x75: {  	[sflag:s24] =	ssyncadd.s32 $0xFFFFFF80  }
0x76: {  	_ =	swait.ge [sflag:s24], $0x80  }
0x77: {  	[sflag:s24] =	ssyncset.done $0x0  }
0x78: {  	[sflag:s24] =	ssyncadd.s32 $0xFFFFFF80  }
0x79: {  	_ =	swait.ge [sflag:s24], $0x80  }
0x7a: {  	[sflag:s24] =	ssyncset.done $0x0  }
0x7b: {  	[sflag:s24] =	ssyncadd.s32 $0xFFFFFF80  }
0x7c: {  	_ =	swait.ge [sflag:s24], $0x80  }
0x7d: {  	[sflag:s24] =	ssyncset.done $0x0  }
0x7e: {  	[sflag:s24] =	ssyncadd.s32 $0xFFFFFF80  }
0x7f: {  	_ =	swait.ge [sflag:s24], $0x80  }
0x80: {  	[sflag:s24] =	ssyncset.done $0x0  }
0x81: {  	[sflag:s24] =	ssyncadd.s32 $0xFFFFFF80  }
0x82: {  	_ =	swait.ge [sflag:s24], $0x80  }
0x83: {  	[sflag:s24] =	ssyncset.done $0x0  }
0x84: {  	[sflag:s24] =	ssyncadd.s32 $0xFFFFFF80  }
0x85: {  	_ =	swait.ge [sflag:s24], $0x80  }
0x86: {  	[sflag:s24] =	ssyncset.done $0x0  }
0x87: {  	[sflag:s24] =	ssyncadd.s32 $0xFFFFFF80  }
0x88: {  	_ =	swait.ge [sflag:s24], $0x80  }
0x89: {  	[sflag:s24] =	ssyncset.done $0x0  }
0x8a: {  	s28 =	simm.s32 $0x0;
	[sflag:s24] =	ssyncadd.s32 $0xFFFFFF80  }
0x8b: {  	v0 =	vld [tilespmem:s28+$0xC00]  }
0x8c: {  	v3 =	vld [tilespmem:s28+$0xE00];
	_ =	sdelay $0x1  }
0x8d: {  	v5 =	vld [tilespmem:s28+$0x1000]  }
0x8e: {  	v2 =	vld [tilespmem:s28+$0x1400]  }
0x8f: {  	s29 =	simm.s32 $0x10;
	v6 =	vld [tilespmem:s28+$0x1200]  }
0x90: {  	v1 =	vld [tilespmem:s29+$0xC00];
	v0 =	vadd.f32 v3, v0  }
0x91: {  	v4 =	vld [tilespmem:s29+$0xE00]  }
0x92: {  	v7 =	vadd.f32 v5, v0;
	v0 =	vld [tilespmem:s28+$0x1600]  }
0x93: {  	v5 =	vld [tilespmem:s29+$0x1000]  }
0x94: {  	s30 =	simm.s32 $0x80;
	v3 =	vld [tilespmem:s29+$0x1400];
	v6 =	vadd.f32 v6, v7  }
.LBB2_6:
0x95: {  	s0 =	sshra.s32 s30, $0x2;
	v7 =	vld [tilespmem:s29+$0x1200];
	p0 =	sne.s32 s30, $0x7C0  }
.Ltmp2:
0x96: {  	s30 =	sadd.s32 $0x40, s30;
	v8 =	vadd.f32 v4, v1;
	v1 =	vld [tilespmem:s0+$0xC00];
	v9 =	vadd.f32 v2, v6;
	(pc) =	sbr.rel @p0 .LBB2_6-.Ltmp2, $4  }
0x97: {  	v4 =	vld [tilespmem:s0+$0xE00]  }
0x98: {  	v6 =	vadd.f32 v5, v8;
	v8 =	vadd.f32 v0, v9;
	v0 =	vld [tilespmem:s29+$0x1600]  }
0x99: {  	v5 =	vld [tilespmem:s0+$0x1000];
	v2 =	vmov v3  }
0x9a: {  	v3 =	vld [tilespmem:s0+$0x1400];
	v6 =	vadd.f32 v7, v6;
	[tilespmem:s28+$0x1800] =	vst v8;
	s28 =	smov.u32 s29;
	s29 =	smov.u32 s0  }
0x9b: {  	v7 =	vld [tilespmem:s29+$0x1200]  }
0x9c: {  	v1 =	vadd.f32 v4, v1;
	_ =	sdelay $0x1  }
0x9d: {  	v1 =	vadd.f32 v5, v1  }
0x9e: {  	v63 =	vld [tilespmem:s29+$0x1600]  }
0x9f: {  	v1 =	vadd.f32 v7, v1  }
0xa0: {  	v2 =	vadd.f32 v2, v6  }
0xa1: {  	v1 =	vadd.f32 v3, v1  }
0xa2: {  	v0 =	vadd.f32 v0, v2  }
0xa3: {  	s26 =	sadd.s32 $0x1, s26;
	v1 =	vadd.f32 v63, v1  }
0xa4: {  	p0 =	sne.s32 s26, s6;
	[tilespmem:s28+$0x1800] =	vst v0  }
.Ltmp3:
0xa5: {  	[tilespmem:s29+$0x1800] =	vst v1;
	(pc) =	sbr.rel @p0 .LBB2_1-.Ltmp3, $4  }
0xa6: {  	[hbm4b:s5+s2] =	stream.linear.scatter [tilespmem:s25], [sflag:$0x2], $0x200, $0x38;
	[tilespmem:$0x1A00] =	vst v63  }
0xa7: {  	_ =	swait.ge [sflag:s9], $0x200  }
0xa8: {  	[sflag:s9] =	ssyncset.done $0x0  }
0xa9: {  	[sflag:s9] =	ssyncadd.s32 $0xFFFFFE00  }
0xaa: {  	_ =	sfence.sel $0x180000  }
0xab: {  	[bflag:$0x0] =	sbarrier.arrive $0xFFFF  }
0xac: {  	_ =	strace $0x9000004D  }
0xad: {  	[bflag:$0x2] =	sbarrier.arrive $0xFFFF  }
0xae: {  	p0 =	sne.s32 s1, $0x0;
	s0 =	rddreg [dreg:$0x1]  }
0xaf: {  	s0 =	sadd.s32 @!p0 $0x100000, s0  }
0xb0: {  	[sflag:s0] =	ssyncadd.tile.s32 @!p0 $0x1;
	_ =	shalt  }
.Lfunc_end2:
_tile_overlayer_lowered:
.L_overlay_start_2:
0xb1: {  	(tag) =	ssettag $0x2  }
0xb2: {  	s0 =	rddreg [dreg:$0x0];
	s2 =	stileid.u32  }
0xb3: {  	s1 =	rddreg [dreg:$0x1];
	p0 =	sne.s32 s2, $0x0  }
0xb4: {  	s3 =	rddreg [dreg:$0x2];
	[bflag:$0x3] =	sbarrier.arrive $0xFFFF;
	s2 =	simm.s32 @!p0 $0x1C02  }
0xb5: {  	[timem:s3], [sflag:s2] =	dma.local @!p0 [hbm:s0], s1  }
0xb6: {  	s0 =	simm.s32 @!p0 $0x2  }
0xb7: {  	_ =	swait.ge @!p0 [sflag:s0], s1  }
0xb8: {  	s1 =	ssub.s32 @!p0 $0x0, s1;
	[sflag:s0] =	ssyncset.done @!p0 $0x0  }
0xb9: {  	[sflag:s0] =	ssyncadd.s32 @!p0 s1  }
0xba: {  	[bflag:$0x3] =	sbarrier.arrive $0xFFFF  }
0xbb: {  	_ =	shalt  }

// kernel: emb_gather_f8_16.3.cloned.1.call-start
scs
__scs_entry_jumppad:
0x0: {  	(pc) =	sbr.rel $0x88, $3  }
0x1: {  	(tag) =	ssettag $0x0;
	lr =	simm.s32 $0x1  }
0x2: {  	[smem:$0x3F9C] =	sst lr;
	_ =	strace $0xD0000000  }
0x3: {  	_ = 	snop  }
0x4: {  	_ = 	snop  }
0x5: {  	_ = 	snop  }
0x6: {  	_ = 	snop  }
0x7: {  	_ = 	snop  }
__scs_overlays_trampoline_lowered:
0x8: {  	[smem:$0x3FAB] =	sst s0  }
0x9: {  	[smem:$0x3FAC] =	sst s1  }
0xa: {  	[smem:$0x3FAD] =	sst s2  }
0xb: {  	[smem:$0x3FAE] =	sst s3  }
0xc: {  	[smem:$0x3FAF] =	sst s4  }
0xd: {  	[smem:$0x3FB0] =	sst s5  }
0xe: {  	[smem:$0x3FB1] =	sst s6  }
0xf: {  	[smem:$0x3FB2] =	sst s7  }
0x10: {  	[smem:$0x3FB3] =	sst s8  }
0x11: {  	[smem:$0x3FB4] =	sst s9;
	s0 =	simm.s32 @!p0 $0x0  }
0x12: {  	s1 =	sld [smem:$0x3F9A];
	s0 =	simm.s32 @p0 $0x1  }
0x13: {  	[smem:$0x3FB5] =	sst s0;
	s0 =	simm.s32 @!p1 $0x0  }
0x14: {  	s2 =	sld [smem:$0x3F99];
	s0 =	simm.s32 @p1 $0x1  }
0x15: {  	[smem:$0x3FB6] =	sst s0;
	s0 =	simm.s32 @!p2 $0x0  }
0x16: {  	s3 =	sld [smem:$0x3FDB];
	s0 =	simm.s32 @p2 $0x1  }
0x17: {  	s4 =	simm.s32 $0x1BF5;
	[smem:$0x3FB8] =	sst s0  }
0x18: {  	s0 =	sld [smem:$0x3F9B];
	_ =	swait.ge [sflag:s4], $0x0  }
0x19: {  	s7 =	sld [smem:$0x3F9C]  }
0x1a: {  	s8 =	sadd.s32 $0xFFFFE003, lr  }
0x1b: {  	s9 =	sadd.s32 $0xFFFFFEF7, lr;
	s5 =	simm.s32 $0xFFFFFFFF;
	p2 =	slt.u32 s8, $0xFFFFF086  }
0x1c: {  	p1 =	slt.u32 s9, $0xF7A;
	s5 =	simm.s32 @!p2 $0x0  }
0x1d: {  	s5 =	simm.s32 @p1 $0x1;
	p0 =	seq.s32 s7, s2  }
0x1e: {  	s7 =	smul.u32 @!p0 $0xF7A, s2;
	p2 =	seq.s32 @!p0 s5, $0x0  }
0x1f: {  	s9 =	smul.u32 $0xF7A, s1;
	s8 =	simm.s32 @!p0 $0x1BF5;
	p2 =	por !p2, p0  }
0x20: {  	[sflag:s8] =	ssyncset.s32 @!p0 $0xFFFFF086;
	s6 =	sadd.s32 @!p0 s3, s7;
	s7 =	simm.s32 @!p0 $0x108  }
0x21: {  	s3 =	sadd.s32 s3, s9;
	s6 =	sadd.s32 @!p0 $0x88, s6;
	s7 =	simm.s32 @p2 $0x1082  }
0x22: {  	[simem:s7], [sflag:s8] =	dma.local @!p0 [hbm:s6], $0xF7A  }
0x23: {  	s9 =	sor.u32 $0xD0000000, s2;
	s6 =	simm.s32 $0x108;
	_ =	swait.ge @!p0 [sflag:s8], $0x0  }
0x24: {  	s3 =	sadd.s32 $0x88, s3;
	s6 =	simm.s32 @!p1 $0x1082;
	[sflag:s4] =	ssyncset.s32 $0xFFFFF086  }
0x25: {  	[simem:s6], [sflag:s4] =	dma.local [hbm:s3], $0xF7A  }
0x26: {  	[smem:$0x3F9C] =	sst s1;
	(tag) =	ssettag s2;
	_ =	strace s9  }
0x27: {  	s1 =	sld [smem:$0x3FAC]  }
0x28: {  	s2 =	sld [smem:$0x3FAD]  }
0x29: {  	s4 =	sld [smem:$0x3FAF]  }
0x2a: {  	p0 =	seq.s32 s5, $0x0;
	s5 =	sld [smem:$0x3FB0]  }
0x2b: {  	s6 =	sld [smem:$0x3FB1]  }
0x2c: {  	s7 =	sld [smem:$0x3FB2]  }
0x2d: {  	s3 =	simm.s32 $0x108;
	s8 =	sld [smem:$0x3FB3]  }
0x2e: {  	s3 =	simm.s32 @!p0 $0x1082;
	s9 =	sld [smem:$0x3FB4]  }
0x2f: {  	lr =	sadd.s32 s0, s3;
	s0 =	sld [smem:$0x3FAB]  }
0x30: {  	s3 =	sld [smem:$0x3FAE]  }
0x31: {  	[smem:$0x3FB7] =	sst s10  }
0x32: {  	s10 =	sld [smem:$0x3FB5];
	_ =	sdelay $0x3  }
0x33: {  	p0 =	seq.s32 s10, $0x1;
	s10 =	sld [smem:$0x3FB7];
	_ =	sdelay $0x3  }
0x34: {  	[smem:$0x3FB7] =	sst s10  }
0x35: {  	s10 =	sld [smem:$0x3FB6];
	_ =	sdelay $0x3  }
0x36: {  	p1 =	seq.s32 s10, $0x1;
	s10 =	sld [smem:$0x3FB7];
	_ =	sdelay $0x3  }
0x37: {  	[smem:$0x3FB7] =	sst s10  }
0x38: {  	s10 =	sld [smem:$0x3FB8]  }
0x39: {  	_ = 	snop;
	(pc) =	sbr.ind lr, $3  }
0x3a: {  	_ = 	snop  }
0x3b: {  	_ = 	snop  }
0x3c: {  	p2 =	seq.s32 s10, $0x1;
	s10 =	sld [smem:$0x3FB7]  }
0x3d: {  	_ =	shalt  }
0x3e: {  	_ =	shalt  }
0x3f: {  	_ =	shalt  }
0x40: {  	_ =	shalt  }
0x41: {  	_ =	shalt  }
0x42: {  	_ =	shalt  }
0x43: {  	_ =	shalt  }
0x44: {  	_ =	shalt  }
0x45: {  	_ =	shalt  }
0x46: {  	_ =	shalt  }
0x47: {  	_ =	shalt  }
0x48: {  	_ =	shalt  }
0x49: {  	_ =	shalt  }
0x4a: {  	_ =	shalt  }
0x4b: {  	_ =	shalt  }
0x4c: {  	_ =	shalt  }
0x4d: {  	_ =	shalt  }
0x4e: {  	_ =	shalt  }
0x4f: {  	_ =	shalt  }
0x50: {  	_ =	shalt  }
0x51: {  	_ =	shalt  }
0x52: {  	_ =	shalt  }
0x53: {  	_ =	shalt  }
0x54: {  	_ =	shalt  }
0x55: {  	_ =	shalt  }
0x56: {  	_ =	shalt  }
0x57: {  	_ =	shalt  }
0x58: {  	_ =	shalt  }
0x59: {  	_ =	shalt  }
0x5a: {  	_ =	shalt  }
0x5b: {  	_ =	shalt  }
0x5c: {  	_ =	shalt  }
0x5d: {  	_ =	shalt  }
0x5e: {  	_ =	shalt  }
0x5f: {  	_ =	shalt  }
0x60: {  	_ =	shalt  }
0x61: {  	_ =	shalt  }
0x62: {  	_ =	shalt  }
0x63: {  	_ =	shalt  }
0x64: {  	_ =	shalt  }
0x65: {  	_ =	shalt  }
0x66: {  	_ =	shalt  }
0x67: {  	_ =	shalt  }
0x68: {  	_ =	shalt  }
0x69: {  	_ =	shalt  }
0x6a: {  	_ =	shalt  }
0x6b: {  	_ =	shalt  }
0x6c: {  	_ =	shalt  }
0x6d: {  	_ =	shalt  }
0x6e: {  	_ =	shalt  }
0x6f: {  	_ =	shalt  }
0x70: {  	_ =	shalt  }
0x71: {  	_ =	shalt  }
0x72: {  	_ =	shalt  }
0x73: {  	_ =	shalt  }
0x74: {  	_ =	shalt  }
0x75: {  	_ =	shalt  }
0x76: {  	_ =	shalt  }
0x77: {  	_ =	shalt  }
0x78: {  	_ =	shalt  }
0x79: {  	_ =	shalt  }
0x7a: {  	_ =	shalt  }
0x7b: {  	_ =	shalt  }
0x7c: {  	_ =	shalt  }
0x7d: {  	_ =	shalt  }
0x7e: {  	_ =	shalt  }
0x7f: {  	_ =	shalt  }
0x80: {  	_ =	shalt  }
0x81: {  	_ =	shalt  }
0x82: {  	_ =	shalt  }
0x83: {  	_ =	shalt  }
0x84: {  	_ =	shalt  }
0x85: {  	_ =	shalt  }
0x86: {  	_ =	shalt  }
0x87: {  	_ =	shalt  }
.Lfunc_end0:
.L_simem_size_0:
called_computation_lowered:
.L_overlay_start_0:
0x88: {  	s2 =	sld [smem:$0x3FD9]  }
0x89: {  	s3 =	sld [smem:$0x3FFE];
	_ =	sdelay $0x1  }
0x8a: {  	s1 =	srdreg.scid  }
0x8b: {  	s0 =	sand.u32 $0x1, s1  }
0x8c: {  	s17 =	sshll.u32 s0, $0xA;
	s2 =	sadd.s32 s3, s2  }
0x8d: {  	s2 =	sadd.s32 s2, s17  }
0x8e: {  	[smem:$0x3FC3] =	sst s2  }
0x8f: {  	_ = 	snop  }
0x90: {  	(tm) =	ssettm $0x1  }
0x91: {  	s18 =	sld [smem:$0x3FFB];
	_ =	sdelay $0x3  }
0x92: {  	_ =	strace s18  }
0x93: {  	s2 =	sld [smem:$0x3FFC];
	_ =	sdelay $0x3  }
0x94: {  	_ =	strace s2  }
0x95: {  	s2 =	sld [smem:$0x3FFD];
	_ =	sdelay $0x3  }
0x96: {  	_ =	strace s2  }
0x97: {  	_ =	strace $0x8FFFFFFF  }
0x98: {  	s19 =	sld [smem:$0x3FDB];
	_ =	sdelay $0x1  }
0x99: {  	s20 =	simm.s32 $_scs_section_size  }
0x9a: {  	s4 =	simm.s32 $_size__tile_overlayer_lowered;
	s5 =	simm.s32 $_tile_overlayer_lowered  }
0x9b: {  	s6 =	simm.s32 $0x1BFF;
	s21 =	sshll.u32 s5, $0x1;
	s3 =	sadd.s32 s20, s19  }
0x9c: {  	s22 =	simm.s32 $0x0;
	s4 =	sshll.u32 s4, $0x1;
	s5 =	sadd.s32 s21, s3  }
0x9d: {  	[timem:s22], [sflag:s6] =	dma.local [hbm:s5], s4  }
0x9e: {  	_ =	swait.ge [sflag:s6], s4  }
0x9f: {  	s4 =	ssub.s32 $0x0, s4;
	[sflag:s6] =	ssyncset.done $0x0  }
0xa0: {  	[sflag:s6] =	ssyncadd.s32 s4;
	_ =	sdelay $0x1  }
0xa1: {  	s23 =	simm.s32 $0x1B8B  }
0xa2: {  	_ =	swait.ge [sflag:s23], $0x1  }
0xa3: {  	[sflag:s23] =	ssyncset.done $0x0  }
0xa4: {  	[sflag:s23] =	ssyncadd.s32 $0xFFFFFFFF  }
0xa5: {  	s4 =	sld [smem:$0x0]  }
0xa6: {  	s5 =	sand.u32 $0xFFFFFFFE, s1  }
0xa7: {  	p0 =	sne.s32 s1, s5  }
0xa8: {  	s5 =	sshll.u32 @p0 s5, $0xE  }
0xa9: {  	s5 =	sadd.s32 @p0 $0x11B8D, s5;
	s6 =	sshll.u32 @p0 s4, $0x11  }
0xaa: {  	s5 =	sor.u32 @p0 s6, s5  }
0xab: {  	[sflag:s5] =	ssyncadd.remote.s32 @p0 $0x1;
	_ =	sdelay $0x1  }
0xac: {  	s5 =	simm.s32 @p0 $0x1B8D  }
0xad: {  	_ =	swait.eq @p0 [sflag:s5], $0x1  }
0xae: {  	[sflag:s5] =	ssyncadd.s32 @p0 $0xFFFFFFFF  }
0xaf: {  	s6 =	sshll.u32 @!p0 s1, $0xE  }
0xb0: {  	s6 =	sor.u32 @!p0 $0x4000, s6;
	s5 =	simm.s32 @!p0 $0x1B8D  }
0xb1: {  	s4 =	sshll.u32 @!p0 s4, $0x11;
	s6 =	sadd.s32 @!p0 $0x11B8D, s6;
	_ =	swait.eq @!p0 [sflag:s5], $0x1  }
0xb2: {  	s4 =	sor.u32 @!p0 s4, s6;
	[sflag:s5] =	ssyncadd.s32 @!p0 $0xFFFFFFFF  }
0xb3: {  	s25 =	simm.s32 $0x1B8E;
	s24 =	sld [smem:$0x3FFE];
	[sflag:s4] =	ssyncadd.remote.s32 @!p0 $0x1  }
0xb4: {  	s26 =	simm.s32 $execute0_lowered;
	[smem:$0x3FD2] =	sst s25  }
0xb5: {  	s5 =	sshll.u32 s26, $0x1;
	_ =	strace $0x80000049;
	[dreg:$0x1] =	wrdreg $0xFFFFFFFF  }
0xb6: {  	s28 =	simm.s32 $_size_execute0_lowered;
	s3 =	sadd.s32 s3, s5;
	[dreg:$0x0] =	wrdreg $0x0  }
0xb7: {  	s5 =	sshll.u32 s28, $0x1;
	[dreg:$0x2] =	wrdreg s3  }
0xb8: {  	[dreg:$0x3] =	wrdreg s5  }
0xb9: {  	[dreg:$0x4] =	wrdreg $0xC0  }
0xba: {  	_ =	task [dreg:s22], $0x5FFFF  }
0xbb: {  	[dreg:$0x1] =	wrdreg $0xFFFFFFFF  }
0xbc: {  	[dreg:$0x0] =	wrdreg $0x60  }
0xbd: {  	[dreg:$0x2] =	wrdreg s24  }
0xbe: {  	[dreg:$0x3] =	wrdreg $0x9  }
0xbf: {  	_ =	task.clear_ibuf [dreg:s22], $0x4FFFF;
	_ =	strace $0x90000049  }
0xc0: {  	s29 =	simm.s32 $0x9;
	_ =	strace $0x8000004B  }
0xc1: {  	_ =	swait.ge [sflag:s29], $0x1  }
0xc2: {  	[sflag:s29] =	ssyncadd.s32 $0xFFFFFFFF  }
0xc3: {  	_ =	strace $0x9000004B  }
0xc4: {  	_ =	sfence  }
0xc5: {  	s30 =	sld [smem:$0x0];
	_ =	sdelay $0x2  }
0xc6: {  	s31 =	sshll.u32 s1, $0xD;
	s1 =	sshrl.u32 s1, $0x2  }
0xc7: {  	s4 =	sand.u32 $0x4000, s31;
	s1 =	sadd.s32 s1, s30  }
0xc8: {  	s0 =	sor.u32 s4, s0;
	s1 =	sshll.u32 s1, $0x11  }
0xc9: {  	s0 =	sor.u32 s1, s0  }
0xca: {  	s0 =	sadd.s32 $0x8F2B, s0  }
0xcb: {  	[sflag:s0] =	ssyncadd.remote.s32 $0x1  }
0xcc: {  	_ =	sfence.sel $0xFFFF  }
0xcd: {  	[dreg:$0x0] =	wrdreg $0xFFFFFFFF;
	(pc) =	sbr.abs _section_cstart, $3  }
0xce: {  	[dreg:$0x1] =	wrdreg $0xFFFFFFFF  }
0xcf: {  	_ =	task.clear_ibuf [dreg:s22], $0x2FFFF;
	_ =	strace $0x9FFFFFFF  }
0xd0: {  	(tm) =	ssettm $0x7FFFFFFF  }
0xd1: {  	_ =	shalt  }
tec
execute0_lowered:
.L_overlay_start_1:
0x0: {  	(tag) =	ssettag $0x1  }
0x1: {  	s3 =	rddreg [dreg:$0x0];
	s2 =	srdreg.scid  }
0x2: {  	s0 =	rddreg [dreg:$0x1];
	s1 =	stileid.u32;
	s7 =	simm.s32 $0x200  }
0x3: {  	s8 =	simm.s32 $0x4000;
	s9 =	simm.s32 $0x2;
	s10 =	simm.s32 $0x80  }
0x4: {  	s11 =	simm.s32 $0x1080;
	s12 =	simm.s32 $0x100;
	s13 =	simm.s32 $0x1100  }
0x5: {  	s14 =	simm.s32 $0x180;
	s15 =	simm.s32 $0x1180;
	s16 =	simm.s32 $0x1200  }
0x6: {  	s17 =	simm.s32 $0x280;
	s18 =	simm.s32 $0x1280;
	s19 =	simm.s32 $0x300  }
0x7: {  	s20 =	simm.s32 $0x1300;
	s21 =	simm.s32 $0x380;
	s22 =	simm.s32 $0x1380  }
0x8: {  	s23 =	simm.s32 $0x1;
	s24 =	simm.s32 $0x2000;
	s25 =	simm.s32 $0x0  }
0x9: {  	s4 =	sand.u32 $0x1, s2;
	s2 =	simm.s32 $0x0;
	s5 =	sshll.u32 s1, $0x7  }
0xa: {  	s6 =	sshll.u32 s4, $0x6;
	[smem:$0x7FF] =	sst s2;
	s4 =	ssub.s32 $0x2, s4  }
0xb: {  	s5 =	sor.u32 s6, s5;
	_ =	strace $0x8000004A;
	s31 =	sshrl.u32 s4, $0x1  }
0xc: {  	s5 =	sadd.s32 s5, s3;
	s3 =	sadd.s32 $0x19E00, s3;
	s6 =	ssub.s32 s4, s31  }
0xd: {  	s4 =	sadd.s32 $0x36600, s5;
	s5 =	sadd.s32 $0x3FE00, s5;
	s6 =	smax.u32 s6, $0x1  }
.LBB2_1:
0xe: {  	[tilespmem:s2], [sflag:$0x2] =	stream.strided.gather [hbm4b:s4+s7], $0x1000, s8, s7, $0x38;
	[tilespmem:$0x2200] =	vst v63  }
0xf: {  	_ =	swait.ge [sflag:s9], $0x1000  }
0x10: {  	[sflag:s9] =	ssyncset.done $0x0  }
0x11: {  	[sflag:s9] =	ssyncadd.s32 $0xFFFFF000  }
0x12: {  	v0 =	vld [tilespmem:s12+$0xFFFFFF00]  }
0x13: {  	v1 =	vld [tilespmem:s12+$0xFFFFFF10]  }
0x14: {  	v2 =	vld [tilespmem:s12+$0xFFFFFF20]  }
0x15: {  	v3 =	vld [tilespmem:s12+$0xFFFFFF30]  }
0x16: {  	v4 =	vld [tilespmem:s12+$0xFFFFFF40]  }
0x17: {  	v5 =	vld [tilespmem:s12+$0xFFFFFF50];
	v0 =	vadd.s32 s2, v0  }
0x18: {  	[tilespmem:s12+$0xFFFFFF00] =	vst v0;
	v0 =	vadd.s32 s2, v1;
	v1 =	vld [tilespmem:s12+$0xFFFFFF60]  }
0x19: {  	[tilespmem:s12+$0xFFFFFF10] =	vst v0;
	v0 =	vadd.s32 s2, v2;
	v2 =	vld [tilespmem:s12+$0xFFFFFF70]  }
0x1a: {  	[tilespmem:s12+$0xFFFFFF20] =	vst v0;
	v0 =	vadd.s32 s2, v3;
	v3 =	vld [tilespmem:s12+$0xFFFFFF80]  }
0x1b: {  	[tilespmem:s12+$0xFFFFFF30] =	vst v0;
	v0 =	vadd.s32 s2, v4;
	v4 =	vld [tilespmem:s12+$0xFFFFFF90]  }
0x1c: {  	[tilespmem:s12+$0xFFFFFF40] =	vst v0;
	v0 =	vadd.s32 s2, v5;
	v5 =	vld [tilespmem:s12+$0xFFFFFFA0]  }
0x1d: {  	[tilespmem:s12+$0xFFFFFF50] =	vst v0;
	v0 =	vadd.s32 s2, v1;
	v1 =	vld [tilespmem:s12+$0xFFFFFFB0]  }
0x1e: {  	[tilespmem:s12+$0xFFFFFF60] =	vst v0;
	v0 =	vadd.s32 s2, v2;
	v2 =	vld [tilespmem:s12+$0xFFFFFFC0]  }
0x1f: {  	[tilespmem:s12+$0xFFFFFF70] =	vst v0;
	v0 =	vadd.s32 s2, v3;
	v3 =	vld [tilespmem:s12+$0xFFFFFFD0]  }
0x20: {  	[tilespmem:s12+$0xFFFFFF80] =	vst v0;
	v0 =	vadd.s32 s2, v4;
	v4 =	vld [tilespmem:s12+$0xFFFFFFE0]  }
0x21: {  	[tilespmem:s12+$0xFFFFFF90] =	vst v0;
	v0 =	vadd.s32 s2, v5;
	v5 =	vld [tilespmem:s12+$0x0]  }
0x22: {  	[tilespmem:s12+$0xFFFFFFA0] =	vst v0;
	v0 =	vadd.s32 s2, v1;
	v1 =	vld [tilespmem:s12+$0x10]  }
0x23: {  	[tilespmem:s12+$0xFFFFFFB0] =	vst v0;
	v0 =	vadd.s32 s2, v2;
	v2 =	vld [tilespmem:s12+$0x20]  }
0x24: {  	[tilespmem:s12+$0xFFFFFFC0] =	vst v0;
	v0 =	vadd.s32 s2, v3;
	v3 =	vld [tilespmem:s12+$0x30]  }
0x25: {  	[tilespmem:s12+$0xFFFFFFD0] =	vst v0;
	v0 =	vadd.s32 s2, v4;
	v4 =	vld [tilespmem:s12+$0x40]  }
0x26: {  	[tilespmem:s12+$0xFFFFFFE0] =	vst v0;
	v0 =	vadd.s32 s2, v5;
	v5 =	vld [tilespmem:s12+$0x50]  }
0x27: {  	[tilespmem:s12+$0x0] =	vst v0;
	v0 =	vadd.s32 s2, v1;
	v1 =	vld [tilespmem:s12+$0x60]  }
0x28: {  	[tilespmem:s12+$0x10] =	vst v0;
	v0 =	vadd.s32 s2, v2;
	v2 =	vld [tilespmem:s12+$0x70]  }
0x29: {  	[tilespmem:s12+$0x20] =	vst v0;
	v0 =	vadd.s32 s2, v3;
	v3 =	vld [tilespmem:s12+$0x80]  }
0x2a: {  	[tilespmem:s12+$0x30] =	vst v0;
	v0 =	vadd.s32 s2, v4;
	v4 =	vld [tilespmem:s12+$0x90]  }
0x2b: {  	[tilespmem:s12+$0x40] =	vst v0;
	v0 =	vadd.s32 s2, v5;
	v5 =	vld [tilespmem:s12+$0xA0]  }
0x2c: {  	[tilespmem:s12+$0x50] =	vst v0;
	v1 =	vadd.s32 s2, v1;
	v0 =	vld [tilespmem:s12+$0xB0]  }
0x2d: {  	[tilespmem:s12+$0x60] =	vst v1;
	v2 =	vadd.s32 s2, v2;
	v1 =	vld [tilespmem:s12+$0xC0]  }
0x2e: {  	[tilespmem:s12+$0x70] =	vst v2;
	v3 =	vadd.s32 s2, v3;
	v2 =	vld [tilespmem:s12+$0xD0]  }
0x2f: {  	s29 =	simm.s32 $0x186A0;
	[tilespmem:s12+$0x80] =	vst v3;
	v4 =	vadd.s32 s2, v4;
	v3 =	vld [tilespmem:s12+$0xE0]  }
0x30: {  	s26 =	simm.s32 $0x100;
	s28 =	simm.s32 $0x0;
	s30 =	simm.s32 $0x100;
	[tilespmem:s12+$0x90] =	vst v4;
	v5 =	vadd.s32 s2, v5;
	v4 =	vld [tilespmem:s12+$0xF0]  }
.LBB2_2:
0x31: {  	p0 =	sne.s32 s29, $0xAAE60;
	v6 =	vld [tilespmem:s26+$0xFFFFFFF0];
	[tilespmem:s26+$0xA0] =	vst v5;
	v0 =	vadd.s32 s28, v0;
	s30 =	sadd.s32 $0x200, s30  }
0x32: {  	v5 =	vld [tilespmem:s30+$0xFFFFFF00];
	[tilespmem:s26+$0xB0] =	vst v0;
	v0 =	vadd.s32 s28, v1  }
0x33: {  	v1 =	vld [tilespmem:s30+$0xFFFFFF10];
	[tilespmem:s26+$0xC0] =	vst v0;
	v0 =	vadd.s32 s28, v2  }
0x34: {  	v2 =	vld [tilespmem:s30+$0xFFFFFF20];
	[tilespmem:s26+$0xD0] =	vst v0;
	v0 =	vadd.s32 s28, v3  }
0x35: {  	v3 =	vld [tilespmem:s30+$0xFFFFFF30];
	[tilespmem:s26+$0xE0] =	vst v0;
	v0 =	vadd.s32 s28, v4  }
0x36: {  	v4 =	vld [tilespmem:s30+$0xFFFFFF40];
	v6 =	vadd.s32 s28, v6;
	[tilespmem:s26+$0xF0] =	vst v0;
	s28 =	smov.u32 s29  }
0x37: {  	v0 =	vadd.s32 s29, v5;
	v5 =	vld [tilespmem:s30+$0xFFFFFF50];
	[tilespmem:s26+$0xFFFFFFF0] =	vst v6;
	s26 =	smov.u32 s30  }
0x38: {  	[tilespmem:s30+$0xFFFFFF00] =	vst v0;
	v0 =	vadd.s32 s29, v1;
	v1 =	vld [tilespmem:s30+$0xFFFFFF60]  }
0x39: {  	[tilespmem:s30+$0xFFFFFF10] =	vst v0;
	v0 =	vadd.s32 s29, v2;
	v2 =	vld [tilespmem:s30+$0xFFFFFF70]  }
0x3a: {  	[tilespmem:s30+$0xFFFFFF20] =	vst v0;
	v0 =	vadd.s32 s29, v3;
	v3 =	vld [tilespmem:s30+$0xFFFFFF80]  }
0x3b: {  	[tilespmem:s30+$0xFFFFFF30] =	vst v0;
	v0 =	vadd.s32 s29, v4;
	v4 =	vld [tilespmem:s30+$0xFFFFFF90]  }
0x3c: {  	[tilespmem:s30+$0xFFFFFF40] =	vst v0;
	v0 =	vadd.s32 s29, v5;
	v5 =	vld [tilespmem:s30+$0xFFFFFFA0]  }
0x3d: {  	[tilespmem:s30+$0xFFFFFF50] =	vst v0;
	v0 =	vadd.s32 s29, v1;
	v1 =	vld [tilespmem:s30+$0xFFFFFFB0]  }
0x3e: {  	[tilespmem:s30+$0xFFFFFF60] =	vst v0;
	v0 =	vadd.s32 s29, v2;
	v2 =	vld [tilespmem:s30+$0xFFFFFFC0]  }
0x3f: {  	[tilespmem:s30+$0xFFFFFF70] =	vst v0;
	v0 =	vadd.s32 s29, v3;
	v3 =	vld [tilespmem:s30+$0xFFFFFFD0]  }
0x40: {  	[tilespmem:s30+$0xFFFFFF80] =	vst v0;
	v0 =	vadd.s32 s29, v4;
	v4 =	vld [tilespmem:s30+$0xFFFFFFE0]  }
0x41: {  	[tilespmem:s30+$0xFFFFFF90] =	vst v0;
	v0 =	vadd.s32 s29, v5;
	v5 =	vld [tilespmem:s30+$0x0]  }
0x42: {  	[tilespmem:s30+$0xFFFFFFA0] =	vst v0;
	v0 =	vadd.s32 s29, v1;
	v1 =	vld [tilespmem:s30+$0x10]  }
0x43: {  	[tilespmem:s30+$0xFFFFFFB0] =	vst v0;
	v0 =	vadd.s32 s29, v2;
	v2 =	vld [tilespmem:s30+$0x20]  }
0x44: {  	[tilespmem:s30+$0xFFFFFFC0] =	vst v0;
	v0 =	vadd.s32 s29, v3;
	v3 =	vld [tilespmem:s30+$0x30]  }
0x45: {  	[tilespmem:s30+$0xFFFFFFD0] =	vst v0;
	v0 =	vadd.s32 s29, v4;
	v4 =	vld [tilespmem:s30+$0x40]  }
0x46: {  	[tilespmem:s30+$0xFFFFFFE0] =	vst v0;
	v0 =	vadd.s32 s29, v5;
	v5 =	vld [tilespmem:s30+$0x50]  }
0x47: {  	[tilespmem:s30+$0x0] =	vst v0;
	v0 =	vadd.s32 s29, v1;
	v1 =	vld [tilespmem:s30+$0x60]  }
0x48: {  	[tilespmem:s30+$0x10] =	vst v0;
	v0 =	vadd.s32 s29, v2;
	v2 =	vld [tilespmem:s30+$0x70]  }
0x49: {  	[tilespmem:s30+$0x20] =	vst v0;
	v0 =	vadd.s32 s29, v3;
	v3 =	vld [tilespmem:s30+$0x80]  }
0x4a: {  	[tilespmem:s30+$0x30] =	vst v0;
	v0 =	vadd.s32 s29, v4;
	v4 =	vld [tilespmem:s30+$0x90]  }
0x4b: {  	[tilespmem:s30+$0x40] =	vst v0;
	v0 =	vadd.s32 s29, v5;
	v5 =	vld [tilespmem:s30+$0xA0]  }
.Ltmp0:
0x4c: {  	[tilespmem:s30+$0x50] =	vst v0;
	v1 =	vadd.s32 s29, v1;
	v0 =	vld [tilespmem:s30+$0xB0];
	(pc) =	sbr.rel @p0 .LBB2_2-.Ltmp0, $4  }
0x4d: {  	[tilespmem:s30+$0x60] =	vst v1;
	v2 =	vadd.s32 s29, v2;
	v1 =	vld [tilespmem:s30+$0xC0]  }
0x4e: {  	[tilespmem:s30+$0x70] =	vst v2;
	v3 =	vadd.s32 s29, v3;
	v2 =	vld [tilespmem:s30+$0xD0]  }
0x4f: {  	[tilespmem:s30+$0x80] =	vst v3;
	v4 =	vadd.s32 s29, v4;
	v3 =	vld [tilespmem:s30+$0xE0]  }
0x50: {  	s29 =	sadd.s32 $0x186A0, s29;
	[tilespmem:s30+$0x90] =	vst v4;
	v5 =	vadd.s32 s28, v5;
	v4 =	vld [tilespmem:s30+$0xF0]  }
0x51: {  	v6 =	vld [tilespmem:s26+$0xFFFFFFF0];
	[tilespmem:s26+$0xA0] =	vst v5;
	v0 =	vadd.s32 s28, v0  }
0x52: {  	[tilespmem:s26+$0xB0] =	vst v0;
	v59 =	vadd.s32 s28, v1  }
0x53: {  	[tilespmem:s26+$0xC0] =	vst v59;
	v60 =	vadd.s32 s28, v2  }
0x54: {  	[tilespmem:s26+$0xD0] =	vst v60;
	v61 =	vadd.s32 s28, v3  }
0x55: {  	[tilespmem:s26+$0xE0] =	vst v61;
	v62 =	vadd.s32 s28, v4  }
0x56: {  	v63 =	vadd.s32 s28, v6;
	[tilespmem:s26+$0xF0] =	vst v62  }
0x57: {  	s28 =	simm.s32 $0x1000;
	[tilespmem:s26+$0xFFFFFFF0] =	vst v63;
	s26 =	simm.s32 $0x0  }
0x58: {  	[tilespmem:s28], [sflag:$0x1] =	stream.indirect.gather [hbm4b:s3+s10], $0x1, s26, s10, $0xb8;
	[tilespmem:$0x2200] =	vst v63  }
0x59: {  	_ = 	snop  }
0x5a: {  	[tilespmem:s11], [sflag:$0x1] =	stream.indirect.gather [hbm4b:s3+s10], $0x1, s10, s10, $0xb8;
	[tilespmem:$0x2200] =	vst v63  }
0x5b: {  	_ = 	snop  }
0x5c: {  	[tilespmem:s13], [sflag:$0x1] =	stream.indirect.gather [hbm4b:s3+s10], $0x1, s12, s10, $0xb8;
	[tilespmem:$0x2200] =	vst v63  }
0x5d: {  	_ = 	snop  }
0x5e: {  	[tilespmem:s15], [sflag:$0x1] =	stream.indirect.gather [hbm4b:s3+s10], $0x1, s14, s10, $0xb8;
	[tilespmem:$0x2200] =	vst v63  }
0x5f: {  	_ = 	snop  }
0x60: {  	[tilespmem:s16], [sflag:$0x1] =	stream.indirect.gather [hbm4b:s3+s10], $0x1, s7, s10, $0xb8;
	[tilespmem:$0x2200] =	vst v63  }
0x61: {  	_ = 	snop  }
0x62: {  	[tilespmem:s18], [sflag:$0x1] =	stream.indirect.gather [hbm4b:s3+s10], $0x1, s17, s10, $0xb8;
	[tilespmem:$0x2200] =	vst v63  }
0x63: {  	s28 =	sand.u32 $0x7800, s28  }
0x64: {  	[tilespmem:s20], [sflag:$0x1] =	stream.indirect.gather [hbm4b:s3+s10], $0x1, s19, s10, $0xb8;
	[tilespmem:$0x2200] =	vst v63  }
0x65: {  	s29 =	sand.u32 $0x180, s26;
	s28 =	sshrl.u32 s28, $0x2  }
0x66: {  	[tilespmem:s22], [sflag:$0x1] =	stream.indirect.gather [hbm4b:s3+s10], $0x1, s21, s10, $0xb8;
	[tilespmem:$0x2200] =	vst v63  }
0x67: {  	s30 =	simm.s32 $0x1400;
	s28 =	sor.u32 s29, s28  }
0x68: {  	[tilespmem:s30], [sflag:$0x1] =	stream.indirect.gather [hbm4b:s3+s10], $0x1, s28, s10, $0xb8;
	[tilespmem:$0x2200] =	vst v63  }
0x69: {  	s28 =	simm.s32 $0x1200  }
.LBB2_4:
0x6a: {  	s29 =	sshra.s32 s28, $0x2;
	p0 =	sne.s32 s28, $0x3E00  }
.Ltmp1:
0x6b: {  	_ =	swait.ge [sflag:s23], $0x80;
	s26 =	sadd.s32 $0x80, s26;
	(pc) =	sbr.rel @p0 .LBB2_4-.Ltmp1, $4  }
0x6c: {  	s30 =	sand.u32 $0x7800, s28;
	s29 =	sadd.s32 $0x1000, s29;
	[sflag:s23] =	ssyncset.done $0x0  }
0x6d: {  	s31 =	sand.u32 $0x180, s26;
	s30 =	sshrl.u32 s30, $0x2;
	[sflag:s23] =	ssyncadd.s32 $0xFFFFFF80  }
0x6e: {  	s28 =	sadd.s32 $0x200, s28;
	s30 =	sor.u32 s31, s30  }
0x6f: {  	[tilespmem:s29], [sflag:$0x1] =	stream.indirect.gather [hbm4b:s3+s10], $0x1, s30, s10, $0xb8;
	[tilespmem:$0x2200] =	vst v63  }
0x70: {  	_ =	swait.ge [sflag:s23], $0x80  }
0x71: {  	[sflag:s23] =	ssyncset.done $0x0  }
0x72: {  	[sflag:s23] =	ssyncadd.s32 $0xFFFFFF80  }
0x73: {  	_ =	swait.ge [sflag:s23], $0x80  }
0x74: {  	[sflag:s23] =	ssyncset.done $0x0  }
0x75: {  	[sflag:s23] =	ssyncadd.s32 $0xFFFFFF80  }
0x76: {  	_ =	swait.ge [sflag:s23], $0x80  }
0x77: {  	[sflag:s23] =	ssyncset.done $0x0  }
0x78: {  	[sflag:s23] =	ssyncadd.s32 $0xFFFFFF80  }
0x79: {  	_ =	swait.ge [sflag:s23], $0x80  }
0x7a: {  	[sflag:s23] =	ssyncset.done $0x0  }
0x7b: {  	[sflag:s23] =	ssyncadd.s32 $0xFFFFFF80  }
0x7c: {  	_ =	swait.ge [sflag:s23], $0x80  }
0x7d: {  	[sflag:s23] =	ssyncset.done $0x0  }
0x7e: {  	[sflag:s23] =	ssyncadd.s32 $0xFFFFFF80  }
0x7f: {  	_ =	swait.ge [sflag:s23], $0x80  }
0x80: {  	[sflag:s23] =	ssyncset.done $0x0  }
0x81: {  	[sflag:s23] =	ssyncadd.s32 $0xFFFFFF80  }
0x82: {  	_ =	swait.ge [sflag:s23], $0x80  }
0x83: {  	[sflag:s23] =	ssyncset.done $0x0  }
0x84: {  	[sflag:s23] =	ssyncadd.s32 $0xFFFFFF80  }
0x85: {  	_ =	swait.ge [sflag:s23], $0x80  }
0x86: {  	[sflag:s23] =	ssyncset.done $0x0  }
0x87: {  	[sflag:s23] =	ssyncadd.s32 $0xFFFFFF80  }
0x88: {  	_ =	swait.ge [sflag:s23], $0x80  }
0x89: {  	[sflag:s23] =	ssyncset.done $0x0  }
0x8a: {  	s28 =	simm.s32 $0x0;
	[sflag:s23] =	ssyncadd.s32 $0xFFFFFF80  }
0x8b: {  	v0 =	vld [tilespmem:s28+$0x1000]  }
0x8c: {  	v1 =	vld [tilespmem:s28+$0x1200];
	_ =	sdelay $0x1  }
0x8d: {  	v2 =	vld [tilespmem:s28+$0x1400];
	_ =	sdelay $0x1  }
0x8e: {  	v3 =	vld [tilespmem:s28+$0x1600]  }
0x8f: {  	v4 =	vld [tilespmem:s28+$0x1A00];
	v0 =	vadd.f32 v1, v0  }
0x90: {  	s26 =	simm.s32 $0x10;
	v1 =	vld [tilespmem:s28+$0x1800]  }
0x91: {  	v5 =	vld [tilespmem:s26+$0x1000];
	v0 =	vadd.f32 v2, v0  }
0x92: {  	v6 =	vld [tilespmem:s26+$0x1200]  }
0x93: {  	v7 =	vld [tilespmem:s28+$0x1C00];
	v0 =	vadd.f32 v3, v0  }
0x94: {  	v8 =	vld [tilespmem:s26+$0x1400]  }
0x95: {  	v2 =	vld [tilespmem:s28+$0x1E00];
	v3 =	vadd.f32 v1, v0  }
0x96: {  	v1 =	vld [tilespmem:s26+$0x1600]  }
0x97: {  	v5 =	vadd.f32 v6, v5;
	v0 =	vld [tilespmem:s26+$0x1A00];
	v6 =	vadd.f32 v4, v3  }
0x98: {  	s29 =	simm.s32 $0x20;
	v3 =	vld [tilespmem:s26+$0x1800]  }
0x99: {  	s30 =	simm.s32 $0xC0;
	v5 =	vadd.f32 v8, v5;
	v4 =	vld [tilespmem:s29+$0x1000];
	v6 =	vadd.f32 v7, v6  }
.LBB2_6:
0x9a: {  	p0 =	sne.s32 s30, $0x7C0;
	v7 =	vld [tilespmem:s29+$0x1200]  }
0x9b: {  	v1 =	vadd.f32 v1, v5;
	v8 =	vld [tilespmem:s26+$0x1C00];
	v5 =	vadd.f32 v2, v6  }
0x9c: {  	v6 =	vld [tilespmem:s29+$0x1400]  }
.Ltmp2:
0x9d: {  	v3 =	vadd.f32 v3, v1;
	v2 =	vld [tilespmem:s26+$0x1E00];
	[tilespmem:s28+$0x2000] =	vst v5;
	s28 =	smov.u32 s26;
	s26 =	smov.u32 s29;
	(pc) =	sbr.rel @p0 .LBB2_6-.Ltmp2, $4  }
0x9e: {  	v1 =	vld [tilespmem:s26+$0x1600]  }
0x9f: {  	v5 =	vadd.f32 v7, v4;
	v7 =	vadd.f32 v0, v3;
	v0 =	vld [tilespmem:s26+$0x1A00]  }
0xa0: {  	s29 =	sshra.s32 s30, $0x2;
	v3 =	vld [tilespmem:s26+$0x1800]  }
0xa1: {  	s30 =	sadd.s32 $0x40, s30;
	v4 =	vld [tilespmem:s29+$0x1000];
	v5 =	vadd.f32 v6, v5;
	v6 =	vadd.f32 v8, v7  }
0xa2: {  	v7 =	vld [tilespmem:s29+$0x1200]  }
0xa3: {  	v8 =	vld [tilespmem:s26+$0x1C00];
	v2 =	vadd.f32 v2, v6  }
0xa4: {  	v59 =	vld [tilespmem:s29+$0x1400]  }
0xa5: {  	v9 =	vld [tilespmem:s26+$0x1E00];
	[tilespmem:s28+$0x2000] =	vst v2  }
0xa6: {  	v2 =	vld [tilespmem:s29+$0x1600]  }
0xa7: {  	v4 =	vadd.f32 v7, v4  }
0xa8: {  	v60 =	vld [tilespmem:s29+$0x1800]  }
0xa9: {  	v4 =	vadd.f32 v59, v4  }
0xaa: {  	v1 =	vadd.f32 v1, v5;
	v61 =	vld [tilespmem:s29+$0x1A00]  }
0xab: {  	v2 =	vadd.f32 v2, v4  }
0xac: {  	v1 =	vadd.f32 v3, v1;
	v62 =	vld [tilespmem:s29+$0x1C00]  }
0xad: {  	v2 =	vadd.f32 v60, v2  }
0xae: {  	v63 =	vld [tilespmem:s29+$0x1E00];
	v0 =	vadd.f32 v0, v1  }
0xaf: {  	v2 =	vadd.f32 v61, v2  }
0xb0: {  	v0 =	vadd.f32 v8, v0  }
0xb1: {  	v2 =	vadd.f32 v62, v2  }
0xb2: {  	v0 =	vadd.f32 v9, v0  }
0xb3: {  	s25 =	sadd.s32 $0x1, s25;
	v1 =	vadd.f32 v63, v2  }
0xb4: {  	p0 =	sne.s32 s25, s6;
	[tilespmem:s26+$0x2000] =	vst v0  }
.Ltmp3:
0xb5: {  	[tilespmem:s29+$0x2000] =	vst v1;
	(pc) =	sbr.rel @p0 .LBB2_1-.Ltmp3, $4  }
0xb6: {  	[hbm4b:s5+s2] =	stream.linear.scatter [tilespmem:s24], [sflag:$0x2], $0x200, $0x38;
	[tilespmem:$0x2200] =	vst v63  }
0xb7: {  	_ =	swait.ge [sflag:s9], $0x200  }
0xb8: {  	[sflag:s9] =	ssyncset.done $0x0  }
0xb9: {  	[sflag:s9] =	ssyncadd.s32 $0xFFFFFE00  }
0xba: {  	_ =	sfence.sel $0x180000  }
0xbb: {  	[bflag:$0x0] =	sbarrier.arrive $0xFFFF  }
0xbc: {  	p0 =	sne.s32 s1, $0x0;
	_ =	strace $0x9000004A  }
0xbd: {  	s0 =	sadd.s32 @!p0 $0x100000, s0;
	[bflag:$0x2] =	sbarrier.arrive $0xFFFF  }
0xbe: {  	[sflag:s0] =	ssyncadd.tile.s32 @!p0 $0x1;
	_ =	shalt  }
.Lfunc_end2:
_tile_overlayer_lowered:
.L_overlay_start_2:
0xbf: {  	(tag) =	ssettag $0x2  }
0xc0: {  	s0 =	rddreg [dreg:$0x0];
	s2 =	stileid.u32  }
0xc1: {  	s1 =	rddreg [dreg:$0x1];
	p0 =	sne.s32 s2, $0x0  }
0xc2: {  	s3 =	rddreg [dreg:$0x2];
	[bflag:$0x3] =	sbarrier.arrive $0xFFFF;
	s2 =	simm.s32 @!p0 $0x1C02  }
0xc3: {  	[timem:s3], [sflag:s2] =	dma.local @!p0 [hbm:s0], s1  }
0xc4: {  	s0 =	simm.s32 @!p0 $0x2  }
0xc5: {  	_ =	swait.ge @!p0 [sflag:s0], s1  }
0xc6: {  	s1 =	ssub.s32 @!p0 $0x0, s1;
	[sflag:s0] =	ssyncset.done @!p0 $0x0  }
0xc7: {  	[sflag:s0] =	ssyncadd.s32 @!p0 s1  }
0xc8: {  	[bflag:$0x3] =	sbarrier.arrive $0xFFFF  }
0xc9: {  	_ =	shalt  }

</sc_bundles>
